<compile_context>
chip_gen: v7x
topology: tpu7x:2x2x1
jax: 0.10.2.dev20260603
libtpu: 0.0.44.dev20260713+nightly
codegen_flags: <defaults>
</compile_context>

<pallas_src>
import jax
import jax.numpy as jnp
from jax import lax
from jax.experimental import pallas as pl
from jax.experimental.pallas import tpu as pltpu
from jax.experimental.pallas import tpu_sc as plsc

_f32 = jnp.float32
_CHUNK = 128
_NT = 16



def _row_partition(N):
    rpt = ((N + _NT) // _NT + 7) // 8 * 8
    acc_rows = rpt * _NT
    full_tiles = N // rpt
    rem = N - full_tiles * rpt
    return rpt, acc_rows, full_tiles, rem


def _zero_rows_buf(rows, Fh):
    z16 = jnp.zeros((16,), _f32)

    def zrow(i, carry):
        for j in range(Fh // 16):
            rows[i, pl.ds(j * 16, 16)] = z16
        return carry

    lax.fori_loop(0, _CHUNK, zrow, 0)


def _zero_acc_slice(rows, acc, base, rpt):
    nfull, tail = rpt // _CHUNK, rpt % _CHUNK
    for k in range(nfull):
        pltpu.sync_copy(rows, acc.at[pl.ds(base + k * _CHUNK, _CHUNK)])
    if tail:
        pltpu.sync_copy(rows.at[pl.ds(0, tail)],
                        acc.at[pl.ds(base + nfull * _CHUNK, tail)])


def _writeout(pred, src_ref, dst_ref, base, n):
    @pl.when(pred)
    def _():
        pltpu.sync_copy(src_ref.at[pl.ds(base, n)],
                        dst_ref.at[pl.ds(base, n)])


def _edge_pass(h_ref, src, dst, acc, bufs, t_base, n_chunks,
               cacc=None, ones=None):
    (sidx_a, didx_a, rows_a, sem_a), (sidx_b, didx_b, rows_b, sem_b) = bufs
    t_last = t_base + (n_chunks - 1) * _CHUNK

    pltpu.sync_copy(src.at[pl.ds(t_base, _CHUNK)], sidx_a)
    pltpu.async_copy(h_ref.at[sidx_a], rows_a, sem_a)

    def pair(k, carry):
        eb0 = t_base + (2 * k) * _CHUNK
        eb1 = eb0 + _CHUNK
        eb2 = jnp.minimum(eb1 + _CHUNK, t_last)

        pltpu.sync_copy(dst.at[pl.ds(eb0, _CHUNK)], didx_a)
        pltpu.sync_copy(src.at[pl.ds(eb1, _CHUNK)], sidx_b)
        pltpu.make_async_copy(h_ref.at[sidx_a], rows_a, sem_a).wait()
        pltpu.async_copy(h_ref.at[sidx_b], rows_b, sem_b)
        pltpu.sync_copy(rows_a, acc.at[didx_a], add=True)
        if cacc is not None:
            pltpu.sync_copy(ones, cacc.at[didx_a], add=True)

        pltpu.sync_copy(dst.at[pl.ds(eb1, _CHUNK)], didx_b)
        pltpu.sync_copy(src.at[pl.ds(eb2, _CHUNK)], sidx_a)
        pltpu.make_async_copy(h_ref.at[sidx_b], rows_b, sem_b).wait()
        pltpu.async_copy(h_ref.at[sidx_a], rows_a, sem_a)
        pltpu.sync_copy(rows_b, acc.at[didx_b], add=True)
        if cacc is not None:
            pltpu.sync_copy(ones, cacc.at[didx_b], add=True)
        return carry

    lax.fori_loop(0, n_chunks // 2, pair, 0)
    pltpu.make_async_copy(h_ref.at[sidx_a], rows_a, sem_a).wait()


def _seg_sum0(N, E_pad, F):
    E_half = E_pad // 2
    per_tile = E_half // _NT
    n_chunks = per_tile // _CHUNK
    rpt, acc_rows, full_tiles, rem = _row_partition(N)
    zlen = (rpt + 15) // 16 * 16

    mesh = plsc.VectorSubcoreMesh(core_axis_name="c", subcore_axis_name="s",
                                  num_cores=2, num_subcores=_NT)
    out_type = [jax.ShapeDtypeStruct((N, F), _f32),
                jax.ShapeDtypeStruct((N, F), _f32),
                jax.ShapeDtypeStruct((N,), _f32),
                jax.ShapeDtypeStruct((N,), _f32)]
    scratch = [
        pltpu.VMEM_SHARED((acc_rows, F), _f32),
        pltpu.VMEM_SHARED((acc_rows,), _f32),
        pltpu.VMEM((_CHUNK,), jnp.int32),
        pltpu.VMEM((_CHUNK,), jnp.int32),
        pltpu.VMEM((_CHUNK,), jnp.int32),
        pltpu.VMEM((_CHUNK,), jnp.int32),
        pltpu.VMEM((_CHUNK, F), _f32),
        pltpu.VMEM((_CHUNK, F), _f32),
        pltpu.VMEM((_CHUNK,), _f32),
        pltpu.VMEM((zlen,), _f32),
        pltpu.SemaphoreType.DMA,
        pltpu.SemaphoreType.DMA,
    ]

    def body(h, src, dst, p0, p1, cnt0, cnt1, acc, cacc, sidx_a, didx_a,
             sidx_b, didx_b, rows, rows_b, ones, zvec, sem, sem_b):
        bufs = ((sidx_a, didx_a, rows, sem), (sidx_b, didx_b, rows_b, sem_b))
        c = lax.axis_index("c")
        s = lax.axis_index("s")
        c0 = c == 0
        c1 = c == 1
        z16 = jnp.zeros((16,), _f32)

        _zero_rows_buf(rows, F)
        base = s * rpt
        _zero_acc_slice(rows, acc, base, rpt)
        for j in range(zlen // 16):
            zvec[pl.ds(j * 16, 16)] = z16
        for j in range(_CHUNK // 16):
            ones[pl.ds(j * 16, 16)] = jnp.ones((16,), _f32)
        pltpu.sync_copy(zvec.at[pl.ds(0, rpt)], cacc.at[pl.ds(base, rpt)])
        plsc.subcore_barrier()

        t_base = c * E_half + s * per_tile
        _edge_pass(h, src, dst, acc, bufs, t_base, n_chunks,
                   cacc=cacc, ones=ones)
        plsc.subcore_barrier()

        def cnt_out_via_vmem(pred, cnt_ref, cbase, n):
            @pl.when(pred)
            def _():
                pltpu.sync_copy(cacc.at[pl.ds(cbase, n)],
                                zvec.at[pl.ds(0, n)])
                pltpu.sync_copy(zvec.at[pl.ds(0, n)],
                                cnt_ref.at[pl.ds(cbase, n)])

        full_p = s < full_tiles
        _writeout(jnp.logical_and(full_p, c0), acc, p0, base, rpt)
        cnt_out_via_vmem(jnp.logical_and(full_p, c0), cnt0, base, rpt)
        _writeout(jnp.logical_and(full_p, c1), acc, p1, base, rpt)
        cnt_out_via_vmem(jnp.logical_and(full_p, c1), cnt1, base, rpt)
        if rem:
            rem_p = s == full_tiles
            rbase = full_tiles * rpt
            _writeout(jnp.logical_and(rem_p, c0), acc, p0, rbase, rem)
            cnt_out_via_vmem(jnp.logical_and(rem_p, c0), cnt0, rbase, rem)
            _writeout(jnp.logical_and(rem_p, c1), acc, p1, rbase, rem)
            cnt_out_via_vmem(jnp.logical_and(rem_p, c1), cnt1, rbase, rem)

    return pl.kernel(body, out_type=out_type, mesh=mesh,
                     scratch_types=scratch)


def _seg_sum_half(N, E_pad, Fh):
    per_tile = E_pad // _NT
    n_chunks = per_tile // _CHUNK
    rpt, acc_rows, full_tiles, rem = _row_partition(N)

    mesh = plsc.VectorSubcoreMesh(core_axis_name="c", subcore_axis_name="s",
                                  num_cores=2, num_subcores=_NT)
    out_type = [jax.ShapeDtypeStruct((N, Fh), _f32),
                jax.ShapeDtypeStruct((N, Fh), _f32)]
    scratch = [
        pltpu.VMEM_SHARED((acc_rows, Fh), _f32),
        pltpu.VMEM((_CHUNK,), jnp.int32),
        pltpu.VMEM((_CHUNK,), jnp.int32),
        pltpu.VMEM((_CHUNK,), jnp.int32),
        pltpu.VMEM((_CHUNK,), jnp.int32),
        pltpu.VMEM((_CHUNK, Fh), _f32),
        pltpu.VMEM((_CHUNK, Fh), _f32),
        pltpu.SemaphoreType.DMA,
        pltpu.SemaphoreType.DMA,
    ]

    def body(h_a, h_b, src, dst, o_a, o_b, acc, sidx_a, didx_a,
             sidx_b, didx_b, rows, rows_b, sem, sem_b):
        bufs = ((sidx_a, didx_a, rows, sem), (sidx_b, didx_b, rows_b, sem_b))
        c = lax.axis_index("c")
        s = lax.axis_index("s")
        c0 = c == 0
        c1 = c == 1

        _zero_rows_buf(rows, Fh)
        base = s * rpt
        _zero_acc_slice(rows, acc, base, rpt)
        plsc.subcore_barrier()

        t_base = s * per_tile

        @pl.when(c0)
        def _():
            _edge_pass(h_a, src, dst, acc, bufs, t_base, n_chunks)

        @pl.when(c1)
        def _():
            _edge_pass(h_b, src, dst, acc, bufs, t_base, n_chunks)

        plsc.subcore_barrier()

        full_p = s < full_tiles
        _writeout(jnp.logical_and(full_p, c0), acc, o_a, base, rpt)
        _writeout(jnp.logical_and(full_p, c1), acc, o_b, base, rpt)
        if rem:
            rem_p = s == full_tiles
            rbase = full_tiles * rpt
            _writeout(jnp.logical_and(rem_p, c0), acc, o_a, rbase, rem)
            _writeout(jnp.logical_and(rem_p, c1), acc, o_b, rbase, rem)

    return pl.kernel(body, out_type=out_type, mesh=mesh,
                     scratch_types=scratch)


def _sage_linear0(p0, p1, c02, c12, x, W_l, W_r, b2):
    N, F = x.shape
    H = W_l.shape[1]
    Hh = H // 2
    BR = 256
    grid = (N + BR - 1) // BR

    def bodyfn(a0, a1, cn0, cn1, xx, wl, wr, bb, oa, ob):
        inv = 1.0 / jnp.maximum(cn0[...] + cn1[...], 1.0)
        acc = jnp.dot((a0[...] + a1[...]) * inv, wl[...],
                      preferred_element_type=_f32)
        acc = acc + jnp.dot(xx[...], wr[...], preferred_element_type=_f32)
        acc = jnp.maximum(acc + bb[...], 0.0)
        oa[...] = acc[:, :Hh]
        ob[...] = acc[:, Hh:]

    return pl.pallas_call(
        bodyfn,
        grid=(grid,),
        in_specs=[
            pl.BlockSpec((BR, F), lambda i: (i, 0)),
            pl.BlockSpec((BR, F), lambda i: (i, 0)),
            pl.BlockSpec((BR, 1), lambda i: (i, 0)),
            pl.BlockSpec((BR, 1), lambda i: (i, 0)),
            pl.BlockSpec((BR, F), lambda i: (i, 0)),
            pl.BlockSpec((F, H), lambda i: (0, 0)),
            pl.BlockSpec((F, H), lambda i: (0, 0)),
            pl.BlockSpec((1, H), lambda i: (0, 0)),
        ],
        out_specs=[pl.BlockSpec((BR, Hh), lambda i: (i, 0)),
                   pl.BlockSpec((BR, Hh), lambda i: (i, 0))],
        out_shape=[jax.ShapeDtypeStruct((N, Hh), _f32),
                   jax.ShapeDtypeStruct((N, Hh), _f32)],
    )(p0, p1, c02, c12, x, W_l, W_r, b2)


def _sage_linear(agg_a, agg_b, c02, c12, h_a, h_b, Wl_a, Wl_b, Wr_a, Wr_b,
                 b2, relu):
    N, Fa = agg_a.shape
    Fh = h_a.shape[1]
    H = Wl_a.shape[1]
    Hh = H // 2
    BR = 256
    grid = (N + BR - 1) // BR

    def bodyfn(aa, ab, cn0, cn1, ha, hb, wla, wlb, wra, wrb, bb, oa, ob):
        inv = 1.0 / jnp.maximum(cn0[...] + cn1[...], 1.0)
        acc = jnp.dot(aa[...] * inv, wla[...], preferred_element_type=_f32)
        acc = acc + jnp.dot(ab[...] * inv, wlb[...],
                            preferred_element_type=_f32)
        acc = acc + jnp.dot(ha[...], wra[...], preferred_element_type=_f32)
        acc = acc + jnp.dot(hb[...], wrb[...], preferred_element_type=_f32)
        acc = acc + bb[...]
        if relu:
            acc = jnp.maximum(acc, 0.0)
        oa[...] = acc[:, :Hh]
        ob[...] = acc[:, Hh:]

    return pl.pallas_call(
        bodyfn,
        grid=(grid,),
        in_specs=[
            pl.BlockSpec((BR, Fa), lambda i: (i, 0)),
            pl.BlockSpec((BR, Fa), lambda i: (i, 0)),
            pl.BlockSpec((BR, 1), lambda i: (i, 0)),
            pl.BlockSpec((BR, 1), lambda i: (i, 0)),
            pl.BlockSpec((BR, Fh), lambda i: (i, 0)),
            pl.BlockSpec((BR, Fh), lambda i: (i, 0)),
            pl.BlockSpec((Fa, H), lambda i: (0, 0)),
            pl.BlockSpec((Fa, H), lambda i: (0, 0)),
            pl.BlockSpec((Fh, H), lambda i: (0, 0)),
            pl.BlockSpec((Fh, H), lambda i: (0, 0)),
            pl.BlockSpec((1, H), lambda i: (0, 0)),
        ],
        out_specs=[pl.BlockSpec((BR, Hh), lambda i: (i, 0)),
                   pl.BlockSpec((BR, Hh), lambda i: (i, 0))],
        out_shape=[jax.ShapeDtypeStruct((N, Hh), _f32),
                   jax.ShapeDtypeStruct((N, Hh), _f32)],
    )(agg_a, agg_b, c02, c12, h_a, h_b, Wl_a, Wl_b, Wr_a, Wr_b, b2)


def _pool_classify(h_a, h_b, batch_r, Wc_p, bc_p, G):
    N, Hh = h_a.shape
    H = 2 * Hh
    CP = Wc_p.shape[1]
    BR = 256
    grid = (N + BR - 1) // BR

    def bodyfn(ha, hb, bt, wc, bc, o, gsum, gcnt):
        i = pl.program_id(0)

        @pl.when(i == 0)
        def _():
            gsum[...] = jnp.zeros_like(gsum)
            gcnt[...] = jnp.zeros_like(gcnt)

        rows_col = i * BR + lax.broadcasted_iota(jnp.int32, (BR, 1), 0)
        vmask = rows_col < N
        ham = jnp.where(vmask, ha[...], 0.0)
        hbm = jnp.where(vmask, hb[...], 0.0)
        rows_row = i * BR + lax.broadcasted_iota(jnp.int32, (1, BR), 1)
        gids = lax.broadcasted_iota(jnp.int32, (G, BR), 0)
        onehot = jnp.where((gids == bt[...]) & (rows_row < N), 1.0, 0.0)
        gsum[:, :Hh] = gsum[:, :Hh] + jnp.dot(onehot, ham,
                                              preferred_element_type=_f32)
        gsum[:, Hh:] = gsum[:, Hh:] + jnp.dot(onehot, hbm,
                                              preferred_element_type=_f32)
        gcnt[...] = gcnt[...] + jnp.sum(onehot, axis=1, keepdims=True)

        @pl.when(i == grid - 1)
        def _():
            g = gsum[...] / jnp.maximum(gcnt[...], 1.0)
            o[...] = jnp.dot(g, wc[...], preferred_element_type=_f32) + bc[...]

    return pl.pallas_call(
        bodyfn,
        grid=(grid,),
        in_specs=[
            pl.BlockSpec((BR, Hh), lambda i: (i, 0)),
            pl.BlockSpec((BR, Hh), lambda i: (i, 0)),
            pl.BlockSpec((1, BR), lambda i: (0, i)),
            pl.BlockSpec((H, CP), lambda i: (0, 0)),
            pl.BlockSpec((1, CP), lambda i: (0, 0)),
        ],
        out_specs=pl.BlockSpec((G, CP), lambda i: (0, 0)),
        out_shape=jax.ShapeDtypeStruct((G, CP), _f32),
        scratch_shapes=[pltpu.VMEM((G, H), _f32), pltpu.VMEM((G, 1), _f32)],
    )(h_a, h_b, batch_r, Wc_p, bc_p)


def kernel(x, edge_index, batch, W_l0, W_r0, b0, W_l1, W_r1, b1, W_l2, W_r2,
           b2, W_cls, b_cls):
    N, D = x.shape
    H = W_l0.shape[1]
    C = W_cls.shape[1]
    E = edge_index.shape[1]
    G = 64

    epg = 2 * _NT * _CHUNK * 2
    E_pad = (E + epg - 1) // epg * epg
    src = edge_index[0]
    dst = edge_index[1]
    if E_pad > E:
        pad = E_pad - E
        src = jnp.concatenate([src, jnp.zeros((pad,), jnp.int32)])
        dst = jnp.concatenate([dst, jnp.full((pad,), N, jnp.int32)])

    Hh = H // 2

    p0, p1, cnt0, cnt1 = _seg_sum0(N, E_pad, D)(x, src, dst)
    c02 = cnt0.reshape(N, 1)
    c12 = cnt1.reshape(N, 1)
    h1a, h1b = _sage_linear0(p0, p1, c02, c12, x, W_l0, W_r0,
                             b0.reshape(1, H))

    seg_h = _seg_sum_half(N, E_pad, Hh)
    a1a, a1b = seg_h(h1a, h1b, src, dst)
    h2a, h2b = _sage_linear(a1a, a1b, c02, c12, h1a, h1b,
                            W_l1[:Hh], W_l1[Hh:], W_r1[:Hh], W_r1[Hh:],
                            b1.reshape(1, H), True)

    a2a, a2b = seg_h(h2a, h2b, src, dst)
    h3a, h3b = _sage_linear(a2a, a2b, c02, c12, h2a, h2b,
                            W_l2[:Hh], W_l2[Hh:], W_r2[:Hh], W_r2[Hh:],
                            b2.reshape(1, H), False)

    CP = 128
    Wc_p = jnp.pad(W_cls, ((0, 0), (0, CP - C)))
    bc_p = jnp.pad(b_cls, (0, CP - C)).reshape(1, CP)
    outp = _pool_classify(h3a, h3b, batch.reshape(1, N), Wc_p, bc_p, G)
    return outp[:, :C]

# --- scband reference (transcript-rebuilt; emitter-appended) ---
"""Pipeline reference for scband-graph-sage-gc-50654844289587 (READ-ONLY COPY).

The authoritative reference and input builder live on the scoring server;
editing this copy changes nothing except your own understanding.
"""

import jax, jax.numpy as jnp
import numpy as np

N = 10000
E = 320000
D = 128
H = 256
C = 10
G = 64


def _xavier(key, fan_in, fan_out):
    scale = np.sqrt(2.0 / (fan_in + fan_out))
    return jax.random.normal(key, (fan_in, fan_out), dtype=jnp.float32) * scale


def setup_inputs(seed: int = 0) -> dict:
    key = jax.random.key(seed)
    ks = jax.random.split(key, 16)
    x = jax.random.normal(ks[0], (N, D), dtype=jnp.float32)
    edge_index = jax.random.randint(ks[1], (2, E), 0, N, dtype=jnp.int32)
    batch = jnp.sort(jax.random.randint(ks[2], (N,), 0, G, dtype=jnp.int32))
    inp = {
        "x": x,
        "edge_index": edge_index,
        "batch": batch,
        "W_l0": _xavier(ks[3], D, H),
        "W_r0": _xavier(ks[4], D, H),
        "b0": jnp.zeros((H,), dtype=jnp.float32),
        "W_l1": _xavier(ks[5], H, H),
        "W_r1": _xavier(ks[6], H, H),
        "b1": jnp.zeros((H,), dtype=jnp.float32),
        "W_l2": _xavier(ks[7], H, H),
        "W_r2": _xavier(ks[8], H, H),
        "b2": jnp.zeros((H,), dtype=jnp.float32),
        "W_cls": _xavier(ks[9], H, C),
        "b_cls": jnp.zeros((C,), dtype=jnp.float32),
    }
    return inp


def reference(x, edge_index, batch, W_l0, W_r0, b0, W_l1, W_r1, b1, W_l2, W_r2, b2, W_cls, b_cls):
    src = edge_index[0]
    dst = edge_index[1]

    def sage_conv(h, W_l, W_r, b):
        # mean aggregation of neighbor messages (PyG SAGEConv, aggr='mean')
        msg = jnp.take(h, src, axis=0)
        agg = jax.ops.segment_sum(msg, dst, num_segments=N)
        cnt = jax.ops.segment_sum(jnp.ones((E,), dtype=h.dtype), dst, num_segments=N)
        mean = agg / jnp.maximum(cnt, 1.0)[:, None]
        # out = lin_l(aggregated) + lin_r(root)
        return mean @ W_l + h @ W_r + b

    h = sage_conv(x, W_l0, W_r0, b0)
    h = jax.nn.relu(h)  # dropout is identity in eval mode
    h = sage_conv(h, W_l1, W_r1, b1)
    h = jax.nn.relu(h)
    h = sage_conv(h, W_l2, W_r2, b2)

    # global_mean_pool over graph ids in `batch`
    gsum = jax.ops.segment_sum(h, batch, num_segments=G)
    gcnt = jax.ops.segment_sum(jnp.ones((N,), dtype=h.dtype), batch, num_segments=G)
    g = gsum / jnp.maximum(gcnt, 1.0)[:, None]

    out = g @ W_cls + b_cls
    return out

if __name__ == "__main__":
    import jax
    _d = setup_inputs()
    print(jax.jit(kernel)(*tuple(_d.values())))

</pallas_src>

<mosaic_0001>
#map = affine_map<(d0, d1) -> (0, 0)>
#map1 = affine_map<(d0, d1) -> (0)>
module attributes {stable_mosaic.version = 14 : i64} {
  func.func @body(%arg0: i32, %arg1: i32, %arg2: memref<10000x128xf32, #tpu.memory_space<hbm>>, %arg3: memref<327680xi32, #tpu.memory_space<hbm>>, %arg4: memref<327680xi32, #tpu.memory_space<hbm>>, %arg5: memref<10000x128xf32, #tpu.memory_space<hbm>>, %arg6: memref<10000x128xf32, #tpu.memory_space<hbm>>, %arg7: memref<10000xf32, #tpu.memory_space<hbm>>, %arg8: memref<10000xf32, #tpu.memory_space<hbm>>, %arg9: memref<10112x128xf32, #tpu.memory_space<vmem_shared>>, %arg10: memref<10112xf32, #tpu.memory_space<vmem_shared>>, %arg11: memref<128xi32, #tpu.memory_space<vmem>>, %arg12: memref<128xi32, #tpu.memory_space<vmem>>, %arg13: memref<128xi32, #tpu.memory_space<vmem>>, %arg14: memref<128xi32, #tpu.memory_space<vmem>>, %arg15: memref<128x128xf32, #tpu.memory_space<vmem>>, %arg16: memref<128x128xf32, #tpu.memory_space<vmem>>, %arg17: memref<128xf32, #tpu.memory_space<vmem>>, %arg18: memref<640xf32, #tpu.memory_space<vmem>>, %arg19: memref<!tpu.dma_semaphore, #tpu.memory_space<semaphore_mem>>, %arg20: memref<!tpu.dma_semaphore, #tpu.memory_space<semaphore_mem>>) attributes {dimension_semantics = [#tpu.dimension_semantics<core_parallel>, #tpu.dimension_semantics<subcore_parallel>], iteration_bounds = array<i64: 2, 16>, scalar_prefetch = 0 : i64, scratch_operands = 12 : i64, tpu.core_type = #tpu.core_type<sc_vector_subcore>, window_params = [{transform_indices = #map}, {transform_indices = #map1}, {transform_indices = #map1}, {transform_indices = #map}, {transform_indices = #map}, {transform_indices = #map1}, {transform_indices = #map1}]} {
    %eq3A = arith.constant 0 : i32
    %eq3A_0 = arith.cmpi eq, %arg0, %eq3A : i32
    %eq3A_1 = arith.constant 1 : i32
    %eq3A_2 = arith.cmpi eq, %arg0, %eq3A_1 : i32
    %broadcast_in_dim3A = arith.constant 0.000000e+00 : f32
    %broadcast_in_dim3A_3 = vector.broadcast %broadcast_in_dim3A : f32 to vector<16xf32>
    %broadcast_in_dim3A_4 = arith.constant 0.000000e+00 : f32
    %broadcast_in_dim3A_5 = vector.broadcast %broadcast_in_dim3A_4 : f32 to vector<16xf32>
    %scan3A = arith.constant 0 : i32
    %scan3A_6 = arith.constant 0 : i32
    %scan3A_7 = arith.constant 128 : i32
    %scan3A_8 = arith.addi %scan3A_6, %scan3A_7 : i32
    %scan3A_9 = arith.constant 1 : i32
    scf.for %scan3A_278 = %scan3A_6 to %scan3A_8 step %scan3A_9  : i32 {
      %swap3A_279 = arith.index_cast %scan3A_278 : i32 to index
      %swap3A_280 = arith.constant 0 : index
      %swap3A_281 = tpu.vector_load %arg15[%swap3A_279, %swap3A_280] {strides = array<i32>} : memref<128x128xf32, #tpu.memory_space<vmem>>, vector<1x16xf32>,
      %swap3A_282 = vector.shape_cast %swap3A_281 : vector<1x16xf32> to vector<16xf32>
      %swap3A_283 = vector.shape_cast %broadcast_in_dim3A_5 : vector<16xf32> to vector<1x16xf32>
      tpu.vector_store %arg15[%swap3A_279, %swap3A_280], %swap3A_283 {strides = array<i32>} : memref<128x128xf32, #tpu.memory_space<vmem>>, vector<1x16xf32>,
      %swap3A_284 = arith.index_cast %scan3A_278 : i32 to index
      %swap3A_285 = arith.constant 16 : index
      %swap3A_286 = tpu.vector_load %arg15[%swap3A_284, %swap3A_285] {strides = array<i32>} : memref<128x128xf32, #tpu.memory_space<vmem>>, vector<1x16xf32>,
      %swap3A_287 = vector.shape_cast %swap3A_286 : vector<1x16xf32> to vector<16xf32>
      %swap3A_288 = vector.shape_cast %broadcast_in_dim3A_5 : vector<16xf32> to vector<1x16xf32>
      tpu.vector_store %arg15[%swap3A_284, %swap3A_285], %swap3A_288 {strides = array<i32>} : memref<128x128xf32, #tpu.memory_space<vmem>>, vector<1x16xf32>,
      %swap3A_289 = arith.index_cast %scan3A_278 : i32 to index
      %swap3A_290 = arith.constant 32 : index
      %swap3A_291 = tpu.vector_load %arg15[%swap3A_289, %swap3A_290] {strides = array<i32>} : memref<128x128xf32, #tpu.memory_space<vmem>>, vector<1x16xf32>,
      %swap3A_292 = vector.shape_cast %swap3A_291 : vector<1x16xf32> to vector<16xf32>
      %swap3A_293 = vector.shape_cast %broadcast_in_dim3A_5 : vector<16xf32> to vector<1x16xf32>
      tpu.vector_store %arg15[%swap3A_289, %swap3A_290], %swap3A_293 {strides = array<i32>} : memref<128x128xf32, #tpu.memory_space<vmem>>, vector<1x16xf32>,
      %swap3A_294 = arith.index_cast %scan3A_278 : i32 to index
      %swap3A_295 = arith.constant 48 : index
      %swap3A_296 = tpu.vector_load %arg15[%swap3A_294, %swap3A_295] {strides = array<i32>} : memref<128x128xf32, #tpu.memory_space<vmem>>, vector<1x16xf32>,
      %swap3A_297 = vector.shape_cast %swap3A_296 : vector<1x16xf32> to vector<16xf32>
      %swap3A_298 = vector.shape_cast %broadcast_in_dim3A_5 : vector<16xf32> to vector<1x16xf32>
      tpu.vector_store %arg15[%swap3A_294, %swap3A_295], %swap3A_298 {strides = array<i32>} : memref<128x128xf32, #tpu.memory_space<vmem>>, vector<1x16xf32>,
      %swap3A_299 = arith.index_cast %scan3A_278 : i32 to index
      %swap3A_300 = arith.constant 64 : index
      %swap3A_301 = tpu.vector_load %arg15[%swap3A_299, %swap3A_300] {strides = array<i32>} : memref<128x128xf32, #tpu.memory_space<vmem>>, vector<1x16xf32>,
      %swap3A_302 = vector.shape_cast %swap3A_301 : vector<1x16xf32> to vector<16xf32>
      %swap3A_303 = vector.shape_cast %broadcast_in_dim3A_5 : vector<16xf32> to vector<1x16xf32>
      tpu.vector_store %arg15[%swap3A_299, %swap3A_300], %swap3A_303 {strides = array<i32>} : memref<128x128xf32, #tpu.memory_space<vmem>>, vector<1x16xf32>,
      %swap3A_304 = arith.index_cast %scan3A_278 : i32 to index
      %swap3A_305 = arith.constant 80 : index
      %swap3A_306 = tpu.vector_load %arg15[%swap3A_304, %swap3A_305] {strides = array<i32>} : memref<128x128xf32, #tpu.memory_space<vmem>>, vector<1x16xf32>,
      %swap3A_307 = vector.shape_cast %swap3A_306 : vector<1x16xf32> to vector<16xf32>
      %swap3A_308 = vector.shape_cast %broadcast_in_dim3A_5 : vector<16xf32> to vector<1x16xf32>
      tpu.vector_store %arg15[%swap3A_304, %swap3A_305], %swap3A_308 {strides = array<i32>} : memref<128x128xf32, #tpu.memory_space<vmem>>, vector<1x16xf32>,
      %swap3A_309 = arith.index_cast %scan3A_278 : i32 to index
      %swap3A_310 = arith.constant 96 : index
      %swap3A_311 = tpu.vector_load %arg15[%swap3A_309, %swap3A_310] {strides = array<i32>} : memref<128x128xf32, #tpu.memory_space<vmem>>, vector<1x16xf32>,
      %swap3A_312 = vector.shape_cast %swap3A_311 : vector<1x16xf32> to vector<16xf32>
      %swap3A_313 = vector.shape_cast %broadcast_in_dim3A_5 : vector<16xf32> to vector<1x16xf32>
      tpu.vector_store %arg15[%swap3A_309, %swap3A_310], %swap3A_313 {strides = array<i32>} : memref<128x128xf32, #tpu.memory_space<vmem>>, vector<1x16xf32>,
      %swap3A_314 = arith.index_cast %scan3A_278 : i32 to index
      %swap3A_315 = arith.constant 112 : index
      %swap3A_316 = tpu.vector_load %arg15[%swap3A_314, %swap3A_315] {strides = array<i32>} : memref<128x128xf32, #tpu.memory_space<vmem>>, vector<1x16xf32>,
      %swap3A_317 = vector.shape_cast %swap3A_316 : vector<1x16xf32> to vector<16xf32>
      %swap3A_318 = vector.shape_cast %broadcast_in_dim3A_5 : vector<16xf32> to vector<1x16xf32>
      tpu.vector_store %arg15[%swap3A_314, %swap3A_315], %swap3A_318 {strides = array<i32>} : memref<128x128xf32, #tpu.memory_space<vmem>>, vector<1x16xf32>,
    }
    %scan3A_10 = arith.constant 128 : i32
    %mul3A = arith.constant 632 : i32
    %mul3A_11 = arith.muli %arg1, %mul3A : i32
    %add3A = arith.constant 0 : i32
    %add3A_12 = arith.addi %mul3A_11, %add3A : i32
    "tpu.region"() ({
      %run_scoped3A = tpu.sem_alloc : memref<!tpu.dma_semaphore, #tpu.memory_space<semaphore_mem>>
      %dma_start3A_278 = arith.constant 0 : i32
      %dma_start3A_279 = tpu.memref_slice %arg9[%add3A_12, %dma_start3A_278] : memref<10112x128xf32, #tpu.memory_space<vmem_shared>> -> memref<128x128xf32, #tpu.memory_space<vmem_shared>>
      %dma_start3A_280 = arith.constant 0 : i32
      %dma_start3A_281 = tpu.memref_slice %arg9[%add3A_12, %dma_start3A_280] : memref<10112x128xf32, #tpu.memory_space<vmem_shared>> -> memref<128x128xf32, #tpu.memory_space<vmem_shared>>
      tpu.enqueue_dma source(%arg15 : memref<128x128xf32, #tpu.memory_space<vmem>>) target(%dma_start3A_281 : memref<128x128xf32, #tpu.memory_space<vmem_shared>>) target_semaphore(%run_scoped3A : memref<!tpu.dma_semaphore, #tpu.memory_space<semaphore_mem>>)
      %dma_wait3A_282 = arith.constant 0 : i32
      %dma_wait3A_283 = tpu.memref_slice %arg9[%add3A_12, %dma_wait3A_282] : memref<10112x128xf32, #tpu.memory_space<vmem_shared>> -> memref<128x128xf32, #tpu.memory_space<vmem_shared>>
      %dma_wait3A_284 = arith.constant 0 : i32
      %dma_wait3A_285 = tpu.memref_slice %arg9[%add3A_12, %dma_wait3A_284] : memref<10112x128xf32, #tpu.memory_space<vmem_shared>> -> memref<128x128xf32, #tpu.memory_space<vmem_shared>>
      tpu.wait_dma2 semaphore(%run_scoped3A : memref<!tpu.dma_semaphore, #tpu.memory_space<semaphore_mem>>) src(%arg15 : memref<128x128xf32, #tpu.memory_space<vmem>>) dst(%dma_wait3A_285 : memref<128x128xf32, #tpu.memory_space<vmem_shared>>)
      tpu.yield
    }) : () -> ()
    %add3A_13 = arith.constant 128 : i32
    %add3A_14 = arith.addi %mul3A_11, %add3A_13 : i32
    "tpu.region"() ({
      %run_scoped3A = tpu.sem_alloc : memref<!tpu.dma_semaphore, #tpu.memory_space<semaphore_mem>>
      %dma_start3A_278 = arith.constant 0 : i32
      %dma_start3A_279 = tpu.memref_slice %arg9[%add3A_14, %dma_start3A_278] : memref<10112x128xf32, #tpu.memory_space<vmem_shared>> -> memref<128x128xf32, #tpu.memory_space<vmem_shared>>
      %dma_start3A_280 = arith.constant 0 : i32
      %dma_start3A_281 = tpu.memref_slice %arg9[%add3A_14, %dma_start3A_280] : memref<10112x128xf32, #tpu.memory_space<vmem_shared>> -> memref<128x128xf32, #tpu.memory_space<vmem_shared>>
      tpu.enqueue_dma source(%arg15 : memref<128x128xf32, #tpu.memory_space<vmem>>) target(%dma_start3A_281 : memref<128x128xf32, #tpu.memory_space<vmem_shared>>) target_semaphore(%run_scoped3A : memref<!tpu.dma_semaphore, #tpu.memory_space<semaphore_mem>>)
      %dma_wait3A_282 = arith.constant 0 : i32
      %dma_wait3A_283 = tpu.memref_slice %arg9[%add3A_14, %dma_wait3A_282] : memref<10112x128xf32, #tpu.memory_space<vmem_shared>> -> memref<128x128xf32, #tpu.memory_space<vmem_shared>>
      %dma_wait3A_284 = arith.constant 0 : i32
      %dma_wait3A_285 = tpu.memref_slice %arg9[%add3A_14, %dma_wait3A_284] : memref<10112x128xf32, #tpu.memory_space<vmem_shared>> -> memref<128x128xf32, #tpu.memory_space<vmem_shared>>
      tpu.wait_dma2 semaphore(%run_scoped3A : memref<!tpu.dma_semaphore, #tpu.memory_space<semaphore_mem>>) src(%arg15 : memref<128x128xf32, #tpu.memory_space<vmem>>) dst(%dma_wait3A_285 : memref<128x128xf32, #tpu.memory_space<vmem_shared>>)
      tpu.yield
    }) : () -> ()
    %add3A_15 = arith.constant 256 : i32
    %add3A_16 = arith.addi %mul3A_11, %add3A_15 : i32
    "tpu.region"() ({
      %run_scoped3A = tpu.sem_alloc : memref<!tpu.dma_semaphore, #tpu.memory_space<semaphore_mem>>
      %dma_start3A_278 = arith.constant 0 : i32
      %dma_start3A_279 = tpu.memref_slice %arg9[%add3A_16, %dma_start3A_278] : memref<10112x128xf32, #tpu.memory_space<vmem_shared>> -> memref<128x128xf32, #tpu.memory_space<vmem_shared>>
      %dma_start3A_280 = arith.constant 0 : i32
      %dma_start3A_281 = tpu.memref_slice %arg9[%add3A_16, %dma_start3A_280] : memref<10112x128xf32, #tpu.memory_space<vmem_shared>> -> memref<128x128xf32, #tpu.memory_space<vmem_shared>>
      tpu.enqueue_dma source(%arg15 : memref<128x128xf32, #tpu.memory_space<vmem>>) target(%dma_start3A_281 : memref<128x128xf32, #tpu.memory_space<vmem_shared>>) target_semaphore(%run_scoped3A : memref<!tpu.dma_semaphore, #tpu.memory_space<semaphore_mem>>)
      %dma_wait3A_282 = arith.constant 0 : i32
      %dma_wait3A_283 = tpu.memref_slice %arg9[%add3A_16, %dma_wait3A_282] : memref<10112x128xf32, #tpu.memory_space<vmem_shared>> -> memref<128x128xf32, #tpu.memory_space<vmem_shared>>
      %dma_wait3A_284 = arith.constant 0 : i32
      %dma_wait3A_285 = tpu.memref_slice %arg9[%add3A_16, %dma_wait3A_284] : memref<10112x128xf32, #tpu.memory_space<vmem_shared>> -> memref<128x128xf32, #tpu.memory_space<vmem_shared>>
      tpu.wait_dma2 semaphore(%run_scoped3A : memref<!tpu.dma_semaphore, #tpu.memory_space<semaphore_mem>>) src(%arg15 : memref<128x128xf32, #tpu.memory_space<vmem>>) dst(%dma_wait3A_285 : memref<128x128xf32, #tpu.memory_space<vmem_shared>>)
      tpu.yield
    }) : () -> ()
    %add3A_17 = arith.constant 384 : i32
    %add3A_18 = arith.addi %mul3A_11, %add3A_17 : i32
    "tpu.region"() ({
      %run_scoped3A = tpu.sem_alloc : memref<!tpu.dma_semaphore, #tpu.memory_space<semaphore_mem>>
      %dma_start3A_278 = arith.constant 0 : i32
      %dma_start3A_279 = tpu.memref_slice %arg9[%add3A_18, %dma_start3A_278] : memref<10112x128xf32, #tpu.memory_space<vmem_shared>> -> memref<128x128xf32, #tpu.memory_space<vmem_shared>>
      %dma_start3A_280 = arith.constant 0 : i32
      %dma_start3A_281 = tpu.memref_slice %arg9[%add3A_18, %dma_start3A_280] : memref<10112x128xf32, #tpu.memory_space<vmem_shared>> -> memref<128x128xf32, #tpu.memory_space<vmem_shared>>
      tpu.enqueue_dma source(%arg15 : memref<128x128xf32, #tpu.memory_space<vmem>>) target(%dma_start3A_281 : memref<128x128xf32, #tpu.memory_space<vmem_shared>>) target_semaphore(%run_scoped3A : memref<!tpu.dma_semaphore, #tpu.memory_space<semaphore_mem>>)
      %dma_wait3A_282 = arith.constant 0 : i32
      %dma_wait3A_283 = tpu.memref_slice %arg9[%add3A_18, %dma_wait3A_282] : memref<10112x128xf32, #tpu.memory_space<vmem_shared>> -> memref<128x128xf32, #tpu.memory_space<vmem_shared>>
      %dma_wait3A_284 = arith.constant 0 : i32
      %dma_wait3A_285 = tpu.memref_slice %arg9[%add3A_18, %dma_wait3A_284] : memref<10112x128xf32, #tpu.memory_space<vmem_shared>> -> memref<128x128xf32, #tpu.memory_space<vmem_shared>>
      tpu.wait_dma2 semaphore(%run_scoped3A : memref<!tpu.dma_semaphore, #tpu.memory_space<semaphore_mem>>) src(%arg15 : memref<128x128xf32, #tpu.memory_space<vmem>>) dst(%dma_wait3A_285 : memref<128x128xf32, #tpu.memory_space<vmem_shared>>)
      tpu.yield
    }) : () -> ()
    %add3A_19 = arith.constant 512 : i32
    %add3A_20 = arith.addi %mul3A_11, %add3A_19 : i32
    "tpu.region"() ({
      %run_scoped3A = tpu.sem_alloc : memref<!tpu.dma_semaphore, #tpu.memory_space<semaphore_mem>>
      %dma_start3A_278 = arith.constant 0 : i32
      %dma_start3A_279 = arith.constant 0 : i32
      %dma_start3A_280 = tpu.memref_slice %arg15[%dma_start3A_278, %dma_start3A_279] : memref<128x128xf32, #tpu.memory_space<vmem>> -> memref<120x128xf32, #tpu.memory_space<vmem>>
      %dma_start3A_281 = arith.constant 0 : i32
      %dma_start3A_282 = tpu.memref_slice %arg9[%add3A_20, %dma_start3A_281] : memref<10112x128xf32, #tpu.memory_space<vmem_shared>> -> memref<120x128xf32, #tpu.memory_space<vmem_shared>>
      %dma_start3A_283 = arith.constant 0 : i32
      %dma_start3A_284 = tpu.memref_slice %arg9[%add3A_20, %dma_start3A_283] : memref<10112x128xf32, #tpu.memory_space<vmem_shared>> -> memref<120x128xf32, #tpu.memory_space<vmem_shared>>
      %dma_start3A_285 = arith.constant 0 : i32
      %dma_start3A_286 = arith.constant 0 : i32
      %dma_start3A_287 = tpu.memref_slice %arg15[%dma_start3A_285, %dma_start3A_286] : memref<128x128xf32, #tpu.memory_space<vmem>> -> memref<120x128xf32, #tpu.memory_space<vmem>>
      tpu.enqueue_dma source(%dma_start3A_287 : memref<120x128xf32, #tpu.memory_space<vmem>>) target(%dma_start3A_284 : memref<120x128xf32, #tpu.memory_space<vmem_shared>>) target_semaphore(%run_scoped3A : memref<!tpu.dma_semaphore, #tpu.memory_space<semaphore_mem>>)
      %dma_wait3A_288 = arith.constant 0 : i32
      %dma_wait3A_289 = arith.constant 0 : i32
      %dma_wait3A_290 = tpu.memref_slice %arg15[%dma_wait3A_288, %dma_wait3A_289] : memref<128x128xf32, #tpu.memory_space<vmem>> -> memref<120x128xf32, #tpu.memory_space<vmem>>
      %dma_wait3A_291 = arith.constant 0 : i32
      %dma_wait3A_292 = tpu.memref_slice %arg9[%add3A_20, %dma_wait3A_291] : memref<10112x128xf32, #tpu.memory_space<vmem_shared>> -> memref<120x128xf32, #tpu.memory_space<vmem_shared>>
      %dma_wait3A_293 = arith.constant 0 : i32
      %dma_wait3A_294 = tpu.memref_slice %arg9[%add3A_20, %dma_wait3A_293] : memref<10112x128xf32, #tpu.memory_space<vmem_shared>> -> memref<120x128xf32, #tpu.memory_space<vmem_shared>>
      %dma_wait3A_295 = arith.constant 0 : i32
      %dma_wait3A_296 = arith.constant 0 : i32
      %dma_wait3A_297 = tpu.memref_slice %arg15[%dma_wait3A_295, %dma_wait3A_296] : memref<128x128xf32, #tpu.memory_space<vmem>> -> memref<120x128xf32, #tpu.memory_space<vmem>>
      tpu.wait_dma2 semaphore(%run_scoped3A : memref<!tpu.dma_semaphore, #tpu.memory_space<semaphore_mem>>) src(%dma_wait3A_297 : memref<120x128xf32, #tpu.memory_space<vmem>>) dst(%dma_wait3A_294 : memref<120x128xf32, #tpu.memory_space<vmem_shared>>)
      tpu.yield
    }) : () -> ()
    %swap3A = arith.constant 0 : index
    %swap3A_21 = tpu.vector_load %arg18[%swap3A] {strides = array<i32>} : memref<640xf32, #tpu.memory_space<vmem>>, vector<16xf32>,
    %swap3A_22 = vector.shape_cast %swap3A_21 : vector<16xf32> to vector<16xf32>
    %swap3A_23 = vector.shape_cast %broadcast_in_dim3A_3 : vector<16xf32> to vector<16xf32>
    tpu.vector_store %arg18[%swap3A], %swap3A_23 {strides = array<i32>} : memref<640xf32, #tpu.memory_space<vmem>>, vector<16xf32>,
    %swap3A_24 = arith.constant 16 : index
    %swap3A_25 = tpu.vector_load %arg18[%swap3A_24] {strides = array<i32>} : memref<640xf32, #tpu.memory_space<vmem>>, vector<16xf32>,
    %swap3A_26 = vector.shape_cast %swap3A_25 : vector<16xf32> to vector<16xf32>
    %swap3A_27 = vector.shape_cast %broadcast_in_dim3A_3 : vector<16xf32> to vector<16xf32>
    tpu.vector_store %arg18[%swap3A_24], %swap3A_27 {strides = array<i32>} : memref<640xf32, #tpu.memory_space<vmem>>, vector<16xf32>,
    %swap3A_28 = arith.constant 32 : index
    %swap3A_29 = tpu.vector_load %arg18[%swap3A_28] {strides = array<i32>} : memref<640xf32, #tpu.memory_space<vmem>>, vector<16xf32>,
    %swap3A_30 = vector.shape_cast %swap3A_29 : vector<16xf32> to vector<16xf32>
    %swap3A_31 = vector.shape_cast %broadcast_in_dim3A_3 : vector<16xf32> to vector<16xf32>
    tpu.vector_store %arg18[%swap3A_28], %swap3A_31 {strides = array<i32>} : memref<640xf32, #tpu.memory_space<vmem>>, vector<16xf32>,
    %swap3A_32 = arith.constant 48 : index
    %swap3A_33 = tpu.vector_load %arg18[%swap3A_32] {strides = array<i32>} : memref<640xf32, #tpu.memory_space<vmem>>, vector<16xf32>,
    %swap3A_34 = vector.shape_cast %swap3A_33 : vector<16xf32> to vector<16xf32>
    %swap3A_35 = vector.shape_cast %broadcast_in_dim3A_3 : vector<16xf32> to vector<16xf32>
    tpu.vector_store %arg18[%swap3A_32], %swap3A_35 {strides = array<i32>} : memref<640xf32, #tpu.memory_space<vmem>>, vector<16xf32>,
    %swap3A_36 = arith.constant 64 : index
    %swap3A_37 = tpu.vector_load %arg18[%swap3A_36] {strides = array<i32>} : memref<640xf32, #tpu.memory_space<vmem>>, vector<16xf32>,
    %swap3A_38 = vector.shape_cast %swap3A_37 : vector<16xf32> to vector<16xf32>
    %swap3A_39 = vector.shape_cast %broadcast_in_dim3A_3 : vector<16xf32> to vector<16xf32>
    tpu.vector_store %arg18[%swap3A_36], %swap3A_39 {strides = array<i32>} : memref<640xf32, #tpu.memory_space<vmem>>, vector<16xf32>,
    %swap3A_40 = arith.constant 80 : index
    %swap3A_41 = tpu.vector_load %arg18[%swap3A_40] {strides = array<i32>} : memref<640xf32, #tpu.memory_space<vmem>>, vector<16xf32>,
    %swap3A_42 = vector.shape_cast %swap3A_41 : vector<16xf32> to vector<16xf32>
    %swap3A_43 = vector.shape_cast %broadcast_in_dim3A_3 : vector<16xf32> to vector<16xf32>
    tpu.vector_store %arg18[%swap3A_40], %swap3A_43 {strides = array<i32>} : memref<640xf32, #tpu.memory_space<vmem>>, vector<16xf32>,
    %swap3A_44 = arith.constant 96 : index
    %swap3A_45 = tpu.vector_load %arg18[%swap3A_44] {strides = array<i32>} : memref<640xf32, #tpu.memory_space<vmem>>, vector<16xf32>,
    %swap3A_46 = vector.shape_cast %swap3A_45 : vector<16xf32> to vector<16xf32>
    %swap3A_47 = vector.shape_cast %broadcast_in_dim3A_3 : vector<16xf32> to vector<16xf32>
    tpu.vector_store %arg18[%swap3A_44], %swap3A_47 {strides = array<i32>} : memref<640xf32, #tpu.memory_space<vmem>>, vector<16xf32>,
    %swap3A_48 = arith.constant 112 : index
    %swap3A_49 = tpu.vector_load %arg18[%swap3A_48] {strides = array<i32>} : memref<640xf32, #tpu.memory_space<vmem>>, vector<16xf32>,
    %swap3A_50 = vector.shape_cast %swap3A_49 : vector<16xf32> to vector<16xf32>
    %swap3A_51 = vector.shape_cast %broadcast_in_dim3A_3 : vector<16xf32> to vector<16xf32>
    tpu.vector_store %arg18[%swap3A_48], %swap3A_51 {strides = array<i32>} : memref<640xf32, #tpu.memory_space<vmem>>, vector<16xf32>,
    %swap3A_52 = arith.constant 128 : index
    %swap3A_53 = tpu.vector_load %arg18[%swap3A_52] {strides = array<i32>} : memref<640xf32, #tpu.memory_space<vmem>>, vector<16xf32>,
    %swap3A_54 = vector.shape_cast %swap3A_53 : vector<16xf32> to vector<16xf32>
    %swap3A_55 = vector.shape_cast %broadcast_in_dim3A_3 : vector<16xf32> to vector<16xf32>
    tpu.vector_store %arg18[%swap3A_52], %swap3A_55 {strides = array<i32>} : memref<640xf32, #tpu.memory_space<vmem>>, vector<16xf32>,
    %swap3A_56 = arith.constant 144 : index
    %swap3A_57 = tpu.vector_load %arg18[%swap3A_56] {strides = array<i32>} : memref<640xf32, #tpu.memory_space<vmem>>, vector<16xf32>,
    %swap3A_58 = vector.shape_cast %swap3A_57 : vector<16xf32> to vector<16xf32>
    %swap3A_59 = vector.shape_cast %broadcast_in_dim3A_3 : vector<16xf32> to vector<16xf32>
    tpu.vector_store %arg18[%swap3A_56], %swap3A_59 {strides = array<i32>} : memref<640xf32, #tpu.memory_space<vmem>>, vector<16xf32>,
    %swap3A_60 = arith.constant 160 : index
    %swap3A_61 = tpu.vector_load %arg18[%swap3A_60] {strides = array<i32>} : memref<640xf32, #tpu.memory_space<vmem>>, vector<16xf32>,
    %swap3A_62 = vector.shape_cast %swap3A_61 : vector<16xf32> to vector<16xf32>
    %swap3A_63 = vector.shape_cast %broadcast_in_dim3A_3 : vector<16xf32> to vector<16xf32>
    tpu.vector_store %arg18[%swap3A_60], %swap3A_63 {strides = array<i32>} : memref<640xf32, #tpu.memory_space<vmem>>, vector<16xf32>,
    %swap3A_64 = arith.constant 176 : index
    %swap3A_65 = tpu.vector_load %arg18[%swap3A_64] {strides = array<i32>} : memref<640xf32, #tpu.memory_space<vmem>>, vector<16xf32>,
    %swap3A_66 = vector.shape_cast %swap3A_65 : vector<16xf32> to vector<16xf32>
    %swap3A_67 = vector.shape_cast %broadcast_in_dim3A_3 : vector<16xf32> to vector<16xf32>
    tpu.vector_store %arg18[%swap3A_64], %swap3A_67 {strides = array<i32>} : memref<640xf32, #tpu.memory_space<vmem>>, vector<16xf32>,
    %swap3A_68 = arith.constant 192 : index
    %swap3A_69 = tpu.vector_load %arg18[%swap3A_68] {strides = array<i32>} : memref<640xf32, #tpu.memory_space<vmem>>, vector<16xf32>,
    %swap3A_70 = vector.shape_cast %swap3A_69 : vector<16xf32> to vector<16xf32>
    %swap3A_71 = vector.shape_cast %broadcast_in_dim3A_3 : vector<16xf32> to vector<16xf32>
    tpu.vector_store %arg18[%swap3A_68], %swap3A_71 {strides = array<i32>} : memref<640xf32, #tpu.memory_space<vmem>>, vector<16xf32>,
    %swap3A_72 = arith.constant 208 : index
    %swap3A_73 = tpu.vector_load %arg18[%swap3A_72] {strides = array<i32>} : memref<640xf32, #tpu.memory_space<vmem>>, vector<16xf32>,
    %swap3A_74 = vector.shape_cast %swap3A_73 : vector<16xf32> to vector<16xf32>
    %swap3A_75 = vector.shape_cast %broadcast_in_dim3A_3 : vector<16xf32> to vector<16xf32>
    tpu.vector_store %arg18[%swap3A_72], %swap3A_75 {strides = array<i32>} : memref<640xf32, #tpu.memory_space<vmem>>, vector<16xf32>,
    %swap3A_76 = arith.constant 224 : index
    %swap3A_77 = tpu.vector_load %arg18[%swap3A_76] {strides = array<i32>} : memref<640xf32, #tpu.memory_space<vmem>>, vector<16xf32>,
    %swap3A_78 = vector.shape_cast %swap3A_77 : vector<16xf32> to vector<16xf32>
    %swap3A_79 = vector.shape_cast %broadcast_in_dim3A_3 : vector<16xf32> to vector<16xf32>
    tpu.vector_store %arg18[%swap3A_76], %swap3A_79 {strides = array<i32>} : memref<640xf32, #tpu.memory_space<vmem>>, vector<16xf32>,
    %swap3A_80 = arith.constant 240 : index
    %swap3A_81 = tpu.vector_load %arg18[%swap3A_80] {strides = array<i32>} : memref<640xf32, #tpu.memory_space<vmem>>, vector<16xf32>,
    %swap3A_82 = vector.shape_cast %swap3A_81 : vector<16xf32> to vector<16xf32>
    %swap3A_83 = vector.shape_cast %broadcast_in_dim3A_3 : vector<16xf32> to vector<16xf32>
    tpu.vector_store %arg18[%swap3A_80], %swap3A_83 {strides = array<i32>} : memref<640xf32, #tpu.memory_space<vmem>>, vector<16xf32>,
    %swap3A_84 = arith.constant 256 : index
    %swap3A_85 = tpu.vector_load %arg18[%swap3A_84] {strides = array<i32>} : memref<640xf32, #tpu.memory_space<vmem>>, vector<16xf32>,
    %swap3A_86 = vector.shape_cast %swap3A_85 : vector<16xf32> to vector<16xf32>
    %swap3A_87 = vector.shape_cast %broadcast_in_dim3A_3 : vector<16xf32> to vector<16xf32>
    tpu.vector_store %arg18[%swap3A_84], %swap3A_87 {strides = array<i32>} : memref<640xf32, #tpu.memory_space<vmem>>, vector<16xf32>,
    %swap3A_88 = arith.constant 272 : index
    %swap3A_89 = tpu.vector_load %arg18[%swap3A_88] {strides = array<i32>} : memref<640xf32, #tpu.memory_space<vmem>>, vector<16xf32>,
    %swap3A_90 = vector.shape_cast %swap3A_89 : vector<16xf32> to vector<16xf32>
    %swap3A_91 = vector.shape_cast %broadcast_in_dim3A_3 : vector<16xf32> to vector<16xf32>
    tpu.vector_store %arg18[%swap3A_88], %swap3A_91 {strides = array<i32>} : memref<640xf32, #tpu.memory_space<vmem>>, vector<16xf32>,
    %swap3A_92 = arith.constant 288 : index
    %swap3A_93 = tpu.vector_load %arg18[%swap3A_92] {strides = array<i32>} : memref<640xf32, #tpu.memory_space<vmem>>, vector<16xf32>,
    %swap3A_94 = vector.shape_cast %swap3A_93 : vector<16xf32> to vector<16xf32>
    %swap3A_95 = vector.shape_cast %broadcast_in_dim3A_3 : vector<16xf32> to vector<16xf32>
    tpu.vector_store %arg18[%swap3A_92], %swap3A_95 {strides = array<i32>} : memref<640xf32, #tpu.memory_space<vmem>>, vector<16xf32>,
    %swap3A_96 = arith.constant 304 : index
    %swap3A_97 = tpu.vector_load %arg18[%swap3A_96] {strides = array<i32>} : memref<640xf32, #tpu.memory_space<vmem>>, vector<16xf32>,
    %swap3A_98 = vector.shape_cast %swap3A_97 : vector<16xf32> to vector<16xf32>
    %swap3A_99 = vector.shape_cast %broadcast_in_dim3A_3 : vector<16xf32> to vector<16xf32>
    tpu.vector_store %arg18[%swap3A_96], %swap3A_99 {strides = array<i32>} : memref<640xf32, #tpu.memory_space<vmem>>, vector<16xf32>,
    %swap3A_100 = arith.constant 320 : index
    %swap3A_101 = tpu.vector_load %arg18[%swap3A_100] {strides = array<i32>} : memref<640xf32, #tpu.memory_space<vmem>>, vector<16xf32>,
    %swap3A_102 = vector.shape_cast %swap3A_101 : vector<16xf32> to vector<16xf32>
    %swap3A_103 = vector.shape_cast %broadcast_in_dim3A_3 : vector<16xf32> to vector<16xf32>
    tpu.vector_store %arg18[%swap3A_100], %swap3A_103 {strides = array<i32>} : memref<640xf32, #tpu.memory_space<vmem>>, vector<16xf32>,
    %swap3A_104 = arith.constant 336 : index
    %swap3A_105 = tpu.vector_load %arg18[%swap3A_104] {strides = array<i32>} : memref<640xf32, #tpu.memory_space<vmem>>, vector<16xf32>,
    %swap3A_106 = vector.shape_cast %swap3A_105 : vector<16xf32> to vector<16xf32>
    %swap3A_107 = vector.shape_cast %broadcast_in_dim3A_3 : vector<16xf32> to vector<16xf32>
    tpu.vector_store %arg18[%swap3A_104], %swap3A_107 {strides = array<i32>} : memref<640xf32, #tpu.memory_space<vmem>>, vector<16xf32>,
    %swap3A_108 = arith.constant 352 : index
    %swap3A_109 = tpu.vector_load %arg18[%swap3A_108] {strides = array<i32>} : memref<640xf32, #tpu.memory_space<vmem>>, vector<16xf32>,
    %swap3A_110 = vector.shape_cast %swap3A_109 : vector<16xf32> to vector<16xf32>
    %swap3A_111 = vector.shape_cast %broadcast_in_dim3A_3 : vector<16xf32> to vector<16xf32>
    tpu.vector_store %arg18[%swap3A_108], %swap3A_111 {strides = array<i32>} : memref<640xf32, #tpu.memory_space<vmem>>, vector<16xf32>,
    %swap3A_112 = arith.constant 368 : index
    %swap3A_113 = tpu.vector_load %arg18[%swap3A_112] {strides = array<i32>} : memref<640xf32, #tpu.memory_space<vmem>>, vector<16xf32>,
    %swap3A_114 = vector.shape_cast %swap3A_113 : vector<16xf32> to vector<16xf32>
    %swap3A_115 = vector.shape_cast %broadcast_in_dim3A_3 : vector<16xf32> to vector<16xf32>
    tpu.vector_store %arg18[%swap3A_112], %swap3A_115 {strides = array<i32>} : memref<640xf32, #tpu.memory_space<vmem>>, vector<16xf32>,
    %swap3A_116 = arith.constant 384 : index
    %swap3A_117 = tpu.vector_load %arg18[%swap3A_116] {strides = array<i32>} : memref<640xf32, #tpu.memory_space<vmem>>, vector<16xf32>,
    %swap3A_118 = vector.shape_cast %swap3A_117 : vector<16xf32> to vector<16xf32>
    %swap3A_119 = vector.shape_cast %broadcast_in_dim3A_3 : vector<16xf32> to vector<16xf32>
    tpu.vector_store %arg18[%swap3A_116], %swap3A_119 {strides = array<i32>} : memref<640xf32, #tpu.memory_space<vmem>>, vector<16xf32>,
    %swap3A_120 = arith.constant 400 : index
    %swap3A_121 = tpu.vector_load %arg18[%swap3A_120] {strides = array<i32>} : memref<640xf32, #tpu.memory_space<vmem>>, vector<16xf32>,
    %swap3A_122 = vector.shape_cast %swap3A_121 : vector<16xf32> to vector<16xf32>
    %swap3A_123 = vector.shape_cast %broadcast_in_dim3A_3 : vector<16xf32> to vector<16xf32>
    tpu.vector_store %arg18[%swap3A_120], %swap3A_123 {strides = array<i32>} : memref<640xf32, #tpu.memory_space<vmem>>, vector<16xf32>,
    %swap3A_124 = arith.constant 416 : index
    %swap3A_125 = tpu.vector_load %arg18[%swap3A_124] {strides = array<i32>} : memref<640xf32, #tpu.memory_space<vmem>>, vector<16xf32>,
    %swap3A_126 = vector.shape_cast %swap3A_125 : vector<16xf32> to vector<16xf32>
    %swap3A_127 = vector.shape_cast %broadcast_in_dim3A_3 : vector<16xf32> to vector<16xf32>
    tpu.vector_store %arg18[%swap3A_124], %swap3A_127 {strides = array<i32>} : memref<640xf32, #tpu.memory_space<vmem>>, vector<16xf32>,
    %swap3A_128 = arith.constant 432 : index
    %swap3A_129 = tpu.vector_load %arg18[%swap3A_128] {strides = array<i32>} : memref<640xf32, #tpu.memory_space<vmem>>, vector<16xf32>,
    %swap3A_130 = vector.shape_cast %swap3A_129 : vector<16xf32> to vector<16xf32>
    %swap3A_131 = vector.shape_cast %broadcast_in_dim3A_3 : vector<16xf32> to vector<16xf32>
    tpu.vector_store %arg18[%swap3A_128], %swap3A_131 {strides = array<i32>} : memref<640xf32, #tpu.memory_space<vmem>>, vector<16xf32>,
    %swap3A_132 = arith.constant 448 : index
    %swap3A_133 = tpu.vector_load %arg18[%swap3A_132] {strides = array<i32>} : memref<640xf32, #tpu.memory_space<vmem>>, vector<16xf32>,
    %swap3A_134 = vector.shape_cast %swap3A_133 : vector<16xf32> to vector<16xf32>
    %swap3A_135 = vector.shape_cast %broadcast_in_dim3A_3 : vector<16xf32> to vector<16xf32>
    tpu.vector_store %arg18[%swap3A_132], %swap3A_135 {strides = array<i32>} : memref<640xf32, #tpu.memory_space<vmem>>, vector<16xf32>,
    %swap3A_136 = arith.constant 464 : index
    %swap3A_137 = tpu.vector_load %arg18[%swap3A_136] {strides = array<i32>} : memref<640xf32, #tpu.memory_space<vmem>>, vector<16xf32>,
    %swap3A_138 = vector.shape_cast %swap3A_137 : vector<16xf32> to vector<16xf32>
    %swap3A_139 = vector.shape_cast %broadcast_in_dim3A_3 : vector<16xf32> to vector<16xf32>
    tpu.vector_store %arg18[%swap3A_136], %swap3A_139 {strides = array<i32>} : memref<640xf32, #tpu.memory_space<vmem>>, vector<16xf32>,
    %swap3A_140 = arith.constant 480 : index
    %swap3A_141 = tpu.vector_load %arg18[%swap3A_140] {strides = array<i32>} : memref<640xf32, #tpu.memory_space<vmem>>, vector<16xf32>,
    %swap3A_142 = vector.shape_cast %swap3A_141 : vector<16xf32> to vector<16xf32>
    %swap3A_143 = vector.shape_cast %broadcast_in_dim3A_3 : vector<16xf32> to vector<16xf32>
    tpu.vector_store %arg18[%swap3A_140], %swap3A_143 {strides = array<i32>} : memref<640xf32, #tpu.memory_space<vmem>>, vector<16xf32>,
    %swap3A_144 = arith.constant 496 : index
    %swap3A_145 = tpu.vector_load %arg18[%swap3A_144] {strides = array<i32>} : memref<640xf32, #tpu.memory_space<vmem>>, vector<16xf32>,
    %swap3A_146 = vector.shape_cast %swap3A_145 : vector<16xf32> to vector<16xf32>
    %swap3A_147 = vector.shape_cast %broadcast_in_dim3A_3 : vector<16xf32> to vector<16xf32>
    tpu.vector_store %arg18[%swap3A_144], %swap3A_147 {strides = array<i32>} : memref<640xf32, #tpu.memory_space<vmem>>, vector<16xf32>,
    %swap3A_148 = arith.constant 512 : index
    %swap3A_149 = tpu.vector_load %arg18[%swap3A_148] {strides = array<i32>} : memref<640xf32, #tpu.memory_space<vmem>>, vector<16xf32>,
    %swap3A_150 = vector.shape_cast %swap3A_149 : vector<16xf32> to vector<16xf32>
    %swap3A_151 = vector.shape_cast %broadcast_in_dim3A_3 : vector<16xf32> to vector<16xf32>
    tpu.vector_store %arg18[%swap3A_148], %swap3A_151 {strides = array<i32>} : memref<640xf32, #tpu.memory_space<vmem>>, vector<16xf32>,
    %swap3A_152 = arith.constant 528 : index
    %swap3A_153 = tpu.vector_load %arg18[%swap3A_152] {strides = array<i32>} : memref<640xf32, #tpu.memory_space<vmem>>, vector<16xf32>,
    %swap3A_154 = vector.shape_cast %swap3A_153 : vector<16xf32> to vector<16xf32>
    %swap3A_155 = vector.shape_cast %broadcast_in_dim3A_3 : vector<16xf32> to vector<16xf32>
    tpu.vector_store %arg18[%swap3A_152], %swap3A_155 {strides = array<i32>} : memref<640xf32, #tpu.memory_space<vmem>>, vector<16xf32>,
    %swap3A_156 = arith.constant 544 : index
    %swap3A_157 = tpu.vector_load %arg18[%swap3A_156] {strides = array<i32>} : memref<640xf32, #tpu.memory_space<vmem>>, vector<16xf32>,
    %swap3A_158 = vector.shape_cast %swap3A_157 : vector<16xf32> to vector<16xf32>
    %swap3A_159 = vector.shape_cast %broadcast_in_dim3A_3 : vector<16xf32> to vector<16xf32>
    tpu.vector_store %arg18[%swap3A_156], %swap3A_159 {strides = array<i32>} : memref<640xf32, #tpu.memory_space<vmem>>, vector<16xf32>,
    %swap3A_160 = arith.constant 560 : index
    %swap3A_161 = tpu.vector_load %arg18[%swap3A_160] {strides = array<i32>} : memref<640xf32, #tpu.memory_space<vmem>>, vector<16xf32>,
    %swap3A_162 = vector.shape_cast %swap3A_161 : vector<16xf32> to vector<16xf32>
    %swap3A_163 = vector.shape_cast %broadcast_in_dim3A_3 : vector<16xf32> to vector<16xf32>
    tpu.vector_store %arg18[%swap3A_160], %swap3A_163 {strides = array<i32>} : memref<640xf32, #tpu.memory_space<vmem>>, vector<16xf32>,
    %swap3A_164 = arith.constant 576 : index
    %swap3A_165 = tpu.vector_load %arg18[%swap3A_164] {strides = array<i32>} : memref<640xf32, #tpu.memory_space<vmem>>, vector<16xf32>,
    %swap3A_166 = vector.shape_cast %swap3A_165 : vector<16xf32> to vector<16xf32>
    %swap3A_167 = vector.shape_cast %broadcast_in_dim3A_3 : vector<16xf32> to vector<16xf32>
    tpu.vector_store %arg18[%swap3A_164], %swap3A_167 {strides = array<i32>} : memref<640xf32, #tpu.memory_space<vmem>>, vector<16xf32>,
    %swap3A_168 = arith.constant 592 : index
    %swap3A_169 = tpu.vector_load %arg18[%swap3A_168] {strides = array<i32>} : memref<640xf32, #tpu.memory_space<vmem>>, vector<16xf32>,
    %swap3A_170 = vector.shape_cast %swap3A_169 : vector<16xf32> to vector<16xf32>
    %swap3A_171 = vector.shape_cast %broadcast_in_dim3A_3 : vector<16xf32> to vector<16xf32>
    tpu.vector_store %arg18[%swap3A_168], %swap3A_171 {strides = array<i32>} : memref<640xf32, #tpu.memory_space<vmem>>, vector<16xf32>,
    %swap3A_172 = arith.constant 608 : index
    %swap3A_173 = tpu.vector_load %arg18[%swap3A_172] {strides = array<i32>} : memref<640xf32, #tpu.memory_space<vmem>>, vector<16xf32>,
    %swap3A_174 = vector.shape_cast %swap3A_173 : vector<16xf32> to vector<16xf32>
    %swap3A_175 = vector.shape_cast %broadcast_in_dim3A_3 : vector<16xf32> to vector<16xf32>
    tpu.vector_store %arg18[%swap3A_172], %swap3A_175 {strides = array<i32>} : memref<640xf32, #tpu.memory_space<vmem>>, vector<16xf32>,
    %swap3A_176 = arith.constant 624 : index
    %swap3A_177 = tpu.vector_load %arg18[%swap3A_176] {strides = array<i32>} : memref<640xf32, #tpu.memory_space<vmem>>, vector<16xf32>,
    %swap3A_178 = vector.shape_cast %swap3A_177 : vector<16xf32> to vector<16xf32>
    %swap3A_179 = vector.shape_cast %broadcast_in_dim3A_3 : vector<16xf32> to vector<16xf32>
    tpu.vector_store %arg18[%swap3A_176], %swap3A_179 {strides = array<i32>} : memref<640xf32, #tpu.memory_space<vmem>>, vector<16xf32>,
    %broadcast_in_dim3A_180 = arith.constant 1.000000e+00 : f32
    %broadcast_in_dim3A_181 = vector.broadcast %broadcast_in_dim3A_180 : f32 to vector<16xf32>
    %swap3A_182 = arith.constant 0 : index
    %swap3A_183 = tpu.vector_load %arg17[%swap3A_182] {strides = array<i32>} : memref<128xf32, #tpu.memory_space<vmem>>, vector<16xf32>,
    %swap3A_184 = vector.shape_cast %swap3A_183 : vector<16xf32> to vector<16xf32>
    %swap3A_185 = vector.shape_cast %broadcast_in_dim3A_181 : vector<16xf32> to vector<16xf32>
    tpu.vector_store %arg17[%swap3A_182], %swap3A_185 {strides = array<i32>} : memref<128xf32, #tpu.memory_space<vmem>>, vector<16xf32>,
    %broadcast_in_dim3A_186 = arith.constant 1.000000e+00 : f32
    %broadcast_in_dim3A_187 = vector.broadcast %broadcast_in_dim3A_186 : f32 to vector<16xf32>
    %swap3A_188 = arith.constant 16 : index
    %swap3A_189 = tpu.vector_load %arg17[%swap3A_188] {strides = array<i32>} : memref<128xf32, #tpu.memory_space<vmem>>, vector<16xf32>,
    %swap3A_190 = vector.shape_cast %swap3A_189 : vector<16xf32> to vector<16xf32>
    %swap3A_191 = vector.shape_cast %broadcast_in_dim3A_187 : vector<16xf32> to vector<16xf32>
    tpu.vector_store %arg17[%swap3A_188], %swap3A_191 {strides = array<i32>} : memref<128xf32, #tpu.memory_space<vmem>>, vector<16xf32>,
    %broadcast_in_dim3A_192 = arith.constant 1.000000e+00 : f32
    %broadcast_in_dim3A_193 = vector.broadcast %broadcast_in_dim3A_192 : f32 to vector<16xf32>
    %swap3A_194 = arith.constant 32 : index
    %swap3A_195 = tpu.vector_load %arg17[%swap3A_194] {strides = array<i32>} : memref<128xf32, #tpu.memory_space<vmem>>, vector<16xf32>,
    %swap3A_196 = vector.shape_cast %swap3A_195 : vector<16xf32> to vector<16xf32>
    %swap3A_197 = vector.shape_cast %broadcast_in_dim3A_193 : vector<16xf32> to vector<16xf32>
    tpu.vector_store %arg17[%swap3A_194], %swap3A_197 {strides = array<i32>} : memref<128xf32, #tpu.memory_space<vmem>>, vector<16xf32>,
    %broadcast_in_dim3A_198 = arith.constant 1.000000e+00 : f32
    %broadcast_in_dim3A_199 = vector.broadcast %broadcast_in_dim3A_198 : f32 to vector<16xf32>
    %swap3A_200 = arith.constant 48 : index
    %swap3A_201 = tpu.vector_load %arg17[%swap3A_200] {strides = array<i32>} : memref<128xf32, #tpu.memory_space<vmem>>, vector<16xf32>,
    %swap3A_202 = vector.shape_cast %swap3A_201 : vector<16xf32> to vector<16xf32>
    %swap3A_203 = vector.shape_cast %broadcast_in_dim3A_199 : vector<16xf32> to vector<16xf32>
    tpu.vector_store %arg17[%swap3A_200], %swap3A_203 {strides = array<i32>} : memref<128xf32, #tpu.memory_space<vmem>>, vector<16xf32>,
    %broadcast_in_dim3A_204 = arith.constant 1.000000e+00 : f32
    %broadcast_in_dim3A_205 = vector.broadcast %broadcast_in_dim3A_204 : f32 to vector<16xf32>
    %swap3A_206 = arith.constant 64 : index
    %swap3A_207 = tpu.vector_load %arg17[%swap3A_206] {strides = array<i32>} : memref<128xf32, #tpu.memory_space<vmem>>, vector<16xf32>,
    %swap3A_208 = vector.shape_cast %swap3A_207 : vector<16xf32> to vector<16xf32>
    %swap3A_209 = vector.shape_cast %broadcast_in_dim3A_205 : vector<16xf32> to vector<16xf32>
    tpu.vector_store %arg17[%swap3A_206], %swap3A_209 {strides = array<i32>} : memref<128xf32, #tpu.memory_space<vmem>>, vector<16xf32>,
    %broadcast_in_dim3A_210 = arith.constant 1.000000e+00 : f32
    %broadcast_in_dim3A_211 = vector.broadcast %broadcast_in_dim3A_210 : f32 to vector<16xf32>
    %swap3A_212 = arith.constant 80 : index
    %swap3A_213 = tpu.vector_load %arg17[%swap3A_212] {strides = array<i32>} : memref<128xf32, #tpu.memory_space<vmem>>, vector<16xf32>,
    %swap3A_214 = vector.shape_cast %swap3A_213 : vector<16xf32> to vector<16xf32>
    %swap3A_215 = vector.shape_cast %broadcast_in_dim3A_211 : vector<16xf32> to vector<16xf32>
    tpu.vector_store %arg17[%swap3A_212], %swap3A_215 {strides = array<i32>} : memref<128xf32, #tpu.memory_space<vmem>>, vector<16xf32>,
    %broadcast_in_dim3A_216 = arith.constant 1.000000e+00 : f32
    %broadcast_in_dim3A_217 = vector.broadcast %broadcast_in_dim3A_216 : f32 to vector<16xf32>
    %swap3A_218 = arith.constant 96 : index
    %swap3A_219 = tpu.vector_load %arg17[%swap3A_218] {strides = array<i32>} : memref<128xf32, #tpu.memory_space<vmem>>, vector<16xf32>,
    %swap3A_220 = vector.shape_cast %swap3A_219 : vector<16xf32> to vector<16xf32>
    %swap3A_221 = vector.shape_cast %broadcast_in_dim3A_217 : vector<16xf32> to vector<16xf32>
    tpu.vector_store %arg17[%swap3A_218], %swap3A_221 {strides = array<i32>} : memref<128xf32, #tpu.memory_space<vmem>>, vector<16xf32>,
    %broadcast_in_dim3A_222 = arith.constant 1.000000e+00 : f32
    %broadcast_in_dim3A_223 = vector.broadcast %broadcast_in_dim3A_222 : f32 to vector<16xf32>
    %swap3A_224 = arith.constant 112 : index
    %swap3A_225 = tpu.vector_load %arg17[%swap3A_224] {strides = array<i32>} : memref<128xf32, #tpu.memory_space<vmem>>, vector<16xf32>,
    %swap3A_226 = vector.shape_cast %swap3A_225 : vector<16xf32> to vector<16xf32>
    %swap3A_227 = vector.shape_cast %broadcast_in_dim3A_223 : vector<16xf32> to vector<16xf32>
    tpu.vector_store %arg17[%swap3A_224], %swap3A_227 {strides = array<i32>} : memref<128xf32, #tpu.memory_space<vmem>>, vector<16xf32>,
    "tpu.region"() ({
      %run_scoped3A = tpu.sem_alloc : memref<!tpu.dma_semaphore, #tpu.memory_space<semaphore_mem>>
      %dma_start3A_278 = arith.constant 0 : i32
      %dma_start3A_279 = tpu.memref_slice %arg18[%dma_start3A_278] : memref<640xf32, #tpu.memory_space<vmem>> -> memref<632xf32, #tpu.memory_space<vmem>>
      %dma_start3A_280 = tpu.memref_slice %arg10[%mul3A_11] : memref<10112xf32, #tpu.memory_space<vmem_shared>> -> memref<632xf32, #tpu.memory_space<vmem_shared>>
      %dma_start3A_281 = tpu.memref_slice %arg10[%mul3A_11] : memref<10112xf32, #tpu.memory_space<vmem_shared>> -> memref<632xf32, #tpu.memory_space<vmem_shared>>
      %dma_start3A_282 = arith.constant 0 : i32
      %dma_start3A_283 = tpu.memref_slice %arg18[%dma_start3A_282] : memref<640xf32, #tpu.memory_space<vmem>> -> memref<632xf32, #tpu.memory_space<vmem>>
      tpu.enqueue_dma source(%dma_start3A_283 : memref<632xf32, #tpu.memory_space<vmem>>) target(%dma_start3A_281 : memref<632xf32, #tpu.memory_space<vmem_shared>>) target_semaphore(%run_scoped3A : memref<!tpu.dma_semaphore, #tpu.memory_space<semaphore_mem>>)
      %dma_wait3A_284 = arith.constant 0 : i32
      %dma_wait3A_285 = tpu.memref_slice %arg18[%dma_wait3A_284] : memref<640xf32, #tpu.memory_space<vmem>> -> memref<632xf32, #tpu.memory_space<vmem>>
      %dma_wait3A_286 = tpu.memref_slice %arg10[%mul3A_11] : memref<10112xf32, #tpu.memory_space<vmem_shared>> -> memref<632xf32, #tpu.memory_space<vmem_shared>>
      %dma_wait3A_287 = tpu.memref_slice %arg10[%mul3A_11] : memref<10112xf32, #tpu.memory_space<vmem_shared>> -> memref<632xf32, #tpu.memory_space<vmem_shared>>
      %dma_wait3A_288 = arith.constant 0 : i32
      %dma_wait3A_289 = tpu.memref_slice %arg18[%dma_wait3A_288] : memref<640xf32, #tpu.memory_space<vmem>> -> memref<632xf32, #tpu.memory_space<vmem>>
      tpu.wait_dma2 semaphore(%run_scoped3A : memref<!tpu.dma_semaphore, #tpu.memory_space<semaphore_mem>>) src(%dma_wait3A_289 : memref<632xf32, #tpu.memory_space<vmem>>) dst(%dma_wait3A_287 : memref<632xf32, #tpu.memory_space<vmem_shared>>)
      tpu.yield
    }) : () -> ()
    %barrier3A = arith.constant 0 : index
    tpu.barrier barrier_id(%barrier3A)
    %mul3A_228 = arith.constant 163840 : i32
    %mul3A_229 = arith.muli %arg0, %mul3A_228 : i32
    %mul3A_230 = arith.constant 10240 : i32
    %mul3A_231 = arith.muli %arg1, %mul3A_230 : i32
    %add3A_232 = arith.addi %mul3A_229, %mul3A_231 : i32
    %add3A_233 = arith.constant 10112 : i32
    %add3A_234 = arith.addi %add3A_232, %add3A_233 : i32
    "tpu.region"() ({
      %run_scoped3A = tpu.sem_alloc : memref<!tpu.dma_semaphore, #tpu.memory_space<semaphore_mem>>
      %dma_start3A_278 = tpu.memref_slice %arg3[%add3A_232] : memref<327680xi32, #tpu.memory_space<hbm>> -> memref<128xi32, #tpu.memory_space<hbm>>
      %dma_start3A_279 = tpu.memref_slice %arg3[%add3A_232] : memref<327680xi32, #tpu.memory_space<hbm>> -> memref<128xi32, #tpu.memory_space<hbm>>
      tpu.enqueue_dma source(%dma_start3A_279 : memref<128xi32, #tpu.memory_space<hbm>>) target(%arg11 : memref<128xi32, #tpu.memory_space<vmem>>) target_semaphore(%run_scoped3A : memref<!tpu.dma_semaphore, #tpu.memory_space<semaphore_mem>>)
      %dma_wait3A_280 = tpu.memref_slice %arg3[%add3A_232] : memref<327680xi32, #tpu.memory_space<hbm>> -> memref<128xi32, #tpu.memory_space<hbm>>
      %dma_wait3A_281 = tpu.memref_slice %arg3[%add3A_232] : memref<327680xi32, #tpu.memory_space<hbm>> -> memref<128xi32, #tpu.memory_space<hbm>>
      tpu.wait_dma2 semaphore(%run_scoped3A : memref<!tpu.dma_semaphore, #tpu.memory_space<semaphore_mem>>) src(%dma_wait3A_281 : memref<128xi32, #tpu.memory_space<hbm>>) dst(%arg11 : memref<128xi32, #tpu.memory_space<vmem>>)
      tpu.yield
    }) : () -> ()
    %dma_start3A = arith.constant 0 : i32
    %dma_start3A_235 = arith.constant 0 : i32
    %dma_start3A_236 = tpu.memref_slice %arg2[%dma_start3A, %dma_start3A_235] : memref<10000x128xf32, #tpu.memory_space<hbm>> -> memref<10000x128xf32, #tpu.memory_space<hbm>>
    tpu.enqueue_indirect_dma source(%dma_start3A_236 : memref<10000x128xf32, #tpu.memory_space<hbm>>) target(%arg15 : memref<128x128xf32, #tpu.memory_space<vmem>>) offsets(%arg11 : memref<128xi32, #tpu.memory_space<vmem>>) semaphore(%arg19 : memref<!tpu.dma_semaphore, #tpu.memory_space<semaphore_mem>>)
    %scan3A_237 = arith.constant 0 : i32
    %scan3A_238 = arith.constant 0 : i32
    %scan3A_239 = arith.constant 40 : i32
    %scan3A_240 = arith.addi %scan3A_238, %scan3A_239 : i32
    %scan3A_241 = arith.constant 1 : i32
    scf.for %scan3A_278 = %scan3A_238 to %scan3A_240 step %scan3A_241  : i32 {
      %mul3A_279 = arith.constant 2 : i32
      %mul3A_280 = arith.muli %mul3A_279, %scan3A_278 : i32
      %mul3A_281 = arith.constant 128 : i32
      %mul3A_282 = arith.muli %mul3A_280, %mul3A_281 : i32
      %add3A_283 = arith.addi %add3A_232, %mul3A_282 : i32
      %add3A_284 = arith.constant 128 : i32
      %add3A_285 = arith.addi %add3A_283, %add3A_284 : i32
      %add3A_286 = arith.constant 128 : i32
      %add3A_287 = arith.addi %add3A_285, %add3A_286 : i32
      %min3A = arith.minsi %add3A_287, %add3A_234 : i32
      "tpu.region"() ({
        %run_scoped3A = tpu.sem_alloc : memref<!tpu.dma_semaphore, #tpu.memory_space<semaphore_mem>>
        %dma_start3A_300 = tpu.memref_slice %arg4[%add3A_283] : memref<327680xi32, #tpu.memory_space<hbm>> -> memref<128xi32, #tpu.memory_space<hbm>>
        %dma_start3A_301 = tpu.memref_slice %arg4[%add3A_283] : memref<327680xi32, #tpu.memory_space<hbm>> -> memref<128xi32, #tpu.memory_space<hbm>>
        tpu.enqueue_dma source(%dma_start3A_301 : memref<128xi32, #tpu.memory_space<hbm>>) target(%arg12 : memref<128xi32, #tpu.memory_space<vmem>>) target_semaphore(%run_scoped3A : memref<!tpu.dma_semaphore, #tpu.memory_space<semaphore_mem>>)
        %dma_wait3A_302 = tpu.memref_slice %arg4[%add3A_283] : memref<327680xi32, #tpu.memory_space<hbm>> -> memref<128xi32, #tpu.memory_space<hbm>>
        %dma_wait3A_303 = tpu.memref_slice %arg4[%add3A_283] : memref<327680xi32, #tpu.memory_space<hbm>> -> memref<128xi32, #tpu.memory_space<hbm>>
        tpu.wait_dma2 semaphore(%run_scoped3A : memref<!tpu.dma_semaphore, #tpu.memory_space<semaphore_mem>>) src(%dma_wait3A_303 : memref<128xi32, #tpu.memory_space<hbm>>) dst(%arg12 : memref<128xi32, #tpu.memory_space<vmem>>)
        tpu.yield
      }) : () -> ()
      "tpu.region"() ({
        %run_scoped3A = tpu.sem_alloc : memref<!tpu.dma_semaphore, #tpu.memory_space<semaphore_mem>>
        %dma_start3A_300 = tpu.memref_slice %arg3[%add3A_285] : memref<327680xi32, #tpu.memory_space<hbm>> -> memref<128xi32, #tpu.memory_space<hbm>>
        %dma_start3A_301 = tpu.memref_slice %arg3[%add3A_285] : memref<327680xi32, #tpu.memory_space<hbm>> -> memref<128xi32, #tpu.memory_space<hbm>>
        tpu.enqueue_dma source(%dma_start3A_301 : memref<128xi32, #tpu.memory_space<hbm>>) target(%arg13 : memref<128xi32, #tpu.memory_space<vmem>>) target_semaphore(%run_scoped3A : memref<!tpu.dma_semaphore, #tpu.memory_space<semaphore_mem>>)
        %dma_wait3A_302 = tpu.memref_slice %arg3[%add3A_285] : memref<327680xi32, #tpu.memory_space<hbm>> -> memref<128xi32, #tpu.memory_space<hbm>>
        %dma_wait3A_303 = tpu.memref_slice %arg3[%add3A_285] : memref<327680xi32, #tpu.memory_space<hbm>> -> memref<128xi32, #tpu.memory_space<hbm>>
        tpu.wait_dma2 semaphore(%run_scoped3A : memref<!tpu.dma_semaphore, #tpu.memory_space<semaphore_mem>>) src(%dma_wait3A_303 : memref<128xi32, #tpu.memory_space<hbm>>) dst(%arg13 : memref<128xi32, #tpu.memory_space<vmem>>)
        tpu.yield
      }) : () -> ()
      %dma_wait3A_288 = arith.constant 0 : i32
      %dma_wait3A_289 = arith.constant 0 : i32
      %dma_wait3A_290 = tpu.memref_slice %arg2[%dma_wait3A_288, %dma_wait3A_289] : memref<10000x128xf32, #tpu.memory_space<hbm>> -> memref<10000x128xf32, #tpu.memory_space<hbm>>
      tpu.wait_indirect_dma semaphore(%arg19 : memref<!tpu.dma_semaphore, #tpu.memory_space<semaphore_mem>>) src(%dma_wait3A_290 : memref<10000x128xf32, #tpu.memory_space<hbm>>) dst(%arg15 : memref<128x128xf32, #tpu.memory_space<vmem>>)
      %dma_start3A_291 = arith.constant 0 : i32
      %dma_start3A_292 = arith.constant 0 : i32
      %dma_start3A_293 = tpu.memref_slice %arg2[%dma_start3A_291, %dma_start3A_292] : memref<10000x128xf32, #tpu.memory_space<hbm>> -> memref<10000x128xf32, #tpu.memory_space<hbm>>
      tpu.enqueue_indirect_dma source(%dma_start3A_293 : memref<10000x128xf32, #tpu.memory_space<hbm>>) target(%arg16 : memref<128x128xf32, #tpu.memory_space<vmem>>) offsets(%arg13 : memref<128xi32, #tpu.memory_space<vmem>>) semaphore(%arg20 : memref<!tpu.dma_semaphore, #tpu.memory_space<semaphore_mem>>)
      "tpu.region"() ({
        %run_scoped3A = tpu.sem_alloc : memref<!tpu.dma_semaphore, #tpu.memory_space<semaphore_mem>>
        %dma_start3A_300 = arith.constant 0 : i32
        %dma_start3A_301 = arith.constant 0 : i32
        %dma_start3A_302 = tpu.memref_slice %arg9[%dma_start3A_300, %dma_start3A_301] : memref<10112x128xf32, #tpu.memory_space<vmem_shared>> -> memref<10112x128xf32, #tpu.memory_space<vmem_shared>>
        tpu.enqueue_indirect_dma source(%arg15 : memref<128x128xf32, #tpu.memory_space<vmem>>) target(%dma_start3A_302 : memref<10112x128xf32, #tpu.memory_space<vmem_shared>>) offsets(%arg12 : memref<128xi32, #tpu.memory_space<vmem>>) semaphore(%run_scoped3A : memref<!tpu.dma_semaphore, #tpu.memory_space<semaphore_mem>>) {add = true}
        %dma_wait3A_303 = arith.constant 0 : i32
        %dma_wait3A_304 = arith.constant 0 : i32
        %dma_wait3A_305 = tpu.memref_slice %arg9[%dma_wait3A_303, %dma_wait3A_304] : memref<10112x128xf32, #tpu.memory_space<vmem_shared>> -> memref<10112x128xf32, #tpu.memory_space<vmem_shared>>
        tpu.wait_indirect_dma semaphore(%run_scoped3A : memref<!tpu.dma_semaphore, #tpu.memory_space<semaphore_mem>>) src(%arg15 : memref<128x128xf32, #tpu.memory_space<vmem>>) dst(%dma_wait3A_305 : memref<10112x128xf32, #tpu.memory_space<vmem_shared>>)
        tpu.yield
      }) : () -> ()
      "tpu.region"() ({
        %run_scoped3A = tpu.sem_alloc : memref<!tpu.dma_semaphore, #tpu.memory_space<semaphore_mem>>
        %dma_start3A_300 = arith.constant 0 : i32
        %dma_start3A_301 = tpu.memref_slice %arg10[%dma_start3A_300] : memref<10112xf32, #tpu.memory_space<vmem_shared>> -> memref<10112xf32, #tpu.memory_space<vmem_shared>>
        tpu.enqueue_indirect_dma source(%arg17 : memref<128xf32, #tpu.memory_space<vmem>>) target(%dma_start3A_301 : memref<10112xf32, #tpu.memory_space<vmem_shared>>) offsets(%arg12 : memref<128xi32, #tpu.memory_space<vmem>>) semaphore(%run_scoped3A : memref<!tpu.dma_semaphore, #tpu.memory_space<semaphore_mem>>) {add = true}
        %dma_wait3A_302 = arith.constant 0 : i32
        %dma_wait3A_303 = tpu.memref_slice %arg10[%dma_wait3A_302] : memref<10112xf32, #tpu.memory_space<vmem_shared>> -> memref<10112xf32, #tpu.memory_space<vmem_shared>>
        tpu.wait_indirect_dma semaphore(%run_scoped3A : memref<!tpu.dma_semaphore, #tpu.memory_space<semaphore_mem>>) src(%arg17 : memref<128xf32, #tpu.memory_space<vmem>>) dst(%dma_wait3A_303 : memref<10112xf32, #tpu.memory_space<vmem_shared>>)
        tpu.yield
      }) : () -> ()
      "tpu.region"() ({
        %run_scoped3A = tpu.sem_alloc : memref<!tpu.dma_semaphore, #tpu.memory_space<semaphore_mem>>
        %dma_start3A_300 = tpu.memref_slice %arg4[%add3A_285] : memref<327680xi32, #tpu.memory_space<hbm>> -> memref<128xi32, #tpu.memory_space<hbm>>
        %dma_start3A_301 = tpu.memref_slice %arg4[%add3A_285] : memref<327680xi32, #tpu.memory_space<hbm>> -> memref<128xi32, #tpu.memory_space<hbm>>
        tpu.enqueue_dma source(%dma_start3A_301 : memref<128xi32, #tpu.memory_space<hbm>>) target(%arg14 : memref<128xi32, #tpu.memory_space<vmem>>) target_semaphore(%run_scoped3A : memref<!tpu.dma_semaphore, #tpu.memory_space<semaphore_mem>>)
        %dma_wait3A_302 = tpu.memref_slice %arg4[%add3A_285] : memref<327680xi32, #tpu.memory_space<hbm>> -> memref<128xi32, #tpu.memory_space<hbm>>
        %dma_wait3A_303 = tpu.memref_slice %arg4[%add3A_285] : memref<327680xi32, #tpu.memory_space<hbm>> -> memref<128xi32, #tpu.memory_space<hbm>>
        tpu.wait_dma2 semaphore(%run_scoped3A : memref<!tpu.dma_semaphore, #tpu.memory_space<semaphore_mem>>) src(%dma_wait3A_303 : memref<128xi32, #tpu.memory_space<hbm>>) dst(%arg14 : memref<128xi32, #tpu.memory_space<vmem>>)
        tpu.yield
      }) : () -> ()
      "tpu.region"() ({
        %run_scoped3A = tpu.sem_alloc : memref<!tpu.dma_semaphore, #tpu.memory_space<semaphore_mem>>
        %dma_start3A_300 = tpu.memref_slice %arg3[%min3A] : memref<327680xi32, #tpu.memory_space<hbm>> -> memref<128xi32, #tpu.memory_space<hbm>>
        %dma_start3A_301 = tpu.memref_slice %arg3[%min3A] : memref<327680xi32, #tpu.memory_space<hbm>> -> memref<128xi32, #tpu.memory_space<hbm>>
        tpu.enqueue_dma source(%dma_start3A_301 : memref<128xi32, #tpu.memory_space<hbm>>) target(%arg11 : memref<128xi32, #tpu.memory_space<vmem>>) target_semaphore(%run_scoped3A : memref<!tpu.dma_semaphore, #tpu.memory_space<semaphore_mem>>)
        %dma_wait3A_302 = tpu.memref_slice %arg3[%min3A] : memref<327680xi32, #tpu.memory_space<hbm>> -> memref<128xi32, #tpu.memory_space<hbm>>
        %dma_wait3A_303 = tpu.memref_slice %arg3[%min3A] : memref<327680xi32, #tpu.memory_space<hbm>> -> memref<128xi32, #tpu.memory_space<hbm>>
        tpu.wait_dma2 semaphore(%run_scoped3A : memref<!tpu.dma_semaphore, #tpu.memory_space<semaphore_mem>>) src(%dma_wait3A_303 : memref<128xi32, #tpu.memory_space<hbm>>) dst(%arg11 : memref<128xi32, #tpu.memory_space<vmem>>)
        tpu.yield
      }) : () -> ()
      %dma_wait3A_294 = arith.constant 0 : i32
      %dma_wait3A_295 = arith.constant 0 : i32
      %dma_wait3A_296 = tpu.memref_slice %arg2[%dma_wait3A_294, %dma_wait3A_295] : memref<10000x128xf32, #tpu.memory_space<hbm>> -> memref<10000x128xf32, #tpu.memory_space<hbm>>
      tpu.wait_indirect_dma semaphore(%arg20 : memref<!tpu.dma_semaphore, #tpu.memory_space<semaphore_mem>>) src(%dma_wait3A_296 : memref<10000x128xf32, #tpu.memory_space<hbm>>) dst(%arg16 : memref<128x128xf32, #tpu.memory_space<vmem>>)
      %dma_start3A_297 = arith.constant 0 : i32
      %dma_start3A_298 = arith.constant 0 : i32
      %dma_start3A_299 = tpu.memref_slice %arg2[%dma_start3A_297, %dma_start3A_298] : memref<10000x128xf32, #tpu.memory_space<hbm>> -> memref<10000x128xf32, #tpu.memory_space<hbm>>
      tpu.enqueue_indirect_dma source(%dma_start3A_299 : memref<10000x128xf32, #tpu.memory_space<hbm>>) target(%arg15 : memref<128x128xf32, #tpu.memory_space<vmem>>) offsets(%arg11 : memref<128xi32, #tpu.memory_space<vmem>>) semaphore(%arg19 : memref<!tpu.dma_semaphore, #tpu.memory_space<semaphore_mem>>)
      "tpu.region"() ({
        %run_scoped3A = tpu.sem_alloc : memref<!tpu.dma_semaphore, #tpu.memory_space<semaphore_mem>>
        %dma_start3A_300 = arith.constant 0 : i32
        %dma_start3A_301 = arith.constant 0 : i32
        %dma_start3A_302 = tpu.memref_slice %arg9[%dma_start3A_300, %dma_start3A_301] : memref<10112x128xf32, #tpu.memory_space<vmem_shared>> -> memref<10112x128xf32, #tpu.memory_space<vmem_shared>>
        tpu.enqueue_indirect_dma source(%arg16 : memref<128x128xf32, #tpu.memory_space<vmem>>) target(%dma_start3A_302 : memref<10112x128xf32, #tpu.memory_space<vmem_shared>>) offsets(%arg14 : memref<128xi32, #tpu.memory_space<vmem>>) semaphore(%run_scoped3A : memref<!tpu.dma_semaphore, #tpu.memory_space<semaphore_mem>>) {add = true}
        %dma_wait3A_303 = arith.constant 0 : i32
        %dma_wait3A_304 = arith.constant 0 : i32
        %dma_wait3A_305 = tpu.memref_slice %arg9[%dma_wait3A_303, %dma_wait3A_304] : memref<10112x128xf32, #tpu.memory_space<vmem_shared>> -> memref<10112x128xf32, #tpu.memory_space<vmem_shared>>
        tpu.wait_indirect_dma semaphore(%run_scoped3A : memref<!tpu.dma_semaphore, #tpu.memory_space<semaphore_mem>>) src(%arg16 : memref<128x128xf32, #tpu.memory_space<vmem>>) dst(%dma_wait3A_305 : memref<10112x128xf32, #tpu.memory_space<vmem_shared>>)
        tpu.yield
      }) : () -> ()
      "tpu.region"() ({
        %run_scoped3A = tpu.sem_alloc : memref<!tpu.dma_semaphore, #tpu.memory_space<semaphore_mem>>
        %dma_start3A_300 = arith.constant 0 : i32
        %dma_start3A_301 = tpu.memref_slice %arg10[%dma_start3A_300] : memref<10112xf32, #tpu.memory_space<vmem_shared>> -> memref<10112xf32, #tpu.memory_space<vmem_shared>>
        tpu.enqueue_indirect_dma source(%arg17 : memref<128xf32, #tpu.memory_space<vmem>>) target(%dma_start3A_301 : memref<10112xf32, #tpu.memory_space<vmem_shared>>) offsets(%arg14 : memref<128xi32, #tpu.memory_space<vmem>>) semaphore(%run_scoped3A : memref<!tpu.dma_semaphore, #tpu.memory_space<semaphore_mem>>) {add = true}
        %dma_wait3A_302 = arith.constant 0 : i32
        %dma_wait3A_303 = tpu.memref_slice %arg10[%dma_wait3A_302] : memref<10112xf32, #tpu.memory_space<vmem_shared>> -> memref<10112xf32, #tpu.memory_space<vmem_shared>>
        tpu.wait_indirect_dma semaphore(%run_scoped3A : memref<!tpu.dma_semaphore, #tpu.memory_space<semaphore_mem>>) src(%arg17 : memref<128xf32, #tpu.memory_space<vmem>>) dst(%dma_wait3A_303 : memref<10112xf32, #tpu.memory_space<vmem_shared>>)
        tpu.yield
      }) : () -> ()
    }
    %scan3A_242 = arith.constant 40 : i32
    %dma_wait3A = arith.constant 0 : i32
    %dma_wait3A_243 = arith.constant 0 : i32
    %dma_wait3A_244 = tpu.memref_slice %arg2[%dma_wait3A, %dma_wait3A_243] : memref<10000x128xf32, #tpu.memory_space<hbm>> -> memref<10000x128xf32, #tpu.memory_space<hbm>>
    tpu.wait_indirect_dma semaphore(%arg19 : memref<!tpu.dma_semaphore, #tpu.memory_space<semaphore_mem>>) src(%dma_wait3A_244 : memref<10000x128xf32, #tpu.memory_space<hbm>>) dst(%arg15 : memref<128x128xf32, #tpu.memory_space<vmem>>)
    %barrier3A_245 = arith.constant 0 : index
    tpu.barrier barrier_id(%barrier3A_245)
    %lt3A = arith.constant 15 : i32
    %lt3A_246 = arith.cmpi slt, %arg1, %lt3A : i32
    %and3A = arith.andi %lt3A_246, %eq3A_0 : i1
    %convert_element_type3A = arith.extui %and3A : i1 to i32
    %cond3A = arith.constant 0 : i32
    %cond3A_247 = arith.cmpi ne, %convert_element_type3A, %cond3A : i32
    scf.if %cond3A_247 {
      "tpu.region"() ({
        %run_scoped3A = tpu.sem_alloc : memref<!tpu.dma_semaphore, #tpu.memory_space<semaphore_mem>>
        %dma_start3A_278 = arith.constant 0 : i32
        %dma_start3A_279 = tpu.memref_slice %arg5[%mul3A_11, %dma_start3A_278] : memref<10000x128xf32, #tpu.memory_space<hbm>> -> memref<632x128xf32, #tpu.memory_space<hbm>>
        %dma_start3A_280 = arith.constant 0 : i32
        %dma_start3A_281 = tpu.memref_slice %arg9[%mul3A_11, %dma_start3A_280] : memref<10112x128xf32, #tpu.memory_space<vmem_shared>> -> memref<632x128xf32, #tpu.memory_space<vmem_shared>>
        tpu.enqueue_dma source(%dma_start3A_281 : memref<632x128xf32, #tpu.memory_space<vmem_shared>>) target(%dma_start3A_279 : memref<632x128xf32, #tpu.memory_space<hbm>>) target_semaphore(%run_scoped3A : memref<!tpu.dma_semaphore, #tpu.memory_space<semaphore_mem>>)
        %dma_wait3A_282 = arith.constant 0 : i32
        %dma_wait3A_283 = tpu.memref_slice %arg5[%mul3A_11, %dma_wait3A_282] : memref<10000x128xf32, #tpu.memory_space<hbm>> -> memref<632x128xf32, #tpu.memory_space<hbm>>
        %dma_wait3A_284 = arith.constant 0 : i32
        %dma_wait3A_285 = tpu.memref_slice %arg9[%mul3A_11, %dma_wait3A_284] : memref<10112x128xf32, #tpu.memory_space<vmem_shared>> -> memref<632x128xf32, #tpu.memory_space<vmem_shared>>
        tpu.wait_dma2 semaphore(%run_scoped3A : memref<!tpu.dma_semaphore, #tpu.memory_space<semaphore_mem>>) src(%dma_wait3A_285 : memref<632x128xf32, #tpu.memory_space<vmem_shared>>) dst(%dma_wait3A_283 : memref<632x128xf32, #tpu.memory_space<hbm>>)
        tpu.yield
      }) : () -> ()
    } else {
    }
    %and3A_248 = arith.andi %lt3A_246, %eq3A_0 : i1
    %convert_element_type3A_249 = arith.extui %and3A_248 : i1 to i32
    %cond3A_250 = arith.constant 0 : i32
    %cond3A_251 = arith.cmpi ne, %convert_element_type3A_249, %cond3A_250 : i32
    scf.if %cond3A_251 {
      "tpu.region"() ({
        %run_scoped3A = tpu.sem_alloc : memref<!tpu.dma_semaphore, #tpu.memory_space<semaphore_mem>>
        %dma_start3A_278 = arith.constant 0 : i32
        %dma_start3A_279 = tpu.memref_slice %arg18[%dma_start3A_278] : memref<640xf32, #tpu.memory_space<vmem>> -> memref<632xf32, #tpu.memory_space<vmem>>
        %dma_start3A_280 = tpu.memref_slice %arg10[%mul3A_11] : memref<10112xf32, #tpu.memory_space<vmem_shared>> -> memref<632xf32, #tpu.memory_space<vmem_shared>>
        %dma_start3A_281 = arith.constant 0 : i32
        %dma_start3A_282 = tpu.memref_slice %arg18[%dma_start3A_281] : memref<640xf32, #tpu.memory_space<vmem>> -> memref<632xf32, #tpu.memory_space<vmem>>
        %dma_start3A_283 = tpu.memref_slice %arg10[%mul3A_11] : memref<10112xf32, #tpu.memory_space<vmem_shared>> -> memref<632xf32, #tpu.memory_space<vmem_shared>>
        tpu.enqueue_dma source(%dma_start3A_283 : memref<632xf32, #tpu.memory_space<vmem_shared>>) target(%dma_start3A_282 : memref<632xf32, #tpu.memory_space<vmem>>) target_semaphore(%run_scoped3A : memref<!tpu.dma_semaphore, #tpu.memory_space<semaphore_mem>>)
        %dma_wait3A_284 = arith.constant 0 : i32
        %dma_wait3A_285 = tpu.memref_slice %arg18[%dma_wait3A_284] : memref<640xf32, #tpu.memory_space<vmem>> -> memref<632xf32, #tpu.memory_space<vmem>>
        %dma_wait3A_286 = tpu.memref_slice %arg10[%mul3A_11] : memref<10112xf32, #tpu.memory_space<vmem_shared>> -> memref<632xf32, #tpu.memory_space<vmem_shared>>
        %dma_wait3A_287 = arith.constant 0 : i32
        %dma_wait3A_288 = tpu.memref_slice %arg18[%dma_wait3A_287] : memref<640xf32, #tpu.memory_space<vmem>> -> memref<632xf32, #tpu.memory_space<vmem>>
        %dma_wait3A_289 = tpu.memref_slice %arg10[%mul3A_11] : memref<10112xf32, #tpu.memory_space<vmem_shared>> -> memref<632xf32, #tpu.memory_space<vmem_shared>>
        tpu.wait_dma2 semaphore(%run_scoped3A : memref<!tpu.dma_semaphore, #tpu.memory_space<semaphore_mem>>) src(%dma_wait3A_289 : memref<632xf32, #tpu.memory_space<vmem_shared>>) dst(%dma_wait3A_288 : memref<632xf32, #tpu.memory_space<vmem>>)
        tpu.yield
      }) : () -> ()
      "tpu.region"() ({
        %run_scoped3A = tpu.sem_alloc : memref<!tpu.dma_semaphore, #tpu.memory_space<semaphore_mem>>
        %dma_start3A_278 = arith.constant 0 : i32
        %dma_start3A_279 = tpu.memref_slice %arg18[%dma_start3A_278] : memref<640xf32, #tpu.memory_space<vmem>> -> memref<632xf32, #tpu.memory_space<vmem>>
        %dma_start3A_280 = tpu.memref_slice %arg7[%mul3A_11] : memref<10000xf32, #tpu.memory_space<hbm>> -> memref<632xf32, #tpu.memory_space<hbm>>
        %dma_start3A_281 = tpu.memref_slice %arg7[%mul3A_11] : memref<10000xf32, #tpu.memory_space<hbm>> -> memref<632xf32, #tpu.memory_space<hbm>>
        %dma_start3A_282 = arith.constant 0 : i32
        %dma_start3A_283 = tpu.memref_slice %arg18[%dma_start3A_282] : memref<640xf32, #tpu.memory_space<vmem>> -> memref<632xf32, #tpu.memory_space<vmem>>
        tpu.enqueue_dma source(%dma_start3A_283 : memref<632xf32, #tpu.memory_space<vmem>>) target(%dma_start3A_281 : memref<632xf32, #tpu.memory_space<hbm>>) target_semaphore(%run_scoped3A : memref<!tpu.dma_semaphore, #tpu.memory_space<semaphore_mem>>)
        %dma_wait3A_284 = arith.constant 0 : i32
        %dma_wait3A_285 = tpu.memref_slice %arg18[%dma_wait3A_284] : memref<640xf32, #tpu.memory_space<vmem>> -> memref<632xf32, #tpu.memory_space<vmem>>
        %dma_wait3A_286 = tpu.memref_slice %arg7[%mul3A_11] : memref<10000xf32, #tpu.memory_space<hbm>> -> memref<632xf32, #tpu.memory_space<hbm>>
        %dma_wait3A_287 = tpu.memref_slice %arg7[%mul3A_11] : memref<10000xf32, #tpu.memory_space<hbm>> -> memref<632xf32, #tpu.memory_space<hbm>>
        %dma_wait3A_288 = arith.constant 0 : i32
        %dma_wait3A_289 = tpu.memref_slice %arg18[%dma_wait3A_288] : memref<640xf32, #tpu.memory_space<vmem>> -> memref<632xf32, #tpu.memory_space<vmem>>
        tpu.wait_dma2 semaphore(%run_scoped3A : memref<!tpu.dma_semaphore, #tpu.memory_space<semaphore_mem>>) src(%dma_wait3A_289 : memref<632xf32, #tpu.memory_space<vmem>>) dst(%dma_wait3A_287 : memref<632xf32, #tpu.memory_space<hbm>>)
        tpu.yield
      }) : () -> ()
    } else {
    }
    %and3A_252 = arith.andi %lt3A_246, %eq3A_2 : i1
    %convert_element_type3A_253 = arith.extui %and3A_252 : i1 to i32
    %cond3A_254 = arith.constant 0 : i32
    %cond3A_255 = arith.cmpi ne, %convert_element_type3A_253, %cond3A_254 : i32
    scf.if %cond3A_255 {
      "tpu.region"() ({
        %run_scoped3A = tpu.sem_alloc : memref<!tpu.dma_semaphore, #tpu.memory_space<semaphore_mem>>
        %dma_start3A_278 = arith.constant 0 : i32
        %dma_start3A_279 = tpu.memref_slice %arg6[%mul3A_11, %dma_start3A_278] : memref<10000x128xf32, #tpu.memory_space<hbm>> -> memref<632x128xf32, #tpu.memory_space<hbm>>
        %dma_start3A_280 = arith.constant 0 : i32
        %dma_start3A_281 = tpu.memref_slice %arg9[%mul3A_11, %dma_start3A_280] : memref<10112x128xf32, #tpu.memory_space<vmem_shared>> -> memref<632x128xf32, #tpu.memory_space<vmem_shared>>
        tpu.enqueue_dma source(%dma_start3A_281 : memref<632x128xf32, #tpu.memory_space<vmem_shared>>) target(%dma_start3A_279 : memref<632x128xf32, #tpu.memory_space<hbm>>) target_semaphore(%run_scoped3A : memref<!tpu.dma_semaphore, #tpu.memory_space<semaphore_mem>>)
        %dma_wait3A_282 = arith.constant 0 : i32
        %dma_wait3A_283 = tpu.memref_slice %arg6[%mul3A_11, %dma_wait3A_282] : memref<10000x128xf32, #tpu.memory_space<hbm>> -> memref<632x128xf32, #tpu.memory_space<hbm>>
        %dma_wait3A_284 = arith.constant 0 : i32
        %dma_wait3A_285 = tpu.memref_slice %arg9[%mul3A_11, %dma_wait3A_284] : memref<10112x128xf32, #tpu.memory_space<vmem_shared>> -> memref<632x128xf32, #tpu.memory_space<vmem_shared>>
        tpu.wait_dma2 semaphore(%run_scoped3A : memref<!tpu.dma_semaphore, #tpu.memory_space<semaphore_mem>>) src(%dma_wait3A_285 : memref<632x128xf32, #tpu.memory_space<vmem_shared>>) dst(%dma_wait3A_283 : memref<632x128xf32, #tpu.memory_space<hbm>>)
        tpu.yield
      }) : () -> ()
    } else {
    }
    %and3A_256 = arith.andi %lt3A_246, %eq3A_2 : i1
    %convert_element_type3A_257 = arith.extui %and3A_256 : i1 to i32
    %cond3A_258 = arith.constant 0 : i32
    %cond3A_259 = arith.cmpi ne, %convert_element_type3A_257, %cond3A_258 : i32
    scf.if %cond3A_259 {
      "tpu.region"() ({
        %run_scoped3A = tpu.sem_alloc : memref<!tpu.dma_semaphore, #tpu.memory_space<semaphore_mem>>
        %dma_start3A_278 = arith.constant 0 : i32
        %dma_start3A_279 = tpu.memref_slice %arg18[%dma_start3A_278] : memref<640xf32, #tpu.memory_space<vmem>> -> memref<632xf32, #tpu.memory_space<vmem>>
        %dma_start3A_280 = tpu.memref_slice %arg10[%mul3A_11] : memref<10112xf32, #tpu.memory_space<vmem_shared>> -> memref<632xf32, #tpu.memory_space<vmem_shared>>
        %dma_start3A_281 = arith.constant 0 : i32
        %dma_start3A_282 = tpu.memref_slice %arg18[%dma_start3A_281] : memref<640xf32, #tpu.memory_space<vmem>> -> memref<632xf32, #tpu.memory_space<vmem>>
        %dma_start3A_283 = tpu.memref_slice %arg10[%mul3A_11] : memref<10112xf32, #tpu.memory_space<vmem_shared>> -> memref<632xf32, #tpu.memory_space<vmem_shared>>
        tpu.enqueue_dma source(%dma_start3A_283 : memref<632xf32, #tpu.memory_space<vmem_shared>>) target(%dma_start3A_282 : memref<632xf32, #tpu.memory_space<vmem>>) target_semaphore(%run_scoped3A : memref<!tpu.dma_semaphore, #tpu.memory_space<semaphore_mem>>)
        %dma_wait3A_284 = arith.constant 0 : i32
        %dma_wait3A_285 = tpu.memref_slice %arg18[%dma_wait3A_284] : memref<640xf32, #tpu.memory_space<vmem>> -> memref<632xf32, #tpu.memory_space<vmem>>
        %dma_wait3A_286 = tpu.memref_slice %arg10[%mul3A_11] : memref<10112xf32, #tpu.memory_space<vmem_shared>> -> memref<632xf32, #tpu.memory_space<vmem_shared>>
        %dma_wait3A_287 = arith.constant 0 : i32
        %dma_wait3A_288 = tpu.memref_slice %arg18[%dma_wait3A_287] : memref<640xf32, #tpu.memory_space<vmem>> -> memref<632xf32, #tpu.memory_space<vmem>>
        %dma_wait3A_289 = tpu.memref_slice %arg10[%mul3A_11] : memref<10112xf32, #tpu.memory_space<vmem_shared>> -> memref<632xf32, #tpu.memory_space<vmem_shared>>
        tpu.wait_dma2 semaphore(%run_scoped3A : memref<!tpu.dma_semaphore, #tpu.memory_space<semaphore_mem>>) src(%dma_wait3A_289 : memref<632xf32, #tpu.memory_space<vmem_shared>>) dst(%dma_wait3A_288 : memref<632xf32, #tpu.memory_space<vmem>>)
        tpu.yield
      }) : () -> ()
      "tpu.region"() ({
        %run_scoped3A = tpu.sem_alloc : memref<!tpu.dma_semaphore, #tpu.memory_space<semaphore_mem>>
        %dma_start3A_278 = arith.constant 0 : i32
        %dma_start3A_279 = tpu.memref_slice %arg18[%dma_start3A_278] : memref<640xf32, #tpu.memory_space<vmem>> -> memref<632xf32, #tpu.memory_space<vmem>>
        %dma_start3A_280 = tpu.memref_slice %arg8[%mul3A_11] : memref<10000xf32, #tpu.memory_space<hbm>> -> memref<632xf32, #tpu.memory_space<hbm>>
        %dma_start3A_281 = tpu.memref_slice %arg8[%mul3A_11] : memref<10000xf32, #tpu.memory_space<hbm>> -> memref<632xf32, #tpu.memory_space<hbm>>
        %dma_start3A_282 = arith.constant 0 : i32
        %dma_start3A_283 = tpu.memref_slice %arg18[%dma_start3A_282] : memref<640xf32, #tpu.memory_space<vmem>> -> memref<632xf32, #tpu.memory_space<vmem>>
        tpu.enqueue_dma source(%dma_start3A_283 : memref<632xf32, #tpu.memory_space<vmem>>) target(%dma_start3A_281 : memref<632xf32, #tpu.memory_space<hbm>>) target_semaphore(%run_scoped3A : memref<!tpu.dma_semaphore, #tpu.memory_space<semaphore_mem>>)
        %dma_wait3A_284 = arith.constant 0 : i32
        %dma_wait3A_285 = tpu.memref_slice %arg18[%dma_wait3A_284] : memref<640xf32, #tpu.memory_space<vmem>> -> memref<632xf32, #tpu.memory_space<vmem>>
        %dma_wait3A_286 = tpu.memref_slice %arg8[%mul3A_11] : memref<10000xf32, #tpu.memory_space<hbm>> -> memref<632xf32, #tpu.memory_space<hbm>>
        %dma_wait3A_287 = tpu.memref_slice %arg8[%mul3A_11] : memref<10000xf32, #tpu.memory_space<hbm>> -> memref<632xf32, #tpu.memory_space<hbm>>
        %dma_wait3A_288 = arith.constant 0 : i32
        %dma_wait3A_289 = tpu.memref_slice %arg18[%dma_wait3A_288] : memref<640xf32, #tpu.memory_space<vmem>> -> memref<632xf32, #tpu.memory_space<vmem>>
        tpu.wait_dma2 semaphore(%run_scoped3A : memref<!tpu.dma_semaphore, #tpu.memory_space<semaphore_mem>>) src(%dma_wait3A_289 : memref<632xf32, #tpu.memory_space<vmem>>) dst(%dma_wait3A_287 : memref<632xf32, #tpu.memory_space<hbm>>)
        tpu.yield
      }) : () -> ()
    } else {
    }
    %eq3A_260 = arith.constant 15 : i32
    %eq3A_261 = arith.cmpi eq, %arg1, %eq3A_260 : i32
    %and3A_262 = arith.andi %eq3A_261, %eq3A_0 : i1
    %convert_element_type3A_263 = arith.extui %and3A_262 : i1 to i32
    %cond3A_264 = arith.constant 0 : i32
    %cond3A_265 = arith.cmpi ne, %convert_element_type3A_263, %cond3A_264 : i32
    scf.if %cond3A_265 {
      "tpu.region"() ({
        %run_scoped3A = tpu.sem_alloc : memref<!tpu.dma_semaphore, #tpu.memory_space<semaphore_mem>>
        %dma_start3A_278 = arith.constant 9480 : i32
        %dma_start3A_279 = arith.constant 0 : i32
        %dma_start3A_280 = tpu.memref_slice %arg5[%dma_start3A_278, %dma_start3A_279] : memref<10000x128xf32, #tpu.memory_space<hbm>> -> memref<520x128xf32, #tpu.memory_space<hbm>>
        %dma_start3A_281 = arith.constant 9480 : i32
        %dma_start3A_282 = arith.constant 0 : i32
        %dma_start3A_283 = tpu.memref_slice %arg9[%dma_start3A_281, %dma_start3A_282] : memref<10112x128xf32, #tpu.memory_space<vmem_shared>> -> memref<520x128xf32, #tpu.memory_space<vmem_shared>>
        tpu.enqueue_dma source(%dma_start3A_283 : memref<520x128xf32, #tpu.memory_space<vmem_shared>>) target(%dma_start3A_280 : memref<520x128xf32, #tpu.memory_space<hbm>>) target_semaphore(%run_scoped3A : memref<!tpu.dma_semaphore, #tpu.memory_space<semaphore_mem>>)
        %dma_wait3A_284 = arith.constant 9480 : i32
        %dma_wait3A_285 = arith.constant 0 : i32
        %dma_wait3A_286 = tpu.memref_slice %arg5[%dma_wait3A_284, %dma_wait3A_285] : memref<10000x128xf32, #tpu.memory_space<hbm>> -> memref<520x128xf32, #tpu.memory_space<hbm>>
        %dma_wait3A_287 = arith.constant 9480 : i32
        %dma_wait3A_288 = arith.constant 0 : i32
        %dma_wait3A_289 = tpu.memref_slice %arg9[%dma_wait3A_287, %dma_wait3A_288] : memref<10112x128xf32, #tpu.memory_space<vmem_shared>> -> memref<520x128xf32, #tpu.memory_space<vmem_shared>>
        tpu.wait_dma2 semaphore(%run_scoped3A : memref<!tpu.dma_semaphore, #tpu.memory_space<semaphore_mem>>) src(%dma_wait3A_289 : memref<520x128xf32, #tpu.memory_space<vmem_shared>>) dst(%dma_wait3A_286 : memref<520x128xf32, #tpu.memory_space<hbm>>)
        tpu.yield
      }) : () -> ()
    } else {
    }
    %and3A_266 = arith.andi %eq3A_261, %eq3A_0 : i1
    %convert_element_type3A_267 = arith.extui %and3A_266 : i1 to i32
    %cond3A_268 = arith.constant 0 : i32
    %cond3A_269 = arith.cmpi ne, %convert_element_type3A_267, %cond3A_268 : i32
    scf.if %cond3A_269 {
      "tpu.region"() ({
        %run_scoped3A = tpu.sem_alloc : memref<!tpu.dma_semaphore, #tpu.memory_space<semaphore_mem>>
        %dma_start3A_278 = arith.constant 0 : i32
        %dma_start3A_279 = tpu.memref_slice %arg18[%dma_start3A_278] : memref<640xf32, #tpu.memory_space<vmem>> -> memref<520xf32, #tpu.memory_space<vmem>>
        %dma_start3A_280 = arith.constant 9480 : i32
        %dma_start3A_281 = tpu.memref_slice %arg10[%dma_start3A_280] : memref<10112xf32, #tpu.memory_space<vmem_shared>> -> memref<520xf32, #tpu.memory_space<vmem_shared>>
        %dma_start3A_282 = arith.constant 0 : i32
        %dma_start3A_283 = tpu.memref_slice %arg18[%dma_start3A_282] : memref<640xf32, #tpu.memory_space<vmem>> -> memref<520xf32, #tpu.memory_space<vmem>>
        %dma_start3A_284 = arith.constant 9480 : i32
        %dma_start3A_285 = tpu.memref_slice %arg10[%dma_start3A_284] : memref<10112xf32, #tpu.memory_space<vmem_shared>> -> memref<520xf32, #tpu.memory_space<vmem_shared>>
        tpu.enqueue_dma source(%dma_start3A_285 : memref<520xf32, #tpu.memory_space<vmem_shared>>) target(%dma_start3A_283 : memref<520xf32, #tpu.memory_space<vmem>>) target_semaphore(%run_scoped3A : memref<!tpu.dma_semaphore, #tpu.memory_space<semaphore_mem>>)
        %dma_wait3A_286 = arith.constant 0 : i32
        %dma_wait3A_287 = tpu.memref_slice %arg18[%dma_wait3A_286] : memref<640xf32, #tpu.memory_space<vmem>> -> memref<520xf32, #tpu.memory_space<vmem>>
        %dma_wait3A_288 = arith.constant 9480 : i32
        %dma_wait3A_289 = tpu.memref_slice %arg10[%dma_wait3A_288] : memref<10112xf32, #tpu.memory_space<vmem_shared>> -> memref<520xf32, #tpu.memory_space<vmem_shared>>
        %dma_wait3A_290 = arith.constant 0 : i32
        %dma_wait3A_291 = tpu.memref_slice %arg18[%dma_wait3A_290] : memref<640xf32, #tpu.memory_space<vmem>> -> memref<520xf32, #tpu.memory_space<vmem>>
        %dma_wait3A_292 = arith.constant 9480 : i32
        %dma_wait3A_293 = tpu.memref_slice %arg10[%dma_wait3A_292] : memref<10112xf32, #tpu.memory_space<vmem_shared>> -> memref<520xf32, #tpu.memory_space<vmem_shared>>
        tpu.wait_dma2 semaphore(%run_scoped3A : memref<!tpu.dma_semaphore, #tpu.memory_space<semaphore_mem>>) src(%dma_wait3A_293 : memref<520xf32, #tpu.memory_space<vmem_shared>>) dst(%dma_wait3A_291 : memref<520xf32, #tpu.memory_space<vmem>>)
        tpu.yield
      }) : () -> ()
      "tpu.region"() ({
        %run_scoped3A = tpu.sem_alloc : memref<!tpu.dma_semaphore, #tpu.memory_space<semaphore_mem>>
        %dma_start3A_278 = arith.constant 0 : i32
        %dma_start3A_279 = tpu.memref_slice %arg18[%dma_start3A_278] : memref<640xf32, #tpu.memory_space<vmem>> -> memref<520xf32, #tpu.memory_space<vmem>>
        %dma_start3A_280 = arith.constant 9480 : i32
        %dma_start3A_281 = tpu.memref_slice %arg7[%dma_start3A_280] : memref<10000xf32, #tpu.memory_space<hbm>> -> memref<520xf32, #tpu.memory_space<hbm>>
        %dma_start3A_282 = arith.constant 9480 : i32
        %dma_start3A_283 = tpu.memref_slice %arg7[%dma_start3A_282] : memref<10000xf32, #tpu.memory_space<hbm>> -> memref<520xf32, #tpu.memory_space<hbm>>
        %dma_start3A_284 = arith.constant 0 : i32
        %dma_start3A_285 = tpu.memref_slice %arg18[%dma_start3A_284] : memref<640xf32, #tpu.memory_space<vmem>> -> memref<520xf32, #tpu.memory_space<vmem>>
        tpu.enqueue_dma source(%dma_start3A_285 : memref<520xf32, #tpu.memory_space<vmem>>) target(%dma_start3A_283 : memref<520xf32, #tpu.memory_space<hbm>>) target_semaphore(%run_scoped3A : memref<!tpu.dma_semaphore, #tpu.memory_space<semaphore_mem>>)
        %dma_wait3A_286 = arith.constant 0 : i32
        %dma_wait3A_287 = tpu.memref_slice %arg18[%dma_wait3A_286] : memref<640xf32, #tpu.memory_space<vmem>> -> memref<520xf32, #tpu.memory_space<vmem>>
        %dma_wait3A_288 = arith.constant 9480 : i32
        %dma_wait3A_289 = tpu.memref_slice %arg7[%dma_wait3A_288] : memref<10000xf32, #tpu.memory_space<hbm>> -> memref<520xf32, #tpu.memory_space<hbm>>
        %dma_wait3A_290 = arith.constant 9480 : i32
        %dma_wait3A_291 = tpu.memref_slice %arg7[%dma_wait3A_290] : memref<10000xf32, #tpu.memory_space<hbm>> -> memref<520xf32, #tpu.memory_space<hbm>>
        %dma_wait3A_292 = arith.constant 0 : i32
        %dma_wait3A_293 = tpu.memref_slice %arg18[%dma_wait3A_292] : memref<640xf32, #tpu.memory_space<vmem>> -> memref<520xf32, #tpu.memory_space<vmem>>
        tpu.wait_dma2 semaphore(%run_scoped3A : memref<!tpu.dma_semaphore, #tpu.memory_space<semaphore_mem>>) src(%dma_wait3A_293 : memref<520xf32, #tpu.memory_space<vmem>>) dst(%dma_wait3A_291 : memref<520xf32, #tpu.memory_space<hbm>>)
        tpu.yield
      }) : () -> ()
    } else {
    }
    %and3A_270 = arith.andi %eq3A_261, %eq3A_2 : i1
    %convert_element_type3A_271 = arith.extui %and3A_270 : i1 to i32
    %cond3A_272 = arith.constant 0 : i32
    %cond3A_273 = arith.cmpi ne, %convert_element_type3A_271, %cond3A_272 : i32
    scf.if %cond3A_273 {
      "tpu.region"() ({
        %run_scoped3A = tpu.sem_alloc : memref<!tpu.dma_semaphore, #tpu.memory_space<semaphore_mem>>
        %dma_start3A_278 = arith.constant 9480 : i32
        %dma_start3A_279 = arith.constant 0 : i32
        %dma_start3A_280 = tpu.memref_slice %arg6[%dma_start3A_278, %dma_start3A_279] : memref<10000x128xf32, #tpu.memory_space<hbm>> -> memref<520x128xf32, #tpu.memory_space<hbm>>
        %dma_start3A_281 = arith.constant 9480 : i32
        %dma_start3A_282 = arith.constant 0 : i32
        %dma_start3A_283 = tpu.memref_slice %arg9[%dma_start3A_281, %dma_start3A_282] : memref<10112x128xf32, #tpu.memory_space<vmem_shared>> -> memref<520x128xf32, #tpu.memory_space<vmem_shared>>
        tpu.enqueue_dma source(%dma_start3A_283 : memref<520x128xf32, #tpu.memory_space<vmem_shared>>) target(%dma_start3A_280 : memref<520x128xf32, #tpu.memory_space<hbm>>) target_semaphore(%run_scoped3A : memref<!tpu.dma_semaphore, #tpu.memory_space<semaphore_mem>>)
        %dma_wait3A_284 = arith.constant 9480 : i32
        %dma_wait3A_285 = arith.constant 0 : i32
        %dma_wait3A_286 = tpu.memref_slice %arg6[%dma_wait3A_284, %dma_wait3A_285] : memref<10000x128xf32, #tpu.memory_space<hbm>> -> memref<520x128xf32, #tpu.memory_space<hbm>>
        %dma_wait3A_287 = arith.constant 9480 : i32
        %dma_wait3A_288 = arith.constant 0 : i32
        %dma_wait3A_289 = tpu.memref_slice %arg9[%dma_wait3A_287, %dma_wait3A_288] : memref<10112x128xf32, #tpu.memory_space<vmem_shared>> -> memref<520x128xf32, #tpu.memory_space<vmem_shared>>
        tpu.wait_dma2 semaphore(%run_scoped3A : memref<!tpu.dma_semaphore, #tpu.memory_space<semaphore_mem>>) src(%dma_wait3A_289 : memref<520x128xf32, #tpu.memory_space<vmem_shared>>) dst(%dma_wait3A_286 : memref<520x128xf32, #tpu.memory_space<hbm>>)
        tpu.yield
      }) : () -> ()
    } else {
    }
    %and3A_274 = arith.andi %eq3A_261, %eq3A_2 : i1
    %convert_element_type3A_275 = arith.extui %and3A_274 : i1 to i32
    %cond3A_276 = arith.constant 0 : i32
    %cond3A_277 = arith.cmpi ne, %convert_element_type3A_275, %cond3A_276 : i32
    scf.if %cond3A_277 {
      "tpu.region"() ({
        %run_scoped3A = tpu.sem_alloc : memref<!tpu.dma_semaphore, #tpu.memory_space<semaphore_mem>>
        %dma_start3A_278 = arith.constant 0 : i32
        %dma_start3A_279 = tpu.memref_slice %arg18[%dma_start3A_278] : memref<640xf32, #tpu.memory_space<vmem>> -> memref<520xf32, #tpu.memory_space<vmem>>
        %dma_start3A_280 = arith.constant 9480 : i32
        %dma_start3A_281 = tpu.memref_slice %arg10[%dma_start3A_280] : memref<10112xf32, #tpu.memory_space<vmem_shared>> -> memref<520xf32, #tpu.memory_space<vmem_shared>>
        %dma_start3A_282 = arith.constant 0 : i32
        %dma_start3A_283 = tpu.memref_slice %arg18[%dma_start3A_282] : memref<640xf32, #tpu.memory_space<vmem>> -> memref<520xf32, #tpu.memory_space<vmem>>
        %dma_start3A_284 = arith.constant 9480 : i32
        %dma_start3A_285 = tpu.memref_slice %arg10[%dma_start3A_284] : memref<10112xf32, #tpu.memory_space<vmem_shared>> -> memref<520xf32, #tpu.memory_space<vmem_shared>>
        tpu.enqueue_dma source(%dma_start3A_285 : memref<520xf32, #tpu.memory_space<vmem_shared>>) target(%dma_start3A_283 : memref<520xf32, #tpu.memory_space<vmem>>) target_semaphore(%run_scoped3A : memref<!tpu.dma_semaphore, #tpu.memory_space<semaphore_mem>>)
        %dma_wait3A_286 = arith.constant 0 : i32
        %dma_wait3A_287 = tpu.memref_slice %arg18[%dma_wait3A_286] : memref<640xf32, #tpu.memory_space<vmem>> -> memref<520xf32, #tpu.memory_space<vmem>>
        %dma_wait3A_288 = arith.constant 9480 : i32
        %dma_wait3A_289 = tpu.memref_slice %arg10[%dma_wait3A_288] : memref<10112xf32, #tpu.memory_space<vmem_shared>> -> memref<520xf32, #tpu.memory_space<vmem_shared>>
        %dma_wait3A_290 = arith.constant 0 : i32
        %dma_wait3A_291 = tpu.memref_slice %arg18[%dma_wait3A_290] : memref<640xf32, #tpu.memory_space<vmem>> -> memref<520xf32, #tpu.memory_space<vmem>>
        %dma_wait3A_292 = arith.constant 9480 : i32
        %dma_wait3A_293 = tpu.memref_slice %arg10[%dma_wait3A_292] : memref<10112xf32, #tpu.memory_space<vmem_shared>> -> memref<520xf32, #tpu.memory_space<vmem_shared>>
        tpu.wait_dma2 semaphore(%run_scoped3A : memref<!tpu.dma_semaphore, #tpu.memory_space<semaphore_mem>>) src(%dma_wait3A_293 : memref<520xf32, #tpu.memory_space<vmem_shared>>) dst(%dma_wait3A_291 : memref<520xf32, #tpu.memory_space<vmem>>)
        tpu.yield
      }) : () -> ()
      "tpu.region"() ({
        %run_scoped3A = tpu.sem_alloc : memref<!tpu.dma_semaphore, #tpu.memory_space<semaphore_mem>>
        %dma_start3A_278 = arith.constant 0 : i32
        %dma_start3A_279 = tpu.memref_slice %arg18[%dma_start3A_278] : memref<640xf32, #tpu.memory_space<vmem>> -> memref<520xf32, #tpu.memory_space<vmem>>
        %dma_start3A_280 = arith.constant 9480 : i32
        %dma_start3A_281 = tpu.memref_slice %arg8[%dma_start3A_280] : memref<10000xf32, #tpu.memory_space<hbm>> -> memref<520xf32, #tpu.memory_space<hbm>>
        %dma_start3A_282 = arith.constant 9480 : i32
        %dma_start3A_283 = tpu.memref_slice %arg8[%dma_start3A_282] : memref<10000xf32, #tpu.memory_space<hbm>> -> memref<520xf32, #tpu.memory_space<hbm>>
        %dma_start3A_284 = arith.constant 0 : i32
        %dma_start3A_285 = tpu.memref_slice %arg18[%dma_start3A_284] : memref<640xf32, #tpu.memory_space<vmem>> -> memref<520xf32, #tpu.memory_space<vmem>>
        tpu.enqueue_dma source(%dma_start3A_285 : memref<520xf32, #tpu.memory_space<vmem>>) target(%dma_start3A_283 : memref<520xf32, #tpu.memory_space<hbm>>) target_semaphore(%run_scoped3A : memref<!tpu.dma_semaphore, #tpu.memory_space<semaphore_mem>>)
        %dma_wait3A_286 = arith.constant 0 : i32
        %dma_wait3A_287 = tpu.memref_slice %arg18[%dma_wait3A_286] : memref<640xf32, #tpu.memory_space<vmem>> -> memref<520xf32, #tpu.memory_space<vmem>>
        %dma_wait3A_288 = arith.constant 9480 : i32
        %dma_wait3A_289 = tpu.memref_slice %arg8[%dma_wait3A_288] : memref<10000xf32, #tpu.memory_space<hbm>> -> memref<520xf32, #tpu.memory_space<hbm>>
        %dma_wait3A_290 = arith.constant 9480 : i32
        %dma_wait3A_291 = tpu.memref_slice %arg8[%dma_wait3A_290] : memref<10000xf32, #tpu.memory_space<hbm>> -> memref<520xf32, #tpu.memory_space<hbm>>
        %dma_wait3A_292 = arith.constant 0 : i32
        %dma_wait3A_293 = tpu.memref_slice %arg18[%dma_wait3A_292] : memref<640xf32, #tpu.memory_space<vmem>> -> memref<520xf32, #tpu.memory_space<vmem>>
        tpu.wait_dma2 semaphore(%run_scoped3A : memref<!tpu.dma_semaphore, #tpu.memory_space<semaphore_mem>>) src(%dma_wait3A_293 : memref<520xf32, #tpu.memory_space<vmem>>) dst(%dma_wait3A_291 : memref<520xf32, #tpu.memory_space<hbm>>)
        tpu.yield
      }) : () -> ()
    } else {
    }
    return
  }
}

#map = affine_map<(d0, d1) -> (0, 0)>
#map1 = affine_map<(d0, d1) -> (0)>
module attributes {stable_mosaic.version = 14 : i64} {
  func.func @body(%arg0: i32, %arg1: i32, %arg2: memref<10000x128xf32, #tpu.memory_space<hbm>>, %arg3: memref<10000x128xf32, #tpu.memory_space<hbm>>, %arg4: memref<327680xi32, #tpu.memory_space<hbm>>, %arg5: memref<327680xi32, #tpu.memory_space<hbm>>, %arg6: memref<10000x128xf32, #tpu.memory_space<hbm>>, %arg7: memref<10000x128xf32, #tpu.memory_space<hbm>>, %arg8: memref<10112x128xf32, #tpu.memory_space<vmem_shared>>, %arg9: memref<128xi32, #tpu.memory_space<vmem>>, %arg10: memref<128xi32, #tpu.memory_space<vmem>>, %arg11: memref<128xi32, #tpu.memory_space<vmem>>, %arg12: memref<128xi32, #tpu.memory_space<vmem>>, %arg13: memref<128x128xf32, #tpu.memory_space<vmem>>, %arg14: memref<128x128xf32, #tpu.memory_space<vmem>>, %arg15: memref<!tpu.dma_semaphore, #tpu.memory_space<semaphore_mem>>, %arg16: memref<!tpu.dma_semaphore, #tpu.memory_space<semaphore_mem>>) attributes {dimension_semantics = [#tpu.dimension_semantics<core_parallel>, #tpu.dimension_semantics<subcore_parallel>], iteration_bounds = array<i64: 2, 16>, scalar_prefetch = 0 : i64, scratch_operands = 9 : i64, tpu.core_type = #tpu.core_type<sc_vector_subcore>, window_params = [{transform_indices = #map}, {transform_indices = #map}, {transform_indices = #map1}, {transform_indices = #map1}, {transform_indices = #map}, {transform_indices = #map}]} {
    %eq3A = arith.constant 0 : i32
    %eq3A_0 = arith.cmpi eq, %arg0, %eq3A : i32
    %eq3A_1 = arith.constant 1 : i32
    %eq3A_2 = arith.cmpi eq, %arg0, %eq3A_1 : i32
    %broadcast_in_dim3A = arith.constant 0.000000e+00 : f32
    %broadcast_in_dim3A_3 = vector.broadcast %broadcast_in_dim3A : f32 to vector<16xf32>
    %scan3A = arith.constant 0 : i32
    %scan3A_4 = arith.constant 0 : i32
    %scan3A_5 = arith.constant 128 : i32
    %scan3A_6 = arith.addi %scan3A_4, %scan3A_5 : i32
    %scan3A_7 = arith.constant 1 : i32
    scf.for %scan3A_44 = %scan3A_4 to %scan3A_6 step %scan3A_7  : i32 {
      %swap3A = arith.index_cast %scan3A_44 : i32 to index
      %swap3A_45 = arith.constant 0 : index
      %swap3A_46 = tpu.vector_load %arg13[%swap3A, %swap3A_45] {strides = array<i32>} : memref<128x128xf32, #tpu.memory_space<vmem>>, vector<1x16xf32>,
      %swap3A_47 = vector.shape_cast %swap3A_46 : vector<1x16xf32> to vector<16xf32>
      %swap3A_48 = vector.shape_cast %broadcast_in_dim3A_3 : vector<16xf32> to vector<1x16xf32>
      tpu.vector_store %arg13[%swap3A, %swap3A_45], %swap3A_48 {strides = array<i32>} : memref<128x128xf32, #tpu.memory_space<vmem>>, vector<1x16xf32>,
      %swap3A_49 = arith.index_cast %scan3A_44 : i32 to index
      %swap3A_50 = arith.constant 16 : index
      %swap3A_51 = tpu.vector_load %arg13[%swap3A_49, %swap3A_50] {strides = array<i32>} : memref<128x128xf32, #tpu.memory_space<vmem>>, vector<1x16xf32>,
      %swap3A_52 = vector.shape_cast %swap3A_51 : vector<1x16xf32> to vector<16xf32>
      %swap3A_53 = vector.shape_cast %broadcast_in_dim3A_3 : vector<16xf32> to vector<1x16xf32>
      tpu.vector_store %arg13[%swap3A_49, %swap3A_50], %swap3A_53 {strides = array<i32>} : memref<128x128xf32, #tpu.memory_space<vmem>>, vector<1x16xf32>,
      %swap3A_54 = arith.index_cast %scan3A_44 : i32 to index
      %swap3A_55 = arith.constant 32 : index
      %swap3A_56 = tpu.vector_load %arg13[%swap3A_54, %swap3A_55] {strides = array<i32>} : memref<128x128xf32, #tpu.memory_space<vmem>>, vector<1x16xf32>,
      %swap3A_57 = vector.shape_cast %swap3A_56 : vector<1x16xf32> to vector<16xf32>
      %swap3A_58 = vector.shape_cast %broadcast_in_dim3A_3 : vector<16xf32> to vector<1x16xf32>
      tpu.vector_store %arg13[%swap3A_54, %swap3A_55], %swap3A_58 {strides = array<i32>} : memref<128x128xf32, #tpu.memory_space<vmem>>, vector<1x16xf32>,
      %swap3A_59 = arith.index_cast %scan3A_44 : i32 to index
      %swap3A_60 = arith.constant 48 : index
      %swap3A_61 = tpu.vector_load %arg13[%swap3A_59, %swap3A_60] {strides = array<i32>} : memref<128x128xf32, #tpu.memory_space<vmem>>, vector<1x16xf32>,
      %swap3A_62 = vector.shape_cast %swap3A_61 : vector<1x16xf32> to vector<16xf32>
      %swap3A_63 = vector.shape_cast %broadcast_in_dim3A_3 : vector<16xf32> to vector<1x16xf32>
      tpu.vector_store %arg13[%swap3A_59, %swap3A_60], %swap3A_63 {strides = array<i32>} : memref<128x128xf32, #tpu.memory_space<vmem>>, vector<1x16xf32>,
      %swap3A_64 = arith.index_cast %scan3A_44 : i32 to index
      %swap3A_65 = arith.constant 64 : index
      %swap3A_66 = tpu.vector_load %arg13[%swap3A_64, %swap3A_65] {strides = array<i32>} : memref<128x128xf32, #tpu.memory_space<vmem>>, vector<1x16xf32>,
      %swap3A_67 = vector.shape_cast %swap3A_66 : vector<1x16xf32> to vector<16xf32>
      %swap3A_68 = vector.shape_cast %broadcast_in_dim3A_3 : vector<16xf32> to vector<1x16xf32>
      tpu.vector_store %arg13[%swap3A_64, %swap3A_65], %swap3A_68 {strides = array<i32>} : memref<128x128xf32, #tpu.memory_space<vmem>>, vector<1x16xf32>,
      %swap3A_69 = arith.index_cast %scan3A_44 : i32 to index
      %swap3A_70 = arith.constant 80 : index
      %swap3A_71 = tpu.vector_load %arg13[%swap3A_69, %swap3A_70] {strides = array<i32>} : memref<128x128xf32, #tpu.memory_space<vmem>>, vector<1x16xf32>,
      %swap3A_72 = vector.shape_cast %swap3A_71 : vector<1x16xf32> to vector<16xf32>
      %swap3A_73 = vector.shape_cast %broadcast_in_dim3A_3 : vector<16xf32> to vector<1x16xf32>
      tpu.vector_store %arg13[%swap3A_69, %swap3A_70], %swap3A_73 {strides = array<i32>} : memref<128x128xf32, #tpu.memory_space<vmem>>, vector<1x16xf32>,
      %swap3A_74 = arith.index_cast %scan3A_44 : i32 to index
      %swap3A_75 = arith.constant 96 : index
      %swap3A_76 = tpu.vector_load %arg13[%swap3A_74, %swap3A_75] {strides = array<i32>} : memref<128x128xf32, #tpu.memory_space<vmem>>, vector<1x16xf32>,
      %swap3A_77 = vector.shape_cast %swap3A_76 : vector<1x16xf32> to vector<16xf32>
      %swap3A_78 = vector.shape_cast %broadcast_in_dim3A_3 : vector<16xf32> to vector<1x16xf32>
      tpu.vector_store %arg13[%swap3A_74, %swap3A_75], %swap3A_78 {strides = array<i32>} : memref<128x128xf32, #tpu.memory_space<vmem>>, vector<1x16xf32>,
      %swap3A_79 = arith.index_cast %scan3A_44 : i32 to index
      %swap3A_80 = arith.constant 112 : index
      %swap3A_81 = tpu.vector_load %arg13[%swap3A_79, %swap3A_80] {strides = array<i32>} : memref<128x128xf32, #tpu.memory_space<vmem>>, vector<1x16xf32>,
      %swap3A_82 = vector.shape_cast %swap3A_81 : vector<1x16xf32> to vector<16xf32>
      %swap3A_83 = vector.shape_cast %broadcast_in_dim3A_3 : vector<16xf32> to vector<1x16xf32>
      tpu.vector_store %arg13[%swap3A_79, %swap3A_80], %swap3A_83 {strides = array<i32>} : memref<128x128xf32, #tpu.memory_space<vmem>>, vector<1x16xf32>,
    }
    %scan3A_8 = arith.constant 128 : i32
    %mul3A = arith.constant 632 : i32
    %mul3A_9 = arith.muli %arg1, %mul3A : i32
    %add3A = arith.constant 0 : i32
    %add3A_10 = arith.addi %mul3A_9, %add3A : i32
    "tpu.region"() ({
      %run_scoped3A = tpu.sem_alloc : memref<!tpu.dma_semaphore, #tpu.memory_space<semaphore_mem>>
      %dma_start3A = arith.constant 0 : i32
      %dma_start3A_44 = tpu.memref_slice %arg8[%add3A_10, %dma_start3A] : memref<10112x128xf32, #tpu.memory_space<vmem_shared>> -> memref<128x128xf32, #tpu.memory_space<vmem_shared>>
      %dma_start3A_45 = arith.constant 0 : i32
      %dma_start3A_46 = tpu.memref_slice %arg8[%add3A_10, %dma_start3A_45] : memref<10112x128xf32, #tpu.memory_space<vmem_shared>> -> memref<128x128xf32, #tpu.memory_space<vmem_shared>>
      tpu.enqueue_dma source(%arg13 : memref<128x128xf32, #tpu.memory_space<vmem>>) target(%dma_start3A_46 : memref<128x128xf32, #tpu.memory_space<vmem_shared>>) target_semaphore(%run_scoped3A : memref<!tpu.dma_semaphore, #tpu.memory_space<semaphore_mem>>)
      %dma_wait3A = arith.constant 0 : i32
      %dma_wait3A_47 = tpu.memref_slice %arg8[%add3A_10, %dma_wait3A] : memref<10112x128xf32, #tpu.memory_space<vmem_shared>> -> memref<128x128xf32, #tpu.memory_space<vmem_shared>>
      %dma_wait3A_48 = arith.constant 0 : i32
      %dma_wait3A_49 = tpu.memref_slice %arg8[%add3A_10, %dma_wait3A_48] : memref<10112x128xf32, #tpu.memory_space<vmem_shared>> -> memref<128x128xf32, #tpu.memory_space<vmem_shared>>
      tpu.wait_dma2 semaphore(%run_scoped3A : memref<!tpu.dma_semaphore, #tpu.memory_space<semaphore_mem>>) src(%arg13 : memref<128x128xf32, #tpu.memory_space<vmem>>) dst(%dma_wait3A_49 : memref<128x128xf32, #tpu.memory_space<vmem_shared>>)
      tpu.yield
    }) : () -> ()
    %add3A_11 = arith.constant 128 : i32
    %add3A_12 = arith.addi %mul3A_9, %add3A_11 : i32
    "tpu.region"() ({
      %run_scoped3A = tpu.sem_alloc : memref<!tpu.dma_semaphore, #tpu.memory_space<semaphore_mem>>
      %dma_start3A = arith.constant 0 : i32
      %dma_start3A_44 = tpu.memref_slice %arg8[%add3A_12, %dma_start3A] : memref<10112x128xf32, #tpu.memory_space<vmem_shared>> -> memref<128x128xf32, #tpu.memory_space<vmem_shared>>
      %dma_start3A_45 = arith.constant 0 : i32
      %dma_start3A_46 = tpu.memref_slice %arg8[%add3A_12, %dma_start3A_45] : memref<10112x128xf32, #tpu.memory_space<vmem_shared>> -> memref<128x128xf32, #tpu.memory_space<vmem_shared>>
      tpu.enqueue_dma source(%arg13 : memref<128x128xf32, #tpu.memory_space<vmem>>) target(%dma_start3A_46 : memref<128x128xf32, #tpu.memory_space<vmem_shared>>) target_semaphore(%run_scoped3A : memref<!tpu.dma_semaphore, #tpu.memory_space<semaphore_mem>>)
      %dma_wait3A = arith.constant 0 : i32
      %dma_wait3A_47 = tpu.memref_slice %arg8[%add3A_12, %dma_wait3A] : memref<10112x128xf32, #tpu.memory_space<vmem_shared>> -> memref<128x128xf32, #tpu.memory_space<vmem_shared>>
      %dma_wait3A_48 = arith.constant 0 : i32
      %dma_wait3A_49 = tpu.memref_slice %arg8[%add3A_12, %dma_wait3A_48] : memref<10112x128xf32, #tpu.memory_space<vmem_shared>> -> memref<128x128xf32, #tpu.memory_space<vmem_shared>>
      tpu.wait_dma2 semaphore(%run_scoped3A : memref<!tpu.dma_semaphore, #tpu.memory_space<semaphore_mem>>) src(%arg13 : memref<128x128xf32, #tpu.memory_space<vmem>>) dst(%dma_wait3A_49 : memref<128x128xf32, #tpu.memory_space<vmem_shared>>)
      tpu.yield
    }) : () -> ()
    %add3A_13 = arith.constant 256 : i32
    %add3A_14 = arith.addi %mul3A_9, %add3A_13 : i32
    "tpu.region"() ({
      %run_scoped3A = tpu.sem_alloc : memref<!tpu.dma_semaphore, #tpu.memory_space<semaphore_mem>>
      %dma_start3A = arith.constant 0 : i32
      %dma_start3A_44 = tpu.memref_slice %arg8[%add3A_14, %dma_start3A] : memref<10112x128xf32, #tpu.memory_space<vmem_shared>> -> memref<128x128xf32, #tpu.memory_space<vmem_shared>>
      %dma_start3A_45 = arith.constant 0 : i32
      %dma_start3A_46 = tpu.memref_slice %arg8[%add3A_14, %dma_start3A_45] : memref<10112x128xf32, #tpu.memory_space<vmem_shared>> -> memref<128x128xf32, #tpu.memory_space<vmem_shared>>
      tpu.enqueue_dma source(%arg13 : memref<128x128xf32, #tpu.memory_space<vmem>>) target(%dma_start3A_46 : memref<128x128xf32, #tpu.memory_space<vmem_shared>>) target_semaphore(%run_scoped3A : memref<!tpu.dma_semaphore, #tpu.memory_space<semaphore_mem>>)
      %dma_wait3A = arith.constant 0 : i32
      %dma_wait3A_47 = tpu.memref_slice %arg8[%add3A_14, %dma_wait3A] : memref<10112x128xf32, #tpu.memory_space<vmem_shared>> -> memref<128x128xf32, #tpu.memory_space<vmem_shared>>
      %dma_wait3A_48 = arith.constant 0 : i32
      %dma_wait3A_49 = tpu.memref_slice %arg8[%add3A_14, %dma_wait3A_48] : memref<10112x128xf32, #tpu.memory_space<vmem_shared>> -> memref<128x128xf32, #tpu.memory_space<vmem_shared>>
      tpu.wait_dma2 semaphore(%run_scoped3A : memref<!tpu.dma_semaphore, #tpu.memory_space<semaphore_mem>>) src(%arg13 : memref<128x128xf32, #tpu.memory_space<vmem>>) dst(%dma_wait3A_49 : memref<128x128xf32, #tpu.memory_space<vmem_shared>>)
      tpu.yield
    }) : () -> ()
    %add3A_15 = arith.constant 384 : i32
    %add3A_16 = arith.addi %mul3A_9, %add3A_15 : i32
    "tpu.region"() ({
      %run_scoped3A = tpu.sem_alloc : memref<!tpu.dma_semaphore, #tpu.memory_space<semaphore_mem>>
      %dma_start3A = arith.constant 0 : i32
      %dma_start3A_44 = tpu.memref_slice %arg8[%add3A_16, %dma_start3A] : memref<10112x128xf32, #tpu.memory_space<vmem_shared>> -> memref<128x128xf32, #tpu.memory_space<vmem_shared>>
      %dma_start3A_45 = arith.constant 0 : i32
      %dma_start3A_46 = tpu.memref_slice %arg8[%add3A_16, %dma_start3A_45] : memref<10112x128xf32, #tpu.memory_space<vmem_shared>> -> memref<128x128xf32, #tpu.memory_space<vmem_shared>>
      tpu.enqueue_dma source(%arg13 : memref<128x128xf32, #tpu.memory_space<vmem>>) target(%dma_start3A_46 : memref<128x128xf32, #tpu.memory_space<vmem_shared>>) target_semaphore(%run_scoped3A : memref<!tpu.dma_semaphore, #tpu.memory_space<semaphore_mem>>)
      %dma_wait3A = arith.constant 0 : i32
      %dma_wait3A_47 = tpu.memref_slice %arg8[%add3A_16, %dma_wait3A] : memref<10112x128xf32, #tpu.memory_space<vmem_shared>> -> memref<128x128xf32, #tpu.memory_space<vmem_shared>>
      %dma_wait3A_48 = arith.constant 0 : i32
      %dma_wait3A_49 = tpu.memref_slice %arg8[%add3A_16, %dma_wait3A_48] : memref<10112x128xf32, #tpu.memory_space<vmem_shared>> -> memref<128x128xf32, #tpu.memory_space<vmem_shared>>
      tpu.wait_dma2 semaphore(%run_scoped3A : memref<!tpu.dma_semaphore, #tpu.memory_space<semaphore_mem>>) src(%arg13 : memref<128x128xf32, #tpu.memory_space<vmem>>) dst(%dma_wait3A_49 : memref<128x128xf32, #tpu.memory_space<vmem_shared>>)
      tpu.yield
    }) : () -> ()
    %add3A_17 = arith.constant 512 : i32
    %add3A_18 = arith.addi %mul3A_9, %add3A_17 : i32
    "tpu.region"() ({
      %run_scoped3A = tpu.sem_alloc : memref<!tpu.dma_semaphore, #tpu.memory_space<semaphore_mem>>
      %dma_start3A = arith.constant 0 : i32
      %dma_start3A_44 = arith.constant 0 : i32
      %dma_start3A_45 = tpu.memref_slice %arg13[%dma_start3A, %dma_start3A_44] : memref<128x128xf32, #tpu.memory_space<vmem>> -> memref<120x128xf32, #tpu.memory_space<vmem>>
      %dma_start3A_46 = arith.constant 0 : i32
      %dma_start3A_47 = tpu.memref_slice %arg8[%add3A_18, %dma_start3A_46] : memref<10112x128xf32, #tpu.memory_space<vmem_shared>> -> memref<120x128xf32, #tpu.memory_space<vmem_shared>>
      %dma_start3A_48 = arith.constant 0 : i32
      %dma_start3A_49 = tpu.memref_slice %arg8[%add3A_18, %dma_start3A_48] : memref<10112x128xf32, #tpu.memory_space<vmem_shared>> -> memref<120x128xf32, #tpu.memory_space<vmem_shared>>
      %dma_start3A_50 = arith.constant 0 : i32
      %dma_start3A_51 = arith.constant 0 : i32
      %dma_start3A_52 = tpu.memref_slice %arg13[%dma_start3A_50, %dma_start3A_51] : memref<128x128xf32, #tpu.memory_space<vmem>> -> memref<120x128xf32, #tpu.memory_space<vmem>>
      tpu.enqueue_dma source(%dma_start3A_52 : memref<120x128xf32, #tpu.memory_space<vmem>>) target(%dma_start3A_49 : memref<120x128xf32, #tpu.memory_space<vmem_shared>>) target_semaphore(%run_scoped3A : memref<!tpu.dma_semaphore, #tpu.memory_space<semaphore_mem>>)
      %dma_wait3A = arith.constant 0 : i32
      %dma_wait3A_53 = arith.constant 0 : i32
      %dma_wait3A_54 = tpu.memref_slice %arg13[%dma_wait3A, %dma_wait3A_53] : memref<128x128xf32, #tpu.memory_space<vmem>> -> memref<120x128xf32, #tpu.memory_space<vmem>>
      %dma_wait3A_55 = arith.constant 0 : i32
      %dma_wait3A_56 = tpu.memref_slice %arg8[%add3A_18, %dma_wait3A_55] : memref<10112x128xf32, #tpu.memory_space<vmem_shared>> -> memref<120x128xf32, #tpu.memory_space<vmem_shared>>
      %dma_wait3A_57 = arith.constant 0 : i32
      %dma_wait3A_58 = tpu.memref_slice %arg8[%add3A_18, %dma_wait3A_57] : memref<10112x128xf32, #tpu.memory_space<vmem_shared>> -> memref<120x128xf32, #tpu.memory_space<vmem_shared>>
      %dma_wait3A_59 = arith.constant 0 : i32
      %dma_wait3A_60 = arith.constant 0 : i32
      %dma_wait3A_61 = tpu.memref_slice %arg13[%dma_wait3A_59, %dma_wait3A_60] : memref<128x128xf32, #tpu.memory_space<vmem>> -> memref<120x128xf32, #tpu.memory_space<vmem>>
      tpu.wait_dma2 semaphore(%run_scoped3A : memref<!tpu.dma_semaphore, #tpu.memory_space<semaphore_mem>>) src(%dma_wait3A_61 : memref<120x128xf32, #tpu.memory_space<vmem>>) dst(%dma_wait3A_58 : memref<120x128xf32, #tpu.memory_space<vmem_shared>>)
      tpu.yield
    }) : () -> ()
    %barrier3A = arith.constant 0 : index
    tpu.barrier barrier_id(%barrier3A)
    %mul3A_19 = arith.constant 20480 : i32
    %mul3A_20 = arith.muli %arg1, %mul3A_19 : i32
    %convert_element_type3A = arith.extui %eq3A_0 : i1 to i32
    %cond3A = arith.constant 0 : i32
    %cond3A_21 = arith.cmpi ne, %convert_element_type3A, %cond3A : i32
    scf.if %cond3A_21 {
      %add3A_44 = arith.constant 20352 : i32
      %add3A_45 = arith.addi %mul3A_20, %add3A_44 : i32
      "tpu.region"() ({
        %run_scoped3A = tpu.sem_alloc : memref<!tpu.dma_semaphore, #tpu.memory_space<semaphore_mem>>
        %dma_start3A_56 = tpu.memref_slice %arg4[%mul3A_20] : memref<327680xi32, #tpu.memory_space<hbm>> -> memref<128xi32, #tpu.memory_space<hbm>>
        %dma_start3A_57 = tpu.memref_slice %arg4[%mul3A_20] : memref<327680xi32, #tpu.memory_space<hbm>> -> memref<128xi32, #tpu.memory_space<hbm>>
        tpu.enqueue_dma source(%dma_start3A_57 : memref<128xi32, #tpu.memory_space<hbm>>) target(%arg9 : memref<128xi32, #tpu.memory_space<vmem>>) target_semaphore(%run_scoped3A : memref<!tpu.dma_semaphore, #tpu.memory_space<semaphore_mem>>)
        %dma_wait3A_58 = tpu.memref_slice %arg4[%mul3A_20] : memref<327680xi32, #tpu.memory_space<hbm>> -> memref<128xi32, #tpu.memory_space<hbm>>
        %dma_wait3A_59 = tpu.memref_slice %arg4[%mul3A_20] : memref<327680xi32, #tpu.memory_space<hbm>> -> memref<128xi32, #tpu.memory_space<hbm>>
        tpu.wait_dma2 semaphore(%run_scoped3A : memref<!tpu.dma_semaphore, #tpu.memory_space<semaphore_mem>>) src(%dma_wait3A_59 : memref<128xi32, #tpu.memory_space<hbm>>) dst(%arg9 : memref<128xi32, #tpu.memory_space<vmem>>)
        tpu.yield
      }) : () -> ()
      %dma_start3A = arith.constant 0 : i32
      %dma_start3A_46 = arith.constant 0 : i32
      %dma_start3A_47 = tpu.memref_slice %arg2[%dma_start3A, %dma_start3A_46] : memref<10000x128xf32, #tpu.memory_space<hbm>> -> memref<10000x128xf32, #tpu.memory_space<hbm>>
      tpu.enqueue_indirect_dma source(%dma_start3A_47 : memref<10000x128xf32, #tpu.memory_space<hbm>>) target(%arg13 : memref<128x128xf32, #tpu.memory_space<vmem>>) offsets(%arg9 : memref<128xi32, #tpu.memory_space<vmem>>) semaphore(%arg15 : memref<!tpu.dma_semaphore, #tpu.memory_space<semaphore_mem>>)
      %scan3A_48 = arith.constant 0 : i32
      %scan3A_49 = arith.constant 0 : i32
      %scan3A_50 = arith.constant 80 : i32
      %scan3A_51 = arith.addi %scan3A_49, %scan3A_50 : i32
      %scan3A_52 = arith.constant 1 : i32
      scf.for %scan3A_56 = %scan3A_49 to %scan3A_51 step %scan3A_52  : i32 {
        %mul3A_57 = arith.constant 2 : i32
        %mul3A_58 = arith.muli %mul3A_57, %scan3A_56 : i32
        %mul3A_59 = arith.constant 128 : i32
        %mul3A_60 = arith.muli %mul3A_58, %mul3A_59 : i32
        %add3A_61 = arith.addi %mul3A_20, %mul3A_60 : i32
        %add3A_62 = arith.constant 128 : i32
        %add3A_63 = arith.addi %add3A_61, %add3A_62 : i32
        %add3A_64 = arith.constant 128 : i32
        %add3A_65 = arith.addi %add3A_63, %add3A_64 : i32
        %min3A = arith.minsi %add3A_65, %add3A_45 : i32
        "tpu.region"() ({
          %run_scoped3A = tpu.sem_alloc : memref<!tpu.dma_semaphore, #tpu.memory_space<semaphore_mem>>
          %dma_start3A_78 = tpu.memref_slice %arg5[%add3A_61] : memref<327680xi32, #tpu.memory_space<hbm>> -> memref<128xi32, #tpu.memory_space<hbm>>
          %dma_start3A_79 = tpu.memref_slice %arg5[%add3A_61] : memref<327680xi32, #tpu.memory_space<hbm>> -> memref<128xi32, #tpu.memory_space<hbm>>
          tpu.enqueue_dma source(%dma_start3A_79 : memref<128xi32, #tpu.memory_space<hbm>>) target(%arg10 : memref<128xi32, #tpu.memory_space<vmem>>) target_semaphore(%run_scoped3A : memref<!tpu.dma_semaphore, #tpu.memory_space<semaphore_mem>>)
          %dma_wait3A_80 = tpu.memref_slice %arg5[%add3A_61] : memref<327680xi32, #tpu.memory_space<hbm>> -> memref<128xi32, #tpu.memory_space<hbm>>
          %dma_wait3A_81 = tpu.memref_slice %arg5[%add3A_61] : memref<327680xi32, #tpu.memory_space<hbm>> -> memref<128xi32, #tpu.memory_space<hbm>>
          tpu.wait_dma2 semaphore(%run_scoped3A : memref<!tpu.dma_semaphore, #tpu.memory_space<semaphore_mem>>) src(%dma_wait3A_81 : memref<128xi32, #tpu.memory_space<hbm>>) dst(%arg10 : memref<128xi32, #tpu.memory_space<vmem>>)
          tpu.yield
        }) : () -> ()
        "tpu.region"() ({
          %run_scoped3A = tpu.sem_alloc : memref<!tpu.dma_semaphore, #tpu.memory_space<semaphore_mem>>
          %dma_start3A_78 = tpu.memref_slice %arg4[%add3A_63] : memref<327680xi32, #tpu.memory_space<hbm>> -> memref<128xi32, #tpu.memory_space<hbm>>
          %dma_start3A_79 = tpu.memref_slice %arg4[%add3A_63] : memref<327680xi32, #tpu.memory_space<hbm>> -> memref<128xi32, #tpu.memory_space<hbm>>
          tpu.enqueue_dma source(%dma_start3A_79 : memref<128xi32, #tpu.memory_space<hbm>>) target(%arg11 : memref<128xi32, #tpu.memory_space<vmem>>) target_semaphore(%run_scoped3A : memref<!tpu.dma_semaphore, #tpu.memory_space<semaphore_mem>>)
          %dma_wait3A_80 = tpu.memref_slice %arg4[%add3A_63] : memref<327680xi32, #tpu.memory_space<hbm>> -> memref<128xi32, #tpu.memory_space<hbm>>
          %dma_wait3A_81 = tpu.memref_slice %arg4[%add3A_63] : memref<327680xi32, #tpu.memory_space<hbm>> -> memref<128xi32, #tpu.memory_space<hbm>>
          tpu.wait_dma2 semaphore(%run_scoped3A : memref<!tpu.dma_semaphore, #tpu.memory_space<semaphore_mem>>) src(%dma_wait3A_81 : memref<128xi32, #tpu.memory_space<hbm>>) dst(%arg11 : memref<128xi32, #tpu.memory_space<vmem>>)
          tpu.yield
        }) : () -> ()
        %dma_wait3A_66 = arith.constant 0 : i32
        %dma_wait3A_67 = arith.constant 0 : i32
        %dma_wait3A_68 = tpu.memref_slice %arg2[%dma_wait3A_66, %dma_wait3A_67] : memref<10000x128xf32, #tpu.memory_space<hbm>> -> memref<10000x128xf32, #tpu.memory_space<hbm>>
        tpu.wait_indirect_dma semaphore(%arg15 : memref<!tpu.dma_semaphore, #tpu.memory_space<semaphore_mem>>) src(%dma_wait3A_68 : memref<10000x128xf32, #tpu.memory_space<hbm>>) dst(%arg13 : memref<128x128xf32, #tpu.memory_space<vmem>>)
        %dma_start3A_69 = arith.constant 0 : i32
        %dma_start3A_70 = arith.constant 0 : i32
        %dma_start3A_71 = tpu.memref_slice %arg2[%dma_start3A_69, %dma_start3A_70] : memref<10000x128xf32, #tpu.memory_space<hbm>> -> memref<10000x128xf32, #tpu.memory_space<hbm>>
        tpu.enqueue_indirect_dma source(%dma_start3A_71 : memref<10000x128xf32, #tpu.memory_space<hbm>>) target(%arg14 : memref<128x128xf32, #tpu.memory_space<vmem>>) offsets(%arg11 : memref<128xi32, #tpu.memory_space<vmem>>) semaphore(%arg16 : memref<!tpu.dma_semaphore, #tpu.memory_space<semaphore_mem>>)
        "tpu.region"() ({
          %run_scoped3A = tpu.sem_alloc : memref<!tpu.dma_semaphore, #tpu.memory_space<semaphore_mem>>
          %dma_start3A_78 = arith.constant 0 : i32
          %dma_start3A_79 = arith.constant 0 : i32
          %dma_start3A_80 = tpu.memref_slice %arg8[%dma_start3A_78, %dma_start3A_79] : memref<10112x128xf32, #tpu.memory_space<vmem_shared>> -> memref<10112x128xf32, #tpu.memory_space<vmem_shared>>
          tpu.enqueue_indirect_dma source(%arg13 : memref<128x128xf32, #tpu.memory_space<vmem>>) target(%dma_start3A_80 : memref<10112x128xf32, #tpu.memory_space<vmem_shared>>) offsets(%arg10 : memref<128xi32, #tpu.memory_space<vmem>>) semaphore(%run_scoped3A : memref<!tpu.dma_semaphore, #tpu.memory_space<semaphore_mem>>) {add = true}
          %dma_wait3A_81 = arith.constant 0 : i32
          %dma_wait3A_82 = arith.constant 0 : i32
          %dma_wait3A_83 = tpu.memref_slice %arg8[%dma_wait3A_81, %dma_wait3A_82] : memref<10112x128xf32, #tpu.memory_space<vmem_shared>> -> memref<10112x128xf32, #tpu.memory_space<vmem_shared>>
          tpu.wait_indirect_dma semaphore(%run_scoped3A : memref<!tpu.dma_semaphore, #tpu.memory_space<semaphore_mem>>) src(%arg13 : memref<128x128xf32, #tpu.memory_space<vmem>>) dst(%dma_wait3A_83 : memref<10112x128xf32, #tpu.memory_space<vmem_shared>>)
          tpu.yield
        }) : () -> ()
        "tpu.region"() ({
          %run_scoped3A = tpu.sem_alloc : memref<!tpu.dma_semaphore, #tpu.memory_space<semaphore_mem>>
          %dma_start3A_78 = tpu.memref_slice %arg5[%add3A_63] : memref<327680xi32, #tpu.memory_space<hbm>> -> memref<128xi32, #tpu.memory_space<hbm>>
          %dma_start3A_79 = tpu.memref_slice %arg5[%add3A_63] : memref<327680xi32, #tpu.memory_space<hbm>> -> memref<128xi32, #tpu.memory_space<hbm>>
          tpu.enqueue_dma source(%dma_start3A_79 : memref<128xi32, #tpu.memory_space<hbm>>) target(%arg12 : memref<128xi32, #tpu.memory_space<vmem>>) target_semaphore(%run_scoped3A : memref<!tpu.dma_semaphore, #tpu.memory_space<semaphore_mem>>)
          %dma_wait3A_80 = tpu.memref_slice %arg5[%add3A_63] : memref<327680xi32, #tpu.memory_space<hbm>> -> memref<128xi32, #tpu.memory_space<hbm>>
          %dma_wait3A_81 = tpu.memref_slice %arg5[%add3A_63] : memref<327680xi32, #tpu.memory_space<hbm>> -> memref<128xi32, #tpu.memory_space<hbm>>
          tpu.wait_dma2 semaphore(%run_scoped3A : memref<!tpu.dma_semaphore, #tpu.memory_space<semaphore_mem>>) src(%dma_wait3A_81 : memref<128xi32, #tpu.memory_space<hbm>>) dst(%arg12 : memref<128xi32, #tpu.memory_space<vmem>>)
          tpu.yield
        }) : () -> ()
        "tpu.region"() ({
          %run_scoped3A = tpu.sem_alloc : memref<!tpu.dma_semaphore, #tpu.memory_space<semaphore_mem>>
          %dma_start3A_78 = tpu.memref_slice %arg4[%min3A] : memref<327680xi32, #tpu.memory_space<hbm>> -> memref<128xi32, #tpu.memory_space<hbm>>
          %dma_start3A_79 = tpu.memref_slice %arg4[%min3A] : memref<327680xi32, #tpu.memory_space<hbm>> -> memref<128xi32, #tpu.memory_space<hbm>>
          tpu.enqueue_dma source(%dma_start3A_79 : memref<128xi32, #tpu.memory_space<hbm>>) target(%arg9 : memref<128xi32, #tpu.memory_space<vmem>>) target_semaphore(%run_scoped3A : memref<!tpu.dma_semaphore, #tpu.memory_space<semaphore_mem>>)
          %dma_wait3A_80 = tpu.memref_slice %arg4[%min3A] : memref<327680xi32, #tpu.memory_space<hbm>> -> memref<128xi32, #tpu.memory_space<hbm>>
          %dma_wait3A_81 = tpu.memref_slice %arg4[%min3A] : memref<327680xi32, #tpu.memory_space<hbm>> -> memref<128xi32, #tpu.memory_space<hbm>>
          tpu.wait_dma2 semaphore(%run_scoped3A : memref<!tpu.dma_semaphore, #tpu.memory_space<semaphore_mem>>) src(%dma_wait3A_81 : memref<128xi32, #tpu.memory_space<hbm>>) dst(%arg9 : memref<128xi32, #tpu.memory_space<vmem>>)
          tpu.yield
        }) : () -> ()
        %dma_wait3A_72 = arith.constant 0 : i32
        %dma_wait3A_73 = arith.constant 0 : i32
        %dma_wait3A_74 = tpu.memref_slice %arg2[%dma_wait3A_72, %dma_wait3A_73] : memref<10000x128xf32, #tpu.memory_space<hbm>> -> memref<10000x128xf32, #tpu.memory_space<hbm>>
        tpu.wait_indirect_dma semaphore(%arg16 : memref<!tpu.dma_semaphore, #tpu.memory_space<semaphore_mem>>) src(%dma_wait3A_74 : memref<10000x128xf32, #tpu.memory_space<hbm>>) dst(%arg14 : memref<128x128xf32, #tpu.memory_space<vmem>>)
        %dma_start3A_75 = arith.constant 0 : i32
        %dma_start3A_76 = arith.constant 0 : i32
        %dma_start3A_77 = tpu.memref_slice %arg2[%dma_start3A_75, %dma_start3A_76] : memref<10000x128xf32, #tpu.memory_space<hbm>> -> memref<10000x128xf32, #tpu.memory_space<hbm>>
        tpu.enqueue_indirect_dma source(%dma_start3A_77 : memref<10000x128xf32, #tpu.memory_space<hbm>>) target(%arg13 : memref<128x128xf32, #tpu.memory_space<vmem>>) offsets(%arg9 : memref<128xi32, #tpu.memory_space<vmem>>) semaphore(%arg15 : memref<!tpu.dma_semaphore, #tpu.memory_space<semaphore_mem>>)
        "tpu.region"() ({
          %run_scoped3A = tpu.sem_alloc : memref<!tpu.dma_semaphore, #tpu.memory_space<semaphore_mem>>
          %dma_start3A_78 = arith.constant 0 : i32
          %dma_start3A_79 = arith.constant 0 : i32
          %dma_start3A_80 = tpu.memref_slice %arg8[%dma_start3A_78, %dma_start3A_79] : memref<10112x128xf32, #tpu.memory_space<vmem_shared>> -> memref<10112x128xf32, #tpu.memory_space<vmem_shared>>
          tpu.enqueue_indirect_dma source(%arg14 : memref<128x128xf32, #tpu.memory_space<vmem>>) target(%dma_start3A_80 : memref<10112x128xf32, #tpu.memory_space<vmem_shared>>) offsets(%arg12 : memref<128xi32, #tpu.memory_space<vmem>>) semaphore(%run_scoped3A : memref<!tpu.dma_semaphore, #tpu.memory_space<semaphore_mem>>) {add = true}
          %dma_wait3A_81 = arith.constant 0 : i32
          %dma_wait3A_82 = arith.constant 0 : i32
          %dma_wait3A_83 = tpu.memref_slice %arg8[%dma_wait3A_81, %dma_wait3A_82] : memref<10112x128xf32, #tpu.memory_space<vmem_shared>> -> memref<10112x128xf32, #tpu.memory_space<vmem_shared>>
          tpu.wait_indirect_dma semaphore(%run_scoped3A : memref<!tpu.dma_semaphore, #tpu.memory_space<semaphore_mem>>) src(%arg14 : memref<128x128xf32, #tpu.memory_space<vmem>>) dst(%dma_wait3A_83 : memref<10112x128xf32, #tpu.memory_space<vmem_shared>>)
          tpu.yield
        }) : () -> ()
      }
      %scan3A_53 = arith.constant 80 : i32
      %dma_wait3A = arith.constant 0 : i32
      %dma_wait3A_54 = arith.constant 0 : i32
      %dma_wait3A_55 = tpu.memref_slice %arg2[%dma_wait3A, %dma_wait3A_54] : memref<10000x128xf32, #tpu.memory_space<hbm>> -> memref<10000x128xf32, #tpu.memory_space<hbm>>
      tpu.wait_indirect_dma semaphore(%arg15 : memref<!tpu.dma_semaphore, #tpu.memory_space<semaphore_mem>>) src(%dma_wait3A_55 : memref<10000x128xf32, #tpu.memory_space<hbm>>) dst(%arg13 : memref<128x128xf32, #tpu.memory_space<vmem>>)
    } else {
    }
    %convert_element_type3A_22 = arith.extui %eq3A_2 : i1 to i32
    %cond3A_23 = arith.constant 0 : i32
    %cond3A_24 = arith.cmpi ne, %convert_element_type3A_22, %cond3A_23 : i32
    scf.if %cond3A_24 {
      %add3A_44 = arith.constant 20352 : i32
      %add3A_45 = arith.addi %mul3A_20, %add3A_44 : i32
      "tpu.region"() ({
        %run_scoped3A = tpu.sem_alloc : memref<!tpu.dma_semaphore, #tpu.memory_space<semaphore_mem>>
        %dma_start3A_56 = tpu.memref_slice %arg4[%mul3A_20] : memref<327680xi32, #tpu.memory_space<hbm>> -> memref<128xi32, #tpu.memory_space<hbm>>
        %dma_start3A_57 = tpu.memref_slice %arg4[%mul3A_20] : memref<327680xi32, #tpu.memory_space<hbm>> -> memref<128xi32, #tpu.memory_space<hbm>>
        tpu.enqueue_dma source(%dma_start3A_57 : memref<128xi32, #tpu.memory_space<hbm>>) target(%arg9 : memref<128xi32, #tpu.memory_space<vmem>>) target_semaphore(%run_scoped3A : memref<!tpu.dma_semaphore, #tpu.memory_space<semaphore_mem>>)
        %dma_wait3A_58 = tpu.memref_slice %arg4[%mul3A_20] : memref<327680xi32, #tpu.memory_space<hbm>> -> memref<128xi32, #tpu.memory_space<hbm>>
        %dma_wait3A_59 = tpu.memref_slice %arg4[%mul3A_20] : memref<327680xi32, #tpu.memory_space<hbm>> -> memref<128xi32, #tpu.memory_space<hbm>>
        tpu.wait_dma2 semaphore(%run_scoped3A : memref<!tpu.dma_semaphore, #tpu.memory_space<semaphore_mem>>) src(%dma_wait3A_59 : memref<128xi32, #tpu.memory_space<hbm>>) dst(%arg9 : memref<128xi32, #tpu.memory_space<vmem>>)
        tpu.yield
      }) : () -> ()
      %dma_start3A = arith.constant 0 : i32
      %dma_start3A_46 = arith.constant 0 : i32
      %dma_start3A_47 = tpu.memref_slice %arg3[%dma_start3A, %dma_start3A_46] : memref<10000x128xf32, #tpu.memory_space<hbm>> -> memref<10000x128xf32, #tpu.memory_space<hbm>>
      tpu.enqueue_indirect_dma source(%dma_start3A_47 : memref<10000x128xf32, #tpu.memory_space<hbm>>) target(%arg13 : memref<128x128xf32, #tpu.memory_space<vmem>>) offsets(%arg9 : memref<128xi32, #tpu.memory_space<vmem>>) semaphore(%arg15 : memref<!tpu.dma_semaphore, #tpu.memory_space<semaphore_mem>>)
      %scan3A_48 = arith.constant 0 : i32
      %scan3A_49 = arith.constant 0 : i32
      %scan3A_50 = arith.constant 80 : i32
      %scan3A_51 = arith.addi %scan3A_49, %scan3A_50 : i32
      %scan3A_52 = arith.constant 1 : i32
      scf.for %scan3A_56 = %scan3A_49 to %scan3A_51 step %scan3A_52  : i32 {
        %mul3A_57 = arith.constant 2 : i32
        %mul3A_58 = arith.muli %mul3A_57, %scan3A_56 : i32
        %mul3A_59 = arith.constant 128 : i32
        %mul3A_60 = arith.muli %mul3A_58, %mul3A_59 : i32
        %add3A_61 = arith.addi %mul3A_20, %mul3A_60 : i32
        %add3A_62 = arith.constant 128 : i32
        %add3A_63 = arith.addi %add3A_61, %add3A_62 : i32
        %add3A_64 = arith.constant 128 : i32
        %add3A_65 = arith.addi %add3A_63, %add3A_64 : i32
        %min3A = arith.minsi %add3A_65, %add3A_45 : i32
        "tpu.region"() ({
          %run_scoped3A = tpu.sem_alloc : memref<!tpu.dma_semaphore, #tpu.memory_space<semaphore_mem>>
          %dma_start3A_78 = tpu.memref_slice %arg5[%add3A_61] : memref<327680xi32, #tpu.memory_space<hbm>> -> memref<128xi32, #tpu.memory_space<hbm>>
          %dma_start3A_79 = tpu.memref_slice %arg5[%add3A_61] : memref<327680xi32, #tpu.memory_space<hbm>> -> memref<128xi32, #tpu.memory_space<hbm>>
          tpu.enqueue_dma source(%dma_start3A_79 : memref<128xi32, #tpu.memory_space<hbm>>) target(%arg10 : memref<128xi32, #tpu.memory_space<vmem>>) target_semaphore(%run_scoped3A : memref<!tpu.dma_semaphore, #tpu.memory_space<semaphore_mem>>)
          %dma_wait3A_80 = tpu.memref_slice %arg5[%add3A_61] : memref<327680xi32, #tpu.memory_space<hbm>> -> memref<128xi32, #tpu.memory_space<hbm>>
          %dma_wait3A_81 = tpu.memref_slice %arg5[%add3A_61] : memref<327680xi32, #tpu.memory_space<hbm>> -> memref<128xi32, #tpu.memory_space<hbm>>
          tpu.wait_dma2 semaphore(%run_scoped3A : memref<!tpu.dma_semaphore, #tpu.memory_space<semaphore_mem>>) src(%dma_wait3A_81 : memref<128xi32, #tpu.memory_space<hbm>>) dst(%arg10 : memref<128xi32, #tpu.memory_space<vmem>>)
          tpu.yield
        }) : () -> ()
        "tpu.region"() ({
          %run_scoped3A = tpu.sem_alloc : memref<!tpu.dma_semaphore, #tpu.memory_space<semaphore_mem>>
          %dma_start3A_78 = tpu.memref_slice %arg4[%add3A_63] : memref<327680xi32, #tpu.memory_space<hbm>> -> memref<128xi32, #tpu.memory_space<hbm>>
          %dma_start3A_79 = tpu.memref_slice %arg4[%add3A_63] : memref<327680xi32, #tpu.memory_space<hbm>> -> memref<128xi32, #tpu.memory_space<hbm>>
          tpu.enqueue_dma source(%dma_start3A_79 : memref<128xi32, #tpu.memory_space<hbm>>) target(%arg11 : memref<128xi32, #tpu.memory_space<vmem>>) target_semaphore(%run_scoped3A : memref<!tpu.dma_semaphore, #tpu.memory_space<semaphore_mem>>)
          %dma_wait3A_80 = tpu.memref_slice %arg4[%add3A_63] : memref<327680xi32, #tpu.memory_space<hbm>> -> memref<128xi32, #tpu.memory_space<hbm>>
          %dma_wait3A_81 = tpu.memref_slice %arg4[%add3A_63] : memref<327680xi32, #tpu.memory_space<hbm>> -> memref<128xi32, #tpu.memory_space<hbm>>
          tpu.wait_dma2 semaphore(%run_scoped3A : memref<!tpu.dma_semaphore, #tpu.memory_space<semaphore_mem>>) src(%dma_wait3A_81 : memref<128xi32, #tpu.memory_space<hbm>>) dst(%arg11 : memref<128xi32, #tpu.memory_space<vmem>>)
          tpu.yield
        }) : () -> ()
        %dma_wait3A_66 = arith.constant 0 : i32
        %dma_wait3A_67 = arith.constant 0 : i32
        %dma_wait3A_68 = tpu.memref_slice %arg3[%dma_wait3A_66, %dma_wait3A_67] : memref<10000x128xf32, #tpu.memory_space<hbm>> -> memref<10000x128xf32, #tpu.memory_space<hbm>>
        tpu.wait_indirect_dma semaphore(%arg15 : memref<!tpu.dma_semaphore, #tpu.memory_space<semaphore_mem>>) src(%dma_wait3A_68 : memref<10000x128xf32, #tpu.memory_space<hbm>>) dst(%arg13 : memref<128x128xf32, #tpu.memory_space<vmem>>)
        %dma_start3A_69 = arith.constant 0 : i32
        %dma_start3A_70 = arith.constant 0 : i32
        %dma_start3A_71 = tpu.memref_slice %arg3[%dma_start3A_69, %dma_start3A_70] : memref<10000x128xf32, #tpu.memory_space<hbm>> -> memref<10000x128xf32, #tpu.memory_space<hbm>>
        tpu.enqueue_indirect_dma source(%dma_start3A_71 : memref<10000x128xf32, #tpu.memory_space<hbm>>) target(%arg14 : memref<128x128xf32, #tpu.memory_space<vmem>>) offsets(%arg11 : memref<128xi32, #tpu.memory_space<vmem>>) semaphore(%arg16 : memref<!tpu.dma_semaphore, #tpu.memory_space<semaphore_mem>>)
        "tpu.region"() ({
          %run_scoped3A = tpu.sem_alloc : memref<!tpu.dma_semaphore, #tpu.memory_space<semaphore_mem>>
          %dma_start3A_78 = arith.constant 0 : i32
          %dma_start3A_79 = arith.constant 0 : i32
          %dma_start3A_80 = tpu.memref_slice %arg8[%dma_start3A_78, %dma_start3A_79] : memref<10112x128xf32, #tpu.memory_space<vmem_shared>> -> memref<10112x128xf32, #tpu.memory_space<vmem_shared>>
          tpu.enqueue_indirect_dma source(%arg13 : memref<128x128xf32, #tpu.memory_space<vmem>>) target(%dma_start3A_80 : memref<10112x128xf32, #tpu.memory_space<vmem_shared>>) offsets(%arg10 : memref<128xi32, #tpu.memory_space<vmem>>) semaphore(%run_scoped3A : memref<!tpu.dma_semaphore, #tpu.memory_space<semaphore_mem>>) {add = true}
          %dma_wait3A_81 = arith.constant 0 : i32
          %dma_wait3A_82 = arith.constant 0 : i32
          %dma_wait3A_83 = tpu.memref_slice %arg8[%dma_wait3A_81, %dma_wait3A_82] : memref<10112x128xf32, #tpu.memory_space<vmem_shared>> -> memref<10112x128xf32, #tpu.memory_space<vmem_shared>>
          tpu.wait_indirect_dma semaphore(%run_scoped3A : memref<!tpu.dma_semaphore, #tpu.memory_space<semaphore_mem>>) src(%arg13 : memref<128x128xf32, #tpu.memory_space<vmem>>) dst(%dma_wait3A_83 : memref<10112x128xf32, #tpu.memory_space<vmem_shared>>)
          tpu.yield
        }) : () -> ()
        "tpu.region"() ({
          %run_scoped3A = tpu.sem_alloc : memref<!tpu.dma_semaphore, #tpu.memory_space<semaphore_mem>>
          %dma_start3A_78 = tpu.memref_slice %arg5[%add3A_63] : memref<327680xi32, #tpu.memory_space<hbm>> -> memref<128xi32, #tpu.memory_space<hbm>>
          %dma_start3A_79 = tpu.memref_slice %arg5[%add3A_63] : memref<327680xi32, #tpu.memory_space<hbm>> -> memref<128xi32, #tpu.memory_space<hbm>>
          tpu.enqueue_dma source(%dma_start3A_79 : memref<128xi32, #tpu.memory_space<hbm>>) target(%arg12 : memref<128xi32, #tpu.memory_space<vmem>>) target_semaphore(%run_scoped3A : memref<!tpu.dma_semaphore, #tpu.memory_space<semaphore_mem>>)
          %dma_wait3A_80 = tpu.memref_slice %arg5[%add3A_63] : memref<327680xi32, #tpu.memory_space<hbm>> -> memref<128xi32, #tpu.memory_space<hbm>>
          %dma_wait3A_81 = tpu.memref_slice %arg5[%add3A_63] : memref<327680xi32, #tpu.memory_space<hbm>> -> memref<128xi32, #tpu.memory_space<hbm>>
          tpu.wait_dma2 semaphore(%run_scoped3A : memref<!tpu.dma_semaphore, #tpu.memory_space<semaphore_mem>>) src(%dma_wait3A_81 : memref<128xi32, #tpu.memory_space<hbm>>) dst(%arg12 : memref<128xi32, #tpu.memory_space<vmem>>)
          tpu.yield
        }) : () -> ()
        "tpu.region"() ({
          %run_scoped3A = tpu.sem_alloc : memref<!tpu.dma_semaphore, #tpu.memory_space<semaphore_mem>>
          %dma_start3A_78 = tpu.memref_slice %arg4[%min3A] : memref<327680xi32, #tpu.memory_space<hbm>> -> memref<128xi32, #tpu.memory_space<hbm>>
          %dma_start3A_79 = tpu.memref_slice %arg4[%min3A] : memref<327680xi32, #tpu.memory_space<hbm>> -> memref<128xi32, #tpu.memory_space<hbm>>
          tpu.enqueue_dma source(%dma_start3A_79 : memref<128xi32, #tpu.memory_space<hbm>>) target(%arg9 : memref<128xi32, #tpu.memory_space<vmem>>) target_semaphore(%run_scoped3A : memref<!tpu.dma_semaphore, #tpu.memory_space<semaphore_mem>>)
          %dma_wait3A_80 = tpu.memref_slice %arg4[%min3A] : memref<327680xi32, #tpu.memory_space<hbm>> -> memref<128xi32, #tpu.memory_space<hbm>>
          %dma_wait3A_81 = tpu.memref_slice %arg4[%min3A] : memref<327680xi32, #tpu.memory_space<hbm>> -> memref<128xi32, #tpu.memory_space<hbm>>
          tpu.wait_dma2 semaphore(%run_scoped3A : memref<!tpu.dma_semaphore, #tpu.memory_space<semaphore_mem>>) src(%dma_wait3A_81 : memref<128xi32, #tpu.memory_space<hbm>>) dst(%arg9 : memref<128xi32, #tpu.memory_space<vmem>>)
          tpu.yield
        }) : () -> ()
        %dma_wait3A_72 = arith.constant 0 : i32
        %dma_wait3A_73 = arith.constant 0 : i32
        %dma_wait3A_74 = tpu.memref_slice %arg3[%dma_wait3A_72, %dma_wait3A_73] : memref<10000x128xf32, #tpu.memory_space<hbm>> -> memref<10000x128xf32, #tpu.memory_space<hbm>>
        tpu.wait_indirect_dma semaphore(%arg16 : memref<!tpu.dma_semaphore, #tpu.memory_space<semaphore_mem>>) src(%dma_wait3A_74 : memref<10000x128xf32, #tpu.memory_space<hbm>>) dst(%arg14 : memref<128x128xf32, #tpu.memory_space<vmem>>)
        %dma_start3A_75 = arith.constant 0 : i32
        %dma_start3A_76 = arith.constant 0 : i32
        %dma_start3A_77 = tpu.memref_slice %arg3[%dma_start3A_75, %dma_start3A_76] : memref<10000x128xf32, #tpu.memory_space<hbm>> -> memref<10000x128xf32, #tpu.memory_space<hbm>>
        tpu.enqueue_indirect_dma source(%dma_start3A_77 : memref<10000x128xf32, #tpu.memory_space<hbm>>) target(%arg13 : memref<128x128xf32, #tpu.memory_space<vmem>>) offsets(%arg9 : memref<128xi32, #tpu.memory_space<vmem>>) semaphore(%arg15 : memref<!tpu.dma_semaphore, #tpu.memory_space<semaphore_mem>>)
        "tpu.region"() ({
          %run_scoped3A = tpu.sem_alloc : memref<!tpu.dma_semaphore, #tpu.memory_space<semaphore_mem>>
          %dma_start3A_78 = arith.constant 0 : i32
          %dma_start3A_79 = arith.constant 0 : i32
          %dma_start3A_80 = tpu.memref_slice %arg8[%dma_start3A_78, %dma_start3A_79] : memref<10112x128xf32, #tpu.memory_space<vmem_shared>> -> memref<10112x128xf32, #tpu.memory_space<vmem_shared>>
          tpu.enqueue_indirect_dma source(%arg14 : memref<128x128xf32, #tpu.memory_space<vmem>>) target(%dma_start3A_80 : memref<10112x128xf32, #tpu.memory_space<vmem_shared>>) offsets(%arg12 : memref<128xi32, #tpu.memory_space<vmem>>) semaphore(%run_scoped3A : memref<!tpu.dma_semaphore, #tpu.memory_space<semaphore_mem>>) {add = true}
          %dma_wait3A_81 = arith.constant 0 : i32
          %dma_wait3A_82 = arith.constant 0 : i32
          %dma_wait3A_83 = tpu.memref_slice %arg8[%dma_wait3A_81, %dma_wait3A_82] : memref<10112x128xf32, #tpu.memory_space<vmem_shared>> -> memref<10112x128xf32, #tpu.memory_space<vmem_shared>>
          tpu.wait_indirect_dma semaphore(%run_scoped3A : memref<!tpu.dma_semaphore, #tpu.memory_space<semaphore_mem>>) src(%arg14 : memref<128x128xf32, #tpu.memory_space<vmem>>) dst(%dma_wait3A_83 : memref<10112x128xf32, #tpu.memory_space<vmem_shared>>)
          tpu.yield
        }) : () -> ()
      }
      %scan3A_53 = arith.constant 80 : i32
      %dma_wait3A = arith.constant 0 : i32
      %dma_wait3A_54 = arith.constant 0 : i32
      %dma_wait3A_55 = tpu.memref_slice %arg3[%dma_wait3A, %dma_wait3A_54] : memref<10000x128xf32, #tpu.memory_space<hbm>> -> memref<10000x128xf32, #tpu.memory_space<hbm>>
      tpu.wait_indirect_dma semaphore(%arg15 : memref<!tpu.dma_semaphore, #tpu.memory_space<semaphore_mem>>) src(%dma_wait3A_55 : memref<10000x128xf32, #tpu.memory_space<hbm>>) dst(%arg13 : memref<128x128xf32, #tpu.memory_space<vmem>>)
    } else {
    }
    %barrier3A_25 = arith.constant 0 : index
    tpu.barrier barrier_id(%barrier3A_25)
    %lt3A = arith.constant 15 : i32
    %lt3A_26 = arith.cmpi slt, %arg1, %lt3A : i32
    %and3A = arith.andi %lt3A_26, %eq3A_0 : i1
    %convert_element_type3A_27 = arith.extui %and3A : i1 to i32
    %cond3A_28 = arith.constant 0 : i32
    %cond3A_29 = arith.cmpi ne, %convert_element_type3A_27, %cond3A_28 : i32
    scf.if %cond3A_29 {
      "tpu.region"() ({
        %run_scoped3A = tpu.sem_alloc : memref<!tpu.dma_semaphore, #tpu.memory_space<semaphore_mem>>
        %dma_start3A = arith.constant 0 : i32
        %dma_start3A_44 = tpu.memref_slice %arg6[%mul3A_9, %dma_start3A] : memref<10000x128xf32, #tpu.memory_space<hbm>> -> memref<632x128xf32, #tpu.memory_space<hbm>>
        %dma_start3A_45 = arith.constant 0 : i32
        %dma_start3A_46 = tpu.memref_slice %arg8[%mul3A_9, %dma_start3A_45] : memref<10112x128xf32, #tpu.memory_space<vmem_shared>> -> memref<632x128xf32, #tpu.memory_space<vmem_shared>>
        tpu.enqueue_dma source(%dma_start3A_46 : memref<632x128xf32, #tpu.memory_space<vmem_shared>>) target(%dma_start3A_44 : memref<632x128xf32, #tpu.memory_space<hbm>>) target_semaphore(%run_scoped3A : memref<!tpu.dma_semaphore, #tpu.memory_space<semaphore_mem>>)
        %dma_wait3A = arith.constant 0 : i32
        %dma_wait3A_47 = tpu.memref_slice %arg6[%mul3A_9, %dma_wait3A] : memref<10000x128xf32, #tpu.memory_space<hbm>> -> memref<632x128xf32, #tpu.memory_space<hbm>>
        %dma_wait3A_48 = arith.constant 0 : i32
        %dma_wait3A_49 = tpu.memref_slice %arg8[%mul3A_9, %dma_wait3A_48] : memref<10112x128xf32, #tpu.memory_space<vmem_shared>> -> memref<632x128xf32, #tpu.memory_space<vmem_shared>>
        tpu.wait_dma2 semaphore(%run_scoped3A : memref<!tpu.dma_semaphore, #tpu.memory_space<semaphore_mem>>) src(%dma_wait3A_49 : memref<632x128xf32, #tpu.memory_space<vmem_shared>>) dst(%dma_wait3A_47 : memref<632x128xf32, #tpu.memory_space<hbm>>)
        tpu.yield
      }) : () -> ()
    } else {
    }
    %and3A_30 = arith.andi %lt3A_26, %eq3A_2 : i1
    %convert_element_type3A_31 = arith.extui %and3A_30 : i1 to i32
    %cond3A_32 = arith.constant 0 : i32
    %cond3A_33 = arith.cmpi ne, %convert_element_type3A_31, %cond3A_32 : i32
    scf.if %cond3A_33 {
      "tpu.region"() ({
        %run_scoped3A = tpu.sem_alloc : memref<!tpu.dma_semaphore, #tpu.memory_space<semaphore_mem>>
        %dma_start3A = arith.constant 0 : i32
        %dma_start3A_44 = tpu.memref_slice %arg7[%mul3A_9, %dma_start3A] : memref<10000x128xf32, #tpu.memory_space<hbm>> -> memref<632x128xf32, #tpu.memory_space<hbm>>
        %dma_start3A_45 = arith.constant 0 : i32
        %dma_start3A_46 = tpu.memref_slice %arg8[%mul3A_9, %dma_start3A_45] : memref<10112x128xf32, #tpu.memory_space<vmem_shared>> -> memref<632x128xf32, #tpu.memory_space<vmem_shared>>
        tpu.enqueue_dma source(%dma_start3A_46 : memref<632x128xf32, #tpu.memory_space<vmem_shared>>) target(%dma_start3A_44 : memref<632x128xf32, #tpu.memory_space<hbm>>) target_semaphore(%run_scoped3A : memref<!tpu.dma_semaphore, #tpu.memory_space<semaphore_mem>>)
        %dma_wait3A = arith.constant 0 : i32
        %dma_wait3A_47 = tpu.memref_slice %arg7[%mul3A_9, %dma_wait3A] : memref<10000x128xf32, #tpu.memory_space<hbm>> -> memref<632x128xf32, #tpu.memory_space<hbm>>
        %dma_wait3A_48 = arith.constant 0 : i32
        %dma_wait3A_49 = tpu.memref_slice %arg8[%mul3A_9, %dma_wait3A_48] : memref<10112x128xf32, #tpu.memory_space<vmem_shared>> -> memref<632x128xf32, #tpu.memory_space<vmem_shared>>
        tpu.wait_dma2 semaphore(%run_scoped3A : memref<!tpu.dma_semaphore, #tpu.memory_space<semaphore_mem>>) src(%dma_wait3A_49 : memref<632x128xf32, #tpu.memory_space<vmem_shared>>) dst(%dma_wait3A_47 : memref<632x128xf32, #tpu.memory_space<hbm>>)
        tpu.yield
      }) : () -> ()
    } else {
    }
    %eq3A_34 = arith.constant 15 : i32
    %eq3A_35 = arith.cmpi eq, %arg1, %eq3A_34 : i32
    %and3A_36 = arith.andi %eq3A_35, %eq3A_0 : i1
    %convert_element_type3A_37 = arith.extui %and3A_36 : i1 to i32
    %cond3A_38 = arith.constant 0 : i32
    %cond3A_39 = arith.cmpi ne, %convert_element_type3A_37, %cond3A_38 : i32
    scf.if %cond3A_39 {
      "tpu.region"() ({
        %run_scoped3A = tpu.sem_alloc : memref<!tpu.dma_semaphore, #tpu.memory_space<semaphore_mem>>
        %dma_start3A = arith.constant 9480 : i32
        %dma_start3A_44 = arith.constant 0 : i32
        %dma_start3A_45 = tpu.memref_slice %arg6[%dma_start3A, %dma_start3A_44] : memref<10000x128xf32, #tpu.memory_space<hbm>> -> memref<520x128xf32, #tpu.memory_space<hbm>>
        %dma_start3A_46 = arith.constant 9480 : i32
        %dma_start3A_47 = arith.constant 0 : i32
        %dma_start3A_48 = tpu.memref_slice %arg8[%dma_start3A_46, %dma_start3A_47] : memref<10112x128xf32, #tpu.memory_space<vmem_shared>> -> memref<520x128xf32, #tpu.memory_space<vmem_shared>>
        tpu.enqueue_dma source(%dma_start3A_48 : memref<520x128xf32, #tpu.memory_space<vmem_shared>>) target(%dma_start3A_45 : memref<520x128xf32, #tpu.memory_space<hbm>>) target_semaphore(%run_scoped3A : memref<!tpu.dma_semaphore, #tpu.memory_space<semaphore_mem>>)
        %dma_wait3A = arith.constant 9480 : i32
        %dma_wait3A_49 = arith.constant 0 : i32
        %dma_wait3A_50 = tpu.memref_slice %arg6[%dma_wait3A, %dma_wait3A_49] : memref<10000x128xf32, #tpu.memory_space<hbm>> -> memref<520x128xf32, #tpu.memory_space<hbm>>
        %dma_wait3A_51 = arith.constant 9480 : i32
        %dma_wait3A_52 = arith.constant 0 : i32
        %dma_wait3A_53 = tpu.memref_slice %arg8[%dma_wait3A_51, %dma_wait3A_52] : memref<10112x128xf32, #tpu.memory_space<vmem_shared>> -> memref<520x128xf32, #tpu.memory_space<vmem_shared>>
        tpu.wait_dma2 semaphore(%run_scoped3A : memref<!tpu.dma_semaphore, #tpu.memory_space<semaphore_mem>>) src(%dma_wait3A_53 : memref<520x128xf32, #tpu.memory_space<vmem_shared>>) dst(%dma_wait3A_50 : memref<520x128xf32, #tpu.memory_space<hbm>>)
        tpu.yield
      }) : () -> ()
    } else {
    }
    %and3A_40 = arith.andi %eq3A_35, %eq3A_2 : i1
    %convert_element_type3A_41 = arith.extui %and3A_40 : i1 to i32
    %cond3A_42 = arith.constant 0 : i32
    %cond3A_43 = arith.cmpi ne, %convert_element_type3A_41, %cond3A_42 : i32
    scf.if %cond3A_43 {
      "tpu.region"() ({
        %run_scoped3A = tpu.sem_alloc : memref<!tpu.dma_semaphore, #tpu.memory_space<semaphore_mem>>
        %dma_start3A = arith.constant 9480 : i32
        %dma_start3A_44 = arith.constant 0 : i32
        %dma_start3A_45 = tpu.memref_slice %arg7[%dma_start3A, %dma_start3A_44] : memref<10000x128xf32, #tpu.memory_space<hbm>> -> memref<520x128xf32, #tpu.memory_space<hbm>>
        %dma_start3A_46 = arith.constant 9480 : i32
        %dma_start3A_47 = arith.constant 0 : i32
        %dma_start3A_48 = tpu.memref_slice %arg8[%dma_start3A_46, %dma_start3A_47] : memref<10112x128xf32, #tpu.memory_space<vmem_shared>> -> memref<520x128xf32, #tpu.memory_space<vmem_shared>>
        tpu.enqueue_dma source(%dma_start3A_48 : memref<520x128xf32, #tpu.memory_space<vmem_shared>>) target(%dma_start3A_45 : memref<520x128xf32, #tpu.memory_space<hbm>>) target_semaphore(%run_scoped3A : memref<!tpu.dma_semaphore, #tpu.memory_space<semaphore_mem>>)
        %dma_wait3A = arith.constant 9480 : i32
        %dma_wait3A_49 = arith.constant 0 : i32
        %dma_wait3A_50 = tpu.memref_slice %arg7[%dma_wait3A, %dma_wait3A_49] : memref<10000x128xf32, #tpu.memory_space<hbm>> -> memref<520x128xf32, #tpu.memory_space<hbm>>
        %dma_wait3A_51 = arith.constant 9480 : i32
        %dma_wait3A_52 = arith.constant 0 : i32
        %dma_wait3A_53 = tpu.memref_slice %arg8[%dma_wait3A_51, %dma_wait3A_52] : memref<10112x128xf32, #tpu.memory_space<vmem_shared>> -> memref<520x128xf32, #tpu.memory_space<vmem_shared>>
        tpu.wait_dma2 semaphore(%run_scoped3A : memref<!tpu.dma_semaphore, #tpu.memory_space<semaphore_mem>>) src(%dma_wait3A_53 : memref<520x128xf32, #tpu.memory_space<vmem_shared>>) dst(%dma_wait3A_50 : memref<520x128xf32, #tpu.memory_space<hbm>>)
        tpu.yield
      }) : () -> ()
    } else {
    }
    return
  }
}

#map = affine_map<(d0, d1) -> (0, 0)>
#map1 = affine_map<(d0, d1) -> (0)>
module attributes {stable_mosaic.version = 14 : i64} {
  func.func @body(%arg0: i32, %arg1: i32, %arg2: memref<10000x128xf32, #tpu.memory_space<hbm>>, %arg3: memref<10000x128xf32, #tpu.memory_space<hbm>>, %arg4: memref<327680xi32, #tpu.memory_space<hbm>>, %arg5: memref<327680xi32, #tpu.memory_space<hbm>>, %arg6: memref<10000x128xf32, #tpu.memory_space<hbm>>, %arg7: memref<10000x128xf32, #tpu.memory_space<hbm>>, %arg8: memref<10112x128xf32, #tpu.memory_space<vmem_shared>>, %arg9: memref<128xi32, #tpu.memory_space<vmem>>, %arg10: memref<128xi32, #tpu.memory_space<vmem>>, %arg11: memref<128xi32, #tpu.memory_space<vmem>>, %arg12: memref<128xi32, #tpu.memory_space<vmem>>, %arg13: memref<128x128xf32, #tpu.memory_space<vmem>>, %arg14: memref<128x128xf32, #tpu.memory_space<vmem>>, %arg15: memref<!tpu.dma_semaphore, #tpu.memory_space<semaphore_mem>>, %arg16: memref<!tpu.dma_semaphore, #tpu.memory_space<semaphore_mem>>) attributes {dimension_semantics = [#tpu.dimension_semantics<core_parallel>, #tpu.dimension_semantics<subcore_parallel>], iteration_bounds = array<i64: 2, 16>, scalar_prefetch = 0 : i64, scratch_operands = 9 : i64, tpu.core_type = #tpu.core_type<sc_vector_subcore>, window_params = [{transform_indices = #map}, {transform_indices = #map}, {transform_indices = #map1}, {transform_indices = #map1}, {transform_indices = #map}, {transform_indices = #map}]} {
    %eq3A = arith.constant 0 : i32
    %eq3A_0 = arith.cmpi eq, %arg0, %eq3A : i32
    %eq3A_1 = arith.constant 1 : i32
    %eq3A_2 = arith.cmpi eq, %arg0, %eq3A_1 : i32
    %broadcast_in_dim3A = arith.constant 0.000000e+00 : f32
    %broadcast_in_dim3A_3 = vector.broadcast %broadcast_in_dim3A : f32 to vector<16xf32>
    %scan3A = arith.constant 0 : i32
    %scan3A_4 = arith.constant 0 : i32
    %scan3A_5 = arith.constant 128 : i32
    %scan3A_6 = arith.addi %scan3A_4, %scan3A_5 : i32
    %scan3A_7 = arith.constant 1 : i32
    scf.for %scan3A_44 = %scan3A_4 to %scan3A_6 step %scan3A_7  : i32 {
      %swap3A = arith.index_cast %scan3A_44 : i32 to index
      %swap3A_45 = arith.constant 0 : index
      %swap3A_46 = tpu.vector_load %arg13[%swap3A, %swap3A_45] {strides = array<i32>} : memref<128x128xf32, #tpu.memory_space<vmem>>, vector<1x16xf32>,
      %swap3A_47 = vector.shape_cast %swap3A_46 : vector<1x16xf32> to vector<16xf32>
      %swap3A_48 = vector.shape_cast %broadcast_in_dim3A_3 : vector<16xf32> to vector<1x16xf32>
      tpu.vector_store %arg13[%swap3A, %swap3A_45], %swap3A_48 {strides = array<i32>} : memref<128x128xf32, #tpu.memory_space<vmem>>, vector<1x16xf32>,
      %swap3A_49 = arith.index_cast %scan3A_44 : i32 to index
      %swap3A_50 = arith.constant 16 : index
      %swap3A_51 = tpu.vector_load %arg13[%swap3A_49, %swap3A_50] {strides = array<i32>} : memref<128x128xf32, #tpu.memory_space<vmem>>, vector<1x16xf32>,
      %swap3A_52 = vector.shape_cast %swap3A_51 : vector<1x16xf32> to vector<16xf32>
      %swap3A_53 = vector.shape_cast %broadcast_in_dim3A_3 : vector<16xf32> to vector<1x16xf32>
      tpu.vector_store %arg13[%swap3A_49, %swap3A_50], %swap3A_53 {strides = array<i32>} : memref<128x128xf32, #tpu.memory_space<vmem>>, vector<1x16xf32>,
      %swap3A_54 = arith.index_cast %scan3A_44 : i32 to index
      %swap3A_55 = arith.constant 32 : index
      %swap3A_56 = tpu.vector_load %arg13[%swap3A_54, %swap3A_55] {strides = array<i32>} : memref<128x128xf32, #tpu.memory_space<vmem>>, vector<1x16xf32>,
      %swap3A_57 = vector.shape_cast %swap3A_56 : vector<1x16xf32> to vector<16xf32>
      %swap3A_58 = vector.shape_cast %broadcast_in_dim3A_3 : vector<16xf32> to vector<1x16xf32>
      tpu.vector_store %arg13[%swap3A_54, %swap3A_55], %swap3A_58 {strides = array<i32>} : memref<128x128xf32, #tpu.memory_space<vmem>>, vector<1x16xf32>,
      %swap3A_59 = arith.index_cast %scan3A_44 : i32 to index
      %swap3A_60 = arith.constant 48 : index
      %swap3A_61 = tpu.vector_load %arg13[%swap3A_59, %swap3A_60] {strides = array<i32>} : memref<128x128xf32, #tpu.memory_space<vmem>>, vector<1x16xf32>,
      %swap3A_62 = vector.shape_cast %swap3A_61 : vector<1x16xf32> to vector<16xf32>
      %swap3A_63 = vector.shape_cast %broadcast_in_dim3A_3 : vector<16xf32> to vector<1x16xf32>
      tpu.vector_store %arg13[%swap3A_59, %swap3A_60], %swap3A_63 {strides = array<i32>} : memref<128x128xf32, #tpu.memory_space<vmem>>, vector<1x16xf32>,
      %swap3A_64 = arith.index_cast %scan3A_44 : i32 to index
      %swap3A_65 = arith.constant 64 : index
      %swap3A_66 = tpu.vector_load %arg13[%swap3A_64, %swap3A_65] {strides = array<i32>} : memref<128x128xf32, #tpu.memory_space<vmem>>, vector<1x16xf32>,
      %swap3A_67 = vector.shape_cast %swap3A_66 : vector<1x16xf32> to vector<16xf32>
      %swap3A_68 = vector.shape_cast %broadcast_in_dim3A_3 : vector<16xf32> to vector<1x16xf32>
      tpu.vector_store %arg13[%swap3A_64, %swap3A_65], %swap3A_68 {strides = array<i32>} : memref<128x128xf32, #tpu.memory_space<vmem>>, vector<1x16xf32>,
      %swap3A_69 = arith.index_cast %scan3A_44 : i32 to index
      %swap3A_70 = arith.constant 80 : index
      %swap3A_71 = tpu.vector_load %arg13[%swap3A_69, %swap3A_70] {strides = array<i32>} : memref<128x128xf32, #tpu.memory_space<vmem>>, vector<1x16xf32>,
      %swap3A_72 = vector.shape_cast %swap3A_71 : vector<1x16xf32> to vector<16xf32>
      %swap3A_73 = vector.shape_cast %broadcast_in_dim3A_3 : vector<16xf32> to vector<1x16xf32>
      tpu.vector_store %arg13[%swap3A_69, %swap3A_70], %swap3A_73 {strides = array<i32>} : memref<128x128xf32, #tpu.memory_space<vmem>>, vector<1x16xf32>,
      %swap3A_74 = arith.index_cast %scan3A_44 : i32 to index
      %swap3A_75 = arith.constant 96 : index
      %swap3A_76 = tpu.vector_load %arg13[%swap3A_74, %swap3A_75] {strides = array<i32>} : memref<128x128xf32, #tpu.memory_space<vmem>>, vector<1x16xf32>,
      %swap3A_77 = vector.shape_cast %swap3A_76 : vector<1x16xf32> to vector<16xf32>
      %swap3A_78 = vector.shape_cast %broadcast_in_dim3A_3 : vector<16xf32> to vector<1x16xf32>
      tpu.vector_store %arg13[%swap3A_74, %swap3A_75], %swap3A_78 {strides = array<i32>} : memref<128x128xf32, #tpu.memory_space<vmem>>, vector<1x16xf32>,
      %swap3A_79 = arith.index_cast %scan3A_44 : i32 to index
      %swap3A_80 = arith.constant 112 : index
      %swap3A_81 = tpu.vector_load %arg13[%swap3A_79, %swap3A_80] {strides = array<i32>} : memref<128x128xf32, #tpu.memory_space<vmem>>, vector<1x16xf32>,
      %swap3A_82 = vector.shape_cast %swap3A_81 : vector<1x16xf32> to vector<16xf32>
      %swap3A_83 = vector.shape_cast %broadcast_in_dim3A_3 : vector<16xf32> to vector<1x16xf32>
      tpu.vector_store %arg13[%swap3A_79, %swap3A_80], %swap3A_83 {strides = array<i32>} : memref<128x128xf32, #tpu.memory_space<vmem>>, vector<1x16xf32>,
    }
    %scan3A_8 = arith.constant 128 : i32
    %mul3A = arith.constant 632 : i32
    %mul3A_9 = arith.muli %arg1, %mul3A : i32
    %add3A = arith.constant 0 : i32
    %add3A_10 = arith.addi %mul3A_9, %add3A : i32
    "tpu.region"() ({
      %run_scoped3A = tpu.sem_alloc : memref<!tpu.dma_semaphore, #tpu.memory_space<semaphore_mem>>
      %dma_start3A = arith.constant 0 : i32
      %dma_start3A_44 = tpu.memref_slice %arg8[%add3A_10, %dma_start3A] : memref<10112x128xf32, #tpu.memory_space<vmem_shared>> -> memref<128x128xf32, #tpu.memory_space<vmem_shared>>
      %dma_start3A_45 = arith.constant 0 : i32
      %dma_start3A_46 = tpu.memref_slice %arg8[%add3A_10, %dma_start3A_45] : memref<10112x128xf32, #tpu.memory_space<vmem_shared>> -> memref<128x128xf32, #tpu.memory_space<vmem_shared>>
      tpu.enqueue_dma source(%arg13 : memref<128x128xf32, #tpu.memory_space<vmem>>) target(%dma_start3A_46 : memref<128x128xf32, #tpu.memory_space<vmem_shared>>) target_semaphore(%run_scoped3A : memref<!tpu.dma_semaphore, #tpu.memory_space<semaphore_mem>>)
      %dma_wait3A = arith.constant 0 : i32
      %dma_wait3A_47 = tpu.memref_slice %arg8[%add3A_10, %dma_wait3A] : memref<10112x128xf32, #tpu.memory_space<vmem_shared>> -> memref<128x128xf32, #tpu.memory_space<vmem_shared>>
      %dma_wait3A_48 = arith.constant 0 : i32
      %dma_wait3A_49 = tpu.memref_slice %arg8[%add3A_10, %dma_wait3A_48] : memref<10112x128xf32, #tpu.memory_space<vmem_shared>> -> memref<128x128xf32, #tpu.memory_space<vmem_shared>>
      tpu.wait_dma2 semaphore(%run_scoped3A : memref<!tpu.dma_semaphore, #tpu.memory_space<semaphore_mem>>) src(%arg13 : memref<128x128xf32, #tpu.memory_space<vmem>>) dst(%dma_wait3A_49 : memref<128x128xf32, #tpu.memory_space<vmem_shared>>)
      tpu.yield
    }) : () -> ()
    %add3A_11 = arith.constant 128 : i32
    %add3A_12 = arith.addi %mul3A_9, %add3A_11 : i32
    "tpu.region"() ({
      %run_scoped3A = tpu.sem_alloc : memref<!tpu.dma_semaphore, #tpu.memory_space<semaphore_mem>>
      %dma_start3A = arith.constant 0 : i32
      %dma_start3A_44 = tpu.memref_slice %arg8[%add3A_12, %dma_start3A] : memref<10112x128xf32, #tpu.memory_space<vmem_shared>> -> memref<128x128xf32, #tpu.memory_space<vmem_shared>>
      %dma_start3A_45 = arith.constant 0 : i32
      %dma_start3A_46 = tpu.memref_slice %arg8[%add3A_12, %dma_start3A_45] : memref<10112x128xf32, #tpu.memory_space<vmem_shared>> -> memref<128x128xf32, #tpu.memory_space<vmem_shared>>
      tpu.enqueue_dma source(%arg13 : memref<128x128xf32, #tpu.memory_space<vmem>>) target(%dma_start3A_46 : memref<128x128xf32, #tpu.memory_space<vmem_shared>>) target_semaphore(%run_scoped3A : memref<!tpu.dma_semaphore, #tpu.memory_space<semaphore_mem>>)
      %dma_wait3A = arith.constant 0 : i32
      %dma_wait3A_47 = tpu.memref_slice %arg8[%add3A_12, %dma_wait3A] : memref<10112x128xf32, #tpu.memory_space<vmem_shared>> -> memref<128x128xf32, #tpu.memory_space<vmem_shared>>
      %dma_wait3A_48 = arith.constant 0 : i32
      %dma_wait3A_49 = tpu.memref_slice %arg8[%add3A_12, %dma_wait3A_48] : memref<10112x128xf32, #tpu.memory_space<vmem_shared>> -> memref<128x128xf32, #tpu.memory_space<vmem_shared>>
      tpu.wait_dma2 semaphore(%run_scoped3A : memref<!tpu.dma_semaphore, #tpu.memory_space<semaphore_mem>>) src(%arg13 : memref<128x128xf32, #tpu.memory_space<vmem>>) dst(%dma_wait3A_49 : memref<128x128xf32, #tpu.memory_space<vmem_shared>>)
      tpu.yield
    }) : () -> ()
    %add3A_13 = arith.constant 256 : i32
    %add3A_14 = arith.addi %mul3A_9, %add3A_13 : i32
    "tpu.region"() ({
      %run_scoped3A = tpu.sem_alloc : memref<!tpu.dma_semaphore, #tpu.memory_space<semaphore_mem>>
      %dma_start3A = arith.constant 0 : i32
      %dma_start3A_44 = tpu.memref_slice %arg8[%add3A_14, %dma_start3A] : memref<10112x128xf32, #tpu.memory_space<vmem_shared>> -> memref<128x128xf32, #tpu.memory_space<vmem_shared>>
      %dma_start3A_45 = arith.constant 0 : i32
      %dma_start3A_46 = tpu.memref_slice %arg8[%add3A_14, %dma_start3A_45] : memref<10112x128xf32, #tpu.memory_space<vmem_shared>> -> memref<128x128xf32, #tpu.memory_space<vmem_shared>>
      tpu.enqueue_dma source(%arg13 : memref<128x128xf32, #tpu.memory_space<vmem>>) target(%dma_start3A_46 : memref<128x128xf32, #tpu.memory_space<vmem_shared>>) target_semaphore(%run_scoped3A : memref<!tpu.dma_semaphore, #tpu.memory_space<semaphore_mem>>)
      %dma_wait3A = arith.constant 0 : i32
      %dma_wait3A_47 = tpu.memref_slice %arg8[%add3A_14, %dma_wait3A] : memref<10112x128xf32, #tpu.memory_space<vmem_shared>> -> memref<128x128xf32, #tpu.memory_space<vmem_shared>>
      %dma_wait3A_48 = arith.constant 0 : i32
      %dma_wait3A_49 = tpu.memref_slice %arg8[%add3A_14, %dma_wait3A_48] : memref<10112x128xf32, #tpu.memory_space<vmem_shared>> -> memref<128x128xf32, #tpu.memory_space<vmem_shared>>
      tpu.wait_dma2 semaphore(%run_scoped3A : memref<!tpu.dma_semaphore, #tpu.memory_space<semaphore_mem>>) src(%arg13 : memref<128x128xf32, #tpu.memory_space<vmem>>) dst(%dma_wait3A_49 : memref<128x128xf32, #tpu.memory_space<vmem_shared>>)
      tpu.yield
    }) : () -> ()
    %add3A_15 = arith.constant 384 : i32
    %add3A_16 = arith.addi %mul3A_9, %add3A_15 : i32
    "tpu.region"() ({
      %run_scoped3A = tpu.sem_alloc : memref<!tpu.dma_semaphore, #tpu.memory_space<semaphore_mem>>
      %dma_start3A = arith.constant 0 : i32
      %dma_start3A_44 = tpu.memref_slice %arg8[%add3A_16, %dma_start3A] : memref<10112x128xf32, #tpu.memory_space<vmem_shared>> -> memref<128x128xf32, #tpu.memory_space<vmem_shared>>
      %dma_start3A_45 = arith.constant 0 : i32
      %dma_start3A_46 = tpu.memref_slice %arg8[%add3A_16, %dma_start3A_45] : memref<10112x128xf32, #tpu.memory_space<vmem_shared>> -> memref<128x128xf32, #tpu.memory_space<vmem_shared>>
      tpu.enqueue_dma source(%arg13 : memref<128x128xf32, #tpu.memory_space<vmem>>) target(%dma_start3A_46 : memref<128x128xf32, #tpu.memory_space<vmem_shared>>) target_semaphore(%run_scoped3A : memref<!tpu.dma_semaphore, #tpu.memory_space<semaphore_mem>>)
      %dma_wait3A = arith.constant 0 : i32
      %dma_wait3A_47 = tpu.memref_slice %arg8[%add3A_16, %dma_wait3A] : memref<10112x128xf32, #tpu.memory_space<vmem_shared>> -> memref<128x128xf32, #tpu.memory_space<vmem_shared>>
      %dma_wait3A_48 = arith.constant 0 : i32
      %dma_wait3A_49 = tpu.memref_slice %arg8[%add3A_16, %dma_wait3A_48] : memref<10112x128xf32, #tpu.memory_space<vmem_shared>> -> memref<128x128xf32, #tpu.memory_space<vmem_shared>>
      tpu.wait_dma2 semaphore(%run_scoped3A : memref<!tpu.dma_semaphore, #tpu.memory_space<semaphore_mem>>) src(%arg13 : memref<128x128xf32, #tpu.memory_space<vmem>>) dst(%dma_wait3A_49 : memref<128x128xf32, #tpu.memory_space<vmem_shared>>)
      tpu.yield
    }) : () -> ()
    %add3A_17 = arith.constant 512 : i32
    %add3A_18 = arith.addi %mul3A_9, %add3A_17 : i32
    "tpu.region"() ({
      %run_scoped3A = tpu.sem_alloc : memref<!tpu.dma_semaphore, #tpu.memory_space<semaphore_mem>>
      %dma_start3A = arith.constant 0 : i32
      %dma_start3A_44 = arith.constant 0 : i32
      %dma_start3A_45 = tpu.memref_slice %arg13[%dma_start3A, %dma_start3A_44] : memref<128x128xf32, #tpu.memory_space<vmem>> -> memref<120x128xf32, #tpu.memory_space<vmem>>
      %dma_start3A_46 = arith.constant 0 : i32
      %dma_start3A_47 = tpu.memref_slice %arg8[%add3A_18, %dma_start3A_46] : memref<10112x128xf32, #tpu.memory_space<vmem_shared>> -> memref<120x128xf32, #tpu.memory_space<vmem_shared>>
      %dma_start3A_48 = arith.constant 0 : i32
      %dma_start3A_49 = tpu.memref_slice %arg8[%add3A_18, %dma_start3A_48] : memref<10112x128xf32, #tpu.memory_space<vmem_shared>> -> memref<120x128xf32, #tpu.memory_space<vmem_shared>>
      %dma_start3A_50 = arith.constant 0 : i32
      %dma_start3A_51 = arith.constant 0 : i32
      %dma_start3A_52 = tpu.memref_slice %arg13[%dma_start3A_50, %dma_start3A_51] : memref<128x128xf32, #tpu.memory_space<vmem>> -> memref<120x128xf32, #tpu.memory_space<vmem>>
      tpu.enqueue_dma source(%dma_start3A_52 : memref<120x128xf32, #tpu.memory_space<vmem>>) target(%dma_start3A_49 : memref<120x128xf32, #tpu.memory_space<vmem_shared>>) target_semaphore(%run_scoped3A : memref<!tpu.dma_semaphore, #tpu.memory_space<semaphore_mem>>)
      %dma_wait3A = arith.constant 0 : i32
      %dma_wait3A_53 = arith.constant 0 : i32
      %dma_wait3A_54 = tpu.memref_slice %arg13[%dma_wait3A, %dma_wait3A_53] : memref<128x128xf32, #tpu.memory_space<vmem>> -> memref<120x128xf32, #tpu.memory_space<vmem>>
      %dma_wait3A_55 = arith.constant 0 : i32
      %dma_wait3A_56 = tpu.memref_slice %arg8[%add3A_18, %dma_wait3A_55] : memref<10112x128xf32, #tpu.memory_space<vmem_shared>> -> memref<120x128xf32, #tpu.memory_space<vmem_shared>>
      %dma_wait3A_57 = arith.constant 0 : i32
      %dma_wait3A_58 = tpu.memref_slice %arg8[%add3A_18, %dma_wait3A_57] : memref<10112x128xf32, #tpu.memory_space<vmem_shared>> -> memref<120x128xf32, #tpu.memory_space<vmem_shared>>
      %dma_wait3A_59 = arith.constant 0 : i32
      %dma_wait3A_60 = arith.constant 0 : i32
      %dma_wait3A_61 = tpu.memref_slice %arg13[%dma_wait3A_59, %dma_wait3A_60] : memref<128x128xf32, #tpu.memory_space<vmem>> -> memref<120x128xf32, #tpu.memory_space<vmem>>
      tpu.wait_dma2 semaphore(%run_scoped3A : memref<!tpu.dma_semaphore, #tpu.memory_space<semaphore_mem>>) src(%dma_wait3A_61 : memref<120x128xf32, #tpu.memory_space<vmem>>) dst(%dma_wait3A_58 : memref<120x128xf32, #tpu.memory_space<vmem_shared>>)
      tpu.yield
    }) : () -> ()
    %barrier3A = arith.constant 0 : index
    tpu.barrier barrier_id(%barrier3A)
    %mul3A_19 = arith.constant 20480 : i32
    %mul3A_20 = arith.muli %arg1, %mul3A_19 : i32
    %convert_element_type3A = arith.extui %eq3A_0 : i1 to i32
    %cond3A = arith.constant 0 : i32
    %cond3A_21 = arith.cmpi ne, %convert_element_type3A, %cond3A : i32
    scf.if %cond3A_21 {
      %add3A_44 = arith.constant 20352 : i32
      %add3A_45 = arith.addi %mul3A_20, %add3A_44 : i32
      "tpu.region"() ({
        %run_scoped3A = tpu.sem_alloc : memref<!tpu.dma_semaphore, #tpu.memory_space<semaphore_mem>>
        %dma_start3A_56 = tpu.memref_slice %arg4[%mul3A_20] : memref<327680xi32, #tpu.memory_space<hbm>> -> memref<128xi32, #tpu.memory_space<hbm>>
        %dma_start3A_57 = tpu.memref_slice %arg4[%mul3A_20] : memref<327680xi32, #tpu.memory_space<hbm>> -> memref<128xi32, #tpu.memory_space<hbm>>
        tpu.enqueue_dma source(%dma_start3A_57 : memref<128xi32, #tpu.memory_space<hbm>>) target(%arg9 : memref<128xi32, #tpu.memory_space<vmem>>) target_semaphore(%run_scoped3A : memref<!tpu.dma_semaphore, #tpu.memory_space<semaphore_mem>>)
        %dma_wait3A_58 = tpu.memref_slice %arg4[%mul3A_20] : memref<327680xi32, #tpu.memory_space<hbm>> -> memref<128xi32, #tpu.memory_space<hbm>>
        %dma_wait3A_59 = tpu.memref_slice %arg4[%mul3A_20] : memref<327680xi32, #tpu.memory_space<hbm>> -> memref<128xi32, #tpu.memory_space<hbm>>
        tpu.wait_dma2 semaphore(%run_scoped3A : memref<!tpu.dma_semaphore, #tpu.memory_space<semaphore_mem>>) src(%dma_wait3A_59 : memref<128xi32, #tpu.memory_space<hbm>>) dst(%arg9 : memref<128xi32, #tpu.memory_space<vmem>>)
        tpu.yield
      }) : () -> ()
      %dma_start3A = arith.constant 0 : i32
      %dma_start3A_46 = arith.constant 0 : i32
      %dma_start3A_47 = tpu.memref_slice %arg2[%dma_start3A, %dma_start3A_46] : memref<10000x128xf32, #tpu.memory_space<hbm>> -> memref<10000x128xf32, #tpu.memory_space<hbm>>
      tpu.enqueue_indirect_dma source(%dma_start3A_47 : memref<10000x128xf32, #tpu.memory_space<hbm>>) target(%arg13 : memref<128x128xf32, #tpu.memory_space<vmem>>) offsets(%arg9 : memref<128xi32, #tpu.memory_space<vmem>>) semaphore(%arg15 : memref<!tpu.dma_semaphore, #tpu.memory_space<semaphore_mem>>)
      %scan3A_48 = arith.constant 0 : i32
      %scan3A_49 = arith.constant 0 : i32
      %scan3A_50 = arith.constant 80 : i32
      %scan3A_51 = arith.addi %scan3A_49, %scan3A_50 : i32
      %scan3A_52 = arith.constant 1 : i32
      scf.for %scan3A_56 = %scan3A_49 to %scan3A_51 step %scan3A_52  : i32 {
        %mul3A_57 = arith.constant 2 : i32
        %mul3A_58 = arith.muli %mul3A_57, %scan3A_56 : i32
        %mul3A_59 = arith.constant 128 : i32
        %mul3A_60 = arith.muli %mul3A_58, %mul3A_59 : i32
        %add3A_61 = arith.addi %mul3A_20, %mul3A_60 : i32
        %add3A_62 = arith.constant 128 : i32
        %add3A_63 = arith.addi %add3A_61, %add3A_62 : i32
        %add3A_64 = arith.constant 128 : i32
        %add3A_65 = arith.addi %add3A_63, %add3A_64 : i32
        %min3A = arith.minsi %add3A_65, %add3A_45 : i32
        "tpu.region"() ({
          %run_scoped3A = tpu.sem_alloc : memref<!tpu.dma_semaphore, #tpu.memory_space<semaphore_mem>>
          %dma_start3A_78 = tpu.memref_slice %arg5[%add3A_61] : memref<327680xi32, #tpu.memory_space<hbm>> -> memref<128xi32, #tpu.memory_space<hbm>>
          %dma_start3A_79 = tpu.memref_slice %arg5[%add3A_61] : memref<327680xi32, #tpu.memory_space<hbm>> -> memref<128xi32, #tpu.memory_space<hbm>>
          tpu.enqueue_dma source(%dma_start3A_79 : memref<128xi32, #tpu.memory_space<hbm>>) target(%arg10 : memref<128xi32, #tpu.memory_space<vmem>>) target_semaphore(%run_scoped3A : memref<!tpu.dma_semaphore, #tpu.memory_space<semaphore_mem>>)
          %dma_wait3A_80 = tpu.memref_slice %arg5[%add3A_61] : memref<327680xi32, #tpu.memory_space<hbm>> -> memref<128xi32, #tpu.memory_space<hbm>>
          %dma_wait3A_81 = tpu.memref_slice %arg5[%add3A_61] : memref<327680xi32, #tpu.memory_space<hbm>> -> memref<128xi32, #tpu.memory_space<hbm>>
          tpu.wait_dma2 semaphore(%run_scoped3A : memref<!tpu.dma_semaphore, #tpu.memory_space<semaphore_mem>>) src(%dma_wait3A_81 : memref<128xi32, #tpu.memory_space<hbm>>) dst(%arg10 : memref<128xi32, #tpu.memory_space<vmem>>)
          tpu.yield
        }) : () -> ()
        "tpu.region"() ({
          %run_scoped3A = tpu.sem_alloc : memref<!tpu.dma_semaphore, #tpu.memory_space<semaphore_mem>>
          %dma_start3A_78 = tpu.memref_slice %arg4[%add3A_63] : memref<327680xi32, #tpu.memory_space<hbm>> -> memref<128xi32, #tpu.memory_space<hbm>>
          %dma_start3A_79 = tpu.memref_slice %arg4[%add3A_63] : memref<327680xi32, #tpu.memory_space<hbm>> -> memref<128xi32, #tpu.memory_space<hbm>>
          tpu.enqueue_dma source(%dma_start3A_79 : memref<128xi32, #tpu.memory_space<hbm>>) target(%arg11 : memref<128xi32, #tpu.memory_space<vmem>>) target_semaphore(%run_scoped3A : memref<!tpu.dma_semaphore, #tpu.memory_space<semaphore_mem>>)
          %dma_wait3A_80 = tpu.memref_slice %arg4[%add3A_63] : memref<327680xi32, #tpu.memory_space<hbm>> -> memref<128xi32, #tpu.memory_space<hbm>>
          %dma_wait3A_81 = tpu.memref_slice %arg4[%add3A_63] : memref<327680xi32, #tpu.memory_space<hbm>> -> memref<128xi32, #tpu.memory_space<hbm>>
          tpu.wait_dma2 semaphore(%run_scoped3A : memref<!tpu.dma_semaphore, #tpu.memory_space<semaphore_mem>>) src(%dma_wait3A_81 : memref<128xi32, #tpu.memory_space<hbm>>) dst(%arg11 : memref<128xi32, #tpu.memory_space<vmem>>)
          tpu.yield
        }) : () -> ()
        %dma_wait3A_66 = arith.constant 0 : i32
        %dma_wait3A_67 = arith.constant 0 : i32
        %dma_wait3A_68 = tpu.memref_slice %arg2[%dma_wait3A_66, %dma_wait3A_67] : memref<10000x128xf32, #tpu.memory_space<hbm>> -> memref<10000x128xf32, #tpu.memory_space<hbm>>
        tpu.wait_indirect_dma semaphore(%arg15 : memref<!tpu.dma_semaphore, #tpu.memory_space<semaphore_mem>>) src(%dma_wait3A_68 : memref<10000x128xf32, #tpu.memory_space<hbm>>) dst(%arg13 : memref<128x128xf32, #tpu.memory_space<vmem>>)
        %dma_start3A_69 = arith.constant 0 : i32
        %dma_start3A_70 = arith.constant 0 : i32
        %dma_start3A_71 = tpu.memref_slice %arg2[%dma_start3A_69, %dma_start3A_70] : memref<10000x128xf32, #tpu.memory_space<hbm>> -> memref<10000x128xf32, #tpu.memory_space<hbm>>
        tpu.enqueue_indirect_dma source(%dma_start3A_71 : memref<10000x128xf32, #tpu.memory_space<hbm>>) target(%arg14 : memref<128x128xf32, #tpu.memory_space<vmem>>) offsets(%arg11 : memref<128xi32, #tpu.memory_space<vmem>>) semaphore(%arg16 : memref<!tpu.dma_semaphore, #tpu.memory_space<semaphore_mem>>)
        "tpu.region"() ({
          %run_scoped3A = tpu.sem_alloc : memref<!tpu.dma_semaphore, #tpu.memory_space<semaphore_mem>>
          %dma_start3A_78 = arith.constant 0 : i32
          %dma_start3A_79 = arith.constant 0 : i32
          %dma_start3A_80 = tpu.memref_slice %arg8[%dma_start3A_78, %dma_start3A_79] : memref<10112x128xf32, #tpu.memory_space<vmem_shared>> -> memref<10112x128xf32, #tpu.memory_space<vmem_shared>>
          tpu.enqueue_indirect_dma source(%arg13 : memref<128x128xf32, #tpu.memory_space<vmem>>) target(%dma_start3A_80 : memref<10112x128xf32, #tpu.memory_space<vmem_shared>>) offsets(%arg10 : memref<128xi32, #tpu.memory_space<vmem>>) semaphore(%run_scoped3A : memref<!tpu.dma_semaphore, #tpu.memory_space<semaphore_mem>>) {add = true}
          %dma_wait3A_81 = arith.constant 0 : i32
          %dma_wait3A_82 = arith.constant 0 : i32
          %dma_wait3A_83 = tpu.memref_slice %arg8[%dma_wait3A_81, %dma_wait3A_82] : memref<10112x128xf32, #tpu.memory_space<vmem_shared>> -> memref<10112x128xf32, #tpu.memory_space<vmem_shared>>
          tpu.wait_indirect_dma semaphore(%run_scoped3A : memref<!tpu.dma_semaphore, #tpu.memory_space<semaphore_mem>>) src(%arg13 : memref<128x128xf32, #tpu.memory_space<vmem>>) dst(%dma_wait3A_83 : memref<10112x128xf32, #tpu.memory_space<vmem_shared>>)
          tpu.yield
        }) : () -> ()
        "tpu.region"() ({
          %run_scoped3A = tpu.sem_alloc : memref<!tpu.dma_semaphore, #tpu.memory_space<semaphore_mem>>
          %dma_start3A_78 = tpu.memref_slice %arg5[%add3A_63] : memref<327680xi32, #tpu.memory_space<hbm>> -> memref<128xi32, #tpu.memory_space<hbm>>
          %dma_start3A_79 = tpu.memref_slice %arg5[%add3A_63] : memref<327680xi32, #tpu.memory_space<hbm>> -> memref<128xi32, #tpu.memory_space<hbm>>
          tpu.enqueue_dma source(%dma_start3A_79 : memref<128xi32, #tpu.memory_space<hbm>>) target(%arg12 : memref<128xi32, #tpu.memory_space<vmem>>) target_semaphore(%run_scoped3A : memref<!tpu.dma_semaphore, #tpu.memory_space<semaphore_mem>>)
          %dma_wait3A_80 = tpu.memref_slice %arg5[%add3A_63] : memref<327680xi32, #tpu.memory_space<hbm>> -> memref<128xi32, #tpu.memory_space<hbm>>
          %dma_wait3A_81 = tpu.memref_slice %arg5[%add3A_63] : memref<327680xi32, #tpu.memory_space<hbm>> -> memref<128xi32, #tpu.memory_space<hbm>>
          tpu.wait_dma2 semaphore(%run_scoped3A : memref<!tpu.dma_semaphore, #tpu.memory_space<semaphore_mem>>) src(%dma_wait3A_81 : memref<128xi32, #tpu.memory_space<hbm>>) dst(%arg12 : memref<128xi32, #tpu.memory_space<vmem>>)
          tpu.yield
        }) : () -> ()
        "tpu.region"() ({
          %run_scoped3A = tpu.sem_alloc : memref<!tpu.dma_semaphore, #tpu.memory_space<semaphore_mem>>
          %dma_start3A_78 = tpu.memref_slice %arg4[%min3A] : memref<327680xi32, #tpu.memory_space<hbm>> -> memref<128xi32, #tpu.memory_space<hbm>>
          %dma_start3A_79 = tpu.memref_slice %arg4[%min3A] : memref<327680xi32, #tpu.memory_space<hbm>> -> memref<128xi32, #tpu.memory_space<hbm>>
          tpu.enqueue_dma source(%dma_start3A_79 : memref<128xi32, #tpu.memory_space<hbm>>) target(%arg9 : memref<128xi32, #tpu.memory_space<vmem>>) target_semaphore(%run_scoped3A : memref<!tpu.dma_semaphore, #tpu.memory_space<semaphore_mem>>)
          %dma_wait3A_80 = tpu.memref_slice %arg4[%min3A] : memref<327680xi32, #tpu.memory_space<hbm>> -> memref<128xi32, #tpu.memory_space<hbm>>
          %dma_wait3A_81 = tpu.memref_slice %arg4[%min3A] : memref<327680xi32, #tpu.memory_space<hbm>> -> memref<128xi32, #tpu.memory_space<hbm>>
          tpu.wait_dma2 semaphore(%run_scoped3A : memref<!tpu.dma_semaphore, #tpu.memory_space<semaphore_mem>>) src(%dma_wait3A_81 : memref<128xi32, #tpu.memory_space<hbm>>) dst(%arg9 : memref<128xi32, #tpu.memory_space<vmem>>)
          tpu.yield
        }) : () -> ()
        %dma_wait3A_72 = arith.constant 0 : i32
        %dma_wait3A_73 = arith.constant 0 : i32
        %dma_wait3A_74 = tpu.memref_slice %arg2[%dma_wait3A_72, %dma_wait3A_73] : memref<10000x128xf32, #tpu.memory_space<hbm>> -> memref<10000x128xf32, #tpu.memory_space<hbm>>
        tpu.wait_indirect_dma semaphore(%arg16 : memref<!tpu.dma_semaphore, #tpu.memory_space<semaphore_mem>>) src(%dma_wait3A_74 : memref<10000x128xf32, #tpu.memory_space<hbm>>) dst(%arg14 : memref<128x128xf32, #tpu.memory_space<vmem>>)
        %dma_start3A_75 = arith.constant 0 : i32
        %dma_start3A_76 = arith.constant 0 : i32
        %dma_start3A_77 = tpu.memref_slice %arg2[%dma_start3A_75, %dma_start3A_76] : memref<10000x128xf32, #tpu.memory_space<hbm>> -> memref<10000x128xf32, #tpu.memory_space<hbm>>
        tpu.enqueue_indirect_dma source(%dma_start3A_77 : memref<10000x128xf32, #tpu.memory_space<hbm>>) target(%arg13 : memref<128x128xf32, #tpu.memory_space<vmem>>) offsets(%arg9 : memref<128xi32, #tpu.memory_space<vmem>>) semaphore(%arg15 : memref<!tpu.dma_semaphore, #tpu.memory_space<semaphore_mem>>)
        "tpu.region"() ({
          %run_scoped3A = tpu.sem_alloc : memref<!tpu.dma_semaphore, #tpu.memory_space<semaphore_mem>>
          %dma_start3A_78 = arith.constant 0 : i32
          %dma_start3A_79 = arith.constant 0 : i32
          %dma_start3A_80 = tpu.memref_slice %arg8[%dma_start3A_78, %dma_start3A_79] : memref<10112x128xf32, #tpu.memory_space<vmem_shared>> -> memref<10112x128xf32, #tpu.memory_space<vmem_shared>>
          tpu.enqueue_indirect_dma source(%arg14 : memref<128x128xf32, #tpu.memory_space<vmem>>) target(%dma_start3A_80 : memref<10112x128xf32, #tpu.memory_space<vmem_shared>>) offsets(%arg12 : memref<128xi32, #tpu.memory_space<vmem>>) semaphore(%run_scoped3A : memref<!tpu.dma_semaphore, #tpu.memory_space<semaphore_mem>>) {add = true}
          %dma_wait3A_81 = arith.constant 0 : i32
          %dma_wait3A_82 = arith.constant 0 : i32
          %dma_wait3A_83 = tpu.memref_slice %arg8[%dma_wait3A_81, %dma_wait3A_82] : memref<10112x128xf32, #tpu.memory_space<vmem_shared>> -> memref<10112x128xf32, #tpu.memory_space<vmem_shared>>
          tpu.wait_indirect_dma semaphore(%run_scoped3A : memref<!tpu.dma_semaphore, #tpu.memory_space<semaphore_mem>>) src(%arg14 : memref<128x128xf32, #tpu.memory_space<vmem>>) dst(%dma_wait3A_83 : memref<10112x128xf32, #tpu.memory_space<vmem_shared>>)
          tpu.yield
        }) : () -> ()
      }
      %scan3A_53 = arith.constant 80 : i32
      %dma_wait3A = arith.constant 0 : i32
      %dma_wait3A_54 = arith.constant 0 : i32
      %dma_wait3A_55 = tpu.memref_slice %arg2[%dma_wait3A, %dma_wait3A_54] : memref<10000x128xf32, #tpu.memory_space<hbm>> -> memref<10000x128xf32, #tpu.memory_space<hbm>>
      tpu.wait_indirect_dma semaphore(%arg15 : memref<!tpu.dma_semaphore, #tpu.memory_space<semaphore_mem>>) src(%dma_wait3A_55 : memref<10000x128xf32, #tpu.memory_space<hbm>>) dst(%arg13 : memref<128x128xf32, #tpu.memory_space<vmem>>)
    } else {
    }
    %convert_element_type3A_22 = arith.extui %eq3A_2 : i1 to i32
    %cond3A_23 = arith.constant 0 : i32
    %cond3A_24 = arith.cmpi ne, %convert_element_type3A_22, %cond3A_23 : i32
    scf.if %cond3A_24 {
      %add3A_44 = arith.constant 20352 : i32
      %add3A_45 = arith.addi %mul3A_20, %add3A_44 : i32
      "tpu.region"() ({
        %run_scoped3A = tpu.sem_alloc : memref<!tpu.dma_semaphore, #tpu.memory_space<semaphore_mem>>
        %dma_start3A_56 = tpu.memref_slice %arg4[%mul3A_20] : memref<327680xi32, #tpu.memory_space<hbm>> -> memref<128xi32, #tpu.memory_space<hbm>>
        %dma_start3A_57 = tpu.memref_slice %arg4[%mul3A_20] : memref<327680xi32, #tpu.memory_space<hbm>> -> memref<128xi32, #tpu.memory_space<hbm>>
        tpu.enqueue_dma source(%dma_start3A_57 : memref<128xi32, #tpu.memory_space<hbm>>) target(%arg9 : memref<128xi32, #tpu.memory_space<vmem>>) target_semaphore(%run_scoped3A : memref<!tpu.dma_semaphore, #tpu.memory_space<semaphore_mem>>)
        %dma_wait3A_58 = tpu.memref_slice %arg4[%mul3A_20] : memref<327680xi32, #tpu.memory_space<hbm>> -> memref<128xi32, #tpu.memory_space<hbm>>
        %dma_wait3A_59 = tpu.memref_slice %arg4[%mul3A_20] : memref<327680xi32, #tpu.memory_space<hbm>> -> memref<128xi32, #tpu.memory_space<hbm>>
        tpu.wait_dma2 semaphore(%run_scoped3A : memref<!tpu.dma_semaphore, #tpu.memory_space<semaphore_mem>>) src(%dma_wait3A_59 : memref<128xi32, #tpu.memory_space<hbm>>) dst(%arg9 : memref<128xi32, #tpu.memory_space<vmem>>)
        tpu.yield
      }) : () -> ()
      %dma_start3A = arith.constant 0 : i32
      %dma_start3A_46 = arith.constant 0 : i32
      %dma_start3A_47 = tpu.memref_slice %arg3[%dma_start3A, %dma_start3A_46] : memref<10000x128xf32, #tpu.memory_space<hbm>> -> memref<10000x128xf32, #tpu.memory_space<hbm>>
      tpu.enqueue_indirect_dma source(%dma_start3A_47 : memref<10000x128xf32, #tpu.memory_space<hbm>>) target(%arg13 : memref<128x128xf32, #tpu.memory_space<vmem>>) offsets(%arg9 : memref<128xi32, #tpu.memory_space<vmem>>) semaphore(%arg15 : memref<!tpu.dma_semaphore, #tpu.memory_space<semaphore_mem>>)
      %scan3A_48 = arith.constant 0 : i32
      %scan3A_49 = arith.constant 0 : i32
      %scan3A_50 = arith.constant 80 : i32
      %scan3A_51 = arith.addi %scan3A_49, %scan3A_50 : i32
      %scan3A_52 = arith.constant 1 : i32
      scf.for %scan3A_56 = %scan3A_49 to %scan3A_51 step %scan3A_52  : i32 {
        %mul3A_57 = arith.constant 2 : i32
        %mul3A_58 = arith.muli %mul3A_57, %scan3A_56 : i32
        %mul3A_59 = arith.constant 128 : i32
        %mul3A_60 = arith.muli %mul3A_58, %mul3A_59 : i32
        %add3A_61 = arith.addi %mul3A_20, %mul3A_60 : i32
        %add3A_62 = arith.constant 128 : i32
        %add3A_63 = arith.addi %add3A_61, %add3A_62 : i32
        %add3A_64 = arith.constant 128 : i32
        %add3A_65 = arith.addi %add3A_63, %add3A_64 : i32
        %min3A = arith.minsi %add3A_65, %add3A_45 : i32
        "tpu.region"() ({
          %run_scoped3A = tpu.sem_alloc : memref<!tpu.dma_semaphore, #tpu.memory_space<semaphore_mem>>
          %dma_start3A_78 = tpu.memref_slice %arg5[%add3A_61] : memref<327680xi32, #tpu.memory_space<hbm>> -> memref<128xi32, #tpu.memory_space<hbm>>
          %dma_start3A_79 = tpu.memref_slice %arg5[%add3A_61] : memref<327680xi32, #tpu.memory_space<hbm>> -> memref<128xi32, #tpu.memory_space<hbm>>
          tpu.enqueue_dma source(%dma_start3A_79 : memref<128xi32, #tpu.memory_space<hbm>>) target(%arg10 : memref<128xi32, #tpu.memory_space<vmem>>) target_semaphore(%run_scoped3A : memref<!tpu.dma_semaphore, #tpu.memory_space<semaphore_mem>>)
          %dma_wait3A_80 = tpu.memref_slice %arg5[%add3A_61] : memref<327680xi32, #tpu.memory_space<hbm>> -> memref<128xi32, #tpu.memory_space<hbm>>
          %dma_wait3A_81 = tpu.memref_slice %arg5[%add3A_61] : memref<327680xi32, #tpu.memory_space<hbm>> -> memref<128xi32, #tpu.memory_space<hbm>>
          tpu.wait_dma2 semaphore(%run_scoped3A : memref<!tpu.dma_semaphore, #tpu.memory_space<semaphore_mem>>) src(%dma_wait3A_81 : memref<128xi32, #tpu.memory_space<hbm>>) dst(%arg10 : memref<128xi32, #tpu.memory_space<vmem>>)
          tpu.yield
        }) : () -> ()
        "tpu.region"() ({
          %run_scoped3A = tpu.sem_alloc : memref<!tpu.dma_semaphore, #tpu.memory_space<semaphore_mem>>
          %dma_start3A_78 = tpu.memref_slice %arg4[%add3A_63] : memref<327680xi32, #tpu.memory_space<hbm>> -> memref<128xi32, #tpu.memory_space<hbm>>
          %dma_start3A_79 = tpu.memref_slice %arg4[%add3A_63] : memref<327680xi32, #tpu.memory_space<hbm>> -> memref<128xi32, #tpu.memory_space<hbm>>
          tpu.enqueue_dma source(%dma_start3A_79 : memref<128xi32, #tpu.memory_space<hbm>>) target(%arg11 : memref<128xi32, #tpu.memory_space<vmem>>) target_semaphore(%run_scoped3A : memref<!tpu.dma_semaphore, #tpu.memory_space<semaphore_mem>>)
          %dma_wait3A_80 = tpu.memref_slice %arg4[%add3A_63] : memref<327680xi32, #tpu.memory_space<hbm>> -> memref<128xi32, #tpu.memory_space<hbm>>
          %dma_wait3A_81 = tpu.memref_slice %arg4[%add3A_63] : memref<327680xi32, #tpu.memory_space<hbm>> -> memref<128xi32, #tpu.memory_space<hbm>>
          tpu.wait_dma2 semaphore(%run_scoped3A : memref<!tpu.dma_semaphore, #tpu.memory_space<semaphore_mem>>) src(%dma_wait3A_81 : memref<128xi32, #tpu.memory_space<hbm>>) dst(%arg11 : memref<128xi32, #tpu.memory_space<vmem>>)
          tpu.yield
        }) : () -> ()
        %dma_wait3A_66 = arith.constant 0 : i32
        %dma_wait3A_67 = arith.constant 0 : i32
        %dma_wait3A_68 = tpu.memref_slice %arg3[%dma_wait3A_66, %dma_wait3A_67] : memref<10000x128xf32, #tpu.memory_space<hbm>> -> memref<10000x128xf32, #tpu.memory_space<hbm>>
        tpu.wait_indirect_dma semaphore(%arg15 : memref<!tpu.dma_semaphore, #tpu.memory_space<semaphore_mem>>) src(%dma_wait3A_68 : memref<10000x128xf32, #tpu.memory_space<hbm>>) dst(%arg13 : memref<128x128xf32, #tpu.memory_space<vmem>>)
        %dma_start3A_69 = arith.constant 0 : i32
        %dma_start3A_70 = arith.constant 0 : i32
        %dma_start3A_71 = tpu.memref_slice %arg3[%dma_start3A_69, %dma_start3A_70] : memref<10000x128xf32, #tpu.memory_space<hbm>> -> memref<10000x128xf32, #tpu.memory_space<hbm>>
        tpu.enqueue_indirect_dma source(%dma_start3A_71 : memref<10000x128xf32, #tpu.memory_space<hbm>>) target(%arg14 : memref<128x128xf32, #tpu.memory_space<vmem>>) offsets(%arg11 : memref<128xi32, #tpu.memory_space<vmem>>) semaphore(%arg16 : memref<!tpu.dma_semaphore, #tpu.memory_space<semaphore_mem>>)
        "tpu.region"() ({
          %run_scoped3A = tpu.sem_alloc : memref<!tpu.dma_semaphore, #tpu.memory_space<semaphore_mem>>
          %dma_start3A_78 = arith.constant 0 : i32
          %dma_start3A_79 = arith.constant 0 : i32
          %dma_start3A_80 = tpu.memref_slice %arg8[%dma_start3A_78, %dma_start3A_79] : memref<10112x128xf32, #tpu.memory_space<vmem_shared>> -> memref<10112x128xf32, #tpu.memory_space<vmem_shared>>
          tpu.enqueue_indirect_dma source(%arg13 : memref<128x128xf32, #tpu.memory_space<vmem>>) target(%dma_start3A_80 : memref<10112x128xf32, #tpu.memory_space<vmem_shared>>) offsets(%arg10 : memref<128xi32, #tpu.memory_space<vmem>>) semaphore(%run_scoped3A : memref<!tpu.dma_semaphore, #tpu.memory_space<semaphore_mem>>) {add = true}
          %dma_wait3A_81 = arith.constant 0 : i32
          %dma_wait3A_82 = arith.constant 0 : i32
          %dma_wait3A_83 = tpu.memref_slice %arg8[%dma_wait3A_81, %dma_wait3A_82] : memref<10112x128xf32, #tpu.memory_space<vmem_shared>> -> memref<10112x128xf32, #tpu.memory_space<vmem_shared>>
          tpu.wait_indirect_dma semaphore(%run_scoped3A : memref<!tpu.dma_semaphore, #tpu.memory_space<semaphore_mem>>) src(%arg13 : memref<128x128xf32, #tpu.memory_space<vmem>>) dst(%dma_wait3A_83 : memref<10112x128xf32, #tpu.memory_space<vmem_shared>>)
          tpu.yield
        }) : () -> ()
        "tpu.region"() ({
          %run_scoped3A = tpu.sem_alloc : memref<!tpu.dma_semaphore, #tpu.memory_space<semaphore_mem>>
          %dma_start3A_78 = tpu.memref_slice %arg5[%add3A_63] : memref<327680xi32, #tpu.memory_space<hbm>> -> memref<128xi32, #tpu.memory_space<hbm>>
          %dma_start3A_79 = tpu.memref_slice %arg5[%add3A_63] : memref<327680xi32, #tpu.memory_space<hbm>> -> memref<128xi32, #tpu.memory_space<hbm>>
          tpu.enqueue_dma source(%dma_start3A_79 : memref<128xi32, #tpu.memory_space<hbm>>) target(%arg12 : memref<128xi32, #tpu.memory_space<vmem>>) target_semaphore(%run_scoped3A : memref<!tpu.dma_semaphore, #tpu.memory_space<semaphore_mem>>)
          %dma_wait3A_80 = tpu.memref_slice %arg5[%add3A_63] : memref<327680xi32, #tpu.memory_space<hbm>> -> memref<128xi32, #tpu.memory_space<hbm>>
          %dma_wait3A_81 = tpu.memref_slice %arg5[%add3A_63] : memref<327680xi32, #tpu.memory_space<hbm>> -> memref<128xi32, #tpu.memory_space<hbm>>
          tpu.wait_dma2 semaphore(%run_scoped3A : memref<!tpu.dma_semaphore, #tpu.memory_space<semaphore_mem>>) src(%dma_wait3A_81 : memref<128xi32, #tpu.memory_space<hbm>>) dst(%arg12 : memref<128xi32, #tpu.memory_space<vmem>>)
          tpu.yield
        }) : () -> ()
        "tpu.region"() ({
          %run_scoped3A = tpu.sem_alloc : memref<!tpu.dma_semaphore, #tpu.memory_space<semaphore_mem>>
          %dma_start3A_78 = tpu.memref_slice %arg4[%min3A] : memref<327680xi32, #tpu.memory_space<hbm>> -> memref<128xi32, #tpu.memory_space<hbm>>
          %dma_start3A_79 = tpu.memref_slice %arg4[%min3A] : memref<327680xi32, #tpu.memory_space<hbm>> -> memref<128xi32, #tpu.memory_space<hbm>>
          tpu.enqueue_dma source(%dma_start3A_79 : memref<128xi32, #tpu.memory_space<hbm>>) target(%arg9 : memref<128xi32, #tpu.memory_space<vmem>>) target_semaphore(%run_scoped3A : memref<!tpu.dma_semaphore, #tpu.memory_space<semaphore_mem>>)
          %dma_wait3A_80 = tpu.memref_slice %arg4[%min3A] : memref<327680xi32, #tpu.memory_space<hbm>> -> memref<128xi32, #tpu.memory_space<hbm>>
          %dma_wait3A_81 = tpu.memref_slice %arg4[%min3A] : memref<327680xi32, #tpu.memory_space<hbm>> -> memref<128xi32, #tpu.memory_space<hbm>>
          tpu.wait_dma2 semaphore(%run_scoped3A : memref<!tpu.dma_semaphore, #tpu.memory_space<semaphore_mem>>) src(%dma_wait3A_81 : memref<128xi32, #tpu.memory_space<hbm>>) dst(%arg9 : memref<128xi32, #tpu.memory_space<vmem>>)
          tpu.yield
        }) : () -> ()
        %dma_wait3A_72 = arith.constant 0 : i32
        %dma_wait3A_73 = arith.constant 0 : i32
        %dma_wait3A_74 = tpu.memref_slice %arg3[%dma_wait3A_72, %dma_wait3A_73] : memref<10000x128xf32, #tpu.memory_space<hbm>> -> memref<10000x128xf32, #tpu.memory_space<hbm>>
        tpu.wait_indirect_dma semaphore(%arg16 : memref<!tpu.dma_semaphore, #tpu.memory_space<semaphore_mem>>) src(%dma_wait3A_74 : memref<10000x128xf32, #tpu.memory_space<hbm>>) dst(%arg14 : memref<128x128xf32, #tpu.memory_space<vmem>>)
        %dma_start3A_75 = arith.constant 0 : i32
        %dma_start3A_76 = arith.constant 0 : i32
        %dma_start3A_77 = tpu.memref_slice %arg3[%dma_start3A_75, %dma_start3A_76] : memref<10000x128xf32, #tpu.memory_space<hbm>> -> memref<10000x128xf32, #tpu.memory_space<hbm>>
        tpu.enqueue_indirect_dma source(%dma_start3A_77 : memref<10000x128xf32, #tpu.memory_space<hbm>>) target(%arg13 : memref<128x128xf32, #tpu.memory_space<vmem>>) offsets(%arg9 : memref<128xi32, #tpu.memory_space<vmem>>) semaphore(%arg15 : memref<!tpu.dma_semaphore, #tpu.memory_space<semaphore_mem>>)
        "tpu.region"() ({
          %run_scoped3A = tpu.sem_alloc : memref<!tpu.dma_semaphore, #tpu.memory_space<semaphore_mem>>
          %dma_start3A_78 = arith.constant 0 : i32
          %dma_start3A_79 = arith.constant 0 : i32
          %dma_start3A_80 = tpu.memref_slice %arg8[%dma_start3A_78, %dma_start3A_79] : memref<10112x128xf32, #tpu.memory_space<vmem_shared>> -> memref<10112x128xf32, #tpu.memory_space<vmem_shared>>
          tpu.enqueue_indirect_dma source(%arg14 : memref<128x128xf32, #tpu.memory_space<vmem>>) target(%dma_start3A_80 : memref<10112x128xf32, #tpu.memory_space<vmem_shared>>) offsets(%arg12 : memref<128xi32, #tpu.memory_space<vmem>>) semaphore(%run_scoped3A : memref<!tpu.dma_semaphore, #tpu.memory_space<semaphore_mem>>) {add = true}
          %dma_wait3A_81 = arith.constant 0 : i32
          %dma_wait3A_82 = arith.constant 0 : i32
          %dma_wait3A_83 = tpu.memref_slice %arg8[%dma_wait3A_81, %dma_wait3A_82] : memref<10112x128xf32, #tpu.memory_space<vmem_shared>> -> memref<10112x128xf32, #tpu.memory_space<vmem_shared>>
          tpu.wait_indirect_dma semaphore(%run_scoped3A : memref<!tpu.dma_semaphore, #tpu.memory_space<semaphore_mem>>) src(%arg14 : memref<128x128xf32, #tpu.memory_space<vmem>>) dst(%dma_wait3A_83 : memref<10112x128xf32, #tpu.memory_space<vmem_shared>>)
          tpu.yield
        }) : () -> ()
      }
      %scan3A_53 = arith.constant 80 : i32
      %dma_wait3A = arith.constant 0 : i32
      %dma_wait3A_54 = arith.constant 0 : i32
      %dma_wait3A_55 = tpu.memref_slice %arg3[%dma_wait3A, %dma_wait3A_54] : memref<10000x128xf32, #tpu.memory_space<hbm>> -> memref<10000x128xf32, #tpu.memory_space<hbm>>
      tpu.wait_indirect_dma semaphore(%arg15 : memref<!tpu.dma_semaphore, #tpu.memory_space<semaphore_mem>>) src(%dma_wait3A_55 : memref<10000x128xf32, #tpu.memory_space<hbm>>) dst(%arg13 : memref<128x128xf32, #tpu.memory_space<vmem>>)
    } else {
    }
    %barrier3A_25 = arith.constant 0 : index
    tpu.barrier barrier_id(%barrier3A_25)
    %lt3A = arith.constant 15 : i32
    %lt3A_26 = arith.cmpi slt, %arg1, %lt3A : i32
    %and3A = arith.andi %lt3A_26, %eq3A_0 : i1
    %convert_element_type3A_27 = arith.extui %and3A : i1 to i32
    %cond3A_28 = arith.constant 0 : i32
    %cond3A_29 = arith.cmpi ne, %convert_element_type3A_27, %cond3A_28 : i32
    scf.if %cond3A_29 {
      "tpu.region"() ({
        %run_scoped3A = tpu.sem_alloc : memref<!tpu.dma_semaphore, #tpu.memory_space<semaphore_mem>>
        %dma_start3A = arith.constant 0 : i32
        %dma_start3A_44 = tpu.memref_slice %arg6[%mul3A_9, %dma_start3A] : memref<10000x128xf32, #tpu.memory_space<hbm>> -> memref<632x128xf32, #tpu.memory_space<hbm>>
        %dma_start3A_45 = arith.constant 0 : i32
        %dma_start3A_46 = tpu.memref_slice %arg8[%mul3A_9, %dma_start3A_45] : memref<10112x128xf32, #tpu.memory_space<vmem_shared>> -> memref<632x128xf32, #tpu.memory_space<vmem_shared>>
        tpu.enqueue_dma source(%dma_start3A_46 : memref<632x128xf32, #tpu.memory_space<vmem_shared>>) target(%dma_start3A_44 : memref<632x128xf32, #tpu.memory_space<hbm>>) target_semaphore(%run_scoped3A : memref<!tpu.dma_semaphore, #tpu.memory_space<semaphore_mem>>)
        %dma_wait3A = arith.constant 0 : i32
        %dma_wait3A_47 = tpu.memref_slice %arg6[%mul3A_9, %dma_wait3A] : memref<10000x128xf32, #tpu.memory_space<hbm>> -> memref<632x128xf32, #tpu.memory_space<hbm>>
        %dma_wait3A_48 = arith.constant 0 : i32
        %dma_wait3A_49 = tpu.memref_slice %arg8[%mul3A_9, %dma_wait3A_48] : memref<10112x128xf32, #tpu.memory_space<vmem_shared>> -> memref<632x128xf32, #tpu.memory_space<vmem_shared>>
        tpu.wait_dma2 semaphore(%run_scoped3A : memref<!tpu.dma_semaphore, #tpu.memory_space<semaphore_mem>>) src(%dma_wait3A_49 : memref<632x128xf32, #tpu.memory_space<vmem_shared>>) dst(%dma_wait3A_47 : memref<632x128xf32, #tpu.memory_space<hbm>>)
        tpu.yield
      }) : () -> ()
    } else {
    }
    %and3A_30 = arith.andi %lt3A_26, %eq3A_2 : i1
    %convert_element_type3A_31 = arith.extui %and3A_30 : i1 to i32
    %cond3A_32 = arith.constant 0 : i32
    %cond3A_33 = arith.cmpi ne, %convert_element_type3A_31, %cond3A_32 : i32
    scf.if %cond3A_33 {
      "tpu.region"() ({
        %run_scoped3A = tpu.sem_alloc : memref<!tpu.dma_semaphore, #tpu.memory_space<semaphore_mem>>
        %dma_start3A = arith.constant 0 : i32
        %dma_start3A_44 = tpu.memref_slice %arg7[%mul3A_9, %dma_start3A] : memref<10000x128xf32, #tpu.memory_space<hbm>> -> memref<632x128xf32, #tpu.memory_space<hbm>>
        %dma_start3A_45 = arith.constant 0 : i32
        %dma_start3A_46 = tpu.memref_slice %arg8[%mul3A_9, %dma_start3A_45] : memref<10112x128xf32, #tpu.memory_space<vmem_shared>> -> memref<632x128xf32, #tpu.memory_space<vmem_shared>>
        tpu.enqueue_dma source(%dma_start3A_46 : memref<632x128xf32, #tpu.memory_space<vmem_shared>>) target(%dma_start3A_44 : memref<632x128xf32, #tpu.memory_space<hbm>>) target_semaphore(%run_scoped3A : memref<!tpu.dma_semaphore, #tpu.memory_space<semaphore_mem>>)
        %dma_wait3A = arith.constant 0 : i32
        %dma_wait3A_47 = tpu.memref_slice %arg7[%mul3A_9, %dma_wait3A] : memref<10000x128xf32, #tpu.memory_space<hbm>> -> memref<632x128xf32, #tpu.memory_space<hbm>>
        %dma_wait3A_48 = arith.constant 0 : i32
        %dma_wait3A_49 = tpu.memref_slice %arg8[%mul3A_9, %dma_wait3A_48] : memref<10112x128xf32, #tpu.memory_space<vmem_shared>> -> memref<632x128xf32, #tpu.memory_space<vmem_shared>>
        tpu.wait_dma2 semaphore(%run_scoped3A : memref<!tpu.dma_semaphore, #tpu.memory_space<semaphore_mem>>) src(%dma_wait3A_49 : memref<632x128xf32, #tpu.memory_space<vmem_shared>>) dst(%dma_wait3A_47 : memref<632x128xf32, #tpu.memory_space<hbm>>)
        tpu.yield
      }) : () -> ()
    } else {
    }
    %eq3A_34 = arith.constant 15 : i32
    %eq3A_35 = arith.cmpi eq, %arg1, %eq3A_34 : i32
    %and3A_36 = arith.andi %eq3A_35, %eq3A_0 : i1
    %convert_element_type3A_37 = arith.extui %and3A_36 : i1 to i32
    %cond3A_38 = arith.constant 0 : i32
    %cond3A_39 = arith.cmpi ne, %convert_element_type3A_37, %cond3A_38 : i32
    scf.if %cond3A_39 {
      "tpu.region"() ({
        %run_scoped3A = tpu.sem_alloc : memref<!tpu.dma_semaphore, #tpu.memory_space<semaphore_mem>>
        %dma_start3A = arith.constant 9480 : i32
        %dma_start3A_44 = arith.constant 0 : i32
        %dma_start3A_45 = tpu.memref_slice %arg6[%dma_start3A, %dma_start3A_44] : memref<10000x128xf32, #tpu.memory_space<hbm>> -> memref<520x128xf32, #tpu.memory_space<hbm>>
        %dma_start3A_46 = arith.constant 9480 : i32
        %dma_start3A_47 = arith.constant 0 : i32
        %dma_start3A_48 = tpu.memref_slice %arg8[%dma_start3A_46, %dma_start3A_47] : memref<10112x128xf32, #tpu.memory_space<vmem_shared>> -> memref<520x128xf32, #tpu.memory_space<vmem_shared>>
        tpu.enqueue_dma source(%dma_start3A_48 : memref<520x128xf32, #tpu.memory_space<vmem_shared>>) target(%dma_start3A_45 : memref<520x128xf32, #tpu.memory_space<hbm>>) target_semaphore(%run_scoped3A : memref<!tpu.dma_semaphore, #tpu.memory_space<semaphore_mem>>)
        %dma_wait3A = arith.constant 9480 : i32
        %dma_wait3A_49 = arith.constant 0 : i32
        %dma_wait3A_50 = tpu.memref_slice %arg6[%dma_wait3A, %dma_wait3A_49] : memref<10000x128xf32, #tpu.memory_space<hbm>> -> memref<520x128xf32, #tpu.memory_space<hbm>>
        %dma_wait3A_51 = arith.constant 9480 : i32
        %dma_wait3A_52 = arith.constant 0 : i32
        %dma_wait3A_53 = tpu.memref_slice %arg8[%dma_wait3A_51, %dma_wait3A_52] : memref<10112x128xf32, #tpu.memory_space<vmem_shared>> -> memref<520x128xf32, #tpu.memory_space<vmem_shared>>
        tpu.wait_dma2 semaphore(%run_scoped3A : memref<!tpu.dma_semaphore, #tpu.memory_space<semaphore_mem>>) src(%dma_wait3A_53 : memref<520x128xf32, #tpu.memory_space<vmem_shared>>) dst(%dma_wait3A_50 : memref<520x128xf32, #tpu.memory_space<hbm>>)
        tpu.yield
      }) : () -> ()
    } else {
    }
    %and3A_40 = arith.andi %eq3A_35, %eq3A_2 : i1
    %convert_element_type3A_41 = arith.extui %and3A_40 : i1 to i32
    %cond3A_42 = arith.constant 0 : i32
    %cond3A_43 = arith.cmpi ne, %convert_element_type3A_41, %cond3A_42 : i32
    scf.if %cond3A_43 {
      "tpu.region"() ({
        %run_scoped3A = tpu.sem_alloc : memref<!tpu.dma_semaphore, #tpu.memory_space<semaphore_mem>>
        %dma_start3A = arith.constant 9480 : i32
        %dma_start3A_44 = arith.constant 0 : i32
        %dma_start3A_45 = tpu.memref_slice %arg7[%dma_start3A, %dma_start3A_44] : memref<10000x128xf32, #tpu.memory_space<hbm>> -> memref<520x128xf32, #tpu.memory_space<hbm>>
        %dma_start3A_46 = arith.constant 9480 : i32
        %dma_start3A_47 = arith.constant 0 : i32
        %dma_start3A_48 = tpu.memref_slice %arg8[%dma_start3A_46, %dma_start3A_47] : memref<10112x128xf32, #tpu.memory_space<vmem_shared>> -> memref<520x128xf32, #tpu.memory_space<vmem_shared>>
        tpu.enqueue_dma source(%dma_start3A_48 : memref<520x128xf32, #tpu.memory_space<vmem_shared>>) target(%dma_start3A_45 : memref<520x128xf32, #tpu.memory_space<hbm>>) target_semaphore(%run_scoped3A : memref<!tpu.dma_semaphore, #tpu.memory_space<semaphore_mem>>)
        %dma_wait3A = arith.constant 9480 : i32
        %dma_wait3A_49 = arith.constant 0 : i32
        %dma_wait3A_50 = tpu.memref_slice %arg7[%dma_wait3A, %dma_wait3A_49] : memref<10000x128xf32, #tpu.memory_space<hbm>> -> memref<520x128xf32, #tpu.memory_space<hbm>>
        %dma_wait3A_51 = arith.constant 9480 : i32
        %dma_wait3A_52 = arith.constant 0 : i32
        %dma_wait3A_53 = tpu.memref_slice %arg8[%dma_wait3A_51, %dma_wait3A_52] : memref<10112x128xf32, #tpu.memory_space<vmem_shared>> -> memref<520x128xf32, #tpu.memory_space<vmem_shared>>
        tpu.wait_dma2 semaphore(%run_scoped3A : memref<!tpu.dma_semaphore, #tpu.memory_space<semaphore_mem>>) src(%dma_wait3A_53 : memref<520x128xf32, #tpu.memory_space<vmem_shared>>) dst(%dma_wait3A_50 : memref<520x128xf32, #tpu.memory_space<hbm>>)
        tpu.yield
      }) : () -> ()
    } else {
    }
    return
  }
}

module attributes {stable_mosaic.version = 14 : i64} {
  func.func @bodyfn(%arg0: i32, %arg1: memref<256x128xf32, #tpu.memory_space<vmem>>, %arg2: memref<256x128xf32, #tpu.memory_space<vmem>>, %arg3: memref<256x1xf32, #tpu.memory_space<vmem>>, %arg4: memref<256x1xf32, #tpu.memory_space<vmem>>, %arg5: memref<256x128xf32, #tpu.memory_space<vmem>>, %arg6: memref<128x256xf32, #tpu.memory_space<vmem>>, %arg7: memref<128x256xf32, #tpu.memory_space<vmem>>, %arg8: memref<1x256xf32, #tpu.memory_space<vmem>>, %arg9: memref<256x128xf32, #tpu.memory_space<vmem>>, %arg10: memref<256x128xf32, #tpu.memory_space<vmem>>) attributes {dimension_semantics = [#tpu.dimension_semantics<arbitrary>], iteration_bounds = array<i64: 40>, scalar_prefetch = 0 : i64, scratch_operands = 0 : i64, tpu.core_type = #tpu.core_type<tc>, window_params = [{transform_indices = @transform_0, window_bounds = array<i64: 256, 128>}, {transform_indices = @transform_1, window_bounds = array<i64: 256, 128>}, {transform_indices = @transform_2, window_bounds = array<i64: 256, 1>}, {transform_indices = @transform_3, window_bounds = array<i64: 256, 1>}, {transform_indices = @transform_4, window_bounds = array<i64: 256, 128>}, {pipeline_mode = #tpu.pipeline_mode<synchronous>, transform_indices = @transform_5, window_bounds = array<i64: 128, 256>}, {pipeline_mode = #tpu.pipeline_mode<synchronous>, transform_indices = @transform_6, window_bounds = array<i64: 128, 256>}, {pipeline_mode = #tpu.pipeline_mode<synchronous>, transform_indices = @transform_7, window_bounds = array<i64: 1, 256>}, {transform_indices = @transform_8, window_bounds = array<i64: 256, 128>}, {transform_indices = @transform_9, window_bounds = array<i64: 256, 128>}]} {
    %get3A = arith.constant 0 : index
    %get3A_0 = arith.constant 0 : index
    %get3A_1 = vector.load %arg3[%get3A, %get3A_0] : memref<256x1xf32, #tpu.memory_space<vmem>>, vector<256x1xf32>
    %get3A_2 = arith.constant 0 : index
    %get3A_3 = arith.constant 0 : index
    %get3A_4 = vector.load %arg4[%get3A_2, %get3A_3] : memref<256x1xf32, #tpu.memory_space<vmem>>, vector<256x1xf32>
    %add3A = arith.addf %get3A_1, %get3A_4 : vector<256x1xf32>
    %max3A = arith.constant 1.000000e+00 : f32
    %max3A_5 = vector.broadcast %max3A : f32 to vector<256x1xf32>
    %max3A_6 = arith.maximumf %add3A, %max3A_5 : vector<256x1xf32>
    %div3A = arith.constant 1.000000e+00 : f32
    %div3A_7 = vector.broadcast %div3A : f32 to vector<256x1xf32>
    %div3A_8 = arith.divf %div3A_7, %max3A_6 : vector<256x1xf32>
    %get3A_9 = arith.constant 0 : index
    %get3A_10 = arith.constant 0 : index
    %get3A_11 = vector.load %arg1[%get3A_9, %get3A_10] : memref<256x128xf32, #tpu.memory_space<vmem>>, vector<256x128xf32>
    %get3A_12 = arith.constant 0 : index
    %get3A_13 = arith.constant 0 : index
    %get3A_14 = vector.load %arg2[%get3A_12, %get3A_13] : memref<256x128xf32, #tpu.memory_space<vmem>>, vector<256x128xf32>
    %add3A_15 = arith.addf %get3A_11, %get3A_14 : vector<256x128xf32>
    %mul3A = vector.broadcast %div3A_8 : vector<256x1xf32> to vector<256x128xf32>
    %mul3A_16 = arith.mulf %add3A_15, %mul3A : vector<256x128xf32>
    %get3A_17 = arith.constant 0 : index
    %get3A_18 = arith.constant 0 : index
    %get3A_19 = vector.load %arg6[%get3A_17, %get3A_18] : memref<128x256xf32, #tpu.memory_space<vmem>>, vector<128x256xf32>
    %dot_general3A = arith.constant dense<0.000000e+00> : vector<256x256xf32>
    %dot_general3A_20 = tpu.matmul %mul3A_16, %get3A_19, %dot_general3A {dimension_numbers = #tpu.dot_dimension_numbers<[1], [0], [0], [1], [0, 0, 1, 1], [], []>, transpose_lhs_hint = false} : vector<256x128xf32>, vector<128x256xf32>, vector<256x256xf32> -> vector<256x256xf32>
    %get3A_21 = arith.constant 0 : index
    %get3A_22 = arith.constant 0 : index
    %get3A_23 = vector.load %arg5[%get3A_21, %get3A_22] : memref<256x128xf32, #tpu.memory_space<vmem>>, vector<256x128xf32>
    %get3A_24 = arith.constant 0 : index
    %get3A_25 = arith.constant 0 : index
    %get3A_26 = vector.load %arg7[%get3A_24, %get3A_25] : memref<128x256xf32, #tpu.memory_space<vmem>>, vector<128x256xf32>
    %dot_general3A_27 = arith.constant dense<0.000000e+00> : vector<256x256xf32>
    %dot_general3A_28 = tpu.matmul %get3A_23, %get3A_26, %dot_general3A_27 {dimension_numbers = #tpu.dot_dimension_numbers<[1], [0], [0], [1], [0, 0, 1, 1], [], []>, transpose_lhs_hint = false} : vector<256x128xf32>, vector<128x256xf32>, vector<256x256xf32> -> vector<256x256xf32>
    %add3A_29 = arith.addf %dot_general3A_20, %dot_general3A_28 : vector<256x256xf32>
    %get3A_30 = arith.constant 0 : index
    %get3A_31 = arith.constant 0 : index
    %get3A_32 = vector.load %arg8[%get3A_30, %get3A_31] : memref<1x256xf32, #tpu.memory_space<vmem>>, vector<1x256xf32>
    %add3A_33 = vector.broadcast %get3A_32 : vector<1x256xf32> to vector<256x256xf32>
    %add3A_34 = arith.addf %add3A_29, %add3A_33 : vector<256x256xf32>
    %max3A_35 = arith.constant 0.000000e+00 : f32
    %max3A_36 = vector.broadcast %max3A_35 : f32 to vector<256x256xf32>
    %max3A_37 = arith.maximumf %add3A_34, %max3A_36 : vector<256x256xf32>
    %slice3A = vector.extract_strided_slice %max3A_37 {offsets = [0, 0], sizes = [256, 128], strides = [1, 1]} : vector<256x256xf32> to vector<256x128xf32>
    %swap3A = arith.constant 0 : index
    %swap3A_38 = arith.constant 0 : index
    %swap3A_39 = vector.load %arg9[%swap3A, %swap3A_38] : memref<256x128xf32, #tpu.memory_space<vmem>>, vector<256x128xf32>
    tpu.vector_store %arg9[%swap3A, %swap3A_38], %slice3A {strides = array<i32>} : memref<256x128xf32, #tpu.memory_space<vmem>>, vector<256x128xf32>,
    %slice3A_40 = vector.extract_strided_slice %max3A_37 {offsets = [0, 128], sizes = [256, 128], strides = [1, 1]} : vector<256x256xf32> to vector<256x128xf32>
    %swap3A_41 = arith.constant 0 : index
    %swap3A_42 = arith.constant 0 : index
    %swap3A_43 = vector.load %arg10[%swap3A_41, %swap3A_42] : memref<256x128xf32, #tpu.memory_space<vmem>>, vector<256x128xf32>
    tpu.vector_store %arg10[%swap3A_41, %swap3A_42], %slice3A_40 {strides = array<i32>} : memref<256x128xf32, #tpu.memory_space<vmem>>, vector<256x128xf32>,
    return
  }
  func.func @transform_0(%arg0: i32) -> (i32, i32) {
    %c0_i32 = arith.constant 0 : i32
    %c0_i32_0 = arith.constant 0 : i32
    return %arg0, %c0_i32 : i32, i32
  }
  func.func @transform_1(%arg0: i32) -> (i32, i32) {
    %c0_i32 = arith.constant 0 : i32
    %c0_i32_0 = arith.constant 0 : i32
    return %arg0, %c0_i32 : i32, i32
  }
  func.func @transform_2(%arg0: i32) -> (i32, i32) {
    %c0_i32 = arith.constant 0 : i32
    %c0_i32_0 = arith.constant 0 : i32
    return %arg0, %c0_i32 : i32, i32
  }
  func.func @transform_3(%arg0: i32) -> (i32, i32) {
    %c0_i32 = arith.constant 0 : i32
    %c0_i32_0 = arith.constant 0 : i32
    return %arg0, %c0_i32 : i32, i32
  }
  func.func @transform_4(%arg0: i32) -> (i32, i32) {
    %c0_i32 = arith.constant 0 : i32
    %c0_i32_0 = arith.constant 0 : i32
    return %arg0, %c0_i32 : i32, i32
  }
  func.func @transform_5(%arg0: i32) -> (i32, i32) {
    %c0_i32 = arith.constant 0 : i32
    %c0_i32_0 = arith.constant 0 : i32
    %c0_i32_1 = arith.constant 0 : i32
    return %c0_i32, %c0_i32_0 : i32, i32
  }
  func.func @transform_6(%arg0: i32) -> (i32, i32) {
    %c0_i32 = arith.constant 0 : i32
    %c0_i32_0 = arith.constant 0 : i32
    %c0_i32_1 = arith.constant 0 : i32
    return %c0_i32, %c0_i32_0 : i32, i32
  }
  func.func @transform_7(%arg0: i32) -> (i32, i32) {
    %c0_i32 = arith.constant 0 : i32
    %c0_i32_0 = arith.constant 0 : i32
    %c0_i32_1 = arith.constant 0 : i32
    return %c0_i32, %c0_i32_0 : i32, i32
  }
  func.func @transform_8(%arg0: i32) -> (i32, i32) {
    %c0_i32 = arith.constant 0 : i32
    %c0_i32_0 = arith.constant 0 : i32
    return %arg0, %c0_i32 : i32, i32
  }
  func.func @transform_9(%arg0: i32) -> (i32, i32) {
    %c0_i32 = arith.constant 0 : i32
    %c0_i32_0 = arith.constant 0 : i32
    return %arg0, %c0_i32 : i32, i32
  }
}

module attributes {stable_mosaic.version = 14 : i64} {
  func.func @bodyfn(%arg0: i32, %arg1: memref<256x128xf32, #tpu.memory_space<vmem>>, %arg2: memref<256x128xf32, #tpu.memory_space<vmem>>, %arg3: memref<256x1xf32, #tpu.memory_space<vmem>>, %arg4: memref<256x1xf32, #tpu.memory_space<vmem>>, %arg5: memref<256x128xf32, #tpu.memory_space<vmem>>, %arg6: memref<256x128xf32, #tpu.memory_space<vmem>>, %arg7: memref<128x256xf32, #tpu.memory_space<vmem>>, %arg8: memref<128x256xf32, #tpu.memory_space<vmem>>, %arg9: memref<128x256xf32, #tpu.memory_space<vmem>>, %arg10: memref<128x256xf32, #tpu.memory_space<vmem>>, %arg11: memref<1x256xf32, #tpu.memory_space<vmem>>, %arg12: memref<256x128xf32, #tpu.memory_space<vmem>>, %arg13: memref<256x128xf32, #tpu.memory_space<vmem>>) attributes {dimension_semantics = [#tpu.dimension_semantics<arbitrary>], iteration_bounds = array<i64: 40>, scalar_prefetch = 0 : i64, scratch_operands = 0 : i64, tpu.core_type = #tpu.core_type<tc>, window_params = [{transform_indices = @transform_0, window_bounds = array<i64: 256, 128>}, {transform_indices = @transform_1, window_bounds = array<i64: 256, 128>}, {transform_indices = @transform_2, window_bounds = array<i64: 256, 1>}, {transform_indices = @transform_3, window_bounds = array<i64: 256, 1>}, {transform_indices = @transform_4, window_bounds = array<i64: 256, 128>}, {transform_indices = @transform_5, window_bounds = array<i64: 256, 128>}, {pipeline_mode = #tpu.pipeline_mode<synchronous>, transform_indices = @transform_6, window_bounds = array<i64: 128, 256>}, {pipeline_mode = #tpu.pipeline_mode<synchronous>, transform_indices = @transform_7, window_bounds = array<i64: 128, 256>}, {pipeline_mode = #tpu.pipeline_mode<synchronous>, transform_indices = @transform_8, window_bounds = array<i64: 128, 256>}, {pipeline_mode = #tpu.pipeline_mode<synchronous>, transform_indices = @transform_9, window_bounds = array<i64: 128, 256>}, {pipeline_mode = #tpu.pipeline_mode<synchronous>, transform_indices = @transform_10, window_bounds = array<i64: 1, 256>}, {transform_indices = @transform_11, window_bounds = array<i64: 256, 128>}, {transform_indices = @transform_12, window_bounds = array<i64: 256, 128>}]} {
    %get3A = arith.constant 0 : index
    %get3A_0 = arith.constant 0 : index
    %get3A_1 = vector.load %arg3[%get3A, %get3A_0] : memref<256x1xf32, #tpu.memory_space<vmem>>, vector<256x1xf32>
    %get3A_2 = arith.constant 0 : index
    %get3A_3 = arith.constant 0 : index
    %get3A_4 = vector.load %arg4[%get3A_2, %get3A_3] : memref<256x1xf32, #tpu.memory_space<vmem>>, vector<256x1xf32>
    %add3A = arith.addf %get3A_1, %get3A_4 : vector<256x1xf32>
    %max3A = arith.constant 1.000000e+00 : f32
    %max3A_5 = vector.broadcast %max3A : f32 to vector<256x1xf32>
    %max3A_6 = arith.maximumf %add3A, %max3A_5 : vector<256x1xf32>
    %div3A = arith.constant 1.000000e+00 : f32
    %div3A_7 = vector.broadcast %div3A : f32 to vector<256x1xf32>
    %div3A_8 = arith.divf %div3A_7, %max3A_6 : vector<256x1xf32>
    %get3A_9 = arith.constant 0 : index
    %get3A_10 = arith.constant 0 : index
    %get3A_11 = vector.load %arg1[%get3A_9, %get3A_10] : memref<256x128xf32, #tpu.memory_space<vmem>>, vector<256x128xf32>
    %mul3A = vector.broadcast %div3A_8 : vector<256x1xf32> to vector<256x128xf32>
    %mul3A_12 = arith.mulf %get3A_11, %mul3A : vector<256x128xf32>
    %get3A_13 = arith.constant 0 : index
    %get3A_14 = arith.constant 0 : index
    %get3A_15 = vector.load %arg7[%get3A_13, %get3A_14] : memref<128x256xf32, #tpu.memory_space<vmem>>, vector<128x256xf32>
    %dot_general3A = arith.constant dense<0.000000e+00> : vector<256x256xf32>
    %dot_general3A_16 = tpu.matmul %mul3A_12, %get3A_15, %dot_general3A {dimension_numbers = #tpu.dot_dimension_numbers<[1], [0], [0], [1], [0, 0, 1, 1], [], []>, transpose_lhs_hint = false} : vector<256x128xf32>, vector<128x256xf32>, vector<256x256xf32> -> vector<256x256xf32>
    %get3A_17 = arith.constant 0 : index
    %get3A_18 = arith.constant 0 : index
    %get3A_19 = vector.load %arg2[%get3A_17, %get3A_18] : memref<256x128xf32, #tpu.memory_space<vmem>>, vector<256x128xf32>
    %mul3A_20 = vector.broadcast %div3A_8 : vector<256x1xf32> to vector<256x128xf32>
    %mul3A_21 = arith.mulf %get3A_19, %mul3A_20 : vector<256x128xf32>
    %get3A_22 = arith.constant 0 : index
    %get3A_23 = arith.constant 0 : index
    %get3A_24 = vector.load %arg8[%get3A_22, %get3A_23] : memref<128x256xf32, #tpu.memory_space<vmem>>, vector<128x256xf32>
    %dot_general3A_25 = arith.constant dense<0.000000e+00> : vector<256x256xf32>
    %dot_general3A_26 = tpu.matmul %mul3A_21, %get3A_24, %dot_general3A_25 {dimension_numbers = #tpu.dot_dimension_numbers<[1], [0], [0], [1], [0, 0, 1, 1], [], []>, transpose_lhs_hint = false} : vector<256x128xf32>, vector<128x256xf32>, vector<256x256xf32> -> vector<256x256xf32>
    %add3A_27 = arith.addf %dot_general3A_16, %dot_general3A_26 : vector<256x256xf32>
    %get3A_28 = arith.constant 0 : index
    %get3A_29 = arith.constant 0 : index
    %get3A_30 = vector.load %arg5[%get3A_28, %get3A_29] : memref<256x128xf32, #tpu.memory_space<vmem>>, vector<256x128xf32>
    %get3A_31 = arith.constant 0 : index
    %get3A_32 = arith.constant 0 : index
    %get3A_33 = vector.load %arg9[%get3A_31, %get3A_32] : memref<128x256xf32, #tpu.memory_space<vmem>>, vector<128x256xf32>
    %dot_general3A_34 = arith.constant dense<0.000000e+00> : vector<256x256xf32>
    %dot_general3A_35 = tpu.matmul %get3A_30, %get3A_33, %dot_general3A_34 {dimension_numbers = #tpu.dot_dimension_numbers<[1], [0], [0], [1], [0, 0, 1, 1], [], []>, transpose_lhs_hint = false} : vector<256x128xf32>, vector<128x256xf32>, vector<256x256xf32> -> vector<256x256xf32>
    %add3A_36 = arith.addf %add3A_27, %dot_general3A_35 : vector<256x256xf32>
    %get3A_37 = arith.constant 0 : index
    %get3A_38 = arith.constant 0 : index
    %get3A_39 = vector.load %arg6[%get3A_37, %get3A_38] : memref<256x128xf32, #tpu.memory_space<vmem>>, vector<256x128xf32>
    %get3A_40 = arith.constant 0 : index
    %get3A_41 = arith.constant 0 : index
    %get3A_42 = vector.load %arg10[%get3A_40, %get3A_41] : memref<128x256xf32, #tpu.memory_space<vmem>>, vector<128x256xf32>
    %dot_general3A_43 = arith.constant dense<0.000000e+00> : vector<256x256xf32>
    %dot_general3A_44 = tpu.matmul %get3A_39, %get3A_42, %dot_general3A_43 {dimension_numbers = #tpu.dot_dimension_numbers<[1], [0], [0], [1], [0, 0, 1, 1], [], []>, transpose_lhs_hint = false} : vector<256x128xf32>, vector<128x256xf32>, vector<256x256xf32> -> vector<256x256xf32>
    %add3A_45 = arith.addf %add3A_36, %dot_general3A_44 : vector<256x256xf32>
    %get3A_46 = arith.constant 0 : index
    %get3A_47 = arith.constant 0 : index
    %get3A_48 = vector.load %arg11[%get3A_46, %get3A_47] : memref<1x256xf32, #tpu.memory_space<vmem>>, vector<1x256xf32>
    %add3A_49 = vector.broadcast %get3A_48 : vector<1x256xf32> to vector<256x256xf32>
    %add3A_50 = arith.addf %add3A_45, %add3A_49 : vector<256x256xf32>
    %max3A_51 = arith.constant 0.000000e+00 : f32
    %max3A_52 = vector.broadcast %max3A_51 : f32 to vector<256x256xf32>
    %max3A_53 = arith.maximumf %add3A_50, %max3A_52 : vector<256x256xf32>
    %slice3A = vector.extract_strided_slice %max3A_53 {offsets = [0, 0], sizes = [256, 128], strides = [1, 1]} : vector<256x256xf32> to vector<256x128xf32>
    %swap3A = arith.constant 0 : index
    %swap3A_54 = arith.constant 0 : index
    %swap3A_55 = vector.load %arg12[%swap3A, %swap3A_54] : memref<256x128xf32, #tpu.memory_space<vmem>>, vector<256x128xf32>
    tpu.vector_store %arg12[%swap3A, %swap3A_54], %slice3A {strides = array<i32>} : memref<256x128xf32, #tpu.memory_space<vmem>>, vector<256x128xf32>,
    %slice3A_56 = vector.extract_strided_slice %max3A_53 {offsets = [0, 128], sizes = [256, 128], strides = [1, 1]} : vector<256x256xf32> to vector<256x128xf32>
    %swap3A_57 = arith.constant 0 : index
    %swap3A_58 = arith.constant 0 : index
    %swap3A_59 = vector.load %arg13[%swap3A_57, %swap3A_58] : memref<256x128xf32, #tpu.memory_space<vmem>>, vector<256x128xf32>
    tpu.vector_store %arg13[%swap3A_57, %swap3A_58], %slice3A_56 {strides = array<i32>} : memref<256x128xf32, #tpu.memory_space<vmem>>, vector<256x128xf32>,
    return
  }
  func.func @transform_0(%arg0: i32) -> (i32, i32) {
    %c0_i32 = arith.constant 0 : i32
    %c0_i32_0 = arith.constant 0 : i32
    return %arg0, %c0_i32 : i32, i32
  }
  func.func @transform_1(%arg0: i32) -> (i32, i32) {
    %c0_i32 = arith.constant 0 : i32
    %c0_i32_0 = arith.constant 0 : i32
    return %arg0, %c0_i32 : i32, i32
  }
  func.func @transform_2(%arg0: i32) -> (i32, i32) {
    %c0_i32 = arith.constant 0 : i32
    %c0_i32_0 = arith.constant 0 : i32
    return %arg0, %c0_i32 : i32, i32
  }
  func.func @transform_3(%arg0: i32) -> (i32, i32) {
    %c0_i32 = arith.constant 0 : i32
    %c0_i32_0 = arith.constant 0 : i32
    return %arg0, %c0_i32 : i32, i32
  }
  func.func @transform_4(%arg0: i32) -> (i32, i32) {
    %c0_i32 = arith.constant 0 : i32
    %c0_i32_0 = arith.constant 0 : i32
    return %arg0, %c0_i32 : i32, i32
  }
  func.func @transform_5(%arg0: i32) -> (i32, i32) {
    %c0_i32 = arith.constant 0 : i32
    %c0_i32_0 = arith.constant 0 : i32
    return %arg0, %c0_i32 : i32, i32
  }
  func.func @transform_6(%arg0: i32) -> (i32, i32) {
    %c0_i32 = arith.constant 0 : i32
    %c0_i32_0 = arith.constant 0 : i32
    %c0_i32_1 = arith.constant 0 : i32
    return %c0_i32, %c0_i32_0 : i32, i32
  }
  func.func @transform_7(%arg0: i32) -> (i32, i32) {
    %c0_i32 = arith.constant 0 : i32
    %c0_i32_0 = arith.constant 0 : i32
    %c0_i32_1 = arith.constant 0 : i32
    return %c0_i32, %c0_i32_0 : i32, i32
  }
  func.func @transform_8(%arg0: i32) -> (i32, i32) {
    %c0_i32 = arith.constant 0 : i32
    %c0_i32_0 = arith.constant 0 : i32
    %c0_i32_1 = arith.constant 0 : i32
    return %c0_i32, %c0_i32_0 : i32, i32
  }
  func.func @transform_9(%arg0: i32) -> (i32, i32) {
    %c0_i32 = arith.constant 0 : i32
    %c0_i32_0 = arith.constant 0 : i32
    %c0_i32_1 = arith.constant 0 : i32
    return %c0_i32, %c0_i32_0 : i32, i32
  }
  func.func @transform_10(%arg0: i32) -> (i32, i32) {
    %c0_i32 = arith.constant 0 : i32
    %c0_i32_0 = arith.constant 0 : i32
    %c0_i32_1 = arith.constant 0 : i32
    return %c0_i32, %c0_i32_0 : i32, i32
  }
  func.func @transform_11(%arg0: i32) -> (i32, i32) {
    %c0_i32 = arith.constant 0 : i32
    %c0_i32_0 = arith.constant 0 : i32
    return %arg0, %c0_i32 : i32, i32
  }
  func.func @transform_12(%arg0: i32) -> (i32, i32) {
    %c0_i32 = arith.constant 0 : i32
    %c0_i32_0 = arith.constant 0 : i32
    return %arg0, %c0_i32 : i32, i32
  }
}

module attributes {stable_mosaic.version = 14 : i64} {
  func.func @bodyfn(%arg0: i32, %arg1: memref<256x128xf32, #tpu.memory_space<vmem>>, %arg2: memref<256x128xf32, #tpu.memory_space<vmem>>, %arg3: memref<256x1xf32, #tpu.memory_space<vmem>>, %arg4: memref<256x1xf32, #tpu.memory_space<vmem>>, %arg5: memref<256x128xf32, #tpu.memory_space<vmem>>, %arg6: memref<256x128xf32, #tpu.memory_space<vmem>>, %arg7: memref<128x256xf32, #tpu.memory_space<vmem>>, %arg8: memref<128x256xf32, #tpu.memory_space<vmem>>, %arg9: memref<128x256xf32, #tpu.memory_space<vmem>>, %arg10: memref<128x256xf32, #tpu.memory_space<vmem>>, %arg11: memref<1x256xf32, #tpu.memory_space<vmem>>, %arg12: memref<256x128xf32, #tpu.memory_space<vmem>>, %arg13: memref<256x128xf32, #tpu.memory_space<vmem>>) attributes {dimension_semantics = [#tpu.dimension_semantics<arbitrary>], iteration_bounds = array<i64: 40>, scalar_prefetch = 0 : i64, scratch_operands = 0 : i64, tpu.core_type = #tpu.core_type<tc>, window_params = [{transform_indices = @transform_0, window_bounds = array<i64: 256, 128>}, {transform_indices = @transform_1, window_bounds = array<i64: 256, 128>}, {transform_indices = @transform_2, window_bounds = array<i64: 256, 1>}, {transform_indices = @transform_3, window_bounds = array<i64: 256, 1>}, {transform_indices = @transform_4, window_bounds = array<i64: 256, 128>}, {transform_indices = @transform_5, window_bounds = array<i64: 256, 128>}, {pipeline_mode = #tpu.pipeline_mode<synchronous>, transform_indices = @transform_6, window_bounds = array<i64: 128, 256>}, {pipeline_mode = #tpu.pipeline_mode<synchronous>, transform_indices = @transform_7, window_bounds = array<i64: 128, 256>}, {pipeline_mode = #tpu.pipeline_mode<synchronous>, transform_indices = @transform_8, window_bounds = array<i64: 128, 256>}, {pipeline_mode = #tpu.pipeline_mode<synchronous>, transform_indices = @transform_9, window_bounds = array<i64: 128, 256>}, {pipeline_mode = #tpu.pipeline_mode<synchronous>, transform_indices = @transform_10, window_bounds = array<i64: 1, 256>}, {transform_indices = @transform_11, window_bounds = array<i64: 256, 128>}, {transform_indices = @transform_12, window_bounds = array<i64: 256, 128>}]} {
    %get3A = arith.constant 0 : index
    %get3A_0 = arith.constant 0 : index
    %get3A_1 = vector.load %arg3[%get3A, %get3A_0] : memref<256x1xf32, #tpu.memory_space<vmem>>, vector<256x1xf32>
    %get3A_2 = arith.constant 0 : index
    %get3A_3 = arith.constant 0 : index
    %get3A_4 = vector.load %arg4[%get3A_2, %get3A_3] : memref<256x1xf32, #tpu.memory_space<vmem>>, vector<256x1xf32>
    %add3A = arith.addf %get3A_1, %get3A_4 : vector<256x1xf32>
    %max3A = arith.constant 1.000000e+00 : f32
    %max3A_5 = vector.broadcast %max3A : f32 to vector<256x1xf32>
    %max3A_6 = arith.maximumf %add3A, %max3A_5 : vector<256x1xf32>
    %div3A = arith.constant 1.000000e+00 : f32
    %div3A_7 = vector.broadcast %div3A : f32 to vector<256x1xf32>
    %div3A_8 = arith.divf %div3A_7, %max3A_6 : vector<256x1xf32>
    %get3A_9 = arith.constant 0 : index
    %get3A_10 = arith.constant 0 : index
    %get3A_11 = vector.load %arg1[%get3A_9, %get3A_10] : memref<256x128xf32, #tpu.memory_space<vmem>>, vector<256x128xf32>
    %mul3A = vector.broadcast %div3A_8 : vector<256x1xf32> to vector<256x128xf32>
    %mul3A_12 = arith.mulf %get3A_11, %mul3A : vector<256x128xf32>
    %get3A_13 = arith.constant 0 : index
    %get3A_14 = arith.constant 0 : index
    %get3A_15 = vector.load %arg7[%get3A_13, %get3A_14] : memref<128x256xf32, #tpu.memory_space<vmem>>, vector<128x256xf32>
    %dot_general3A = arith.constant dense<0.000000e+00> : vector<256x256xf32>
    %dot_general3A_16 = tpu.matmul %mul3A_12, %get3A_15, %dot_general3A {dimension_numbers = #tpu.dot_dimension_numbers<[1], [0], [0], [1], [0, 0, 1, 1], [], []>, transpose_lhs_hint = false} : vector<256x128xf32>, vector<128x256xf32>, vector<256x256xf32> -> vector<256x256xf32>
    %get3A_17 = arith.constant 0 : index
    %get3A_18 = arith.constant 0 : index
    %get3A_19 = vector.load %arg2[%get3A_17, %get3A_18] : memref<256x128xf32, #tpu.memory_space<vmem>>, vector<256x128xf32>
    %mul3A_20 = vector.broadcast %div3A_8 : vector<256x1xf32> to vector<256x128xf32>
    %mul3A_21 = arith.mulf %get3A_19, %mul3A_20 : vector<256x128xf32>
    %get3A_22 = arith.constant 0 : index
    %get3A_23 = arith.constant 0 : index
    %get3A_24 = vector.load %arg8[%get3A_22, %get3A_23] : memref<128x256xf32, #tpu.memory_space<vmem>>, vector<128x256xf32>
    %dot_general3A_25 = arith.constant dense<0.000000e+00> : vector<256x256xf32>
    %dot_general3A_26 = tpu.matmul %mul3A_21, %get3A_24, %dot_general3A_25 {dimension_numbers = #tpu.dot_dimension_numbers<[1], [0], [0], [1], [0, 0, 1, 1], [], []>, transpose_lhs_hint = false} : vector<256x128xf32>, vector<128x256xf32>, vector<256x256xf32> -> vector<256x256xf32>
    %add3A_27 = arith.addf %dot_general3A_16, %dot_general3A_26 : vector<256x256xf32>
    %get3A_28 = arith.constant 0 : index
    %get3A_29 = arith.constant 0 : index
    %get3A_30 = vector.load %arg5[%get3A_28, %get3A_29] : memref<256x128xf32, #tpu.memory_space<vmem>>, vector<256x128xf32>
    %get3A_31 = arith.constant 0 : index
    %get3A_32 = arith.constant 0 : index
    %get3A_33 = vector.load %arg9[%get3A_31, %get3A_32] : memref<128x256xf32, #tpu.memory_space<vmem>>, vector<128x256xf32>
    %dot_general3A_34 = arith.constant dense<0.000000e+00> : vector<256x256xf32>
    %dot_general3A_35 = tpu.matmul %get3A_30, %get3A_33, %dot_general3A_34 {dimension_numbers = #tpu.dot_dimension_numbers<[1], [0], [0], [1], [0, 0, 1, 1], [], []>, transpose_lhs_hint = false} : vector<256x128xf32>, vector<128x256xf32>, vector<256x256xf32> -> vector<256x256xf32>
    %add3A_36 = arith.addf %add3A_27, %dot_general3A_35 : vector<256x256xf32>
    %get3A_37 = arith.constant 0 : index
    %get3A_38 = arith.constant 0 : index
    %get3A_39 = vector.load %arg6[%get3A_37, %get3A_38] : memref<256x128xf32, #tpu.memory_space<vmem>>, vector<256x128xf32>
    %get3A_40 = arith.constant 0 : index
    %get3A_41 = arith.constant 0 : index
    %get3A_42 = vector.load %arg10[%get3A_40, %get3A_41] : memref<128x256xf32, #tpu.memory_space<vmem>>, vector<128x256xf32>
    %dot_general3A_43 = arith.constant dense<0.000000e+00> : vector<256x256xf32>
    %dot_general3A_44 = tpu.matmul %get3A_39, %get3A_42, %dot_general3A_43 {dimension_numbers = #tpu.dot_dimension_numbers<[1], [0], [0], [1], [0, 0, 1, 1], [], []>, transpose_lhs_hint = false} : vector<256x128xf32>, vector<128x256xf32>, vector<256x256xf32> -> vector<256x256xf32>
    %add3A_45 = arith.addf %add3A_36, %dot_general3A_44 : vector<256x256xf32>
    %get3A_46 = arith.constant 0 : index
    %get3A_47 = arith.constant 0 : index
    %get3A_48 = vector.load %arg11[%get3A_46, %get3A_47] : memref<1x256xf32, #tpu.memory_space<vmem>>, vector<1x256xf32>
    %add3A_49 = vector.broadcast %get3A_48 : vector<1x256xf32> to vector<256x256xf32>
    %add3A_50 = arith.addf %add3A_45, %add3A_49 : vector<256x256xf32>
    %slice3A = vector.extract_strided_slice %add3A_50 {offsets = [0, 0], sizes = [256, 128], strides = [1, 1]} : vector<256x256xf32> to vector<256x128xf32>
    %swap3A = arith.constant 0 : index
    %swap3A_51 = arith.constant 0 : index
    %swap3A_52 = vector.load %arg12[%swap3A, %swap3A_51] : memref<256x128xf32, #tpu.memory_space<vmem>>, vector<256x128xf32>
    tpu.vector_store %arg12[%swap3A, %swap3A_51], %slice3A {strides = array<i32>} : memref<256x128xf32, #tpu.memory_space<vmem>>, vector<256x128xf32>,
    %slice3A_53 = vector.extract_strided_slice %add3A_50 {offsets = [0, 128], sizes = [256, 128], strides = [1, 1]} : vector<256x256xf32> to vector<256x128xf32>
    %swap3A_54 = arith.constant 0 : index
    %swap3A_55 = arith.constant 0 : index
    %swap3A_56 = vector.load %arg13[%swap3A_54, %swap3A_55] : memref<256x128xf32, #tpu.memory_space<vmem>>, vector<256x128xf32>
    tpu.vector_store %arg13[%swap3A_54, %swap3A_55], %slice3A_53 {strides = array<i32>} : memref<256x128xf32, #tpu.memory_space<vmem>>, vector<256x128xf32>,
    return
  }
  func.func @transform_0(%arg0: i32) -> (i32, i32) {
    %c0_i32 = arith.constant 0 : i32
    %c0_i32_0 = arith.constant 0 : i32
    return %arg0, %c0_i32 : i32, i32
  }
  func.func @transform_1(%arg0: i32) -> (i32, i32) {
    %c0_i32 = arith.constant 0 : i32
    %c0_i32_0 = arith.constant 0 : i32
    return %arg0, %c0_i32 : i32, i32
  }
  func.func @transform_2(%arg0: i32) -> (i32, i32) {
    %c0_i32 = arith.constant 0 : i32
    %c0_i32_0 = arith.constant 0 : i32
    return %arg0, %c0_i32 : i32, i32
  }
  func.func @transform_3(%arg0: i32) -> (i32, i32) {
    %c0_i32 = arith.constant 0 : i32
    %c0_i32_0 = arith.constant 0 : i32
    return %arg0, %c0_i32 : i32, i32
  }
  func.func @transform_4(%arg0: i32) -> (i32, i32) {
    %c0_i32 = arith.constant 0 : i32
    %c0_i32_0 = arith.constant 0 : i32
    return %arg0, %c0_i32 : i32, i32
  }
  func.func @transform_5(%arg0: i32) -> (i32, i32) {
    %c0_i32 = arith.constant 0 : i32
    %c0_i32_0 = arith.constant 0 : i32
    return %arg0, %c0_i32 : i32, i32
  }
  func.func @transform_6(%arg0: i32) -> (i32, i32) {
    %c0_i32 = arith.constant 0 : i32
    %c0_i32_0 = arith.constant 0 : i32
    %c0_i32_1 = arith.constant 0 : i32
    return %c0_i32, %c0_i32_0 : i32, i32
  }
  func.func @transform_7(%arg0: i32) -> (i32, i32) {
    %c0_i32 = arith.constant 0 : i32
    %c0_i32_0 = arith.constant 0 : i32
    %c0_i32_1 = arith.constant 0 : i32
    return %c0_i32, %c0_i32_0 : i32, i32
  }
  func.func @transform_8(%arg0: i32) -> (i32, i32) {
    %c0_i32 = arith.constant 0 : i32
    %c0_i32_0 = arith.constant 0 : i32
    %c0_i32_1 = arith.constant 0 : i32
    return %c0_i32, %c0_i32_0 : i32, i32
  }
  func.func @transform_9(%arg0: i32) -> (i32, i32) {
    %c0_i32 = arith.constant 0 : i32
    %c0_i32_0 = arith.constant 0 : i32
    %c0_i32_1 = arith.constant 0 : i32
    return %c0_i32, %c0_i32_0 : i32, i32
  }
  func.func @transform_10(%arg0: i32) -> (i32, i32) {
    %c0_i32 = arith.constant 0 : i32
    %c0_i32_0 = arith.constant 0 : i32
    %c0_i32_1 = arith.constant 0 : i32
    return %c0_i32, %c0_i32_0 : i32, i32
  }
  func.func @transform_11(%arg0: i32) -> (i32, i32) {
    %c0_i32 = arith.constant 0 : i32
    %c0_i32_0 = arith.constant 0 : i32
    return %arg0, %c0_i32 : i32, i32
  }
  func.func @transform_12(%arg0: i32) -> (i32, i32) {
    %c0_i32 = arith.constant 0 : i32
    %c0_i32_0 = arith.constant 0 : i32
    return %arg0, %c0_i32 : i32, i32
  }
}

module attributes {stable_mosaic.version = 14 : i64} {
  func.func @bodyfn(%arg0: i32, %arg1: memref<256x128xf32, #tpu.memory_space<vmem>>, %arg2: memref<256x128xf32, #tpu.memory_space<vmem>>, %arg3: memref<1x256xi32, #tpu.memory_space<vmem>>, %arg4: memref<256x128xf32, #tpu.memory_space<vmem>>, %arg5: memref<1x128xf32, #tpu.memory_space<vmem>>, %arg6: memref<64x128xf32, #tpu.memory_space<vmem>>, %arg7: memref<64x256xf32, #tpu.memory_space<vmem>>, %arg8: memref<64x1xf32, #tpu.memory_space<vmem>>) attributes {dimension_semantics = [#tpu.dimension_semantics<arbitrary>], iteration_bounds = array<i64: 40>, scalar_prefetch = 0 : i64, scratch_operands = 2 : i64, tpu.core_type = #tpu.core_type<tc>, window_params = [{transform_indices = @transform_0, window_bounds = array<i64: 256, 128>}, {transform_indices = @transform_1, window_bounds = array<i64: 256, 128>}, {transform_indices = @transform_2, window_bounds = array<i64: 1, 256>}, {pipeline_mode = #tpu.pipeline_mode<synchronous>, transform_indices = @transform_3, window_bounds = array<i64: 256, 128>}, {pipeline_mode = #tpu.pipeline_mode<synchronous>, transform_indices = @transform_4, window_bounds = array<i64: 1, 128>}, {pipeline_mode = #tpu.pipeline_mode<synchronous>, transform_indices = @transform_5, window_bounds = array<i64: 64, 128>}]} {
    %eq3A = arith.constant 0 : i32
    %eq3A_0 = arith.cmpi eq, %arg0, %eq3A : i32
    %convert_element_type3A = arith.extui %eq3A_0 : i1 to i32
    %cond3A = arith.constant 0 : i32
    %cond3A_1 = arith.cmpi ne, %convert_element_type3A, %cond3A : i32
    scf.if %cond3A_1 {
      %broadcast_in_dim3A_68 = arith.constant 0.000000e+00 : f32
      %broadcast_in_dim3A_69 = vector.broadcast %broadcast_in_dim3A_68 : f32 to vector<64x256xf32>
      %swap3A_70 = arith.constant 0 : index
      %swap3A_71 = arith.constant 0 : index
      %swap3A_72 = vector.load %arg7[%swap3A_70, %swap3A_71] : memref<64x256xf32, #tpu.memory_space<vmem>>, vector<64x256xf32>
      tpu.vector_store %arg7[%swap3A_70, %swap3A_71], %broadcast_in_dim3A_69 {strides = array<i32>} : memref<64x256xf32, #tpu.memory_space<vmem>>, vector<64x256xf32>,
      %broadcast_in_dim3A_73 = arith.constant 0.000000e+00 : f32
      %broadcast_in_dim3A_74 = vector.broadcast %broadcast_in_dim3A_73 : f32 to vector<64x1xf32>
      %swap3A_75 = arith.constant 0 : index
      %swap3A_76 = arith.constant 0 : index
      %swap3A_77 = vector.load %arg8[%swap3A_75, %swap3A_76] : memref<64x1xf32, #tpu.memory_space<vmem>>, vector<64x1xf32>
      tpu.vector_store %arg8[%swap3A_75, %swap3A_76], %broadcast_in_dim3A_74 {strides = array<i32>} : memref<64x1xf32, #tpu.memory_space<vmem>>, vector<64x1xf32>,
    } else {
    }
    %mul3A = arith.constant 256 : i32
    %mul3A_2 = arith.muli %arg0, %mul3A : i32
    %iota3A = tpu.iota {dimensions = array<i32: 0>} : vector<256x1xi32>
    %add3A = vector.broadcast %mul3A_2 : i32 to vector<256x1xi32>
    %add3A_3 = arith.addi %add3A, %iota3A : vector<256x1xi32>
    %lt3A = arith.constant 10000 : i32
    %lt3A_4 = vector.broadcast %lt3A : i32 to vector<256x1xi32>
    %lt3A_5 = arith.cmpi slt, %add3A_3, %lt3A_4 : vector<256x1xi32>
    %get3A = arith.constant 0 : index
    %get3A_6 = arith.constant 0 : index
    %get3A_7 = vector.load %arg1[%get3A, %get3A_6] : memref<256x128xf32, #tpu.memory_space<vmem>>, vector<256x128xf32>
    %jit3A = arith.constant 0.000000e+00 : f32
    %broadcast_in_dim3A = vector.shape_cast %lt3A_5 : vector<256x1xi1> to vector<256x1xi1>
    %broadcast_in_dim3A_8 = vector.broadcast %broadcast_in_dim3A : vector<256x1xi1> to vector<256x128xi1>
    %broadcast_in_dim3A_9 = vector.broadcast %jit3A : f32 to vector<256x128xf32>
    %select_n3A = arith.select %broadcast_in_dim3A_8, %get3A_7, %broadcast_in_dim3A_9 : vector<256x128xi1>, vector<256x128xf32>
    %get3A_10 = arith.constant 0 : index
    %get3A_11 = arith.constant 0 : index
    %get3A_12 = vector.load %arg2[%get3A_10, %get3A_11] : memref<256x128xf32, #tpu.memory_space<vmem>>, vector<256x128xf32>
    %jit3A_13 = arith.constant 0.000000e+00 : f32
    %broadcast_in_dim3A_14 = vector.shape_cast %lt3A_5 : vector<256x1xi1> to vector<256x1xi1>
    %broadcast_in_dim3A_15 = vector.broadcast %broadcast_in_dim3A_14 : vector<256x1xi1> to vector<256x128xi1>
    %broadcast_in_dim3A_16 = vector.broadcast %jit3A_13 : f32 to vector<256x128xf32>
    %select_n3A_17 = arith.select %broadcast_in_dim3A_15, %get3A_12, %broadcast_in_dim3A_16 : vector<256x128xi1>, vector<256x128xf32>
    %mul3A_18 = arith.constant 256 : i32
    %mul3A_19 = arith.muli %arg0, %mul3A_18 : i32
    %iota3A_20 = tpu.iota {dimensions = array<i32: 1>} : vector<1x256xi32>
    %add3A_21 = vector.broadcast %mul3A_19 : i32 to vector<1x256xi32>
    %add3A_22 = arith.addi %add3A_21, %iota3A_20 : vector<1x256xi32>
    %iota3A_23 = tpu.iota {dimensions = array<i32: 0>} : vector<64x256xi32>
    %get3A_24 = arith.constant 0 : index
    %get3A_25 = arith.constant 0 : index
    %get3A_26 = vector.load %arg3[%get3A_24, %get3A_25] : memref<1x256xi32, #tpu.memory_space<vmem>>, vector<1x256xi32>
    %eq3A_27 = vector.broadcast %get3A_26 : vector<1x256xi32> to vector<64x256xi32>
    %eq3A_28 = arith.cmpi eq, %iota3A_23, %eq3A_27 : vector<64x256xi32>
    %lt3A_29 = arith.constant 10000 : i32
    %lt3A_30 = vector.broadcast %lt3A_29 : i32 to vector<1x256xi32>
    %lt3A_31 = arith.cmpi slt, %add3A_22, %lt3A_30 : vector<1x256xi32>
    %and3A = vector.broadcast %lt3A_31 : vector<1x256xi1> to vector<64x256xi1>
    %and3A_32 = arith.andi %eq3A_28, %and3A : vector<64x256xi1>
    %jit3A_33 = arith.constant 1.000000e+00 : f32
    %jit3A_34 = arith.constant 0.000000e+00 : f32
    %broadcast_in_dim3A_35 = vector.broadcast %jit3A_33 : f32 to vector<64x256xf32>
    %broadcast_in_dim3A_36 = vector.broadcast %jit3A_34 : f32 to vector<64x256xf32>
    %select_n3A_37 = arith.select %and3A_32, %broadcast_in_dim3A_35, %broadcast_in_dim3A_36 : vector<64x256xi1>, vector<64x256xf32>
    %get3A_38 = arith.constant 0 : index
    %get3A_39 = arith.constant 0 : index
    %get3A_40 = vector.load %arg7[%get3A_38, %get3A_39] : memref<64x256xf32, #tpu.memory_space<vmem>>, vector<64x128xf32>
    %dot_general3A = arith.constant dense<0.000000e+00> : vector<64x128xf32>
    %dot_general3A_41 = tpu.matmul %select_n3A_37, %select_n3A, %dot_general3A {dimension_numbers = #tpu.dot_dimension_numbers<[1], [0], [0], [1], [0, 0, 1, 1], [], []>, transpose_lhs_hint = false} : vector<64x256xf32>, vector<256x128xf32>, vector<64x128xf32> -> vector<64x128xf32>
    %add3A_42 = arith.addf %get3A_40, %dot_general3A_41 : vector<64x128xf32>
    %swap3A = arith.constant 0 : index
    %swap3A_43 = arith.constant 0 : index
    %swap3A_44 = vector.load %arg7[%swap3A, %swap3A_43] : memref<64x256xf32, #tpu.memory_space<vmem>>, vector<64x128xf32>
    tpu.vector_store %arg7[%swap3A, %swap3A_43], %add3A_42 {strides = array<i32>} : memref<64x256xf32, #tpu.memory_space<vmem>>, vector<64x128xf32>,
    %get3A_45 = arith.constant 0 : index
    %get3A_46 = arith.constant 128 : index
    %get3A_47 = vector.load %arg7[%get3A_45, %get3A_46] : memref<64x256xf32, #tpu.memory_space<vmem>>, vector<64x128xf32>
    %dot_general3A_48 = arith.constant dense<0.000000e+00> : vector<64x128xf32>
    %dot_general3A_49 = tpu.matmul %select_n3A_37, %select_n3A_17, %dot_general3A_48 {dimension_numbers = #tpu.dot_dimension_numbers<[1], [0], [0], [1], [0, 0, 1, 1], [], []>, transpose_lhs_hint = false} : vector<64x256xf32>, vector<256x128xf32>, vector<64x128xf32> -> vector<64x128xf32>
    %add3A_50 = arith.addf %get3A_47, %dot_general3A_49 : vector<64x128xf32>
    %swap3A_51 = arith.constant 0 : index
    %swap3A_52 = arith.constant 128 : index
    %swap3A_53 = vector.load %arg7[%swap3A_51, %swap3A_52] : memref<64x256xf32, #tpu.memory_space<vmem>>, vector<64x128xf32>
    tpu.vector_store %arg7[%swap3A_51, %swap3A_52], %add3A_50 {strides = array<i32>} : memref<64x256xf32, #tpu.memory_space<vmem>>, vector<64x128xf32>,
    %get3A_54 = arith.constant 0 : index
    %get3A_55 = arith.constant 0 : index
    %get3A_56 = vector.load %arg8[%get3A_54, %get3A_55] : memref<64x1xf32, #tpu.memory_space<vmem>>, vector<64x1xf32>
    %reduce_sum3A = arith.constant dense<0.000000e+00> : vector<64xf32>
    %reduce_sum3A_57 = vector.multi_reduction <add>, %select_n3A_37, %reduce_sum3A [1] : vector<64x256xf32> to vector<64xf32>
    %broadcast_in_dim3A_58 = vector.shape_cast %reduce_sum3A_57 : vector<64xf32> to vector<64x1xf32>
    %add3A_59 = arith.addf %get3A_56, %broadcast_in_dim3A_58 : vector<64x1xf32>
    %swap3A_60 = arith.constant 0 : index
    %swap3A_61 = arith.constant 0 : index
    %swap3A_62 = vector.load %arg8[%swap3A_60, %swap3A_61] : memref<64x1xf32, #tpu.memory_space<vmem>>, vector<64x1xf32>
    tpu.vector_store %arg8[%swap3A_60, %swap3A_61], %add3A_59 {strides = array<i32>} : memref<64x1xf32, #tpu.memory_space<vmem>>, vector<64x1xf32>,
    %eq3A_63 = arith.constant 39 : i32
    %eq3A_64 = arith.cmpi eq, %arg0, %eq3A_63 : i32
    %convert_element_type3A_65 = arith.extui %eq3A_64 : i1 to i32
    %cond3A_66 = arith.constant 0 : i32
    %cond3A_67 = arith.cmpi ne, %convert_element_type3A_65, %cond3A_66 : i32
    scf.if %cond3A_67 {
      %get3A_68 = arith.constant 0 : index
      %get3A_69 = arith.constant 0 : index
      %get3A_70 = vector.load %arg7[%get3A_68, %get3A_69] : memref<64x256xf32, #tpu.memory_space<vmem>>, vector<64x256xf32>
      %get3A_71 = arith.constant 0 : index
      %get3A_72 = arith.constant 0 : index
      %get3A_73 = vector.load %arg8[%get3A_71, %get3A_72] : memref<64x1xf32, #tpu.memory_space<vmem>>, vector<64x1xf32>
      %max3A = arith.constant 1.000000e+00 : f32
      %max3A_74 = vector.broadcast %max3A : f32 to vector<64x1xf32>
      %max3A_75 = arith.maximumf %get3A_73, %max3A_74 : vector<64x1xf32>
      %div3A = vector.broadcast %max3A_75 : vector<64x1xf32> to vector<64x256xf32>
      %div3A_76 = arith.divf %get3A_70, %div3A : vector<64x256xf32>
      %get3A_77 = arith.constant 0 : index
      %get3A_78 = arith.constant 0 : index
      %get3A_79 = vector.load %arg4[%get3A_77, %get3A_78] : memref<256x128xf32, #tpu.memory_space<vmem>>, vector<256x128xf32>
      %dot_general3A_80 = arith.constant dense<0.000000e+00> : vector<64x128xf32>
      %dot_general3A_81 = tpu.matmul %div3A_76, %get3A_79, %dot_general3A_80 {dimension_numbers = #tpu.dot_dimension_numbers<[1], [0], [0], [1], [0, 0, 1, 1], [], []>, transpose_lhs_hint = false} : vector<64x256xf32>, vector<256x128xf32>, vector<64x128xf32> -> vector<64x128xf32>
      %get3A_82 = arith.constant 0 : index
      %get3A_83 = arith.constant 0 : index
      %get3A_84 = vector.load %arg5[%get3A_82, %get3A_83] : memref<1x128xf32, #tpu.memory_space<vmem>>, vector<1x128xf32>
      %add3A_85 = vector.broadcast %get3A_84 : vector<1x128xf32> to vector<64x128xf32>
      %add3A_86 = arith.addf %dot_general3A_81, %add3A_85 : vector<64x128xf32>
      %swap3A_87 = arith.constant 0 : index
      %swap3A_88 = arith.constant 0 : index
      %swap3A_89 = vector.load %arg6[%swap3A_87, %swap3A_88] : memref<64x128xf32, #tpu.memory_space<vmem>>, vector<64x128xf32>
      tpu.vector_store %arg6[%swap3A_87, %swap3A_88], %add3A_86 {strides = array<i32>} : memref<64x128xf32, #tpu.memory_space<vmem>>, vector<64x128xf32>,
    } else {
    }
    return
  }
  func.func @transform_0(%arg0: i32) -> (i32, i32) {
    %c0_i32 = arith.constant 0 : i32
    %c0_i32_0 = arith.constant 0 : i32
    return %arg0, %c0_i32 : i32, i32
  }
  func.func @transform_1(%arg0: i32) -> (i32, i32) {
    %c0_i32 = arith.constant 0 : i32
    %c0_i32_0 = arith.constant 0 : i32
    return %arg0, %c0_i32 : i32, i32
  }
  func.func @transform_2(%arg0: i32) -> (i32, i32) {
    %c0_i32 = arith.constant 0 : i32
    %c0_i32_0 = arith.constant 0 : i32
    return %c0_i32, %arg0 : i32, i32
  }
  func.func @transform_3(%arg0: i32) -> (i32, i32) {
    %c0_i32 = arith.constant 0 : i32
    %c0_i32_0 = arith.constant 0 : i32
    %c0_i32_1 = arith.constant 0 : i32
    return %c0_i32, %c0_i32_0 : i32, i32
  }
  func.func @transform_4(%arg0: i32) -> (i32, i32) {
    %c0_i32 = arith.constant 0 : i32
    %c0_i32_0 = arith.constant 0 : i32
    %c0_i32_1 = arith.constant 0 : i32
    return %c0_i32, %c0_i32_0 : i32, i32
  }
  func.func @transform_5(%arg0: i32) -> (i32, i32) {
    %c0_i32 = arith.constant 0 : i32
    %c0_i32_0 = arith.constant 0 : i32
    %c0_i32_1 = arith.constant 0 : i32
    return %c0_i32, %c0_i32_0 : i32, i32
  }
}

</mosaic_0001>

<sc_bundles>
// kernel: kernel.12.cloned.1.call-start
scs
__scs_entry_jumppad:
0x0: {  	(pc) =	sbr.rel $0x88, $3  }
0x1: {  	(tag) =	ssettag $0x0;
	lr =	simm.s32 $0x1  }
0x2: {  	[smem:$0x3F93] =	sst lr;
	_ =	strace $0xD0000000  }
0x3: {  	_ = 	snop  }
0x4: {  	_ = 	snop  }
0x5: {  	_ = 	snop  }
0x6: {  	_ = 	snop  }
0x7: {  	_ = 	snop  }
__scs_overlays_trampoline_lowered:
0x8: {  	[smem:$0x3FA2] =	sst s0  }
0x9: {  	[smem:$0x3FA3] =	sst s1  }
0xa: {  	[smem:$0x3FA4] =	sst s2  }
0xb: {  	[smem:$0x3FA5] =	sst s3  }
0xc: {  	[smem:$0x3FA6] =	sst s4  }
0xd: {  	[smem:$0x3FA7] =	sst s5  }
0xe: {  	[smem:$0x3FA8] =	sst s6  }
0xf: {  	[smem:$0x3FA9] =	sst s7  }
0x10: {  	[smem:$0x3FAA] =	sst s8  }
0x11: {  	[smem:$0x3FAB] =	sst s9;
	s0 =	simm.s32 @!p0 $0x0  }
0x12: {  	s1 =	sld [smem:$0x3F91];
	s0 =	simm.s32 @p0 $0x1  }
0x13: {  	[smem:$0x3FAC] =	sst s0;
	s0 =	simm.s32 @!p1 $0x0  }
0x14: {  	s2 =	sld [smem:$0x3F90];
	s0 =	simm.s32 @p1 $0x1  }
0x15: {  	[smem:$0x3FAD] =	sst s0;
	s0 =	simm.s32 @!p2 $0x0  }
0x16: {  	s3 =	sld [smem:$0x3FDB];
	s0 =	simm.s32 @p2 $0x1  }
0x17: {  	s4 =	simm.s32 $0x1BF5;
	[smem:$0x3FAF] =	sst s0  }
0x18: {  	s0 =	sld [smem:$0x3F92];
	_ =	swait.ge [sflag:s4], $0x0  }
0x19: {  	s7 =	sld [smem:$0x3F93]  }
0x1a: {  	s8 =	sadd.s32 $0xFFFFE003, lr  }
0x1b: {  	s9 =	sadd.s32 $0xFFFFFEF7, lr;
	s5 =	simm.s32 $0xFFFFFFFF;
	p2 =	slt.u32 s8, $0xFFFFF086  }
0x1c: {  	p1 =	slt.u32 s9, $0xF7A;
	s5 =	simm.s32 @!p2 $0x0  }
0x1d: {  	s5 =	simm.s32 @p1 $0x1;
	p0 =	seq.s32 s7, s2  }
0x1e: {  	s7 =	smul.u32 @!p0 $0xF7A, s2;
	p2 =	seq.s32 @!p0 s5, $0x0  }
0x1f: {  	s9 =	smul.u32 $0xF7A, s1;
	s8 =	simm.s32 @!p0 $0x1BF5;
	p2 =	por !p2, p0  }
0x20: {  	[sflag:s8] =	ssyncset.s32 @!p0 $0xFFFFF086;
	s6 =	sadd.s32 @!p0 s3, s7;
	s7 =	simm.s32 @!p0 $0x108  }
0x21: {  	s3 =	sadd.s32 s3, s9;
	s6 =	sadd.s32 @!p0 $0x88, s6;
	s7 =	simm.s32 @p2 $0x1082  }
0x22: {  	[simem:s7], [sflag:s8] =	dma.local @!p0 [hbm:s6], $0xF7A  }
0x23: {  	s9 =	sor.u32 $0xD0000000, s2;
	s6 =	simm.s32 $0x108;
	_ =	swait.ge @!p0 [sflag:s8], $0x0  }
0x24: {  	s3 =	sadd.s32 $0x88, s3;
	s6 =	simm.s32 @!p1 $0x1082;
	[sflag:s4] =	ssyncset.s32 $0xFFFFF086  }
0x25: {  	[simem:s6], [sflag:s4] =	dma.local [hbm:s3], $0xF7A  }
0x26: {  	[smem:$0x3F93] =	sst s1;
	(tag) =	ssettag s2;
	_ =	strace s9  }
0x27: {  	s1 =	sld [smem:$0x3FA3]  }
0x28: {  	s2 =	sld [smem:$0x3FA4]  }
0x29: {  	s4 =	sld [smem:$0x3FA6]  }
0x2a: {  	p0 =	seq.s32 s5, $0x0;
	s5 =	sld [smem:$0x3FA7]  }
0x2b: {  	s6 =	sld [smem:$0x3FA8]  }
0x2c: {  	s7 =	sld [smem:$0x3FA9]  }
0x2d: {  	s3 =	simm.s32 $0x108;
	s8 =	sld [smem:$0x3FAA]  }
0x2e: {  	s3 =	simm.s32 @!p0 $0x1082;
	s9 =	sld [smem:$0x3FAB]  }
0x2f: {  	lr =	sadd.s32 s0, s3;
	s0 =	sld [smem:$0x3FA2]  }
0x30: {  	s3 =	sld [smem:$0x3FA5]  }
0x31: {  	[smem:$0x3FAE] =	sst s10  }
0x32: {  	s10 =	sld [smem:$0x3FAC];
	_ =	sdelay $0x3  }
0x33: {  	p0 =	seq.s32 s10, $0x1;
	s10 =	sld [smem:$0x3FAE];
	_ =	sdelay $0x3  }
0x34: {  	[smem:$0x3FAE] =	sst s10  }
0x35: {  	s10 =	sld [smem:$0x3FAD];
	_ =	sdelay $0x3  }
0x36: {  	p1 =	seq.s32 s10, $0x1;
	s10 =	sld [smem:$0x3FAE];
	_ =	sdelay $0x3  }
0x37: {  	[smem:$0x3FAE] =	sst s10  }
0x38: {  	s10 =	sld [smem:$0x3FAF]  }
0x39: {  	_ = 	snop;
	(pc) =	sbr.ind lr, $3  }
0x3a: {  	_ = 	snop  }
0x3b: {  	_ = 	snop  }
0x3c: {  	p2 =	seq.s32 s10, $0x1;
	s10 =	sld [smem:$0x3FAE]  }
0x3d: {  	_ =	shalt  }
0x3e: {  	_ =	shalt  }
0x3f: {  	_ =	shalt  }
0x40: {  	_ =	shalt  }
0x41: {  	_ =	shalt  }
0x42: {  	_ =	shalt  }
0x43: {  	_ =	shalt  }
0x44: {  	_ =	shalt  }
0x45: {  	_ =	shalt  }
0x46: {  	_ =	shalt  }
0x47: {  	_ =	shalt  }
0x48: {  	_ =	shalt  }
0x49: {  	_ =	shalt  }
0x4a: {  	_ =	shalt  }
0x4b: {  	_ =	shalt  }
0x4c: {  	_ =	shalt  }
0x4d: {  	_ =	shalt  }
0x4e: {  	_ =	shalt  }
0x4f: {  	_ =	shalt  }
0x50: {  	_ =	shalt  }
0x51: {  	_ =	shalt  }
0x52: {  	_ =	shalt  }
0x53: {  	_ =	shalt  }
0x54: {  	_ =	shalt  }
0x55: {  	_ =	shalt  }
0x56: {  	_ =	shalt  }
0x57: {  	_ =	shalt  }
0x58: {  	_ =	shalt  }
0x59: {  	_ =	shalt  }
0x5a: {  	_ =	shalt  }
0x5b: {  	_ =	shalt  }
0x5c: {  	_ =	shalt  }
0x5d: {  	_ =	shalt  }
0x5e: {  	_ =	shalt  }
0x5f: {  	_ =	shalt  }
0x60: {  	_ =	shalt  }
0x61: {  	_ =	shalt  }
0x62: {  	_ =	shalt  }
0x63: {  	_ =	shalt  }
0x64: {  	_ =	shalt  }
0x65: {  	_ =	shalt  }
0x66: {  	_ =	shalt  }
0x67: {  	_ =	shalt  }
0x68: {  	_ =	shalt  }
0x69: {  	_ =	shalt  }
0x6a: {  	_ =	shalt  }
0x6b: {  	_ =	shalt  }
0x6c: {  	_ =	shalt  }
0x6d: {  	_ =	shalt  }
0x6e: {  	_ =	shalt  }
0x6f: {  	_ =	shalt  }
0x70: {  	_ =	shalt  }
0x71: {  	_ =	shalt  }
0x72: {  	_ =	shalt  }
0x73: {  	_ =	shalt  }
0x74: {  	_ =	shalt  }
0x75: {  	_ =	shalt  }
0x76: {  	_ =	shalt  }
0x77: {  	_ =	shalt  }
0x78: {  	_ =	shalt  }
0x79: {  	_ =	shalt  }
0x7a: {  	_ =	shalt  }
0x7b: {  	_ =	shalt  }
0x7c: {  	_ =	shalt  }
0x7d: {  	_ =	shalt  }
0x7e: {  	_ =	shalt  }
0x7f: {  	_ =	shalt  }
0x80: {  	_ =	shalt  }
0x81: {  	_ =	shalt  }
0x82: {  	_ =	shalt  }
0x83: {  	_ =	shalt  }
0x84: {  	_ =	shalt  }
0x85: {  	_ =	shalt  }
0x86: {  	_ =	shalt  }
0x87: {  	_ =	shalt  }
.Lfunc_end0:
.L_simem_size_0:
called_computation.1_lowered:
.L_overlay_start_0:
0x88: {  	s2 =	sld [smem:$0x3FD9]  }
0x89: {  	s3 =	sld [smem:$0x3FFE];
	_ =	sdelay $0x1  }
0x8a: {  	s1 =	srdreg.scid  }
0x8b: {  	s0 =	sand.u32 $0x1, s1  }
0x8c: {  	s16 =	sshll.u32 s0, $0xA;
	s2 =	sadd.s32 s3, s2  }
0x8d: {  	s2 =	sadd.s32 s2, s16  }
0x8e: {  	[smem:$0x3FBA] =	sst s2  }
0x8f: {  	_ = 	snop  }
0x90: {  	(tm) =	ssettm $0x1  }
0x91: {  	s17 =	sld [smem:$0x3FFB];
	_ =	sdelay $0x3  }
0x92: {  	_ =	strace s17  }
0x93: {  	s2 =	sld [smem:$0x3FFC];
	_ =	sdelay $0x3  }
0x94: {  	_ =	strace s2  }
0x95: {  	s2 =	sld [smem:$0x3FFD];
	_ =	sdelay $0x3  }
0x96: {  	_ =	strace s2  }
0x97: {  	_ =	strace $0x8FFFFFFF  }
0x98: {  	s18 =	sld [smem:$0x3FDB];
	_ =	sdelay $0x1  }
0x99: {  	s19 =	simm.s32 $_scs_section_size  }
0x9a: {  	s4 =	simm.s32 $_size__tile_overlayer_lowered;
	s5 =	simm.s32 $_tile_overlayer_lowered  }
0x9b: {  	s22 =	simm.s32 $0x1BFF;
	s21 =	sshll.u32 s5, $0x1;
	s2 =	sadd.s32 s19, s18  }
0x9c: {  	s6 =	simm.s32 $0x0;
	s20 =	sshll.u32 s4, $0x1;
	s4 =	sadd.s32 s21, s2  }
0x9d: {  	[timem:s6], [sflag:s22] =	dma.local [hbm:s4], s20  }
0x9e: {  	_ =	swait.ge [sflag:s22], s20  }
0x9f: {  	s3 =	ssub.s32 $0x0, s20;
	[sflag:s22] =	ssyncset.done $0x0  }
0xa0: {  	[sflag:s22] =	ssyncadd.s32 s3;
	_ =	sdelay $0x1  }
0xa1: {  	s23 =	simm.s32 $0x1B8B  }
0xa2: {  	_ =	swait.ge [sflag:s23], $0x1  }
0xa3: {  	[sflag:s23] =	ssyncset.done $0x0  }
0xa4: {  	s25 =	simm.s32 $0x1B8E;
	s24 =	sld [smem:$0x3FFE];
	[sflag:s23] =	ssyncadd.s32 $0xFFFFFFFF  }
0xa5: {  	s26 =	simm.s32 $execute0_lowered;
	[smem:$0x3FD2] =	sst s25  }
0xa6: {  	s4 =	sshll.u32 s26, $0x1;
	_ =	strace $0x80000049;
	[dreg:$0x1] =	wrdreg $0xFFFFFFFF  }
0xa7: {  	s28 =	simm.s32 $_size_execute0_lowered;
	s2 =	sadd.s32 s2, s4;
	[dreg:$0x0] =	wrdreg $0x0  }
0xa8: {  	s4 =	sshll.u32 s28, $0x1;
	[dreg:$0x2] =	wrdreg s2  }
0xa9: {  	[dreg:$0x3] =	wrdreg s4  }
0xaa: {  	[dreg:$0x4] =	wrdreg $0xC0  }
0xab: {  	_ =	task [dreg:s6], $0x5FFFF  }
0xac: {  	[dreg:$0x1] =	wrdreg $0xFFFFFFFF  }
0xad: {  	[dreg:$0x0] =	wrdreg $0x60  }
0xae: {  	[dreg:$0x2] =	wrdreg s24  }
0xaf: {  	[dreg:$0x3] =	wrdreg $0x0  }
0xb0: {  	[dreg:$0x4] =	wrdreg $0x9  }
0xb1: {  	_ =	task.clear_ibuf [dreg:s6], $0x5FFFF;
	_ =	strace $0x90000049  }
0xb2: {  	s29 =	simm.s32 $0x9;
	_ =	strace $0x8000004B  }
0xb3: {  	_ =	swait.ge [sflag:s29], $0x1  }
0xb4: {  	[sflag:s29] =	ssyncadd.s32 $0xFFFFFFFF  }
0xb5: {  	_ =	strace $0x9000004B  }
0xb6: {  	_ =	sfence  }
0xb7: {  	s30 =	sld [smem:$0x0];
	_ =	sdelay $0x2  }
0xb8: {  	s31 =	sshll.u32 s1, $0xD;
	s1 =	sshrl.u32 s1, $0x2  }
0xb9: {  	s3 =	sand.u32 $0x4000, s31;
	s1 =	sadd.s32 s1, s30  }
0xba: {  	s0 =	sor.u32 s3, s0;
	s1 =	sshll.u32 s1, $0x11  }
0xbb: {  	s0 =	sor.u32 s1, s0  }
0xbc: {  	s0 =	sadd.s32 $0x8F2B, s0  }
0xbd: {  	[sflag:s0] =	ssyncadd.remote.s32 $0x1  }
0xbe: {  	_ =	sfence.sel $0xFFFF  }
0xbf: {  	[dreg:$0x0] =	wrdreg $0xFFFFFFFF;
	(pc) =	sbr.abs _section_cstart, $3  }
0xc0: {  	[dreg:$0x1] =	wrdreg $0xFFFFFFFF  }
0xc1: {  	_ =	task.clear_ibuf [dreg:s6], $0x2FFFF;
	_ =	strace $0x9FFFFFFF  }
0xc2: {  	(tm) =	ssettm $0x7FFFFFFF  }
0xc3: {  	_ =	shalt  }
tec
execute0_lowered:
.L_overlay_start_1:
0x0: {  	(tag) =	ssettag $0x1  }
0x1: {  	s0 =	rddreg [dreg:$0x0]  }
0x2: {  	s1 =	rddreg [dreg:$0x1]  }
0x3: {  	s3 =	simm.s32 $0x0;
	s2 =	stileid.u32;
	s6 =	srdreg.scid  }
0x4: {  	s28 =	simm.s32 $0x13E00;
	s29 =	simm.s32 $0x3;
	s30 =	simm.s32 $0x13C00  }
0x5: {  	s31 =	simm.s32 $0x80;
	[smem:$0x7FF] =	sst s3;
	s4 =	sadd.s32 $0x18800, s0  }
0x6: {  	s7 =	smul.u32 $0x2780, s2;
	s5 =	sadd.s32 $0x3FA00, s0;
	s8 =	sand.u32 $0x1, s6  }
0x7: {  	s9 =	smul.u32 $0x4F000, s2;
	s6 =	sadd.s32 $0x4800, s0;
	s10 =	sadd.s32 $0xE800, s0  }
0x8: {  	s17 =	smul.u32 $0x5000, s2;
	p4 =	sne.s32 s2, $0xF;
	p1 =	seq.s32 s2, $0xF  }
0x9: {  	s21 =	sadd.s32 $0xDAC80, s0;
	s25 =	smul.u32 $0xA00, s2;
	_ =	strace $0x8000004A  }
0xa: {  	s11 =	ssub.s32 $0x2, s8;
	p3 =	seq.s32 s8, $0x0;
	p0 =	seq.s32 s8, $0x1  }
0xb: {  	[dreg:$0x9] =	wrdreg s21;
	s13 =	sadd.s32 s7, s0;
	s16 =	sshrl.u32 s11, $0x1  }
0xc: {  	s9 =	sshrl.u32 s9, $0x2;
	s14 =	sshrl.u32 s17, $0x3;
	p2 =	por !p4, !p3  }
0xd: {  	p4 =	por !p4, !p0;
	p5 =	por !p1, !p3;
	s0 =	sadd.s32 $0x101E80, s0  }
0xe: {  	s11 =	ssub.s32 s11, s16;
	s7 =	sadd.s32 s9, s1;
	s15 =	sadd.s32 s6, s14  }
0xf: {  	p2 =	por !p2, !p2;
	s20 =	sadd.s32 $0xB5C00, s13;
	p3 =	por !p4, !p4  }
0x10: {  	p5 =	por !p5, !p5;
	s13 =	sadd.s32 $0xDCE00, s13;
	[dreg:$0xb] =	wrdreg s0  }
0x11: {  	s23 =	sadd.s32 s10, s14;
	s24 =	sadd.s32 $0x9F0, s14;
	p4 =	sne.s32 s8, $0x0  }
0x12: {  	s0 =	sadd.s32 s25, s6;
	s16 =	sor.u32 $0x100, s17;
	s14 =	simm.s32 $0x0  }
0x13: {  	s9 =	sadd.s32 $0x4000, s7;
	s12 =	sadd.s32 $0x8000, s7;
	[dreg:$0x7] =	wrdreg s15  }
0x14: {  	s18 =	sadd.s32 $0xC000, s7;
	s19 =	sadd.s32 $0x10000, s7;
	[dreg:$0x8] =	wrdreg s20  }
0x15: {  	[dreg:$0xa] =	wrdreg s13;
	s22 =	smax.u32 s11, $0x1;
	s20 =	sadd.s32 s6, s24  }
0x16: {  	s21 =	sadd.s32 s10, s24;
	s8 =	simm.s32 @!p4 $0x0;
	[dreg:$0x3] =	wrdreg s9  }
0x17: {  	s24 =	sadd.s32 $0x10, s0;
	p5 =	por !p5, p3;
	[dreg:$0x4] =	wrdreg s12  }
0x18: {  	s0 =	simm.s32 $0x13C80;
	s11 =	simm.s32 $0x13D80;
	[dreg:$0x5] =	wrdreg s18  }
.Ltmp0:
0x19: {  	s13 =	simm.s32 $0x2;
	[dreg:$0x6] =	wrdreg s19;
	(pc) =	sbr.rel .LBB2_1-.Ltmp0, $4  }
0x1a: {  	s12 =	sadd.s32 $0x4F80, s17;
	[dreg:$0xc] =	wrdreg s22;
	s19 =	sadd.s32 $0x9E0, s23  }
0x1b: {  	s8 =	simm.s32 @p4 $0x1;
	s23 =	sadd.s32 s25, s10;
	s9 =	simm.s32 $0x1  }
0x1c: {  	s10 =	simm.s32 $0x17E00;
	[smem:$0x7FD] =	sst s8;
	s26 =	sshrl.u32 s12, $0x3  }
0x1d: {  	v0 =	vimm.f32 $0.0e+00;
	s8 =	simm.s32 $0x13D00;
	s22 =	sadd.s32 s6, s26;
	s26 =	sadd.s32 $0x128400, s1  }
.LBB2_10:
0x1e: {  	[sflag:s29] =	ssyncadd.s32 $0xFFFFC000  }
0x1f: {  	[tilespmem:s0], [sflag:$0x3] =	stream.linear.gather [hbm4b:s19+s3], $0x80, $0x38;
	[tilespmem:$0x1BE00] =	vst v63  }
0x20: {  	_ =	swait.ge [sflag:s29], $0x80  }
0x21: {  	[sflag:s29] =	ssyncset.done $0x0  }
0x22: {  	[sflag:s29] =	ssyncadd.s32 $0xFFFFFF80  }
0x23: {  	[tilespmem:s8], [sflag:$0x3] =	stream.linear.gather [hbm4b:s20+s3], $0x80, $0x38;
	[tilespmem:$0x1BE00] =	vst v63  }
0x24: {  	_ =	swait.ge [sflag:s29], $0x80  }
0x25: {  	[sflag:s29] =	ssyncset.done $0x0  }
0x26: {  	[sflag:s29] =	ssyncadd.s32 $0xFFFFFF80  }
0x27: {  	_ =	swait.ge [sflag:s9], $0x4000  }
0x28: {  	[sflag:s9] =	ssyncset.done $0x0  }
0x29: {  	[sflag:s9] =	ssyncadd.s32 $0xFFFFC000  }
0x2a: {  	[tilespmem:s10], [sflag:$0x2] =	stream.indirect.gather [hbm4b:s5+s31], $0x80, s8, s31, $0xb8;
	[tilespmem:$0x1BE00] =	vst v63  }
0x2b: {  	_ = 	snop  }
0x2c: {  	[spmem:s1] =	stream.indirect.scatter.add.f32 [tilespmem:s28], [sflag:$0x3], $0x80, s0, s31, $0xb8;
	[tilespmem:$0x1BE00] =	vst v63  }
0x2d: {  	_ =	swait.ge [sflag:s29], $0x4000  }
0x2e: {  	[sflag:s29] =	ssyncset.done $0x0  }
0x2f: {  	[sflag:s29] =	ssyncadd.s32 $0xFFFFC000  }
0x30: {  	[tilespmem:s11], [sflag:$0x3] =	stream.linear.gather [hbm4b:s21+s3], $0x80, $0x38;
	[tilespmem:$0x1BE00] =	vst v63  }
0x31: {  	_ =	swait.ge [sflag:s29], $0x80  }
0x32: {  	[sflag:s29] =	ssyncset.done $0x0  }
0x33: {  	[sflag:s29] =	ssyncadd.s32 $0xFFFFFF80  }
0x34: {  	[tilespmem:s30], [sflag:$0x3] =	stream.linear.gather [hbm4b:s22+s3], $0x80, $0x38;
	[tilespmem:$0x1BE00] =	vst v63  }
0x35: {  	_ =	swait.ge [sflag:s29], $0x80  }
0x36: {  	[sflag:s29] =	ssyncset.done $0x0  }
0x37: {  	[sflag:s29] =	ssyncadd.s32 $0xFFFFFF80  }
0x38: {  	_ =	swait.ge [sflag:s13], $0x4000  }
0x39: {  	[sflag:s13] =	ssyncset.done $0x0  }
0x3a: {  	[sflag:s13] =	ssyncadd.s32 $0xFFFFC000  }
0x3b: {  	[tilespmem:s28], [sflag:$0x1] =	stream.indirect.gather [hbm4b:s5+s31], $0x80, s30, s31, $0xb8;
	[tilespmem:$0x1BE00] =	vst v63  }
0x3c: {  	_ = 	snop  }
0x3d: {  	[spmem:s1] =	stream.indirect.scatter.add.f32 [tilespmem:s10], [sflag:$0x3], $0x80, s11, s31, $0xb8;
	[tilespmem:$0x1BE00] =	vst v63  }
0x3e: {  	_ =	swait.ge [sflag:s29], $0x4000  }
0x3f: {  	[sflag:s29] =	ssyncset.done $0x0  }
0x40: {  	[sflag:s29] =	ssyncadd.s32 $0xFFFFC000  }
0x41: {  	_ =	swait.ge [sflag:s9], $0x4000  }
0x42: {  	[sflag:s9] =	ssyncset.done $0x0  }
0x43: {  	[sflag:s9] =	ssyncadd.s32 $0xFFFFC000  }
.LBB2_11:
0x44: {  	s15 =	sshll.u32 @p2 s2, $0x6;
	[bflag:$0x0] =	sbarrier.arrive $0xFFFF  }
0x45: {  	s17 =	sshrl.u32 @p2 s7, $0x3;
	s15 =	sor.u32 @p2 $0x1C03, s15;
	s18 =	rddreg [dreg:$0x8]  }
0x46: {  	[hbm:s18], [sflag:s15] =	dma.local @p2 [spmem:s17], $0x2780  }
0x47: {  	p4 =	por @!p5 $0x1, $0x1;
	p6 =	por p1, p1;
	s15 =	simm.s32 @p2 $0x3  }
0x48: {  	p6 =	por @!p5 p4, p4;
	_ =	swait.ge @p2 [sflag:s15], $0x2780  }
0x49: {  	s17 =	simm.s32 @!p5 $0x1FC3;
	p4 =	por @!p3 !p6, !p0;
	[sflag:s15] =	ssyncset.done @p2 $0x0  }
0x4a: {  	s18 =	rddreg [dreg:$0x9];
	[sflag:s15] =	ssyncadd.s32 @p2 $0xFFFFD880;
	s15 =	sshrl.u32 @!p5 s26, $0x3  }
0x4b: {  	[hbm:s18], [sflag:s17] =	dma.local @!p5 [spmem:s15], $0x2080  }
0x4c: {  	p4 =	por @!p3 !p4, !p4;
	s15 =	simm.s32 @!p5 $0x3  }
0x4d: {  	p4 =	por !p4, p3;
	_ =	swait.ge @!p5 [sflag:s15], $0x2080  }
0x4e: {  	s17 =	sshll.u32 @!p4 s2, $0x6;
	[sflag:s15] =	ssyncset.done @!p5 $0x0;
	s18 =	rddreg [dreg:$0xb]  }
0x4f: {  	[sflag:s15] =	ssyncadd.s32 @!p5 $0xFFFFDF80;
	s15 =	sor.u32 @!p4 $0x1C03, s17;
	s17 =	sshrl.u32 @!p4 s26, $0x3  }
0x50: {  	[hbm:s18], [sflag:s15] =	dma.local @!p4 [spmem:s17], $0x2080  }
0x51: {  	s15 =	simm.s32 @!p4 $0x3  }
0x52: {  	_ =	swait.ge @!p4 [sflag:s15], $0x2080  }
0x53: {  	s17 =	sshll.u32 @p3 s2, $0x6;
	[sflag:s15] =	ssyncset.done @!p4 $0x0;
	s18 =	rddreg [dreg:$0xa]  }
0x54: {  	[sflag:s15] =	ssyncadd.s32 @!p4 $0xFFFFDF80;
	s15 =	sor.u32 @p3 $0x1C03, s17;
	s17 =	sshrl.u32 @p3 s7, $0x3  }
0x55: {  	[hbm:s18], [sflag:s15] =	dma.local @p3 [spmem:s17], $0x2780  }
0x56: {  	s15 =	simm.s32 @p3 $0x3  }
0x57: {  	_ =	swait.ge @p3 [sflag:s15], $0x2780  }
0x58: {  	s14 =	sadd.s32 $0x1, s14;
	s25 =	rddreg [dreg:$0xc]  }
0x59: {  	p4 =	sne.s32 s14, s25  }
.Ltmp1:
0x5a: {  	_ = 	snop;
	(pc) =	sbr.rel @!p4 .LBB2_12-.Ltmp1, $3  }
0x5b: {  	_ =	sdelay $0x1  }
0x5c: {  	[sflag:s15] =	ssyncset.done @p3 $0x0  }
0x5d: {  	[sflag:s15] =	ssyncadd.s32 @p3 $0xFFFFD880  }
.LBB2_1:
0x5e: {  	s15 =	simm.s32 $0x0;
	s25 =	simm.s32 $0x200  }
.LBB2_2:
0x5f: {  	p6 =	sne.s32 s25, $0xFE00;
	[tilespmem:s15+$0x13E70] =	vst v0  }
0x60: {  	[tilespmem:s15+$0x13E00] =	vst v0  }
0x61: {  	[tilespmem:s15+$0x13E10] =	vst v0  }
.Ltmp2:
0x62: {  	[tilespmem:s15+$0x13E20] =	vst v0;
	(pc) =	sbr.rel @p6 .LBB2_2-.Ltmp2, $4  }
0x63: {  	[tilespmem:s15+$0x13E30] =	vst v0  }
0x64: {  	[tilespmem:s15+$0x13E40] =	vst v0  }
0x65: {  	[tilespmem:s15+$0x13E50] =	vst v0  }
0x66: {  	[tilespmem:s15+$0x13E60] =	vst v0;
	s15 =	sshra.s32 s25, $0x2;
	s25 =	sadd.s32 $0x200, s25  }
0x67: {  	[tilespmem:s15+$0x13E70] =	vst v0  }
0x68: {  	[tilespmem:s15+$0x13E00] =	vst v0  }
0x69: {  	[tilespmem:s15+$0x13E10] =	vst v0  }
0x6a: {  	[tilespmem:s15+$0x13E20] =	vst v0  }
0x6b: {  	[tilespmem:s15+$0x13E30] =	vst v0  }
0x6c: {  	[tilespmem:s15+$0x13E40] =	vst v0  }
0x6d: {  	[tilespmem:s15+$0x13E50] =	vst v0  }
0x6e: {  	[tilespmem:s15+$0x13E60] =	vst v0  }
0x6f: {  	[spmem:s7] =	stream.linear.scatter [tilespmem:s28], [sflag:$0x3], $0x4000, $0x38;
	[tilespmem:$0x1BE00] =	vst v63  }
0x70: {  	_ =	swait.ge [sflag:s29], $0x4000  }
0x71: {  	[sflag:s29] =	ssyncset.done $0x0  }
0x72: {  	s18 =	rddreg [dreg:$0x3];
	[sflag:s29] =	ssyncadd.s32 $0xFFFFC000  }
0x73: {  	[spmem:s18] =	stream.linear.scatter [tilespmem:s28], [sflag:$0x3], $0x4000, $0x38;
	[tilespmem:$0x1BE00] =	vst v63  }
0x74: {  	_ =	swait.ge [sflag:s29], $0x4000  }
0x75: {  	[sflag:s29] =	ssyncset.done $0x0  }
0x76: {  	s25 =	rddreg [dreg:$0x4];
	[sflag:s29] =	ssyncadd.s32 $0xFFFFC000  }
0x77: {  	[spmem:s25] =	stream.linear.scatter [tilespmem:s28], [sflag:$0x3], $0x4000, $0x38;
	[tilespmem:$0x1BE00] =	vst v63  }
0x78: {  	_ =	swait.ge [sflag:s29], $0x4000  }
0x79: {  	[sflag:s29] =	ssyncset.done $0x0  }
0x7a: {  	s17 =	rddreg [dreg:$0x5];
	[sflag:s29] =	ssyncadd.s32 $0xFFFFC000  }
0x7b: {  	[spmem:s17] =	stream.linear.scatter [tilespmem:s28], [sflag:$0x3], $0x4000, $0x38;
	[tilespmem:$0x1BE00] =	vst v63  }
0x7c: {  	_ =	swait.ge [sflag:s29], $0x4000  }
0x7d: {  	[sflag:s29] =	ssyncset.done $0x0  }
0x7e: {  	s18 =	rddreg [dreg:$0x6];
	[sflag:s29] =	ssyncadd.s32 $0xFFFFC000  }
0x7f: {  	[spmem:s18] =	stream.linear.scatter [tilespmem:s28], [sflag:$0x3], $0x3C00, $0x38;
	[tilespmem:$0x1BE00] =	vst v63  }
0x80: {  	_ =	swait.ge [sflag:s29], $0x3C00  }
0x81: {  	[sflag:s29] =	ssyncset.done $0x0  }
0x82: {  	[sflag:s29] =	ssyncadd.s32 $0xFFFFC400  }
0x83: {  	[bflag:$0x0] =	sbarrier.arrive $0xFFFF  }
0x84: {  	s25 =	sld [smem:$0x7FD];
	_ =	sdelay $0x2  }
0x85: {  	p4 =	seq.s32 s25, $0x1  }
.Ltmp3:
0x86: {  	_ = 	snop;
	(pc) =	sbr.rel @p4 .LBB2_7-.Ltmp3, $1  }
0x87: {  	_ =	sdelay $0x3  }
0x88: {  	s15 =	simm.s32 $0x0;
	s17 =	rddreg [dreg:$0x7]  }
0x89: {  	[tilespmem:s30], [sflag:$0x3] =	stream.linear.gather [hbm4b:s17+s15], $0x80, $0x38;
	[tilespmem:$0x1BE00] =	vst v63  }
0x8a: {  	_ =	swait.ge [sflag:s29], $0x80  }
0x8b: {  	[sflag:s29] =	ssyncset.done $0x0  }
0x8c: {  	[sflag:s29] =	ssyncadd.s32 $0xFFFFFF80  }
0x8d: {  	[tilespmem:s28], [sflag:$0x1] =	stream.indirect.gather [hbm4b:s4+s31], $0x80, s30, s31, $0xb8;
	[tilespmem:$0x1BE00] =	vst v63  }
0x8e: {  	s18 =	sadd.s32 $0x0, s23  }
0x8f: {  	[tilespmem:s0], [sflag:$0x3] =	stream.linear.gather [hbm4b:s18+s3], $0x80, $0x38;
	[tilespmem:$0x1BE00] =	vst v63  }
0x90: {  	_ =	swait.ge [sflag:s29], $0x80  }
0x91: {  	[sflag:s29] =	ssyncset.done $0x0  }
0x92: {  	s25 =	sadd.s32 $0x0, s24;
	[sflag:s29] =	ssyncadd.s32 $0xFFFFFF80  }
0x93: {  	[tilespmem:s8], [sflag:$0x3] =	stream.linear.gather [hbm4b:s25+s3], $0x80, $0x38;
	[tilespmem:$0x1BE00] =	vst v63  }
0x94: {  	_ =	swait.ge [sflag:s29], $0x80  }
0x95: {  	[sflag:s29] =	ssyncset.done $0x0  }
0x96: {  	[sflag:s29] =	ssyncadd.s32 $0xFFFFFF80  }
0x97: {  	_ =	swait.ge [sflag:s9], $0x4000  }
0x98: {  	[sflag:s9] =	ssyncset.done $0x0  }
0x99: {  	[sflag:s9] =	ssyncadd.s32 $0xFFFFC000  }
0x9a: {  	[tilespmem:s10], [sflag:$0x2] =	stream.indirect.gather [hbm4b:s4+s31], $0x80, s8, s31, $0xb8;
	[tilespmem:$0x1BE00] =	vst v63  }
0x9b: {  	_ = 	snop  }
0x9c: {  	[spmem:s1] =	stream.indirect.scatter.add.f32 [tilespmem:s28], [sflag:$0x3], $0x80, s0, s31, $0xb8;
	[tilespmem:$0x1BE00] =	vst v63  }
0x9d: {  	_ =	swait.ge [sflag:s29], $0x4000  }
0x9e: {  	[sflag:s29] =	ssyncset.done $0x0  }
0x9f: {  	s15 =	sadd.s32 $0x10, s18;
	[sflag:s29] =	ssyncadd.s32 $0xFFFFC000  }
0xa0: {  	[tilespmem:s11], [sflag:$0x3] =	stream.linear.gather [hbm4b:s15+s3], $0x80, $0x38;
	[tilespmem:$0x1BE00] =	vst v63  }
0xa1: {  	p6 =	slt.s32 s16, s12;
	s15 =	smov.u32 s12  }
0xa2: {  	s15 =	smov.u32 @p6 s16;
	_ =	swait.ge [sflag:s29], $0x80  }
0xa3: {  	[sflag:s29] =	ssyncset.done $0x0;
	s15 =	sshrl.u32 s15, $0x3  }
0xa4: {  	[sflag:s29] =	ssyncadd.s32 $0xFFFFFF80;
	s15 =	sadd.s32 s6, s15  }
0xa5: {  	[tilespmem:s30], [sflag:$0x3] =	stream.linear.gather [hbm4b:s15+s3], $0x80, $0x38;
	[tilespmem:$0x1BE00] =	vst v63  }
0xa6: {  	_ =	swait.ge [sflag:s29], $0x80  }
0xa7: {  	[sflag:s29] =	ssyncset.done $0x0  }
0xa8: {  	[sflag:s29] =	ssyncadd.s32 $0xFFFFFF80  }
0xa9: {  	_ =	swait.ge [sflag:s13], $0x4000  }
0xaa: {  	[sflag:s13] =	ssyncset.done $0x0  }
0xab: {  	[sflag:s13] =	ssyncadd.s32 $0xFFFFC000  }
0xac: {  	[tilespmem:s28], [sflag:$0x1] =	stream.indirect.gather [hbm4b:s4+s31], $0x80, s30, s31, $0xb8;
	[tilespmem:$0x1BE00] =	vst v63  }
0xad: {  	_ = 	snop  }
0xae: {  	[spmem:s1] =	stream.indirect.scatter.add.f32 [tilespmem:s10], [sflag:$0x3], $0x80, s11, s31, $0xb8;
	[tilespmem:$0x1BE00] =	vst v63  }
0xaf: {  	_ =	swait.ge [sflag:s29], $0x4000  }
0xb0: {  	s25 =	smov.u32 s16;
	s15 =	simm.s32 $0x20;
	[sflag:s29] =	ssyncset.done $0x0  }
.LBB2_5:
0xb1: {  	p6 =	sne.s32 s15, $0x9C0;
	[sflag:s29] =	ssyncadd.s32 $0xFFFFC000;
	s25 =	sadd.s32 $0x100, s25  }
0xb2: {  	s17 =	sadd.s32 s15, s23;
	s18 =	smov.u32 s15;
	s15 =	sadd.s32 $0x20, s15  }
0xb3: {  	[tilespmem:s0], [sflag:$0x3] =	stream.linear.gather [hbm4b:s17+s3], $0x80, $0x38;
	[tilespmem:$0x1BE00] =	vst v63  }
0xb4: {  	_ =	swait.ge [sflag:s29], $0x80  }
0xb5: {  	[sflag:s29] =	ssyncset.done $0x0  }
0xb6: {  	s18 =	sadd.s32 s18, s24;
	[sflag:s29] =	ssyncadd.s32 $0xFFFFFF80  }
0xb7: {  	[tilespmem:s8], [sflag:$0x3] =	stream.linear.gather [hbm4b:s18+s3], $0x80, $0x38;
	[tilespmem:$0x1BE00] =	vst v63  }
0xb8: {  	_ =	swait.ge [sflag:s29], $0x80  }
0xb9: {  	[sflag:s29] =	ssyncset.done $0x0  }
0xba: {  	[sflag:s29] =	ssyncadd.s32 $0xFFFFFF80  }
0xbb: {  	_ =	swait.ge [sflag:s9], $0x4000  }
0xbc: {  	[sflag:s9] =	ssyncset.done $0x0  }
0xbd: {  	[sflag:s9] =	ssyncadd.s32 $0xFFFFC000  }
0xbe: {  	[tilespmem:s10], [sflag:$0x2] =	stream.indirect.gather [hbm4b:s4+s31], $0x80, s8, s31, $0xb8;
	[tilespmem:$0x1BE00] =	vst v63  }
0xbf: {  	_ = 	snop  }
0xc0: {  	[spmem:s1] =	stream.indirect.scatter.add.f32 [tilespmem:s28], [sflag:$0x3], $0x80, s0, s31, $0xb8;
	[tilespmem:$0x1BE00] =	vst v63  }
0xc1: {  	_ =	swait.ge [sflag:s29], $0x4000  }
0xc2: {  	[sflag:s29] =	ssyncset.done $0x0  }
0xc3: {  	p4 =	slt.s32 s25, s12;
	s17 =	sadd.s32 $0x10, s17;
	[sflag:s29] =	ssyncadd.s32 $0xFFFFC000  }
0xc4: {  	[tilespmem:s11], [sflag:$0x3] =	stream.linear.gather [hbm4b:s17+s3], $0x80, $0x38;
	[tilespmem:$0x1BE00] =	vst v63  }
0xc5: {  	s17 =	smov.u32 s12  }
0xc6: {  	s17 =	smov.u32 @p4 s25;
	_ =	swait.ge [sflag:s29], $0x80  }
0xc7: {  	[sflag:s29] =	ssyncset.done $0x0;
	s17 =	sshrl.u32 s17, $0x3  }
0xc8: {  	[sflag:s29] =	ssyncadd.s32 $0xFFFFFF80;
	s17 =	sadd.s32 s6, s17  }
0xc9: {  	[tilespmem:s30], [sflag:$0x3] =	stream.linear.gather [hbm4b:s17+s3], $0x80, $0x38;
	[tilespmem:$0x1BE00] =	vst v63  }
0xca: {  	_ =	swait.ge [sflag:s29], $0x80  }
0xcb: {  	[sflag:s29] =	ssyncset.done $0x0  }
0xcc: {  	[sflag:s29] =	ssyncadd.s32 $0xFFFFFF80  }
0xcd: {  	_ =	swait.ge [sflag:s13], $0x4000  }
0xce: {  	[sflag:s13] =	ssyncset.done $0x0  }
0xcf: {  	[sflag:s13] =	ssyncadd.s32 $0xFFFFC000  }
0xd0: {  	[tilespmem:s28], [sflag:$0x1] =	stream.indirect.gather [hbm4b:s4+s31], $0x80, s30, s31, $0xb8;
	[tilespmem:$0x1BE00] =	vst v63  }
.Ltmp4:
0xd1: {  	_ = 	snop;
	(pc) =	sbr.rel @p6 .LBB2_5-.Ltmp4, $4  }
0xd2: {  	_ = 	snop  }
0xd3: {  	[spmem:s1] =	stream.indirect.scatter.add.f32 [tilespmem:s10], [sflag:$0x3], $0x80, s11, s31, $0xb8;
	[tilespmem:$0x1BE00] =	vst v63  }
0xd4: {  	_ =	swait.ge [sflag:s29], $0x4000  }
0xd5: {  	[sflag:s29] =	ssyncset.done $0x0  }
0xd6: {  	[sflag:s29] =	ssyncadd.s32 $0xFFFFC000  }
0xd7: {  	[tilespmem:s0], [sflag:$0x3] =	stream.linear.gather [hbm4b:s19+s3], $0x80, $0x38;
	[tilespmem:$0x1BE00] =	vst v63  }
0xd8: {  	_ =	swait.ge [sflag:s29], $0x80  }
0xd9: {  	[sflag:s29] =	ssyncset.done $0x0  }
0xda: {  	[sflag:s29] =	ssyncadd.s32 $0xFFFFFF80  }
0xdb: {  	[tilespmem:s8], [sflag:$0x3] =	stream.linear.gather [hbm4b:s20+s3], $0x80, $0x38;
	[tilespmem:$0x1BE00] =	vst v63  }
0xdc: {  	_ =	swait.ge [sflag:s29], $0x80  }
0xdd: {  	[sflag:s29] =	ssyncset.done $0x0  }
0xde: {  	[sflag:s29] =	ssyncadd.s32 $0xFFFFFF80  }
0xdf: {  	_ =	swait.ge [sflag:s9], $0x4000  }
0xe0: {  	[sflag:s9] =	ssyncset.done $0x0  }
0xe1: {  	[sflag:s9] =	ssyncadd.s32 $0xFFFFC000  }
0xe2: {  	[tilespmem:s10], [sflag:$0x2] =	stream.indirect.gather [hbm4b:s4+s31], $0x80, s8, s31, $0xb8;
	[tilespmem:$0x1BE00] =	vst v63  }
0xe3: {  	_ = 	snop  }
0xe4: {  	[spmem:s1] =	stream.indirect.scatter.add.f32 [tilespmem:s28], [sflag:$0x3], $0x80, s0, s31, $0xb8;
	[tilespmem:$0x1BE00] =	vst v63  }
0xe5: {  	_ =	swait.ge [sflag:s29], $0x4000  }
0xe6: {  	[sflag:s29] =	ssyncset.done $0x0  }
0xe7: {  	[sflag:s29] =	ssyncadd.s32 $0xFFFFC000  }
0xe8: {  	[tilespmem:s11], [sflag:$0x3] =	stream.linear.gather [hbm4b:s21+s3], $0x80, $0x38;
	[tilespmem:$0x1BE00] =	vst v63  }
0xe9: {  	_ =	swait.ge [sflag:s29], $0x80  }
0xea: {  	[sflag:s29] =	ssyncset.done $0x0  }
0xeb: {  	[sflag:s29] =	ssyncadd.s32 $0xFFFFFF80  }
0xec: {  	[tilespmem:s30], [sflag:$0x3] =	stream.linear.gather [hbm4b:s22+s3], $0x80, $0x38;
	[tilespmem:$0x1BE00] =	vst v63  }
0xed: {  	_ =	swait.ge [sflag:s29], $0x80  }
0xee: {  	[sflag:s29] =	ssyncset.done $0x0  }
0xef: {  	[sflag:s29] =	ssyncadd.s32 $0xFFFFFF80  }
0xf0: {  	_ =	swait.ge [sflag:s13], $0x4000  }
0xf1: {  	[sflag:s13] =	ssyncset.done $0x0  }
0xf2: {  	[sflag:s13] =	ssyncadd.s32 $0xFFFFC000  }
0xf3: {  	[tilespmem:s28], [sflag:$0x1] =	stream.indirect.gather [hbm4b:s4+s31], $0x80, s30, s31, $0xb8;
	[tilespmem:$0x1BE00] =	vst v63  }
0xf4: {  	_ = 	snop  }
0xf5: {  	[spmem:s1] =	stream.indirect.scatter.add.f32 [tilespmem:s10], [sflag:$0x3], $0x80, s11, s31, $0xb8;
	[tilespmem:$0x1BE00] =	vst v63  }
0xf6: {  	_ =	swait.ge [sflag:s29], $0x4000  }
0xf7: {  	[sflag:s29] =	ssyncset.done $0x0  }
0xf8: {  	[sflag:s29] =	ssyncadd.s32 $0xFFFFC000  }
0xf9: {  	_ =	swait.ge [sflag:s9], $0x4000  }
0xfa: {  	[sflag:s9] =	ssyncset.done $0x0  }
0xfb: {  	[sflag:s9] =	ssyncadd.s32 $0xFFFFC000  }
.LBB2_7:
.Ltmp5:
0xfc: {  	(pc) =	sbr.rel @!p0 .LBB2_11-.Ltmp5, $1  }
0xfd: {  	_ =	sdelay $0x3  }
0xfe: {  	s15 =	simm.s32 $0x0;
	s17 =	rddreg [dreg:$0x7]  }
0xff: {  	[tilespmem:s30], [sflag:$0x3] =	stream.linear.gather [hbm4b:s17+s15], $0x80, $0x38;
	[tilespmem:$0x1BE00] =	vst v63  }
0x100: {  	_ =	swait.ge [sflag:s29], $0x80  }
0x101: {  	[sflag:s29] =	ssyncset.done $0x0  }
0x102: {  	[sflag:s29] =	ssyncadd.s32 $0xFFFFFF80  }
0x103: {  	[tilespmem:s28], [sflag:$0x1] =	stream.indirect.gather [hbm4b:s5+s31], $0x80, s30, s31, $0xb8;
	[tilespmem:$0x1BE00] =	vst v63  }
0x104: {  	s18 =	sadd.s32 $0x0, s23  }
0x105: {  	[tilespmem:s0], [sflag:$0x3] =	stream.linear.gather [hbm4b:s18+s3], $0x80, $0x38;
	[tilespmem:$0x1BE00] =	vst v63  }
0x106: {  	_ =	swait.ge [sflag:s29], $0x80  }
0x107: {  	[sflag:s29] =	ssyncset.done $0x0  }
0x108: {  	s25 =	sadd.s32 $0x0, s24;
	[sflag:s29] =	ssyncadd.s32 $0xFFFFFF80  }
0x109: {  	[tilespmem:s8], [sflag:$0x3] =	stream.linear.gather [hbm4b:s25+s3], $0x80, $0x38;
	[tilespmem:$0x1BE00] =	vst v63  }
0x10a: {  	_ =	swait.ge [sflag:s29], $0x80  }
0x10b: {  	[sflag:s29] =	ssyncset.done $0x0  }
0x10c: {  	[sflag:s29] =	ssyncadd.s32 $0xFFFFFF80  }
0x10d: {  	_ =	swait.ge [sflag:s9], $0x4000  }
0x10e: {  	[sflag:s9] =	ssyncset.done $0x0  }
0x10f: {  	[sflag:s9] =	ssyncadd.s32 $0xFFFFC000  }
0x110: {  	[tilespmem:s10], [sflag:$0x2] =	stream.indirect.gather [hbm4b:s5+s31], $0x80, s8, s31, $0xb8;
	[tilespmem:$0x1BE00] =	vst v63  }
0x111: {  	_ = 	snop  }
0x112: {  	[spmem:s1] =	stream.indirect.scatter.add.f32 [tilespmem:s28], [sflag:$0x3], $0x80, s0, s31, $0xb8;
	[tilespmem:$0x1BE00] =	vst v63  }
0x113: {  	_ =	swait.ge [sflag:s29], $0x4000  }
0x114: {  	[sflag:s29] =	ssyncset.done $0x0  }
0x115: {  	s15 =	sadd.s32 $0x10, s18;
	[sflag:s29] =	ssyncadd.s32 $0xFFFFC000  }
0x116: {  	[tilespmem:s11], [sflag:$0x3] =	stream.linear.gather [hbm4b:s15+s3], $0x80, $0x38;
	[tilespmem:$0x1BE00] =	vst v63  }
0x117: {  	p4 =	slt.s32 s16, s12;
	s15 =	smov.u32 s12  }
0x118: {  	s15 =	smov.u32 @p4 s16;
	_ =	swait.ge [sflag:s29], $0x80  }
0x119: {  	[sflag:s29] =	ssyncset.done $0x0;
	s15 =	sshrl.u32 s15, $0x3  }
0x11a: {  	[sflag:s29] =	ssyncadd.s32 $0xFFFFFF80;
	s15 =	sadd.s32 s6, s15  }
0x11b: {  	[tilespmem:s30], [sflag:$0x3] =	stream.linear.gather [hbm4b:s15+s3], $0x80, $0x38;
	[tilespmem:$0x1BE00] =	vst v63  }
0x11c: {  	_ =	swait.ge [sflag:s29], $0x80  }
0x11d: {  	[sflag:s29] =	ssyncset.done $0x0  }
0x11e: {  	[sflag:s29] =	ssyncadd.s32 $0xFFFFFF80  }
0x11f: {  	_ =	swait.ge [sflag:s13], $0x4000  }
0x120: {  	[sflag:s13] =	ssyncset.done $0x0  }
0x121: {  	[sflag:s13] =	ssyncadd.s32 $0xFFFFC000  }
0x122: {  	[tilespmem:s28], [sflag:$0x1] =	stream.indirect.gather [hbm4b:s5+s31], $0x80, s30, s31, $0xb8;
	[tilespmem:$0x1BE00] =	vst v63  }
0x123: {  	_ = 	snop  }
0x124: {  	[spmem:s1] =	stream.indirect.scatter.add.f32 [tilespmem:s10], [sflag:$0x3], $0x80, s11, s31, $0xb8;
	[tilespmem:$0x1BE00] =	vst v63  }
0x125: {  	_ =	swait.ge [sflag:s29], $0x4000  }
0x126: {  	s25 =	smov.u32 s16;
	s15 =	simm.s32 $0x20;
	[sflag:s29] =	ssyncset.done $0x0  }
.LBB2_9:
0x127: {  	p6 =	sne.s32 s15, $0x9C0;
	[sflag:s29] =	ssyncadd.s32 $0xFFFFC000;
	s25 =	sadd.s32 $0x100, s25  }
0x128: {  	s17 =	sadd.s32 s15, s23;
	s18 =	smov.u32 s15;
	s15 =	sadd.s32 $0x20, s15  }
0x129: {  	[tilespmem:s0], [sflag:$0x3] =	stream.linear.gather [hbm4b:s17+s3], $0x80, $0x38;
	[tilespmem:$0x1BE00] =	vst v63  }
0x12a: {  	_ =	swait.ge [sflag:s29], $0x80  }
0x12b: {  	[sflag:s29] =	ssyncset.done $0x0  }
0x12c: {  	s18 =	sadd.s32 s18, s24;
	[sflag:s29] =	ssyncadd.s32 $0xFFFFFF80  }
0x12d: {  	[tilespmem:s8], [sflag:$0x3] =	stream.linear.gather [hbm4b:s18+s3], $0x80, $0x38;
	[tilespmem:$0x1BE00] =	vst v63  }
0x12e: {  	_ =	swait.ge [sflag:s29], $0x80  }
0x12f: {  	[sflag:s29] =	ssyncset.done $0x0  }
0x130: {  	[sflag:s29] =	ssyncadd.s32 $0xFFFFFF80  }
0x131: {  	_ =	swait.ge [sflag:s9], $0x4000  }
0x132: {  	[sflag:s9] =	ssyncset.done $0x0  }
0x133: {  	[sflag:s9] =	ssyncadd.s32 $0xFFFFC000  }
0x134: {  	[tilespmem:s10], [sflag:$0x2] =	stream.indirect.gather [hbm4b:s5+s31], $0x80, s8, s31, $0xb8;
	[tilespmem:$0x1BE00] =	vst v63  }
0x135: {  	_ = 	snop  }
0x136: {  	[spmem:s1] =	stream.indirect.scatter.add.f32 [tilespmem:s28], [sflag:$0x3], $0x80, s0, s31, $0xb8;
	[tilespmem:$0x1BE00] =	vst v63  }
0x137: {  	_ =	swait.ge [sflag:s29], $0x4000  }
0x138: {  	[sflag:s29] =	ssyncset.done $0x0  }
0x139: {  	p4 =	slt.s32 s25, s12;
	s17 =	sadd.s32 $0x10, s17;
	[sflag:s29] =	ssyncadd.s32 $0xFFFFC000  }
0x13a: {  	[tilespmem:s11], [sflag:$0x3] =	stream.linear.gather [hbm4b:s17+s3], $0x80, $0x38;
	[tilespmem:$0x1BE00] =	vst v63  }
0x13b: {  	s17 =	smov.u32 s12  }
0x13c: {  	s17 =	smov.u32 @p4 s25;
	_ =	swait.ge [sflag:s29], $0x80  }
0x13d: {  	[sflag:s29] =	ssyncset.done $0x0;
	s17 =	sshrl.u32 s17, $0x3  }
0x13e: {  	[sflag:s29] =	ssyncadd.s32 $0xFFFFFF80;
	s17 =	sadd.s32 s6, s17  }
0x13f: {  	[tilespmem:s30], [sflag:$0x3] =	stream.linear.gather [hbm4b:s17+s3], $0x80, $0x38;
	[tilespmem:$0x1BE00] =	vst v63  }
0x140: {  	_ =	swait.ge [sflag:s29], $0x80  }
0x141: {  	[sflag:s29] =	ssyncset.done $0x0  }
0x142: {  	[sflag:s29] =	ssyncadd.s32 $0xFFFFFF80  }
0x143: {  	_ =	swait.ge [sflag:s13], $0x4000  }
0x144: {  	[sflag:s13] =	ssyncset.done $0x0  }
0x145: {  	[sflag:s13] =	ssyncadd.s32 $0xFFFFC000  }
0x146: {  	[tilespmem:s28], [sflag:$0x1] =	stream.indirect.gather [hbm4b:s5+s31], $0x80, s30, s31, $0xb8;
	[tilespmem:$0x1BE00] =	vst v63  }
.Ltmp6:
0x147: {  	_ = 	snop;
	(pc) =	sbr.rel @p6 .LBB2_9-.Ltmp6, $4  }
0x148: {  	_ = 	snop  }
0x149: {  	[spmem:s1] =	stream.indirect.scatter.add.f32 [tilespmem:s10], [sflag:$0x3], $0x80, s11, s31, $0xb8;
	[tilespmem:$0x1BE00] =	vst v63  }
0x14a: {  	_ =	swait.ge [sflag:s29], $0x4000  }
0x14b: {  	[sflag:s29] =	ssyncset.done $0x0  }
.Ltmp7:
0x14c: {  	_ = 	snop;
	(pc) =	sbr.rel .LBB2_10-.Ltmp7, $1  }
0x14d: {  	_ =	sdelay $0x3  }
.LBB2_12:
0x14e: {  	_ =	sfence.sel $0x180000  }
0x14f: {  	[bflag:$0x0] =	sbarrier.arrive $0xFFFF  }
0x150: {  	_ =	strace $0x9000004A  }
0x151: {  	[bflag:$0x2] =	sbarrier.arrive $0xFFFF  }
0x152: {  	p0 =	sne.s32 s2, $0x0;
	s0 =	rddreg [dreg:$0x2]  }
0x153: {  	s0 =	sadd.s32 @!p0 $0x100000, s0  }
0x154: {  	[sflag:s0] =	ssyncadd.tile.s32 @!p0 $0x1;
	_ =	shalt  }
.Lfunc_end2:
_tile_overlayer_lowered:
.L_overlay_start_2:
0x155: {  	(tag) =	ssettag $0x2  }
0x156: {  	s0 =	rddreg [dreg:$0x0];
	s2 =	stileid.u32  }
0x157: {  	s1 =	rddreg [dreg:$0x1];
	p0 =	sne.s32 s2, $0x0  }
0x158: {  	s3 =	rddreg [dreg:$0x2];
	[bflag:$0x3] =	sbarrier.arrive $0xFFFF;
	s2 =	simm.s32 @!p0 $0x1C03  }
0x159: {  	[timem:s3], [sflag:s2] =	dma.local @!p0 [hbm:s0], s1  }
0x15a: {  	s0 =	simm.s32 @!p0 $0x3  }
0x15b: {  	_ =	swait.ge @!p0 [sflag:s0], s1  }
0x15c: {  	s1 =	ssub.s32 @!p0 $0x0, s1;
	[sflag:s0] =	ssyncset.done @!p0 $0x0  }
0x15d: {  	[sflag:s0] =	ssyncadd.s32 @!p0 s1  }
0x15e: {  	[bflag:$0x3] =	sbarrier.arrive $0xFFFF  }
0x15f: {  	_ =	shalt  }

// kernel: kernel.15.cloned.1.call-start
scs
__scs_entry_jumppad:
0x0: {  	(pc) =	sbr.rel $0x88, $3  }
0x1: {  	(tag) =	ssettag $0x0;
	lr =	simm.s32 $0x1  }
0x2: {  	[smem:$0x3F93] =	sst lr;
	_ =	strace $0xD0000000  }
0x3: {  	_ = 	snop  }
0x4: {  	_ = 	snop  }
0x5: {  	_ = 	snop  }
0x6: {  	_ = 	snop  }
0x7: {  	_ = 	snop  }
__scs_overlays_trampoline_lowered:
0x8: {  	[smem:$0x3FA2] =	sst s0  }
0x9: {  	[smem:$0x3FA3] =	sst s1  }
0xa: {  	[smem:$0x3FA4] =	sst s2  }
0xb: {  	[smem:$0x3FA5] =	sst s3  }
0xc: {  	[smem:$0x3FA6] =	sst s4  }
0xd: {  	[smem:$0x3FA7] =	sst s5  }
0xe: {  	[smem:$0x3FA8] =	sst s6  }
0xf: {  	[smem:$0x3FA9] =	sst s7  }
0x10: {  	[smem:$0x3FAA] =	sst s8  }
0x11: {  	[smem:$0x3FAB] =	sst s9;
	s0 =	simm.s32 @!p0 $0x0  }
0x12: {  	s1 =	sld [smem:$0x3F91];
	s0 =	simm.s32 @p0 $0x1  }
0x13: {  	[smem:$0x3FAC] =	sst s0;
	s0 =	simm.s32 @!p1 $0x0  }
0x14: {  	s2 =	sld [smem:$0x3F90];
	s0 =	simm.s32 @p1 $0x1  }
0x15: {  	[smem:$0x3FAD] =	sst s0;
	s0 =	simm.s32 @!p2 $0x0  }
0x16: {  	s3 =	sld [smem:$0x3FDB];
	s0 =	simm.s32 @p2 $0x1  }
0x17: {  	s4 =	simm.s32 $0x1BF5;
	[smem:$0x3FAF] =	sst s0  }
0x18: {  	s0 =	sld [smem:$0x3F92];
	_ =	swait.ge [sflag:s4], $0x0  }
0x19: {  	s7 =	sld [smem:$0x3F93]  }
0x1a: {  	s8 =	sadd.s32 $0xFFFFE003, lr  }
0x1b: {  	s9 =	sadd.s32 $0xFFFFFEF7, lr;
	s5 =	simm.s32 $0xFFFFFFFF;
	p2 =	slt.u32 s8, $0xFFFFF086  }
0x1c: {  	p1 =	slt.u32 s9, $0xF7A;
	s5 =	simm.s32 @!p2 $0x0  }
0x1d: {  	s5 =	simm.s32 @p1 $0x1;
	p0 =	seq.s32 s7, s2  }
0x1e: {  	s7 =	smul.u32 @!p0 $0xF7A, s2;
	p2 =	seq.s32 @!p0 s5, $0x0  }
0x1f: {  	s9 =	smul.u32 $0xF7A, s1;
	s8 =	simm.s32 @!p0 $0x1BF5;
	p2 =	por !p2, p0  }
0x20: {  	[sflag:s8] =	ssyncset.s32 @!p0 $0xFFFFF086;
	s6 =	sadd.s32 @!p0 s3, s7;
	s7 =	simm.s32 @!p0 $0x108  }
0x21: {  	s3 =	sadd.s32 s3, s9;
	s6 =	sadd.s32 @!p0 $0x88, s6;
	s7 =	simm.s32 @p2 $0x1082  }
0x22: {  	[simem:s7], [sflag:s8] =	dma.local @!p0 [hbm:s6], $0xF7A  }
0x23: {  	s9 =	sor.u32 $0xD0000000, s2;
	s6 =	simm.s32 $0x108;
	_ =	swait.ge @!p0 [sflag:s8], $0x0  }
0x24: {  	s3 =	sadd.s32 $0x88, s3;
	s6 =	simm.s32 @!p1 $0x1082;
	[sflag:s4] =	ssyncset.s32 $0xFFFFF086  }
0x25: {  	[simem:s6], [sflag:s4] =	dma.local [hbm:s3], $0xF7A  }
0x26: {  	[smem:$0x3F93] =	sst s1;
	(tag) =	ssettag s2;
	_ =	strace s9  }
0x27: {  	s1 =	sld [smem:$0x3FA3]  }
0x28: {  	s2 =	sld [smem:$0x3FA4]  }
0x29: {  	s4 =	sld [smem:$0x3FA6]  }
0x2a: {  	p0 =	seq.s32 s5, $0x0;
	s5 =	sld [smem:$0x3FA7]  }
0x2b: {  	s6 =	sld [smem:$0x3FA8]  }
0x2c: {  	s7 =	sld [smem:$0x3FA9]  }
0x2d: {  	s3 =	simm.s32 $0x108;
	s8 =	sld [smem:$0x3FAA]  }
0x2e: {  	s3 =	simm.s32 @!p0 $0x1082;
	s9 =	sld [smem:$0x3FAB]  }
0x2f: {  	lr =	sadd.s32 s0, s3;
	s0 =	sld [smem:$0x3FA2]  }
0x30: {  	s3 =	sld [smem:$0x3FA5]  }
0x31: {  	[smem:$0x3FAE] =	sst s10  }
0x32: {  	s10 =	sld [smem:$0x3FAC];
	_ =	sdelay $0x3  }
0x33: {  	p0 =	seq.s32 s10, $0x1;
	s10 =	sld [smem:$0x3FAE];
	_ =	sdelay $0x3  }
0x34: {  	[smem:$0x3FAE] =	sst s10  }
0x35: {  	s10 =	sld [smem:$0x3FAD];
	_ =	sdelay $0x3  }
0x36: {  	p1 =	seq.s32 s10, $0x1;
	s10 =	sld [smem:$0x3FAE];
	_ =	sdelay $0x3  }
0x37: {  	[smem:$0x3FAE] =	sst s10  }
0x38: {  	s10 =	sld [smem:$0x3FAF]  }
0x39: {  	_ = 	snop;
	(pc) =	sbr.ind lr, $3  }
0x3a: {  	_ = 	snop  }
0x3b: {  	_ = 	snop  }
0x3c: {  	p2 =	seq.s32 s10, $0x1;
	s10 =	sld [smem:$0x3FAE]  }
0x3d: {  	_ =	shalt  }
0x3e: {  	_ =	shalt  }
0x3f: {  	_ =	shalt  }
0x40: {  	_ =	shalt  }
0x41: {  	_ =	shalt  }
0x42: {  	_ =	shalt  }
0x43: {  	_ =	shalt  }
0x44: {  	_ =	shalt  }
0x45: {  	_ =	shalt  }
0x46: {  	_ =	shalt  }
0x47: {  	_ =	shalt  }
0x48: {  	_ =	shalt  }
0x49: {  	_ =	shalt  }
0x4a: {  	_ =	shalt  }
0x4b: {  	_ =	shalt  }
0x4c: {  	_ =	shalt  }
0x4d: {  	_ =	shalt  }
0x4e: {  	_ =	shalt  }
0x4f: {  	_ =	shalt  }
0x50: {  	_ =	shalt  }
0x51: {  	_ =	shalt  }
0x52: {  	_ =	shalt  }
0x53: {  	_ =	shalt  }
0x54: {  	_ =	shalt  }
0x55: {  	_ =	shalt  }
0x56: {  	_ =	shalt  }
0x57: {  	_ =	shalt  }
0x58: {  	_ =	shalt  }
0x59: {  	_ =	shalt  }
0x5a: {  	_ =	shalt  }
0x5b: {  	_ =	shalt  }
0x5c: {  	_ =	shalt  }
0x5d: {  	_ =	shalt  }
0x5e: {  	_ =	shalt  }
0x5f: {  	_ =	shalt  }
0x60: {  	_ =	shalt  }
0x61: {  	_ =	shalt  }
0x62: {  	_ =	shalt  }
0x63: {  	_ =	shalt  }
0x64: {  	_ =	shalt  }
0x65: {  	_ =	shalt  }
0x66: {  	_ =	shalt  }
0x67: {  	_ =	shalt  }
0x68: {  	_ =	shalt  }
0x69: {  	_ =	shalt  }
0x6a: {  	_ =	shalt  }
0x6b: {  	_ =	shalt  }
0x6c: {  	_ =	shalt  }
0x6d: {  	_ =	shalt  }
0x6e: {  	_ =	shalt  }
0x6f: {  	_ =	shalt  }
0x70: {  	_ =	shalt  }
0x71: {  	_ =	shalt  }
0x72: {  	_ =	shalt  }
0x73: {  	_ =	shalt  }
0x74: {  	_ =	shalt  }
0x75: {  	_ =	shalt  }
0x76: {  	_ =	shalt  }
0x77: {  	_ =	shalt  }
0x78: {  	_ =	shalt  }
0x79: {  	_ =	shalt  }
0x7a: {  	_ =	shalt  }
0x7b: {  	_ =	shalt  }
0x7c: {  	_ =	shalt  }
0x7d: {  	_ =	shalt  }
0x7e: {  	_ =	shalt  }
0x7f: {  	_ =	shalt  }
0x80: {  	_ =	shalt  }
0x81: {  	_ =	shalt  }
0x82: {  	_ =	shalt  }
0x83: {  	_ =	shalt  }
0x84: {  	_ =	shalt  }
0x85: {  	_ =	shalt  }
0x86: {  	_ =	shalt  }
0x87: {  	_ =	shalt  }
.Lfunc_end0:
.L_simem_size_0:
called_computation.2_lowered:
.L_overlay_start_0:
0x88: {  	s2 =	sld [smem:$0x3FD9]  }
0x89: {  	s3 =	sld [smem:$0x3FFE];
	_ =	sdelay $0x1  }
0x8a: {  	s1 =	srdreg.scid  }
0x8b: {  	s0 =	sand.u32 $0x1, s1  }
0x8c: {  	s16 =	sshll.u32 s0, $0xA;
	s2 =	sadd.s32 s3, s2  }
0x8d: {  	s2 =	sadd.s32 s2, s16  }
0x8e: {  	[smem:$0x3FBA] =	sst s2  }
0x8f: {  	_ = 	snop  }
0x90: {  	(tm) =	ssettm $0x1  }
0x91: {  	s17 =	sld [smem:$0x3FFB];
	_ =	sdelay $0x3  }
0x92: {  	_ =	strace s17  }
0x93: {  	s2 =	sld [smem:$0x3FFC];
	_ =	sdelay $0x3  }
0x94: {  	_ =	strace s2  }
0x95: {  	s2 =	sld [smem:$0x3FFD];
	_ =	sdelay $0x3  }
0x96: {  	_ =	strace s2  }
0x97: {  	_ =	strace $0x8FFFFFFF  }
0x98: {  	s18 =	sld [smem:$0x3FDB];
	_ =	sdelay $0x1  }
0x99: {  	s19 =	simm.s32 $_scs_section_size  }
0x9a: {  	s4 =	simm.s32 $_size__tile_overlayer_lowered;
	s5 =	simm.s32 $_tile_overlayer_lowered  }
0x9b: {  	s22 =	simm.s32 $0x1BFF;
	s21 =	sshll.u32 s5, $0x1;
	s2 =	sadd.s32 s19, s18  }
0x9c: {  	s6 =	simm.s32 $0x0;
	s20 =	sshll.u32 s4, $0x1;
	s4 =	sadd.s32 s21, s2  }
0x9d: {  	[timem:s6], [sflag:s22] =	dma.local [hbm:s4], s20  }
0x9e: {  	_ =	swait.ge [sflag:s22], s20  }
0x9f: {  	s3 =	ssub.s32 $0x0, s20;
	[sflag:s22] =	ssyncset.done $0x0  }
0xa0: {  	[sflag:s22] =	ssyncadd.s32 s3;
	_ =	sdelay $0x1  }
0xa1: {  	s23 =	simm.s32 $0x1B8B  }
0xa2: {  	_ =	swait.ge [sflag:s23], $0x1  }
0xa3: {  	[sflag:s23] =	ssyncset.done $0x0  }
0xa4: {  	s25 =	simm.s32 $0x1B8E;
	s24 =	sld [smem:$0x3FFE];
	[sflag:s23] =	ssyncadd.s32 $0xFFFFFFFF  }
0xa5: {  	s26 =	simm.s32 $execute0_lowered;
	[smem:$0x3FD2] =	sst s25  }
0xa6: {  	s4 =	sshll.u32 s26, $0x1;
	_ =	strace $0x8000004C;
	[dreg:$0x1] =	wrdreg $0xFFFFFFFF  }
0xa7: {  	s28 =	simm.s32 $_size_execute0_lowered;
	s2 =	sadd.s32 s2, s4;
	[dreg:$0x0] =	wrdreg $0x0  }
0xa8: {  	s4 =	sshll.u32 s28, $0x1;
	[dreg:$0x2] =	wrdreg s2  }
0xa9: {  	[dreg:$0x3] =	wrdreg s4  }
0xaa: {  	[dreg:$0x4] =	wrdreg $0xC0  }
0xab: {  	_ =	task [dreg:s6], $0x5FFFF  }
0xac: {  	[dreg:$0x1] =	wrdreg $0xFFFFFFFF  }
0xad: {  	[dreg:$0x0] =	wrdreg $0x60  }
0xae: {  	[dreg:$0x2] =	wrdreg s24  }
0xaf: {  	[dreg:$0x3] =	wrdreg $0x0  }
0xb0: {  	[dreg:$0x4] =	wrdreg $0x9  }
0xb1: {  	_ =	task.clear_ibuf [dreg:s6], $0x5FFFF;
	_ =	strace $0x9000004C  }
0xb2: {  	s29 =	simm.s32 $0x9;
	_ =	strace $0x8000004E  }
0xb3: {  	_ =	swait.ge [sflag:s29], $0x1  }
0xb4: {  	[sflag:s29] =	ssyncadd.s32 $0xFFFFFFFF  }
0xb5: {  	_ =	strace $0x9000004E  }
0xb6: {  	_ =	sfence  }
0xb7: {  	s30 =	sld [smem:$0x0];
	_ =	sdelay $0x2  }
0xb8: {  	s31 =	sshll.u32 s1, $0xD;
	s1 =	sshrl.u32 s1, $0x2  }
0xb9: {  	s3 =	sand.u32 $0x4000, s31;
	s1 =	sadd.s32 s1, s30  }
0xba: {  	s0 =	sor.u32 s3, s0;
	s1 =	sshll.u32 s1, $0x11  }
0xbb: {  	s0 =	sor.u32 s1, s0  }
0xbc: {  	s0 =	sadd.s32 $0x8F2B, s0  }
0xbd: {  	[sflag:s0] =	ssyncadd.remote.s32 $0x1  }
0xbe: {  	_ =	sfence.sel $0xFFFF  }
0xbf: {  	[dreg:$0x0] =	wrdreg $0xFFFFFFFF;
	(pc) =	sbr.abs _section_cstart, $3  }
0xc0: {  	[dreg:$0x1] =	wrdreg $0xFFFFFFFF  }
0xc1: {  	_ =	task.clear_ibuf [dreg:s6], $0x2FFFF;
	_ =	strace $0x9FFFFFFF  }
0xc2: {  	(tm) =	ssettm $0x7FFFFFFF  }
0xc3: {  	_ =	shalt  }
tec
execute0_lowered:
.L_overlay_start_1:
0x0: {  	(tag) =	ssettag $0x1  }
0x1: {  	s0 =	rddreg [dreg:$0x0]  }
0x2: {  	s1 =	rddreg [dreg:$0x1]  }
0x3: {  	s3 =	simm.s32 $0x0;
	s2 =	stileid.u32;
	s6 =	srdreg.scid  }
0x4: {  	s28 =	simm.s32 $0x13E00;
	s29 =	simm.s32 $0x3;
	s30 =	simm.s32 $0x13C00  }
0x5: {  	s31 =	simm.s32 $0x80;
	[smem:$0x7FF] =	sst s3;
	s4 =	sadd.s32 $0x18800, s0  }
0x6: {  	s7 =	smul.u32 $0x2780, s2;
	s5 =	sadd.s32 $0x3FA00, s0;
	s8 =	sand.u32 $0x1, s6  }
0x7: {  	s9 =	smul.u32 $0x4F000, s2;
	s6 =	sadd.s32 $0x4800, s0;
	s10 =	sadd.s32 $0xE800, s0  }
0x8: {  	s17 =	smul.u32 $0x5000, s2;
	p4 =	sne.s32 s2, $0xF;
	p1 =	seq.s32 s2, $0xF  }
0x9: {  	s21 =	sadd.s32 $0xDAC80, s0;
	s25 =	smul.u32 $0xA00, s2;
	_ =	strace $0x8000004D  }
0xa: {  	s11 =	ssub.s32 $0x2, s8;
	p3 =	seq.s32 s8, $0x0;
	p0 =	seq.s32 s8, $0x1  }
0xb: {  	[dreg:$0x9] =	wrdreg s21;
	s13 =	sadd.s32 s7, s0;
	s16 =	sshrl.u32 s11, $0x1  }
0xc: {  	s9 =	sshrl.u32 s9, $0x2;
	s14 =	sshrl.u32 s17, $0x3;
	p2 =	por !p4, !p3  }
0xd: {  	p4 =	por !p4, !p0;
	p5 =	por !p1, !p3;
	s0 =	sadd.s32 $0x101E80, s0  }
0xe: {  	s11 =	ssub.s32 s11, s16;
	s7 =	sadd.s32 s9, s1;
	s15 =	sadd.s32 s6, s14  }
0xf: {  	p2 =	por !p2, !p2;
	s20 =	sadd.s32 $0xB5C00, s13;
	p3 =	por !p4, !p4  }
0x10: {  	p5 =	por !p5, !p5;
	s13 =	sadd.s32 $0xDCE00, s13;
	[dreg:$0xb] =	wrdreg s0  }
0x11: {  	s23 =	sadd.s32 s10, s14;
	s24 =	sadd.s32 $0x9F0, s14;
	p4 =	sne.s32 s8, $0x0  }
0x12: {  	s0 =	sadd.s32 s25, s6;
	s16 =	sor.u32 $0x100, s17;
	s14 =	simm.s32 $0x0  }
0x13: {  	s9 =	sadd.s32 $0x4000, s7;
	s12 =	sadd.s32 $0x8000, s7;
	[dreg:$0x7] =	wrdreg s15  }
0x14: {  	s18 =	sadd.s32 $0xC000, s7;
	s19 =	sadd.s32 $0x10000, s7;
	[dreg:$0x8] =	wrdreg s20  }
0x15: {  	[dreg:$0xa] =	wrdreg s13;
	s22 =	smax.u32 s11, $0x1;
	s20 =	sadd.s32 s6, s24  }
0x16: {  	s21 =	sadd.s32 s10, s24;
	s8 =	simm.s32 @!p4 $0x0;
	[dreg:$0x3] =	wrdreg s9  }
0x17: {  	s24 =	sadd.s32 $0x10, s0;
	p5 =	por !p5, p3;
	[dreg:$0x4] =	wrdreg s12  }
0x18: {  	s0 =	simm.s32 $0x13C80;
	s11 =	simm.s32 $0x13D80;
	[dreg:$0x5] =	wrdreg s18  }
.Ltmp0:
0x19: {  	s13 =	simm.s32 $0x2;
	[dreg:$0x6] =	wrdreg s19;
	(pc) =	sbr.rel .LBB2_1-.Ltmp0, $4  }
0x1a: {  	s12 =	sadd.s32 $0x4F80, s17;
	[dreg:$0xc] =	wrdreg s22;
	s19 =	sadd.s32 $0x9E0, s23  }
0x1b: {  	s8 =	simm.s32 @p4 $0x1;
	s23 =	sadd.s32 s25, s10;
	s9 =	simm.s32 $0x1  }
0x1c: {  	s10 =	simm.s32 $0x17E00;
	[smem:$0x7FD] =	sst s8;
	s26 =	sshrl.u32 s12, $0x3  }
0x1d: {  	v0 =	vimm.f32 $0.0e+00;
	s8 =	simm.s32 $0x13D00;
	s22 =	sadd.s32 s6, s26;
	s26 =	sadd.s32 $0x128400, s1  }
.LBB2_10:
0x1e: {  	[sflag:s29] =	ssyncadd.s32 $0xFFFFC000  }
0x1f: {  	[tilespmem:s0], [sflag:$0x3] =	stream.linear.gather [hbm4b:s19+s3], $0x80, $0x38;
	[tilespmem:$0x1BE00] =	vst v63  }
0x20: {  	_ =	swait.ge [sflag:s29], $0x80  }
0x21: {  	[sflag:s29] =	ssyncset.done $0x0  }
0x22: {  	[sflag:s29] =	ssyncadd.s32 $0xFFFFFF80  }
0x23: {  	[tilespmem:s8], [sflag:$0x3] =	stream.linear.gather [hbm4b:s20+s3], $0x80, $0x38;
	[tilespmem:$0x1BE00] =	vst v63  }
0x24: {  	_ =	swait.ge [sflag:s29], $0x80  }
0x25: {  	[sflag:s29] =	ssyncset.done $0x0  }
0x26: {  	[sflag:s29] =	ssyncadd.s32 $0xFFFFFF80  }
0x27: {  	_ =	swait.ge [sflag:s9], $0x4000  }
0x28: {  	[sflag:s9] =	ssyncset.done $0x0  }
0x29: {  	[sflag:s9] =	ssyncadd.s32 $0xFFFFC000  }
0x2a: {  	[tilespmem:s10], [sflag:$0x2] =	stream.indirect.gather [hbm4b:s5+s31], $0x80, s8, s31, $0xb8;
	[tilespmem:$0x1BE00] =	vst v63  }
0x2b: {  	_ = 	snop  }
0x2c: {  	[spmem:s1] =	stream.indirect.scatter.add.f32 [tilespmem:s28], [sflag:$0x3], $0x80, s0, s31, $0xb8;
	[tilespmem:$0x1BE00] =	vst v63  }
0x2d: {  	_ =	swait.ge [sflag:s29], $0x4000  }
0x2e: {  	[sflag:s29] =	ssyncset.done $0x0  }
0x2f: {  	[sflag:s29] =	ssyncadd.s32 $0xFFFFC000  }
0x30: {  	[tilespmem:s11], [sflag:$0x3] =	stream.linear.gather [hbm4b:s21+s3], $0x80, $0x38;
	[tilespmem:$0x1BE00] =	vst v63  }
0x31: {  	_ =	swait.ge [sflag:s29], $0x80  }
0x32: {  	[sflag:s29] =	ssyncset.done $0x0  }
0x33: {  	[sflag:s29] =	ssyncadd.s32 $0xFFFFFF80  }
0x34: {  	[tilespmem:s30], [sflag:$0x3] =	stream.linear.gather [hbm4b:s22+s3], $0x80, $0x38;
	[tilespmem:$0x1BE00] =	vst v63  }
0x35: {  	_ =	swait.ge [sflag:s29], $0x80  }
0x36: {  	[sflag:s29] =	ssyncset.done $0x0  }
0x37: {  	[sflag:s29] =	ssyncadd.s32 $0xFFFFFF80  }
0x38: {  	_ =	swait.ge [sflag:s13], $0x4000  }
0x39: {  	[sflag:s13] =	ssyncset.done $0x0  }
0x3a: {  	[sflag:s13] =	ssyncadd.s32 $0xFFFFC000  }
0x3b: {  	[tilespmem:s28], [sflag:$0x1] =	stream.indirect.gather [hbm4b:s5+s31], $0x80, s30, s31, $0xb8;
	[tilespmem:$0x1BE00] =	vst v63  }
0x3c: {  	_ = 	snop  }
0x3d: {  	[spmem:s1] =	stream.indirect.scatter.add.f32 [tilespmem:s10], [sflag:$0x3], $0x80, s11, s31, $0xb8;
	[tilespmem:$0x1BE00] =	vst v63  }
0x3e: {  	_ =	swait.ge [sflag:s29], $0x4000  }
0x3f: {  	[sflag:s29] =	ssyncset.done $0x0  }
0x40: {  	[sflag:s29] =	ssyncadd.s32 $0xFFFFC000  }
0x41: {  	_ =	swait.ge [sflag:s9], $0x4000  }
0x42: {  	[sflag:s9] =	ssyncset.done $0x0  }
0x43: {  	[sflag:s9] =	ssyncadd.s32 $0xFFFFC000  }
.LBB2_11:
0x44: {  	s15 =	sshll.u32 @p2 s2, $0x6;
	[bflag:$0x0] =	sbarrier.arrive $0xFFFF  }
0x45: {  	s17 =	sshrl.u32 @p2 s7, $0x3;
	s15 =	sor.u32 @p2 $0x1C03, s15;
	s18 =	rddreg [dreg:$0x8]  }
0x46: {  	[hbm:s18], [sflag:s15] =	dma.local @p2 [spmem:s17], $0x2780  }
0x47: {  	p4 =	por @!p5 $0x1, $0x1;
	p6 =	por p1, p1;
	s15 =	simm.s32 @p2 $0x3  }
0x48: {  	p6 =	por @!p5 p4, p4;
	_ =	swait.ge @p2 [sflag:s15], $0x2780  }
0x49: {  	s17 =	simm.s32 @!p5 $0x1FC3;
	p4 =	por @!p3 !p6, !p0;
	[sflag:s15] =	ssyncset.done @p2 $0x0  }
0x4a: {  	s18 =	rddreg [dreg:$0x9];
	[sflag:s15] =	ssyncadd.s32 @p2 $0xFFFFD880;
	s15 =	sshrl.u32 @!p5 s26, $0x3  }
0x4b: {  	[hbm:s18], [sflag:s17] =	dma.local @!p5 [spmem:s15], $0x2080  }
0x4c: {  	p4 =	por @!p3 !p4, !p4;
	s15 =	simm.s32 @!p5 $0x3  }
0x4d: {  	p4 =	por !p4, p3;
	_ =	swait.ge @!p5 [sflag:s15], $0x2080  }
0x4e: {  	s17 =	sshll.u32 @!p4 s2, $0x6;
	[sflag:s15] =	ssyncset.done @!p5 $0x0;
	s18 =	rddreg [dreg:$0xb]  }
0x4f: {  	[sflag:s15] =	ssyncadd.s32 @!p5 $0xFFFFDF80;
	s15 =	sor.u32 @!p4 $0x1C03, s17;
	s17 =	sshrl.u32 @!p4 s26, $0x3  }
0x50: {  	[hbm:s18], [sflag:s15] =	dma.local @!p4 [spmem:s17], $0x2080  }
0x51: {  	s15 =	simm.s32 @!p4 $0x3  }
0x52: {  	_ =	swait.ge @!p4 [sflag:s15], $0x2080  }
0x53: {  	s17 =	sshll.u32 @p3 s2, $0x6;
	[sflag:s15] =	ssyncset.done @!p4 $0x0;
	s18 =	rddreg [dreg:$0xa]  }
0x54: {  	[sflag:s15] =	ssyncadd.s32 @!p4 $0xFFFFDF80;
	s15 =	sor.u32 @p3 $0x1C03, s17;
	s17 =	sshrl.u32 @p3 s7, $0x3  }
0x55: {  	[hbm:s18], [sflag:s15] =	dma.local @p3 [spmem:s17], $0x2780  }
0x56: {  	s15 =	simm.s32 @p3 $0x3  }
0x57: {  	_ =	swait.ge @p3 [sflag:s15], $0x2780  }
0x58: {  	s14 =	sadd.s32 $0x1, s14;
	s25 =	rddreg [dreg:$0xc]  }
0x59: {  	p4 =	sne.s32 s14, s25  }
.Ltmp1:
0x5a: {  	_ = 	snop;
	(pc) =	sbr.rel @!p4 .LBB2_12-.Ltmp1, $3  }
0x5b: {  	_ =	sdelay $0x1  }
0x5c: {  	[sflag:s15] =	ssyncset.done @p3 $0x0  }
0x5d: {  	[sflag:s15] =	ssyncadd.s32 @p3 $0xFFFFD880  }
.LBB2_1:
0x5e: {  	s15 =	simm.s32 $0x0;
	s25 =	simm.s32 $0x200  }
.LBB2_2:
0x5f: {  	p6 =	sne.s32 s25, $0xFE00;
	[tilespmem:s15+$0x13E70] =	vst v0  }
0x60: {  	[tilespmem:s15+$0x13E00] =	vst v0  }
0x61: {  	[tilespmem:s15+$0x13E10] =	vst v0  }
.Ltmp2:
0x62: {  	[tilespmem:s15+$0x13E20] =	vst v0;
	(pc) =	sbr.rel @p6 .LBB2_2-.Ltmp2, $4  }
0x63: {  	[tilespmem:s15+$0x13E30] =	vst v0  }
0x64: {  	[tilespmem:s15+$0x13E40] =	vst v0  }
0x65: {  	[tilespmem:s15+$0x13E50] =	vst v0  }
0x66: {  	[tilespmem:s15+$0x13E60] =	vst v0;
	s15 =	sshra.s32 s25, $0x2;
	s25 =	sadd.s32 $0x200, s25  }
0x67: {  	[tilespmem:s15+$0x13E70] =	vst v0  }
0x68: {  	[tilespmem:s15+$0x13E00] =	vst v0  }
0x69: {  	[tilespmem:s15+$0x13E10] =	vst v0  }
0x6a: {  	[tilespmem:s15+$0x13E20] =	vst v0  }
0x6b: {  	[tilespmem:s15+$0x13E30] =	vst v0  }
0x6c: {  	[tilespmem:s15+$0x13E40] =	vst v0  }
0x6d: {  	[tilespmem:s15+$0x13E50] =	vst v0  }
0x6e: {  	[tilespmem:s15+$0x13E60] =	vst v0  }
0x6f: {  	[spmem:s7] =	stream.linear.scatter [tilespmem:s28], [sflag:$0x3], $0x4000, $0x38;
	[tilespmem:$0x1BE00] =	vst v63  }
0x70: {  	_ =	swait.ge [sflag:s29], $0x4000  }
0x71: {  	[sflag:s29] =	ssyncset.done $0x0  }
0x72: {  	s18 =	rddreg [dreg:$0x3];
	[sflag:s29] =	ssyncadd.s32 $0xFFFFC000  }
0x73: {  	[spmem:s18] =	stream.linear.scatter [tilespmem:s28], [sflag:$0x3], $0x4000, $0x38;
	[tilespmem:$0x1BE00] =	vst v63  }
0x74: {  	_ =	swait.ge [sflag:s29], $0x4000  }
0x75: {  	[sflag:s29] =	ssyncset.done $0x0  }
0x76: {  	s25 =	rddreg [dreg:$0x4];
	[sflag:s29] =	ssyncadd.s32 $0xFFFFC000  }
0x77: {  	[spmem:s25] =	stream.linear.scatter [tilespmem:s28], [sflag:$0x3], $0x4000, $0x38;
	[tilespmem:$0x1BE00] =	vst v63  }
0x78: {  	_ =	swait.ge [sflag:s29], $0x4000  }
0x79: {  	[sflag:s29] =	ssyncset.done $0x0  }
0x7a: {  	s17 =	rddreg [dreg:$0x5];
	[sflag:s29] =	ssyncadd.s32 $0xFFFFC000  }
0x7b: {  	[spmem:s17] =	stream.linear.scatter [tilespmem:s28], [sflag:$0x3], $0x4000, $0x38;
	[tilespmem:$0x1BE00] =	vst v63  }
0x7c: {  	_ =	swait.ge [sflag:s29], $0x4000  }
0x7d: {  	[sflag:s29] =	ssyncset.done $0x0  }
0x7e: {  	s18 =	rddreg [dreg:$0x6];
	[sflag:s29] =	ssyncadd.s32 $0xFFFFC000  }
0x7f: {  	[spmem:s18] =	stream.linear.scatter [tilespmem:s28], [sflag:$0x3], $0x3C00, $0x38;
	[tilespmem:$0x1BE00] =	vst v63  }
0x80: {  	_ =	swait.ge [sflag:s29], $0x3C00  }
0x81: {  	[sflag:s29] =	ssyncset.done $0x0  }
0x82: {  	[sflag:s29] =	ssyncadd.s32 $0xFFFFC400  }
0x83: {  	[bflag:$0x0] =	sbarrier.arrive $0xFFFF  }
0x84: {  	s25 =	sld [smem:$0x7FD];
	_ =	sdelay $0x2  }
0x85: {  	p4 =	seq.s32 s25, $0x1  }
.Ltmp3:
0x86: {  	_ = 	snop;
	(pc) =	sbr.rel @p4 .LBB2_7-.Ltmp3, $1  }
0x87: {  	_ =	sdelay $0x3  }
0x88: {  	s15 =	simm.s32 $0x0;
	s17 =	rddreg [dreg:$0x7]  }
0x89: {  	[tilespmem:s30], [sflag:$0x3] =	stream.linear.gather [hbm4b:s17+s15], $0x80, $0x38;
	[tilespmem:$0x1BE00] =	vst v63  }
0x8a: {  	_ =	swait.ge [sflag:s29], $0x80  }
0x8b: {  	[sflag:s29] =	ssyncset.done $0x0  }
0x8c: {  	[sflag:s29] =	ssyncadd.s32 $0xFFFFFF80  }
0x8d: {  	[tilespmem:s28], [sflag:$0x1] =	stream.indirect.gather [hbm4b:s4+s31], $0x80, s30, s31, $0xb8;
	[tilespmem:$0x1BE00] =	vst v63  }
0x8e: {  	s18 =	sadd.s32 $0x0, s23  }
0x8f: {  	[tilespmem:s0], [sflag:$0x3] =	stream.linear.gather [hbm4b:s18+s3], $0x80, $0x38;
	[tilespmem:$0x1BE00] =	vst v63  }
0x90: {  	_ =	swait.ge [sflag:s29], $0x80  }
0x91: {  	[sflag:s29] =	ssyncset.done $0x0  }
0x92: {  	s25 =	sadd.s32 $0x0, s24;
	[sflag:s29] =	ssyncadd.s32 $0xFFFFFF80  }
0x93: {  	[tilespmem:s8], [sflag:$0x3] =	stream.linear.gather [hbm4b:s25+s3], $0x80, $0x38;
	[tilespmem:$0x1BE00] =	vst v63  }
0x94: {  	_ =	swait.ge [sflag:s29], $0x80  }
0x95: {  	[sflag:s29] =	ssyncset.done $0x0  }
0x96: {  	[sflag:s29] =	ssyncadd.s32 $0xFFFFFF80  }
0x97: {  	_ =	swait.ge [sflag:s9], $0x4000  }
0x98: {  	[sflag:s9] =	ssyncset.done $0x0  }
0x99: {  	[sflag:s9] =	ssyncadd.s32 $0xFFFFC000  }
0x9a: {  	[tilespmem:s10], [sflag:$0x2] =	stream.indirect.gather [hbm4b:s4+s31], $0x80, s8, s31, $0xb8;
	[tilespmem:$0x1BE00] =	vst v63  }
0x9b: {  	_ = 	snop  }
0x9c: {  	[spmem:s1] =	stream.indirect.scatter.add.f32 [tilespmem:s28], [sflag:$0x3], $0x80, s0, s31, $0xb8;
	[tilespmem:$0x1BE00] =	vst v63  }
0x9d: {  	_ =	swait.ge [sflag:s29], $0x4000  }
0x9e: {  	[sflag:s29] =	ssyncset.done $0x0  }
0x9f: {  	s15 =	sadd.s32 $0x10, s18;
	[sflag:s29] =	ssyncadd.s32 $0xFFFFC000  }
0xa0: {  	[tilespmem:s11], [sflag:$0x3] =	stream.linear.gather [hbm4b:s15+s3], $0x80, $0x38;
	[tilespmem:$0x1BE00] =	vst v63  }
0xa1: {  	p6 =	slt.s32 s16, s12;
	s15 =	smov.u32 s12  }
0xa2: {  	s15 =	smov.u32 @p6 s16;
	_ =	swait.ge [sflag:s29], $0x80  }
0xa3: {  	[sflag:s29] =	ssyncset.done $0x0;
	s15 =	sshrl.u32 s15, $0x3  }
0xa4: {  	[sflag:s29] =	ssyncadd.s32 $0xFFFFFF80;
	s15 =	sadd.s32 s6, s15  }
0xa5: {  	[tilespmem:s30], [sflag:$0x3] =	stream.linear.gather [hbm4b:s15+s3], $0x80, $0x38;
	[tilespmem:$0x1BE00] =	vst v63  }
0xa6: {  	_ =	swait.ge [sflag:s29], $0x80  }
0xa7: {  	[sflag:s29] =	ssyncset.done $0x0  }
0xa8: {  	[sflag:s29] =	ssyncadd.s32 $0xFFFFFF80  }
0xa9: {  	_ =	swait.ge [sflag:s13], $0x4000  }
0xaa: {  	[sflag:s13] =	ssyncset.done $0x0  }
0xab: {  	[sflag:s13] =	ssyncadd.s32 $0xFFFFC000  }
0xac: {  	[tilespmem:s28], [sflag:$0x1] =	stream.indirect.gather [hbm4b:s4+s31], $0x80, s30, s31, $0xb8;
	[tilespmem:$0x1BE00] =	vst v63  }
0xad: {  	_ = 	snop  }
0xae: {  	[spmem:s1] =	stream.indirect.scatter.add.f32 [tilespmem:s10], [sflag:$0x3], $0x80, s11, s31, $0xb8;
	[tilespmem:$0x1BE00] =	vst v63  }
0xaf: {  	_ =	swait.ge [sflag:s29], $0x4000  }
0xb0: {  	s25 =	smov.u32 s16;
	s15 =	simm.s32 $0x20;
	[sflag:s29] =	ssyncset.done $0x0  }
.LBB2_5:
0xb1: {  	p6 =	sne.s32 s15, $0x9C0;
	[sflag:s29] =	ssyncadd.s32 $0xFFFFC000;
	s25 =	sadd.s32 $0x100, s25  }
0xb2: {  	s17 =	sadd.s32 s15, s23;
	s18 =	smov.u32 s15;
	s15 =	sadd.s32 $0x20, s15  }
0xb3: {  	[tilespmem:s0], [sflag:$0x3] =	stream.linear.gather [hbm4b:s17+s3], $0x80, $0x38;
	[tilespmem:$0x1BE00] =	vst v63  }
0xb4: {  	_ =	swait.ge [sflag:s29], $0x80  }
0xb5: {  	[sflag:s29] =	ssyncset.done $0x0  }
0xb6: {  	s18 =	sadd.s32 s18, s24;
	[sflag:s29] =	ssyncadd.s32 $0xFFFFFF80  }
0xb7: {  	[tilespmem:s8], [sflag:$0x3] =	stream.linear.gather [hbm4b:s18+s3], $0x80, $0x38;
	[tilespmem:$0x1BE00] =	vst v63  }
0xb8: {  	_ =	swait.ge [sflag:s29], $0x80  }
0xb9: {  	[sflag:s29] =	ssyncset.done $0x0  }
0xba: {  	[sflag:s29] =	ssyncadd.s32 $0xFFFFFF80  }
0xbb: {  	_ =	swait.ge [sflag:s9], $0x4000  }
0xbc: {  	[sflag:s9] =	ssyncset.done $0x0  }
0xbd: {  	[sflag:s9] =	ssyncadd.s32 $0xFFFFC000  }
0xbe: {  	[tilespmem:s10], [sflag:$0x2] =	stream.indirect.gather [hbm4b:s4+s31], $0x80, s8, s31, $0xb8;
	[tilespmem:$0x1BE00] =	vst v63  }
0xbf: {  	_ = 	snop  }
0xc0: {  	[spmem:s1] =	stream.indirect.scatter.add.f32 [tilespmem:s28], [sflag:$0x3], $0x80, s0, s31, $0xb8;
	[tilespmem:$0x1BE00] =	vst v63  }
0xc1: {  	_ =	swait.ge [sflag:s29], $0x4000  }
0xc2: {  	[sflag:s29] =	ssyncset.done $0x0  }
0xc3: {  	p4 =	slt.s32 s25, s12;
	s17 =	sadd.s32 $0x10, s17;
	[sflag:s29] =	ssyncadd.s32 $0xFFFFC000  }
0xc4: {  	[tilespmem:s11], [sflag:$0x3] =	stream.linear.gather [hbm4b:s17+s3], $0x80, $0x38;
	[tilespmem:$0x1BE00] =	vst v63  }
0xc5: {  	s17 =	smov.u32 s12  }
0xc6: {  	s17 =	smov.u32 @p4 s25;
	_ =	swait.ge [sflag:s29], $0x80  }
0xc7: {  	[sflag:s29] =	ssyncset.done $0x0;
	s17 =	sshrl.u32 s17, $0x3  }
0xc8: {  	[sflag:s29] =	ssyncadd.s32 $0xFFFFFF80;
	s17 =	sadd.s32 s6, s17  }
0xc9: {  	[tilespmem:s30], [sflag:$0x3] =	stream.linear.gather [hbm4b:s17+s3], $0x80, $0x38;
	[tilespmem:$0x1BE00] =	vst v63  }
0xca: {  	_ =	swait.ge [sflag:s29], $0x80  }
0xcb: {  	[sflag:s29] =	ssyncset.done $0x0  }
0xcc: {  	[sflag:s29] =	ssyncadd.s32 $0xFFFFFF80  }
0xcd: {  	_ =	swait.ge [sflag:s13], $0x4000  }
0xce: {  	[sflag:s13] =	ssyncset.done $0x0  }
0xcf: {  	[sflag:s13] =	ssyncadd.s32 $0xFFFFC000  }
0xd0: {  	[tilespmem:s28], [sflag:$0x1] =	stream.indirect.gather [hbm4b:s4+s31], $0x80, s30, s31, $0xb8;
	[tilespmem:$0x1BE00] =	vst v63  }
.Ltmp4:
0xd1: {  	_ = 	snop;
	(pc) =	sbr.rel @p6 .LBB2_5-.Ltmp4, $4  }
0xd2: {  	_ = 	snop  }
0xd3: {  	[spmem:s1] =	stream.indirect.scatter.add.f32 [tilespmem:s10], [sflag:$0x3], $0x80, s11, s31, $0xb8;
	[tilespmem:$0x1BE00] =	vst v63  }
0xd4: {  	_ =	swait.ge [sflag:s29], $0x4000  }
0xd5: {  	[sflag:s29] =	ssyncset.done $0x0  }
0xd6: {  	[sflag:s29] =	ssyncadd.s32 $0xFFFFC000  }
0xd7: {  	[tilespmem:s0], [sflag:$0x3] =	stream.linear.gather [hbm4b:s19+s3], $0x80, $0x38;
	[tilespmem:$0x1BE00] =	vst v63  }
0xd8: {  	_ =	swait.ge [sflag:s29], $0x80  }
0xd9: {  	[sflag:s29] =	ssyncset.done $0x0  }
0xda: {  	[sflag:s29] =	ssyncadd.s32 $0xFFFFFF80  }
0xdb: {  	[tilespmem:s8], [sflag:$0x3] =	stream.linear.gather [hbm4b:s20+s3], $0x80, $0x38;
	[tilespmem:$0x1BE00] =	vst v63  }
0xdc: {  	_ =	swait.ge [sflag:s29], $0x80  }
0xdd: {  	[sflag:s29] =	ssyncset.done $0x0  }
0xde: {  	[sflag:s29] =	ssyncadd.s32 $0xFFFFFF80  }
0xdf: {  	_ =	swait.ge [sflag:s9], $0x4000  }
0xe0: {  	[sflag:s9] =	ssyncset.done $0x0  }
0xe1: {  	[sflag:s9] =	ssyncadd.s32 $0xFFFFC000  }
0xe2: {  	[tilespmem:s10], [sflag:$0x2] =	stream.indirect.gather [hbm4b:s4+s31], $0x80, s8, s31, $0xb8;
	[tilespmem:$0x1BE00] =	vst v63  }
0xe3: {  	_ = 	snop  }
0xe4: {  	[spmem:s1] =	stream.indirect.scatter.add.f32 [tilespmem:s28], [sflag:$0x3], $0x80, s0, s31, $0xb8;
	[tilespmem:$0x1BE00] =	vst v63  }
0xe5: {  	_ =	swait.ge [sflag:s29], $0x4000  }
0xe6: {  	[sflag:s29] =	ssyncset.done $0x0  }
0xe7: {  	[sflag:s29] =	ssyncadd.s32 $0xFFFFC000  }
0xe8: {  	[tilespmem:s11], [sflag:$0x3] =	stream.linear.gather [hbm4b:s21+s3], $0x80, $0x38;
	[tilespmem:$0x1BE00] =	vst v63  }
0xe9: {  	_ =	swait.ge [sflag:s29], $0x80  }
0xea: {  	[sflag:s29] =	ssyncset.done $0x0  }
0xeb: {  	[sflag:s29] =	ssyncadd.s32 $0xFFFFFF80  }
0xec: {  	[tilespmem:s30], [sflag:$0x3] =	stream.linear.gather [hbm4b:s22+s3], $0x80, $0x38;
	[tilespmem:$0x1BE00] =	vst v63  }
0xed: {  	_ =	swait.ge [sflag:s29], $0x80  }
0xee: {  	[sflag:s29] =	ssyncset.done $0x0  }
0xef: {  	[sflag:s29] =	ssyncadd.s32 $0xFFFFFF80  }
0xf0: {  	_ =	swait.ge [sflag:s13], $0x4000  }
0xf1: {  	[sflag:s13] =	ssyncset.done $0x0  }
0xf2: {  	[sflag:s13] =	ssyncadd.s32 $0xFFFFC000  }
0xf3: {  	[tilespmem:s28], [sflag:$0x1] =	stream.indirect.gather [hbm4b:s4+s31], $0x80, s30, s31, $0xb8;
	[tilespmem:$0x1BE00] =	vst v63  }
0xf4: {  	_ = 	snop  }
0xf5: {  	[spmem:s1] =	stream.indirect.scatter.add.f32 [tilespmem:s10], [sflag:$0x3], $0x80, s11, s31, $0xb8;
	[tilespmem:$0x1BE00] =	vst v63  }
0xf6: {  	_ =	swait.ge [sflag:s29], $0x4000  }
0xf7: {  	[sflag:s29] =	ssyncset.done $0x0  }
0xf8: {  	[sflag:s29] =	ssyncadd.s32 $0xFFFFC000  }
0xf9: {  	_ =	swait.ge [sflag:s9], $0x4000  }
0xfa: {  	[sflag:s9] =	ssyncset.done $0x0  }
0xfb: {  	[sflag:s9] =	ssyncadd.s32 $0xFFFFC000  }
.LBB2_7:
.Ltmp5:
0xfc: {  	(pc) =	sbr.rel @!p0 .LBB2_11-.Ltmp5, $1  }
0xfd: {  	_ =	sdelay $0x3  }
0xfe: {  	s15 =	simm.s32 $0x0;
	s17 =	rddreg [dreg:$0x7]  }
0xff: {  	[tilespmem:s30], [sflag:$0x3] =	stream.linear.gather [hbm4b:s17+s15], $0x80, $0x38;
	[tilespmem:$0x1BE00] =	vst v63  }
0x100: {  	_ =	swait.ge [sflag:s29], $0x80  }
0x101: {  	[sflag:s29] =	ssyncset.done $0x0  }
0x102: {  	[sflag:s29] =	ssyncadd.s32 $0xFFFFFF80  }
0x103: {  	[tilespmem:s28], [sflag:$0x1] =	stream.indirect.gather [hbm4b:s5+s31], $0x80, s30, s31, $0xb8;
	[tilespmem:$0x1BE00] =	vst v63  }
0x104: {  	s18 =	sadd.s32 $0x0, s23  }
0x105: {  	[tilespmem:s0], [sflag:$0x3] =	stream.linear.gather [hbm4b:s18+s3], $0x80, $0x38;
	[tilespmem:$0x1BE00] =	vst v63  }
0x106: {  	_ =	swait.ge [sflag:s29], $0x80  }
0x107: {  	[sflag:s29] =	ssyncset.done $0x0  }
0x108: {  	s25 =	sadd.s32 $0x0, s24;
	[sflag:s29] =	ssyncadd.s32 $0xFFFFFF80  }
0x109: {  	[tilespmem:s8], [sflag:$0x3] =	stream.linear.gather [hbm4b:s25+s3], $0x80, $0x38;
	[tilespmem:$0x1BE00] =	vst v63  }
0x10a: {  	_ =	swait.ge [sflag:s29], $0x80  }
0x10b: {  	[sflag:s29] =	ssyncset.done $0x0  }
0x10c: {  	[sflag:s29] =	ssyncadd.s32 $0xFFFFFF80  }
0x10d: {  	_ =	swait.ge [sflag:s9], $0x4000  }
0x10e: {  	[sflag:s9] =	ssyncset.done $0x0  }
0x10f: {  	[sflag:s9] =	ssyncadd.s32 $0xFFFFC000  }
0x110: {  	[tilespmem:s10], [sflag:$0x2] =	stream.indirect.gather [hbm4b:s5+s31], $0x80, s8, s31, $0xb8;
	[tilespmem:$0x1BE00] =	vst v63  }
0x111: {  	_ = 	snop  }
0x112: {  	[spmem:s1] =	stream.indirect.scatter.add.f32 [tilespmem:s28], [sflag:$0x3], $0x80, s0, s31, $0xb8;
	[tilespmem:$0x1BE00] =	vst v63  }
0x113: {  	_ =	swait.ge [sflag:s29], $0x4000  }
0x114: {  	[sflag:s29] =	ssyncset.done $0x0  }
0x115: {  	s15 =	sadd.s32 $0x10, s18;
	[sflag:s29] =	ssyncadd.s32 $0xFFFFC000  }
0x116: {  	[tilespmem:s11], [sflag:$0x3] =	stream.linear.gather [hbm4b:s15+s3], $0x80, $0x38;
	[tilespmem:$0x1BE00] =	vst v63  }
0x117: {  	p4 =	slt.s32 s16, s12;
	s15 =	smov.u32 s12  }
0x118: {  	s15 =	smov.u32 @p4 s16;
	_ =	swait.ge [sflag:s29], $0x80  }
0x119: {  	[sflag:s29] =	ssyncset.done $0x0;
	s15 =	sshrl.u32 s15, $0x3  }
0x11a: {  	[sflag:s29] =	ssyncadd.s32 $0xFFFFFF80;
	s15 =	sadd.s32 s6, s15  }
0x11b: {  	[tilespmem:s30], [sflag:$0x3] =	stream.linear.gather [hbm4b:s15+s3], $0x80, $0x38;
	[tilespmem:$0x1BE00] =	vst v63  }
0x11c: {  	_ =	swait.ge [sflag:s29], $0x80  }
0x11d: {  	[sflag:s29] =	ssyncset.done $0x0  }
0x11e: {  	[sflag:s29] =	ssyncadd.s32 $0xFFFFFF80  }
0x11f: {  	_ =	swait.ge [sflag:s13], $0x4000  }
0x120: {  	[sflag:s13] =	ssyncset.done $0x0  }
0x121: {  	[sflag:s13] =	ssyncadd.s32 $0xFFFFC000  }
0x122: {  	[tilespmem:s28], [sflag:$0x1] =	stream.indirect.gather [hbm4b:s5+s31], $0x80, s30, s31, $0xb8;
	[tilespmem:$0x1BE00] =	vst v63  }
0x123: {  	_ = 	snop  }
0x124: {  	[spmem:s1] =	stream.indirect.scatter.add.f32 [tilespmem:s10], [sflag:$0x3], $0x80, s11, s31, $0xb8;
	[tilespmem:$0x1BE00] =	vst v63  }
0x125: {  	_ =	swait.ge [sflag:s29], $0x4000  }
0x126: {  	s25 =	smov.u32 s16;
	s15 =	simm.s32 $0x20;
	[sflag:s29] =	ssyncset.done $0x0  }
.LBB2_9:
0x127: {  	p6 =	sne.s32 s15, $0x9C0;
	[sflag:s29] =	ssyncadd.s32 $0xFFFFC000;
	s25 =	sadd.s32 $0x100, s25  }
0x128: {  	s17 =	sadd.s32 s15, s23;
	s18 =	smov.u32 s15;
	s15 =	sadd.s32 $0x20, s15  }
0x129: {  	[tilespmem:s0], [sflag:$0x3] =	stream.linear.gather [hbm4b:s17+s3], $0x80, $0x38;
	[tilespmem:$0x1BE00] =	vst v63  }
0x12a: {  	_ =	swait.ge [sflag:s29], $0x80  }
0x12b: {  	[sflag:s29] =	ssyncset.done $0x0  }
0x12c: {  	s18 =	sadd.s32 s18, s24;
	[sflag:s29] =	ssyncadd.s32 $0xFFFFFF80  }
0x12d: {  	[tilespmem:s8], [sflag:$0x3] =	stream.linear.gather [hbm4b:s18+s3], $0x80, $0x38;
	[tilespmem:$0x1BE00] =	vst v63  }
0x12e: {  	_ =	swait.ge [sflag:s29], $0x80  }
0x12f: {  	[sflag:s29] =	ssyncset.done $0x0  }
0x130: {  	[sflag:s29] =	ssyncadd.s32 $0xFFFFFF80  }
0x131: {  	_ =	swait.ge [sflag:s9], $0x4000  }
0x132: {  	[sflag:s9] =	ssyncset.done $0x0  }
0x133: {  	[sflag:s9] =	ssyncadd.s32 $0xFFFFC000  }
0x134: {  	[tilespmem:s10], [sflag:$0x2] =	stream.indirect.gather [hbm4b:s5+s31], $0x80, s8, s31, $0xb8;
	[tilespmem:$0x1BE00] =	vst v63  }
0x135: {  	_ = 	snop  }
0x136: {  	[spmem:s1] =	stream.indirect.scatter.add.f32 [tilespmem:s28], [sflag:$0x3], $0x80, s0, s31, $0xb8;
	[tilespmem:$0x1BE00] =	vst v63  }
0x137: {  	_ =	swait.ge [sflag:s29], $0x4000  }
0x138: {  	[sflag:s29] =	ssyncset.done $0x0  }
0x139: {  	p4 =	slt.s32 s25, s12;
	s17 =	sadd.s32 $0x10, s17;
	[sflag:s29] =	ssyncadd.s32 $0xFFFFC000  }
0x13a: {  	[tilespmem:s11], [sflag:$0x3] =	stream.linear.gather [hbm4b:s17+s3], $0x80, $0x38;
	[tilespmem:$0x1BE00] =	vst v63  }
0x13b: {  	s17 =	smov.u32 s12  }
0x13c: {  	s17 =	smov.u32 @p4 s25;
	_ =	swait.ge [sflag:s29], $0x80  }
0x13d: {  	[sflag:s29] =	ssyncset.done $0x0;
	s17 =	sshrl.u32 s17, $0x3  }
0x13e: {  	[sflag:s29] =	ssyncadd.s32 $0xFFFFFF80;
	s17 =	sadd.s32 s6, s17  }
0x13f: {  	[tilespmem:s30], [sflag:$0x3] =	stream.linear.gather [hbm4b:s17+s3], $0x80, $0x38;
	[tilespmem:$0x1BE00] =	vst v63  }
0x140: {  	_ =	swait.ge [sflag:s29], $0x80  }
0x141: {  	[sflag:s29] =	ssyncset.done $0x0  }
0x142: {  	[sflag:s29] =	ssyncadd.s32 $0xFFFFFF80  }
0x143: {  	_ =	swait.ge [sflag:s13], $0x4000  }
0x144: {  	[sflag:s13] =	ssyncset.done $0x0  }
0x145: {  	[sflag:s13] =	ssyncadd.s32 $0xFFFFC000  }
0x146: {  	[tilespmem:s28], [sflag:$0x1] =	stream.indirect.gather [hbm4b:s5+s31], $0x80, s30, s31, $0xb8;
	[tilespmem:$0x1BE00] =	vst v63  }
.Ltmp6:
0x147: {  	_ = 	snop;
	(pc) =	sbr.rel @p6 .LBB2_9-.Ltmp6, $4  }
0x148: {  	_ = 	snop  }
0x149: {  	[spmem:s1] =	stream.indirect.scatter.add.f32 [tilespmem:s10], [sflag:$0x3], $0x80, s11, s31, $0xb8;
	[tilespmem:$0x1BE00] =	vst v63  }
0x14a: {  	_ =	swait.ge [sflag:s29], $0x4000  }
0x14b: {  	[sflag:s29] =	ssyncset.done $0x0  }
.Ltmp7:
0x14c: {  	_ = 	snop;
	(pc) =	sbr.rel .LBB2_10-.Ltmp7, $1  }
0x14d: {  	_ =	sdelay $0x3  }
.LBB2_12:
0x14e: {  	_ =	sfence.sel $0x180000  }
0x14f: {  	[bflag:$0x0] =	sbarrier.arrive $0xFFFF  }
0x150: {  	_ =	strace $0x9000004D  }
0x151: {  	[bflag:$0x2] =	sbarrier.arrive $0xFFFF  }
0x152: {  	p0 =	sne.s32 s2, $0x0;
	s0 =	rddreg [dreg:$0x2]  }
0x153: {  	s0 =	sadd.s32 @!p0 $0x100000, s0  }
0x154: {  	[sflag:s0] =	ssyncadd.tile.s32 @!p0 $0x1;
	_ =	shalt  }
.Lfunc_end2:
_tile_overlayer_lowered:
.L_overlay_start_2:
0x155: {  	(tag) =	ssettag $0x2  }
0x156: {  	s0 =	rddreg [dreg:$0x0];
	s2 =	stileid.u32  }
0x157: {  	s1 =	rddreg [dreg:$0x1];
	p0 =	sne.s32 s2, $0x0  }
0x158: {  	s3 =	rddreg [dreg:$0x2];
	[bflag:$0x3] =	sbarrier.arrive $0xFFFF;
	s2 =	simm.s32 @!p0 $0x1C03  }
0x159: {  	[timem:s3], [sflag:s2] =	dma.local @!p0 [hbm:s0], s1  }
0x15a: {  	s0 =	simm.s32 @!p0 $0x3  }
0x15b: {  	_ =	swait.ge @!p0 [sflag:s0], s1  }
0x15c: {  	s1 =	ssub.s32 @!p0 $0x0, s1;
	[sflag:s0] =	ssyncset.done @!p0 $0x0  }
0x15d: {  	[sflag:s0] =	ssyncadd.s32 @!p0 s1  }
0x15e: {  	[bflag:$0x3] =	sbarrier.arrive $0xFFFF  }
0x15f: {  	_ =	shalt  }

// kernel: kernel.9.cloned.1.call-start
scs
__scs_entry_jumppad:
0x0: {  	(pc) =	sbr.rel $0x88, $3  }
0x1: {  	(tag) =	ssettag $0x0;
	lr =	simm.s32 $0x1  }
0x2: {  	[smem:$0x3F93] =	sst lr;
	_ =	strace $0xD0000000  }
0x3: {  	_ = 	snop  }
0x4: {  	_ = 	snop  }
0x5: {  	_ = 	snop  }
0x6: {  	_ = 	snop  }
0x7: {  	_ = 	snop  }
__scs_overlays_trampoline_lowered:
0x8: {  	[smem:$0x3FA2] =	sst s0  }
0x9: {  	[smem:$0x3FA3] =	sst s1  }
0xa: {  	[smem:$0x3FA4] =	sst s2  }
0xb: {  	[smem:$0x3FA5] =	sst s3  }
0xc: {  	[smem:$0x3FA6] =	sst s4  }
0xd: {  	[smem:$0x3FA7] =	sst s5  }
0xe: {  	[smem:$0x3FA8] =	sst s6  }
0xf: {  	[smem:$0x3FA9] =	sst s7  }
0x10: {  	[smem:$0x3FAA] =	sst s8  }
0x11: {  	[smem:$0x3FAB] =	sst s9;
	s0 =	simm.s32 @!p0 $0x0  }
0x12: {  	s1 =	sld [smem:$0x3F91];
	s0 =	simm.s32 @p0 $0x1  }
0x13: {  	[smem:$0x3FAC] =	sst s0;
	s0 =	simm.s32 @!p1 $0x0  }
0x14: {  	s2 =	sld [smem:$0x3F90];
	s0 =	simm.s32 @p1 $0x1  }
0x15: {  	[smem:$0x3FAD] =	sst s0;
	s0 =	simm.s32 @!p2 $0x0  }
0x16: {  	s3 =	sld [smem:$0x3FDB];
	s0 =	simm.s32 @p2 $0x1  }
0x17: {  	s4 =	simm.s32 $0x1BF5;
	[smem:$0x3FAF] =	sst s0  }
0x18: {  	s0 =	sld [smem:$0x3F92];
	_ =	swait.ge [sflag:s4], $0x0  }
0x19: {  	s7 =	sld [smem:$0x3F93]  }
0x1a: {  	s8 =	sadd.s32 $0xFFFFE003, lr  }
0x1b: {  	s9 =	sadd.s32 $0xFFFFFEF7, lr;
	s5 =	simm.s32 $0xFFFFFFFF;
	p2 =	slt.u32 s8, $0xFFFFF086  }
0x1c: {  	p1 =	slt.u32 s9, $0xF7A;
	s5 =	simm.s32 @!p2 $0x0  }
0x1d: {  	s5 =	simm.s32 @p1 $0x1;
	p0 =	seq.s32 s7, s2  }
0x1e: {  	s7 =	smul.u32 @!p0 $0xF7A, s2;
	p2 =	seq.s32 @!p0 s5, $0x0  }
0x1f: {  	s9 =	smul.u32 $0xF7A, s1;
	s8 =	simm.s32 @!p0 $0x1BF5;
	p2 =	por !p2, p0  }
0x20: {  	[sflag:s8] =	ssyncset.s32 @!p0 $0xFFFFF086;
	s6 =	sadd.s32 @!p0 s3, s7;
	s7 =	simm.s32 @!p0 $0x108  }
0x21: {  	s3 =	sadd.s32 s3, s9;
	s6 =	sadd.s32 @!p0 $0x88, s6;
	s7 =	simm.s32 @p2 $0x1082  }
0x22: {  	[simem:s7], [sflag:s8] =	dma.local @!p0 [hbm:s6], $0xF7A  }
0x23: {  	s9 =	sor.u32 $0xD0000000, s2;
	s6 =	simm.s32 $0x108;
	_ =	swait.ge @!p0 [sflag:s8], $0x0  }
0x24: {  	s3 =	sadd.s32 $0x88, s3;
	s6 =	simm.s32 @!p1 $0x1082;
	[sflag:s4] =	ssyncset.s32 $0xFFFFF086  }
0x25: {  	[simem:s6], [sflag:s4] =	dma.local [hbm:s3], $0xF7A  }
0x26: {  	[smem:$0x3F93] =	sst s1;
	(tag) =	ssettag s2;
	_ =	strace s9  }
0x27: {  	s1 =	sld [smem:$0x3FA3]  }
0x28: {  	s2 =	sld [smem:$0x3FA4]  }
0x29: {  	s4 =	sld [smem:$0x3FA6]  }
0x2a: {  	p0 =	seq.s32 s5, $0x0;
	s5 =	sld [smem:$0x3FA7]  }
0x2b: {  	s6 =	sld [smem:$0x3FA8]  }
0x2c: {  	s7 =	sld [smem:$0x3FA9]  }
0x2d: {  	s3 =	simm.s32 $0x108;
	s8 =	sld [smem:$0x3FAA]  }
0x2e: {  	s3 =	simm.s32 @!p0 $0x1082;
	s9 =	sld [smem:$0x3FAB]  }
0x2f: {  	lr =	sadd.s32 s0, s3;
	s0 =	sld [smem:$0x3FA2]  }
0x30: {  	s3 =	sld [smem:$0x3FA5]  }
0x31: {  	[smem:$0x3FAE] =	sst s10  }
0x32: {  	s10 =	sld [smem:$0x3FAC];
	_ =	sdelay $0x3  }
0x33: {  	p0 =	seq.s32 s10, $0x1;
	s10 =	sld [smem:$0x3FAE];
	_ =	sdelay $0x3  }
0x34: {  	[smem:$0x3FAE] =	sst s10  }
0x35: {  	s10 =	sld [smem:$0x3FAD];
	_ =	sdelay $0x3  }
0x36: {  	p1 =	seq.s32 s10, $0x1;
	s10 =	sld [smem:$0x3FAE];
	_ =	sdelay $0x3  }
0x37: {  	[smem:$0x3FAE] =	sst s10  }
0x38: {  	s10 =	sld [smem:$0x3FAF]  }
0x39: {  	_ = 	snop;
	(pc) =	sbr.ind lr, $3  }
0x3a: {  	_ = 	snop  }
0x3b: {  	_ = 	snop  }
0x3c: {  	p2 =	seq.s32 s10, $0x1;
	s10 =	sld [smem:$0x3FAE]  }
0x3d: {  	_ =	shalt  }
0x3e: {  	_ =	shalt  }
0x3f: {  	_ =	shalt  }
0x40: {  	_ =	shalt  }
0x41: {  	_ =	shalt  }
0x42: {  	_ =	shalt  }
0x43: {  	_ =	shalt  }
0x44: {  	_ =	shalt  }
0x45: {  	_ =	shalt  }
0x46: {  	_ =	shalt  }
0x47: {  	_ =	shalt  }
0x48: {  	_ =	shalt  }
0x49: {  	_ =	shalt  }
0x4a: {  	_ =	shalt  }
0x4b: {  	_ =	shalt  }
0x4c: {  	_ =	shalt  }
0x4d: {  	_ =	shalt  }
0x4e: {  	_ =	shalt  }
0x4f: {  	_ =	shalt  }
0x50: {  	_ =	shalt  }
0x51: {  	_ =	shalt  }
0x52: {  	_ =	shalt  }
0x53: {  	_ =	shalt  }
0x54: {  	_ =	shalt  }
0x55: {  	_ =	shalt  }
0x56: {  	_ =	shalt  }
0x57: {  	_ =	shalt  }
0x58: {  	_ =	shalt  }
0x59: {  	_ =	shalt  }
0x5a: {  	_ =	shalt  }
0x5b: {  	_ =	shalt  }
0x5c: {  	_ =	shalt  }
0x5d: {  	_ =	shalt  }
0x5e: {  	_ =	shalt  }
0x5f: {  	_ =	shalt  }
0x60: {  	_ =	shalt  }
0x61: {  	_ =	shalt  }
0x62: {  	_ =	shalt  }
0x63: {  	_ =	shalt  }
0x64: {  	_ =	shalt  }
0x65: {  	_ =	shalt  }
0x66: {  	_ =	shalt  }
0x67: {  	_ =	shalt  }
0x68: {  	_ =	shalt  }
0x69: {  	_ =	shalt  }
0x6a: {  	_ =	shalt  }
0x6b: {  	_ =	shalt  }
0x6c: {  	_ =	shalt  }
0x6d: {  	_ =	shalt  }
0x6e: {  	_ =	shalt  }
0x6f: {  	_ =	shalt  }
0x70: {  	_ =	shalt  }
0x71: {  	_ =	shalt  }
0x72: {  	_ =	shalt  }
0x73: {  	_ =	shalt  }
0x74: {  	_ =	shalt  }
0x75: {  	_ =	shalt  }
0x76: {  	_ =	shalt  }
0x77: {  	_ =	shalt  }
0x78: {  	_ =	shalt  }
0x79: {  	_ =	shalt  }
0x7a: {  	_ =	shalt  }
0x7b: {  	_ =	shalt  }
0x7c: {  	_ =	shalt  }
0x7d: {  	_ =	shalt  }
0x7e: {  	_ =	shalt  }
0x7f: {  	_ =	shalt  }
0x80: {  	_ =	shalt  }
0x81: {  	_ =	shalt  }
0x82: {  	_ =	shalt  }
0x83: {  	_ =	shalt  }
0x84: {  	_ =	shalt  }
0x85: {  	_ =	shalt  }
0x86: {  	_ =	shalt  }
0x87: {  	_ =	shalt  }
.Lfunc_end0:
.L_simem_size_0:
called_computation_lowered:
.L_overlay_start_0:
0x88: {  	s2 =	sld [smem:$0x3FD9]  }
0x89: {  	s3 =	sld [smem:$0x3FFE];
	_ =	sdelay $0x1  }
0x8a: {  	s1 =	srdreg.scid  }
0x8b: {  	s0 =	sand.u32 $0x1, s1  }
0x8c: {  	s17 =	sshll.u32 s0, $0xA;
	s2 =	sadd.s32 s3, s2  }
0x8d: {  	s2 =	sadd.s32 s2, s17  }
0x8e: {  	[smem:$0x3FBA] =	sst s2  }
0x8f: {  	_ = 	snop  }
0x90: {  	s2 =	sld [smem:$0x3FC9];
	(tm) =	ssettm $0x1  }
0x91: {  	s18 =	sld [smem:$0x3FFB];
	_ =	sdelay $0x3  }
0x92: {  	_ =	strace s18  }
0x93: {  	s3 =	sld [smem:$0x3FFC];
	_ =	sdelay $0x3  }
0x94: {  	_ =	strace s3  }
0x95: {  	s3 =	sld [smem:$0x3FFD];
	_ =	sdelay $0x3  }
0x96: {  	_ =	strace s3  }
0x97: {  	_ =	strace $0x8FFFFFFF  }
0x98: {  	s19 =	sld [smem:$0x3FDB];
	_ =	sdelay $0x1  }
0x99: {  	s4 =	simm.s32 $_scs_section_size  }
0x9a: {  	s5 =	simm.s32 $_size__tile_overlayer_lowered;
	s6 =	simm.s32 $_tile_overlayer_lowered  }
0x9b: {  	s22 =	simm.s32 $0x1BFF;
	s21 =	sshll.u32 s6, $0x1;
	s3 =	sadd.s32 s4, s19  }
0x9c: {  	s7 =	simm.s32 $0x0;
	s20 =	sshll.u32 s5, $0x1;
	s5 =	sadd.s32 s21, s3  }
0x9d: {  	[timem:s7], [sflag:s22] =	dma.local [hbm:s5], s20  }
0x9e: {  	_ =	swait.ge [sflag:s22], s20  }
0x9f: {  	s4 =	ssub.s32 $0x0, s20;
	[sflag:s22] =	ssyncset.done $0x0  }
0xa0: {  	[sflag:s22] =	ssyncadd.s32 s4;
	_ =	sdelay $0x1  }
0xa1: {  	s23 =	simm.s32 $0x1B8B  }
0xa2: {  	_ =	swait.ge [sflag:s23], $0x1  }
0xa3: {  	[sflag:s23] =	ssyncset.done $0x0  }
0xa4: {  	s25 =	simm.s32 $0x1B8E;
	s24 =	sld [smem:$0x3FFE];
	[sflag:s23] =	ssyncadd.s32 $0xFFFFFFFF  }
0xa5: {  	s26 =	simm.s32 $execute0_lowered;
	[smem:$0x3FD2] =	sst s25  }
0xa6: {  	s5 =	sshll.u32 s26, $0x1;
	_ =	strace $0x80000046;
	[dreg:$0x1] =	wrdreg $0xFFFFFFFF  }
0xa7: {  	s28 =	simm.s32 $_size_execute0_lowered;
	s3 =	sadd.s32 s3, s5;
	[dreg:$0x0] =	wrdreg $0x0  }
0xa8: {  	s5 =	sshll.u32 s28, $0x1;
	[dreg:$0x2] =	wrdreg s3  }
0xa9: {  	[dreg:$0x3] =	wrdreg s5  }
0xaa: {  	[dreg:$0x4] =	wrdreg $0xC0  }
0xab: {  	_ =	task [dreg:s7], $0x5FFFF  }
0xac: {  	[dreg:$0x1] =	wrdreg $0xFFFFFFFF  }
0xad: {  	[dreg:$0x0] =	wrdreg $0x60  }
0xae: {  	[dreg:$0x2] =	wrdreg s2  }
0xaf: {  	[dreg:$0x3] =	wrdreg s24  }
0xb0: {  	[dreg:$0x4] =	wrdreg $0x0  }
0xb1: {  	[dreg:$0x5] =	wrdreg $0x13C000  }
0xb2: {  	[dreg:$0x6] =	wrdreg $0x9  }
0xb3: {  	_ =	task.clear_ibuf [dreg:s7], $0x7FFFF;
	_ =	strace $0x90000046  }
0xb4: {  	s29 =	simm.s32 $0x9;
	_ =	strace $0x80000048  }
0xb5: {  	_ =	swait.ge [sflag:s29], $0x1  }
0xb6: {  	[sflag:s29] =	ssyncadd.s32 $0xFFFFFFFF  }
0xb7: {  	_ =	strace $0x90000048  }
0xb8: {  	_ =	sfence  }
0xb9: {  	s30 =	sld [smem:$0x0];
	_ =	sdelay $0x2  }
0xba: {  	s31 =	sshll.u32 s1, $0xD;
	s1 =	sshrl.u32 s1, $0x2  }
0xbb: {  	s3 =	sand.u32 $0x4000, s31;
	s1 =	sadd.s32 s1, s30  }
0xbc: {  	s0 =	sor.u32 s3, s0;
	s1 =	sshll.u32 s1, $0x11  }
0xbd: {  	s0 =	sor.u32 s1, s0  }
0xbe: {  	s0 =	sadd.s32 $0x8F2B, s0  }
0xbf: {  	[sflag:s0] =	ssyncadd.remote.s32 $0x1  }
0xc0: {  	_ =	sfence.sel $0xFFFF  }
0xc1: {  	[dreg:$0x0] =	wrdreg $0xFFFFFFFF;
	(pc) =	sbr.abs _section_cstart, $3  }
0xc2: {  	[dreg:$0x1] =	wrdreg $0xFFFFFFFF  }
0xc3: {  	_ =	task.clear_ibuf [dreg:s7], $0x2FFFF;
	_ =	strace $0x9FFFFFFF  }
0xc4: {  	(tm) =	ssettm $0x7FFFFFFF  }
0xc5: {  	_ =	shalt  }
tec
execute0_lowered:
.L_overlay_start_1:
0x0: {  	(tag) =	ssettag $0x1  }
0x1: {  	s0 =	rddreg [dreg:$0x0]  }
0x2: {  	s1 =	rddreg [dreg:$0x1]  }
0x3: {  	s3 =	rddreg [dreg:$0x2]  }
0x4: {  	s2 =	srdreg.scid;
	s23 =	stileid.u32  }
0x5: {  	s4 =	rddreg [dreg:$0x3];
	s7 =	smul.u32 $0x2800, s23  }
0x6: {  	s5 =	simm.s32 $0x0;
	s30 =	simm.s32 $0x14078;
	s9 =	smul.u32 $0x2780, s23  }
0x7: {  	s31 =	simm.s32 $0x3;
	s8 =	sand.u32 $0x1, s2;
	s11 =	smul.u32 $0x278, s23  }
0x8: {  	[smem:$0x7FF] =	sst s5;
	s24 =	smul.u32 $0x4F000, s23;
	p2 =	sne.s32 s23, $0xF  }
0x9: {  	s21 =	sadd.s32 $0x3E480, s1;
	s22 =	sadd.s32 $0x18CA1, s1;
	s28 =	sadd.s32 $0x2508, s4  }
0xa: {  	s6 =	smul.u32 $0x28000, s8;
	_ =	strace $0x80000047;
	s12 =	ssub.s32 $0x2, s8  }
0xb: {  	p4 =	seq.s32 s8, $0x0;
	p0 =	seq.s32 s8, $0x1;
	[dreg:$0xc] =	wrdreg s21  }
0xc: {  	[dreg:$0xd] =	wrdreg s22;
	s8 =	simm.s32 $0x80;
	s9 =	sadd.s32 s9, s1  }
0xd: {  	s13 =	sshrl.u32 s11, $0x3;
	s16 =	sshrl.u32 s12, $0x1;
	p1 =	por !p2, !p4  }
0xe: {  	p3 =	por !p2, !p0;
	p2 =	seq.s32 s23, $0xF;
	s10 =	sadd.s32 s7, s6  }
0xf: {  	s6 =	sadd.s32 $0x4800, s1;
	s7 =	sshrl.u32 s24, $0x2;
	s17 =	sadd.s32 s13, s1  }
0x10: {  	s16 =	ssub.s32 s12, s16;
	p1 =	por !p1, !p1;
	s19 =	sadd.s32 $0x19400, s9  }
0x11: {  	p3 =	por !p3, !p3;
	p4 =	por !p2, !p4;
	s23 =	sadd.s32 $0x40600, s9  }
0x12: {  	s9 =	simm.s32 $0x13EF8;
	s14 =	sshrl.u32 s10, $0x3;
	[dreg:$0xa] =	wrdreg s19  }
0x13: {  	s7 =	sadd.s32 s7, s3;
	s20 =	sadd.s32 $0x18800, s17;
	[dreg:$0xe] =	wrdreg s23  }
0x14: {  	p4 =	por !p4, !p4;
	s24 =	sadd.s32 $0x18E00, s17;
	[dreg:$0xb] =	wrdreg s20  }
0x15: {  	s17 =	simm.s32 $0x13FF8;
	s25 =	sadd.s32 $0x4000, s7;
	[dreg:$0xf] =	wrdreg s24  }
0x16: {  	s19 =	simm.s32 $0x0;
	s26 =	sadd.s32 $0x8000, s7;
	[dreg:$0x5] =	wrdreg s25  }
0x17: {  	s15 =	sadd.s32 s14, s1;
	s12 =	sadd.s32 $0xC000, s7;
	[dreg:$0x6] =	wrdreg s26  }
0x18: {  	s13 =	sadd.s32 $0x10000, s7;
	s18 =	sadd.s32 s6, s14;
	[dreg:$0x7] =	wrdreg s12  }
0x19: {  	p4 =	por !p4, p3;
	[dreg:$0x8] =	wrdreg s13;
	s12 =	sadd.s32 s11, s4  }
0x1a: {  	s13 =	sadd.s32 $0x2780, s10;
	s25 =	sadd.s32 $0x65680, s1;
	s1 =	sadd.s32 $0x192A1, s1  }
0x1b: {  	s26 =	smax.u32 s16, $0x1;
	s24 =	sadd.s32 $0xE800, s15;
	[dreg:$0x9] =	wrdreg s18  }
0x1c: {  	s29 =	sadd.s32 $0x10, s18;
	s11 =	simm.s32 $0x1;
	[dreg:$0x10] =	wrdreg s25  }
0x1d: {  	s15 =	simm.s32 $0x18078;
	s16 =	simm.s32 $0x1C078;
	[dreg:$0x11] =	wrdreg s1  }
0x1e: {  	s18 =	simm.s32 $0x2;
	[dreg:$0x12] =	wrdreg s26;
	s25 =	sor.u32 $0x100, s10  }
0x1f: {  	v0 =	vimm.f32 $0.0e+00;
	v1 =	vimm.f32 $1.000000000e+00;
	s26 =	sadd.s32 $0x128400, s3;
	s1 =	simm.s32 $0x13E78;
	s10 =	simm.s32 $0x13F78  }
.LBB2_1:
0x20: {  	s14 =	simm.s32 $0x0;
	s20 =	simm.s32 $0x200  }
.LBB2_2:
0x21: {  	p5 =	sne.s32 s20, $0xFE00;
	[tilespmem:s14+$0x140E8] =	vst v0  }
0x22: {  	[tilespmem:s14+$0x14078] =	vst v0  }
0x23: {  	[tilespmem:s14+$0x14088] =	vst v0  }
.Ltmp0:
0x24: {  	[tilespmem:s14+$0x14098] =	vst v0;
	(pc) =	sbr.rel @p5 .LBB2_2-.Ltmp0, $4  }
0x25: {  	[tilespmem:s14+$0x140A8] =	vst v0  }
0x26: {  	[tilespmem:s14+$0x140B8] =	vst v0  }
0x27: {  	[tilespmem:s14+$0x140C8] =	vst v0  }
0x28: {  	[tilespmem:s14+$0x140D8] =	vst v0;
	s14 =	sshra.s32 s20, $0x2;
	s20 =	sadd.s32 $0x200, s20  }
0x29: {  	[tilespmem:s14+$0x140E8] =	vst v0  }
0x2a: {  	[tilespmem:s14+$0x14078] =	vst v0  }
0x2b: {  	[tilespmem:s14+$0x14088] =	vst v0  }
0x2c: {  	[tilespmem:s14+$0x14098] =	vst v0  }
0x2d: {  	[tilespmem:s14+$0x140A8] =	vst v0  }
0x2e: {  	[tilespmem:s14+$0x140B8] =	vst v0  }
0x2f: {  	[tilespmem:s14+$0x140C8] =	vst v0  }
0x30: {  	[tilespmem:s14+$0x140D8] =	vst v0  }
0x31: {  	[spmem:s7] =	stream.linear.scatter [tilespmem:s30], [sflag:$0x3], $0x4000, $0x38;
	[tilespmem:$0x1C378] =	vst v63  }
0x32: {  	_ =	swait.ge [sflag:s31], $0x4000  }
0x33: {  	[sflag:s31] =	ssyncset.done $0x0  }
0x34: {  	s2 =	rddreg [dreg:$0x5];
	[sflag:s31] =	ssyncadd.s32 $0xFFFFC000  }
0x35: {  	[spmem:s2] =	stream.linear.scatter [tilespmem:s30], [sflag:$0x3], $0x4000, $0x38;
	[tilespmem:$0x1C378] =	vst v63  }
0x36: {  	_ =	swait.ge [sflag:s31], $0x4000  }
0x37: {  	[sflag:s31] =	ssyncset.done $0x0  }
0x38: {  	s22 =	rddreg [dreg:$0x6];
	[sflag:s31] =	ssyncadd.s32 $0xFFFFC000  }
0x39: {  	[spmem:s22] =	stream.linear.scatter [tilespmem:s30], [sflag:$0x3], $0x4000, $0x38;
	[tilespmem:$0x1C378] =	vst v63  }
0x3a: {  	_ =	swait.ge [sflag:s31], $0x4000  }
0x3b: {  	[sflag:s31] =	ssyncset.done $0x0  }
0x3c: {  	s23 =	rddreg [dreg:$0x7];
	[sflag:s31] =	ssyncadd.s32 $0xFFFFC000  }
0x3d: {  	[spmem:s23] =	stream.linear.scatter [tilespmem:s30], [sflag:$0x3], $0x4000, $0x38;
	[tilespmem:$0x1C378] =	vst v63  }
0x3e: {  	_ =	swait.ge [sflag:s31], $0x4000  }
0x3f: {  	[sflag:s31] =	ssyncset.done $0x0  }
0x40: {  	s14 =	rddreg [dreg:$0x8];
	[sflag:s31] =	ssyncadd.s32 $0xFFFFC000  }
0x41: {  	[spmem:s14] =	stream.linear.scatter [tilespmem:s30], [sflag:$0x3], $0x3C00, $0x38;
	[tilespmem:$0x1C378] =	vst v63  }
0x42: {  	_ =	swait.ge [sflag:s31], $0x3C00  }
0x43: {  	[sflag:s31] =	ssyncset.done $0x0  }
0x44: {  	[sflag:s31] =	ssyncadd.s32 $0xFFFFC400  }
0x45: {  	[tilespmem:$0x1C0F8] =	vst v0  }
0x46: {  	[tilespmem:$0x1C108] =	vst v0  }
0x47: {  	[tilespmem:$0x1C118] =	vst v0  }
0x48: {  	[tilespmem:$0x1C128] =	vst v0  }
0x49: {  	[tilespmem:$0x1C138] =	vst v0  }
0x4a: {  	[tilespmem:$0x1C148] =	vst v0  }
0x4b: {  	[tilespmem:$0x1C158] =	vst v0  }
0x4c: {  	[tilespmem:$0x1C168] =	vst v0  }
0x4d: {  	[tilespmem:$0x1C178] =	vst v0  }
0x4e: {  	[tilespmem:$0x1C188] =	vst v0  }
0x4f: {  	[tilespmem:$0x1C198] =	vst v0  }
0x50: {  	[tilespmem:$0x1C1A8] =	vst v0  }
0x51: {  	[tilespmem:$0x1C1B8] =	vst v0  }
0x52: {  	[tilespmem:$0x1C1C8] =	vst v0  }
0x53: {  	[tilespmem:$0x1C1D8] =	vst v0  }
0x54: {  	[tilespmem:$0x1C1E8] =	vst v0  }
0x55: {  	[tilespmem:$0x1C1F8] =	vst v0  }
0x56: {  	[tilespmem:$0x1C208] =	vst v0  }
0x57: {  	[tilespmem:$0x1C218] =	vst v0  }
0x58: {  	[tilespmem:$0x1C228] =	vst v0  }
0x59: {  	[tilespmem:$0x1C238] =	vst v0  }
0x5a: {  	[tilespmem:$0x1C248] =	vst v0  }
0x5b: {  	[tilespmem:$0x1C258] =	vst v0  }
0x5c: {  	[tilespmem:$0x1C268] =	vst v0  }
0x5d: {  	[tilespmem:$0x1C278] =	vst v0  }
0x5e: {  	[tilespmem:$0x1C288] =	vst v0  }
0x5f: {  	[tilespmem:$0x1C298] =	vst v0  }
0x60: {  	[tilespmem:$0x1C2A8] =	vst v0  }
0x61: {  	[tilespmem:$0x1C2B8] =	vst v0  }
0x62: {  	[tilespmem:$0x1C2C8] =	vst v0  }
0x63: {  	[tilespmem:$0x1C2D8] =	vst v0  }
0x64: {  	[tilespmem:$0x1C2E8] =	vst v0  }
0x65: {  	[tilespmem:$0x1C2F8] =	vst v0  }
0x66: {  	[tilespmem:$0x1C308] =	vst v0  }
0x67: {  	[tilespmem:$0x1C318] =	vst v0  }
0x68: {  	[tilespmem:$0x1C328] =	vst v0  }
0x69: {  	[tilespmem:$0x1C338] =	vst v0  }
0x6a: {  	[tilespmem:$0x1C348] =	vst v0  }
0x6b: {  	[tilespmem:$0x1C358] =	vst v0  }
0x6c: {  	[tilespmem:$0x1C368] =	vst v0  }
0x6d: {  	[tilespmem:$0x1C078] =	vst v1  }
0x6e: {  	[tilespmem:$0x1C088] =	vst v1  }
0x6f: {  	[tilespmem:$0x1C098] =	vst v1  }
0x70: {  	[tilespmem:$0x1C0A8] =	vst v1  }
0x71: {  	[tilespmem:$0x1C0B8] =	vst v1  }
0x72: {  	[tilespmem:$0x1C0C8] =	vst v1  }
0x73: {  	[tilespmem:$0x1C0D8] =	vst v1  }
0x74: {  	s20 =	simm.s32 $0x1C0F8;
	[tilespmem:$0x1C0E8] =	vst v1  }
0x75: {  	[spmem:s12] =	stream.linear.scatter [tilespmem:s20], [sflag:$0x3], $0x278, $0x38;
	[tilespmem:$0x1C378] =	vst v63  }
0x76: {  	_ =	swait.ge [sflag:s31], $0x278  }
0x77: {  	[sflag:s31] =	ssyncset.done $0x0  }
0x78: {  	[sflag:s31] =	ssyncadd.s32 $0xFFFFFD88  }
0x79: {  	[bflag:$0x0] =	sbarrier.arrive $0xFFFF  }
0x7a: {  	s21 =	simm.s32 $0x0;
	s22 =	rddreg [dreg:$0x9]  }
0x7b: {  	[tilespmem:s1], [sflag:$0x3] =	stream.linear.gather [hbm4b:s22+s21], $0x80, $0x38;
	[tilespmem:$0x1C378] =	vst v63  }
0x7c: {  	_ =	swait.ge [sflag:s31], $0x80  }
0x7d: {  	[sflag:s31] =	ssyncset.done $0x0  }
0x7e: {  	[sflag:s31] =	ssyncadd.s32 $0xFFFFFF80  }
0x7f: {  	[tilespmem:s30], [sflag:$0x1] =	stream.indirect.gather [hbm4b:s0+s8], $0x80, s1, s8, $0xb8;
	[tilespmem:$0x1C378] =	vst v63  }
0x80: {  	s23 =	sadd.s32 $0x0, s24  }
0x81: {  	[tilespmem:s9], [sflag:$0x3] =	stream.linear.gather [hbm4b:s23+s5], $0x80, $0x38;
	[tilespmem:$0x1C378] =	vst v63  }
0x82: {  	_ =	swait.ge [sflag:s31], $0x80  }
0x83: {  	[sflag:s31] =	ssyncset.done $0x0  }
0x84: {  	s20 =	sadd.s32 $0x0, s29;
	[sflag:s31] =	ssyncadd.s32 $0xFFFFFF80  }
0x85: {  	[tilespmem:s10], [sflag:$0x3] =	stream.linear.gather [hbm4b:s20+s5], $0x80, $0x38;
	[tilespmem:$0x1C378] =	vst v63  }
0x86: {  	_ =	swait.ge [sflag:s31], $0x80  }
0x87: {  	[sflag:s31] =	ssyncset.done $0x0  }
0x88: {  	[sflag:s31] =	ssyncadd.s32 $0xFFFFFF80  }
0x89: {  	_ =	swait.ge [sflag:s11], $0x4000  }
0x8a: {  	[sflag:s11] =	ssyncset.done $0x0  }
0x8b: {  	[sflag:s11] =	ssyncadd.s32 $0xFFFFC000  }
0x8c: {  	[tilespmem:s15], [sflag:$0x2] =	stream.indirect.gather [hbm4b:s0+s8], $0x80, s10, s8, $0xb8;
	[tilespmem:$0x1C378] =	vst v63  }
0x8d: {  	_ = 	snop  }
0x8e: {  	[spmem:s3] =	stream.indirect.scatter.add.f32 [tilespmem:s30], [sflag:$0x3], $0x80, s9, s8, $0xb8;
	[tilespmem:$0x1C378] =	vst v63  }
0x8f: {  	_ =	swait.ge [sflag:s31], $0x4000  }
0x90: {  	[sflag:s31] =	ssyncset.done $0x0  }
0x91: {  	[sflag:s31] =	ssyncadd.s32 $0xFFFFC000  }
0x92: {  	[spmem:s4] =	stream.indirect.scatter.add.f32 [tilespmem:s16], [sflag:$0x3], $0x1, s9, s8, $0xb8;
	[tilespmem:$0x1C378] =	vst v63  }
0x93: {  	_ =	swait.ge [sflag:s31], $0x80  }
0x94: {  	[sflag:s31] =	ssyncset.done $0x0  }
0x95: {  	s14 =	sadd.s32 $0x10, s23;
	[sflag:s31] =	ssyncadd.s32 $0xFFFFFF80  }
0x96: {  	[tilespmem:s17], [sflag:$0x3] =	stream.linear.gather [hbm4b:s14+s5], $0x80, $0x38;
	[tilespmem:$0x1C378] =	vst v63  }
0x97: {  	p5 =	slt.s32 s25, s13;
	s14 =	smov.u32 s13  }
0x98: {  	s14 =	smov.u32 @p5 s25;
	_ =	swait.ge [sflag:s31], $0x80  }
0x99: {  	[sflag:s31] =	ssyncset.done $0x0;
	s14 =	sshrl.u32 s14, $0x3  }
0x9a: {  	[sflag:s31] =	ssyncadd.s32 $0xFFFFFF80;
	s14 =	sadd.s32 s6, s14  }
0x9b: {  	[tilespmem:s1], [sflag:$0x3] =	stream.linear.gather [hbm4b:s14+s5], $0x80, $0x38;
	[tilespmem:$0x1C378] =	vst v63  }
0x9c: {  	_ =	swait.ge [sflag:s31], $0x80  }
0x9d: {  	[sflag:s31] =	ssyncset.done $0x0  }
0x9e: {  	[sflag:s31] =	ssyncadd.s32 $0xFFFFFF80  }
0x9f: {  	_ =	swait.ge [sflag:s18], $0x4000  }
0xa0: {  	[sflag:s18] =	ssyncset.done $0x0  }
0xa1: {  	[sflag:s18] =	ssyncadd.s32 $0xFFFFC000  }
0xa2: {  	[tilespmem:s30], [sflag:$0x1] =	stream.indirect.gather [hbm4b:s0+s8], $0x80, s1, s8, $0xb8;
	[tilespmem:$0x1C378] =	vst v63  }
0xa3: {  	_ = 	snop  }
0xa4: {  	[spmem:s3] =	stream.indirect.scatter.add.f32 [tilespmem:s15], [sflag:$0x3], $0x80, s17, s8, $0xb8;
	[tilespmem:$0x1C378] =	vst v63  }
0xa5: {  	_ =	swait.ge [sflag:s31], $0x4000  }
0xa6: {  	[sflag:s31] =	ssyncset.done $0x0  }
0xa7: {  	[sflag:s31] =	ssyncadd.s32 $0xFFFFC000  }
0xa8: {  	[spmem:s4] =	stream.indirect.scatter.add.f32 [tilespmem:s16], [sflag:$0x3], $0x1, s17, s8, $0xb8;
	[tilespmem:$0x1C378] =	vst v63  }
0xa9: {  	s21 =	simm.s32 $0x20;
	_ =	swait.ge [sflag:s31], $0x80  }
0xaa: {  	s20 =	sadd.s32 $0x100, s25;
	s14 =	simm.s32 $0x40;
	[sflag:s31] =	ssyncset.done $0x0  }
.LBB2_4:
0xab: {  	s23 =	sadd.s32 s21, s24  }
0xac: {  	[sflag:s31] =	ssyncadd.s32 $0xFFFFFF80;
	s2 =	smov.u32 s14;
	s22 =	sadd.s32 $0x20, s14  }
0xad: {  	[tilespmem:s9], [sflag:$0x3] =	stream.linear.gather [hbm4b:s23+s5], $0x80, $0x38;
	[tilespmem:$0x1C378] =	vst v63  }
0xae: {  	p5 =	sne.s32 s14, $0x4E0;
	_ =	swait.ge [sflag:s31], $0x80  }
0xaf: {  	[sflag:s31] =	ssyncset.done $0x0  }
0xb0: {  	s14 =	sadd.s32 s21, s29;
	s21 =	smov.u32 s2;
	[sflag:s31] =	ssyncadd.s32 $0xFFFFFF80  }
0xb1: {  	[tilespmem:s10], [sflag:$0x3] =	stream.linear.gather [hbm4b:s14+s5], $0x80, $0x38;
	[tilespmem:$0x1C378] =	vst v63  }
0xb2: {  	_ =	swait.ge [sflag:s31], $0x80  }
0xb3: {  	[sflag:s31] =	ssyncset.done $0x0  }
0xb4: {  	[sflag:s31] =	ssyncadd.s32 $0xFFFFFF80  }
0xb5: {  	_ =	swait.ge [sflag:s11], $0x4000  }
0xb6: {  	[sflag:s11] =	ssyncset.done $0x0  }
0xb7: {  	[sflag:s11] =	ssyncadd.s32 $0xFFFFC000  }
0xb8: {  	[tilespmem:s15], [sflag:$0x2] =	stream.indirect.gather [hbm4b:s0+s8], $0x80, s10, s8, $0xb8;
	[tilespmem:$0x1C378] =	vst v63  }
0xb9: {  	_ = 	snop  }
0xba: {  	[spmem:s3] =	stream.indirect.scatter.add.f32 [tilespmem:s30], [sflag:$0x3], $0x80, s9, s8, $0xb8;
	[tilespmem:$0x1C378] =	vst v63  }
0xbb: {  	_ =	swait.ge [sflag:s31], $0x4000  }
0xbc: {  	[sflag:s31] =	ssyncset.done $0x0  }
0xbd: {  	[sflag:s31] =	ssyncadd.s32 $0xFFFFC000  }
0xbe: {  	[spmem:s4] =	stream.indirect.scatter.add.f32 [tilespmem:s16], [sflag:$0x3], $0x1, s9, s8, $0xb8;
	[tilespmem:$0x1C378] =	vst v63  }
0xbf: {  	_ =	swait.ge [sflag:s31], $0x80  }
0xc0: {  	[sflag:s31] =	ssyncset.done $0x0  }
0xc1: {  	p6 =	slt.s32 s20, s13;
	s2 =	sadd.s32 $0x10, s23;
	[sflag:s31] =	ssyncadd.s32 $0xFFFFFF80  }
0xc2: {  	[tilespmem:s17], [sflag:$0x3] =	stream.linear.gather [hbm4b:s2+s5], $0x80, $0x38;
	[tilespmem:$0x1C378] =	vst v63  }
0xc3: {  	s2 =	smov.u32 s13  }
0xc4: {  	s2 =	smov.u32 @p6 s20;
	_ =	swait.ge [sflag:s31], $0x80  }
0xc5: {  	[sflag:s31] =	ssyncset.done $0x0;
	s2 =	sshrl.u32 s2, $0x3  }
0xc6: {  	[sflag:s31] =	ssyncadd.s32 $0xFFFFFF80;
	s2 =	sadd.s32 s6, s2  }
0xc7: {  	[tilespmem:s1], [sflag:$0x3] =	stream.linear.gather [hbm4b:s2+s5], $0x80, $0x38;
	[tilespmem:$0x1C378] =	vst v63  }
0xc8: {  	_ =	swait.ge [sflag:s31], $0x80  }
0xc9: {  	[sflag:s31] =	ssyncset.done $0x0  }
0xca: {  	[sflag:s31] =	ssyncadd.s32 $0xFFFFFF80  }
0xcb: {  	_ =	swait.ge [sflag:s18], $0x4000  }
0xcc: {  	[sflag:s18] =	ssyncset.done $0x0  }
0xcd: {  	[sflag:s18] =	ssyncadd.s32 $0xFFFFC000  }
0xce: {  	[tilespmem:s30], [sflag:$0x1] =	stream.indirect.gather [hbm4b:s0+s8], $0x80, s1, s8, $0xb8;
	[tilespmem:$0x1C378] =	vst v63  }
0xcf: {  	_ = 	snop  }
0xd0: {  	[spmem:s3] =	stream.indirect.scatter.add.f32 [tilespmem:s15], [sflag:$0x3], $0x80, s17, s8, $0xb8;
	[tilespmem:$0x1C378] =	vst v63  }
0xd1: {  	_ =	swait.ge [sflag:s31], $0x4000  }
.Ltmp1:
0xd2: {  	[sflag:s31] =	ssyncset.done $0x0;
	(pc) =	sbr.rel @p5 .LBB2_4-.Ltmp1, $4  }
0xd3: {  	[sflag:s31] =	ssyncadd.s32 $0xFFFFC000  }
0xd4: {  	[spmem:s4] =	stream.indirect.scatter.add.f32 [tilespmem:s16], [sflag:$0x3], $0x1, s17, s8, $0xb8;
	[tilespmem:$0x1C378] =	vst v63  }
0xd5: {  	_ =	swait.ge [sflag:s31], $0x80  }
0xd6: {  	s14 =	smov.u32 s22;
	s20 =	sadd.s32 $0x100, s20;
	[sflag:s31] =	ssyncset.done $0x0  }
0xd7: {  	s2 =	sadd.s32 s21, s24;
	[sflag:s31] =	ssyncadd.s32 $0xFFFFFF80  }
0xd8: {  	[tilespmem:s9], [sflag:$0x3] =	stream.linear.gather [hbm4b:s2+s5], $0x80, $0x38;
	[tilespmem:$0x1C378] =	vst v63  }
0xd9: {  	_ =	swait.ge [sflag:s31], $0x80  }
0xda: {  	[sflag:s31] =	ssyncset.done $0x0  }
0xdb: {  	s14 =	sadd.s32 s21, s29;
	[sflag:s31] =	ssyncadd.s32 $0xFFFFFF80  }
0xdc: {  	[tilespmem:s10], [sflag:$0x3] =	stream.linear.gather [hbm4b:s14+s5], $0x80, $0x38;
	[tilespmem:$0x1C378] =	vst v63  }
0xdd: {  	_ =	swait.ge [sflag:s31], $0x80  }
0xde: {  	[sflag:s31] =	ssyncset.done $0x0  }
0xdf: {  	[sflag:s31] =	ssyncadd.s32 $0xFFFFFF80  }
0xe0: {  	_ =	swait.ge [sflag:s11], $0x4000  }
0xe1: {  	[sflag:s11] =	ssyncset.done $0x0  }
0xe2: {  	[sflag:s11] =	ssyncadd.s32 $0xFFFFC000  }
0xe3: {  	[tilespmem:s15], [sflag:$0x2] =	stream.indirect.gather [hbm4b:s0+s8], $0x80, s10, s8, $0xb8;
	[tilespmem:$0x1C378] =	vst v63  }
0xe4: {  	_ = 	snop  }
0xe5: {  	[spmem:s3] =	stream.indirect.scatter.add.f32 [tilespmem:s30], [sflag:$0x3], $0x80, s9, s8, $0xb8;
	[tilespmem:$0x1C378] =	vst v63  }
0xe6: {  	_ =	swait.ge [sflag:s31], $0x4000  }
0xe7: {  	[sflag:s31] =	ssyncset.done $0x0  }
0xe8: {  	[sflag:s31] =	ssyncadd.s32 $0xFFFFC000  }
0xe9: {  	[spmem:s4] =	stream.indirect.scatter.add.f32 [tilespmem:s16], [sflag:$0x3], $0x1, s9, s8, $0xb8;
	[tilespmem:$0x1C378] =	vst v63  }
0xea: {  	_ =	swait.ge [sflag:s31], $0x80  }
0xeb: {  	[sflag:s31] =	ssyncset.done $0x0  }
0xec: {  	s2 =	sadd.s32 $0x10, s2;
	[sflag:s31] =	ssyncadd.s32 $0xFFFFFF80  }
0xed: {  	[tilespmem:s17], [sflag:$0x3] =	stream.linear.gather [hbm4b:s2+s5], $0x80, $0x38;
	[tilespmem:$0x1C378] =	vst v63  }
0xee: {  	p5 =	slt.s32 s20, s13;
	s2 =	smov.u32 s13  }
0xef: {  	s2 =	smov.u32 @p5 s20;
	_ =	swait.ge [sflag:s31], $0x80  }
0xf0: {  	[sflag:s31] =	ssyncset.done $0x0;
	s2 =	sshrl.u32 s2, $0x3  }
0xf1: {  	[sflag:s31] =	ssyncadd.s32 $0xFFFFFF80;
	s2 =	sadd.s32 s6, s2  }
0xf2: {  	[tilespmem:s1], [sflag:$0x3] =	stream.linear.gather [hbm4b:s2+s5], $0x80, $0x38;
	[tilespmem:$0x1C378] =	vst v63  }
0xf3: {  	_ =	swait.ge [sflag:s31], $0x80  }
0xf4: {  	[sflag:s31] =	ssyncset.done $0x0  }
0xf5: {  	[sflag:s31] =	ssyncadd.s32 $0xFFFFFF80  }
0xf6: {  	_ =	swait.ge [sflag:s18], $0x4000  }
0xf7: {  	[sflag:s18] =	ssyncset.done $0x0  }
0xf8: {  	[sflag:s18] =	ssyncadd.s32 $0xFFFFC000  }
0xf9: {  	[tilespmem:s30], [sflag:$0x1] =	stream.indirect.gather [hbm4b:s0+s8], $0x80, s1, s8, $0xb8;
	[tilespmem:$0x1C378] =	vst v63  }
0xfa: {  	_ = 	snop  }
0xfb: {  	[spmem:s3] =	stream.indirect.scatter.add.f32 [tilespmem:s15], [sflag:$0x3], $0x80, s17, s8, $0xb8;
	[tilespmem:$0x1C378] =	vst v63  }
0xfc: {  	_ =	swait.ge [sflag:s31], $0x4000  }
0xfd: {  	[sflag:s31] =	ssyncset.done $0x0  }
0xfe: {  	[sflag:s31] =	ssyncadd.s32 $0xFFFFC000  }
0xff: {  	[spmem:s4] =	stream.indirect.scatter.add.f32 [tilespmem:s16], [sflag:$0x3], $0x1, s17, s8, $0xb8;
	[tilespmem:$0x1C378] =	vst v63  }
0x100: {  	_ =	swait.ge [sflag:s31], $0x80  }
0x101: {  	[sflag:s31] =	ssyncset.done $0x0  }
0x102: {  	[sflag:s31] =	ssyncadd.s32 $0xFFFFFF80  }
0x103: {  	_ =	swait.ge [sflag:s11], $0x4000  }
0x104: {  	[sflag:s11] =	ssyncset.done $0x0  }
0x105: {  	s22 =	stileid.u32;
	[sflag:s11] =	ssyncadd.s32 $0xFFFFC000  }
0x106: {  	s2 =	sshll.u32 @p1 s22, $0x6;
	[bflag:$0x0] =	sbarrier.arrive $0xFFFF  }
0x107: {  	s14 =	sshrl.u32 @p1 s7, $0x3;
	s2 =	sor.u32 @p1 $0x1C03, s2;
	s20 =	rddreg [dreg:$0xa]  }
0x108: {  	[hbm:s20], [sflag:s2] =	dma.local @p1 [spmem:s14], $0x2780  }
0x109: {  	s2 =	simm.s32 @p1 $0x3  }
0x10a: {  	_ =	swait.ge @p1 [sflag:s2], $0x2780  }
0x10b: {  	[sflag:s2] =	ssyncset.done @p1 $0x0  }
0x10c: {  	s14 =	simm.s32 @p1 $0x1C0F8;
	[sflag:s2] =	ssyncadd.s32 @p1 $0xFFFFD880  }
0x10d: {  	[tilespmem:s14], [sflag:$0x3] =	stream.linear.gather @p1 [spmem:s12], $0x278, $0x38;
	[tilespmem:$0x1C378] =	vst v63  }
0x10e: {  	_ =	swait.ge @p1 [sflag:s2], $0x278  }
0x10f: {  	[sflag:s2] =	ssyncset.done @p1 $0x0  }
0x110: {  	s20 =	simm.s32 @p1 $0x0;
	s21 =	rddreg [dreg:$0xb];
	[sflag:s2] =	ssyncadd.s32 @p1 $0xFFFFFD88  }
0x111: {  	[hbm4b:s21+s20] =	stream.linear.scatter @p1 [tilespmem:s14], [sflag:$0x3], $0x278, $0x38;
	[tilespmem:$0x1C378] =	vst v63  }
0x112: {  	_ =	swait.ge @p1 [sflag:s2], $0x278  }
0x113: {  	s14 =	simm.s32 @!p4 $0x1FC3;
	[sflag:s2] =	ssyncset.done @p1 $0x0  }
0x114: {  	s20 =	rddreg [dreg:$0xc];
	[sflag:s2] =	ssyncadd.s32 @p1 $0xFFFFFD88;
	s2 =	sshrl.u32 @!p4 s26, $0x3  }
0x115: {  	[hbm:s20], [sflag:s14] =	dma.local @!p4 [spmem:s2], $0x2080  }
0x116: {  	s2 =	simm.s32 @!p4 $0x3  }
0x117: {  	_ =	swait.ge @!p4 [sflag:s2], $0x2080  }
0x118: {  	p6 =	por p2, p2;
	p5 =	por @!p4 $0x1, $0x1;
	[sflag:s2] =	ssyncset.done @!p4 $0x0  }
0x119: {  	p6 =	por @!p4 p5, p5;
	s14 =	simm.s32 @!p4 $0x1C0F8;
	[sflag:s2] =	ssyncadd.s32 @!p4 $0xFFFFDF80  }
0x11a: {  	[tilespmem:s14], [sflag:$0x3] =	stream.linear.gather @!p4 [spmem:s28], $0x208, $0x38;
	[tilespmem:$0x1C378] =	vst v63  }
0x11b: {  	p5 =	por @!p3 !p6, !p0;
	_ =	swait.ge @!p4 [sflag:s2], $0x208  }
0x11c: {  	p5 =	por @!p3 !p5, !p5;
	[sflag:s2] =	ssyncset.done @!p4 $0x0  }
0x11d: {  	s20 =	simm.s32 @!p4 $0x0;
	s21 =	rddreg [dreg:$0xd];
	[sflag:s2] =	ssyncadd.s32 @!p4 $0xFFFFFDF8  }
0x11e: {  	[hbm4b:s21+s20] =	stream.linear.scatter @!p4 [tilespmem:s14], [sflag:$0x3], $0x208, $0x38;
	[tilespmem:$0x1C378] =	vst v63  }
0x11f: {  	p5 =	por !p5, p3;
	_ =	swait.ge @!p4 [sflag:s2], $0x208  }
0x120: {  	s14 =	sshll.u32 @!p5 s22, $0x6;
	[sflag:s2] =	ssyncset.done @!p4 $0x0;
	s20 =	rddreg [dreg:$0x10]  }
0x121: {  	[sflag:s2] =	ssyncadd.s32 @!p4 $0xFFFFFDF8;
	s2 =	sor.u32 @!p5 $0x1C03, s14;
	s14 =	sshrl.u32 @!p5 s26, $0x3  }
0x122: {  	[hbm:s20], [sflag:s2] =	dma.local @!p5 [spmem:s14], $0x2080  }
0x123: {  	s2 =	simm.s32 @!p5 $0x3  }
0x124: {  	_ =	swait.ge @!p5 [sflag:s2], $0x2080  }
0x125: {  	[sflag:s2] =	ssyncset.done @!p5 $0x0  }
0x126: {  	s14 =	simm.s32 @!p5 $0x1C0F8;
	[sflag:s2] =	ssyncadd.s32 @!p5 $0xFFFFDF80  }
0x127: {  	[tilespmem:s14], [sflag:$0x3] =	stream.linear.gather @!p5 [spmem:s28], $0x208, $0x38;
	[tilespmem:$0x1C378] =	vst v63  }
0x128: {  	_ =	swait.ge @!p5 [sflag:s2], $0x208  }
0x129: {  	[sflag:s2] =	ssyncset.done @!p5 $0x0  }
0x12a: {  	s20 =	simm.s32 @!p5 $0x0;
	s21 =	rddreg [dreg:$0x11];
	[sflag:s2] =	ssyncadd.s32 @!p5 $0xFFFFFDF8  }
0x12b: {  	[hbm4b:s21+s20] =	stream.linear.scatter @!p5 [tilespmem:s14], [sflag:$0x3], $0x208, $0x38;
	[tilespmem:$0x1C378] =	vst v63  }
0x12c: {  	_ =	swait.ge @!p5 [sflag:s2], $0x208  }
0x12d: {  	s14 =	sshll.u32 @p3 s22, $0x6;
	[sflag:s2] =	ssyncset.done @!p5 $0x0;
	s20 =	rddreg [dreg:$0xe]  }
0x12e: {  	[sflag:s2] =	ssyncadd.s32 @!p5 $0xFFFFFDF8;
	s2 =	sor.u32 @p3 $0x1C03, s14;
	s14 =	sshrl.u32 @p3 s7, $0x3  }
0x12f: {  	[hbm:s20], [sflag:s2] =	dma.local @p3 [spmem:s14], $0x2780  }
0x130: {  	s2 =	simm.s32 @p3 $0x3  }
0x131: {  	_ =	swait.ge @p3 [sflag:s2], $0x2780  }
0x132: {  	[sflag:s2] =	ssyncset.done @p3 $0x0  }
0x133: {  	s14 =	simm.s32 @p3 $0x1C0F8;
	[sflag:s2] =	ssyncadd.s32 @p3 $0xFFFFD880  }
0x134: {  	[tilespmem:s14], [sflag:$0x3] =	stream.linear.gather @p3 [spmem:s12], $0x278, $0x38;
	[tilespmem:$0x1C378] =	vst v63  }
0x135: {  	_ =	swait.ge @p3 [sflag:s2], $0x278  }
0x136: {  	[sflag:s2] =	ssyncset.done @p3 $0x0  }
0x137: {  	s20 =	simm.s32 @p3 $0x0;
	s22 =	rddreg [dreg:$0xf];
	[sflag:s2] =	ssyncadd.s32 @p3 $0xFFFFFD88  }
0x138: {  	[hbm4b:s22+s20] =	stream.linear.scatter @p3 [tilespmem:s14], [sflag:$0x3], $0x278, $0x38;
	[tilespmem:$0x1C378] =	vst v63  }
0x139: {  	_ =	swait.ge @p3 [sflag:s2], $0x278  }
0x13a: {  	s19 =	sadd.s32 $0x1, s19;
	s23 =	rddreg [dreg:$0x12]  }
0x13b: {  	p5 =	sne.s32 s19, s23  }
.Ltmp2:
0x13c: {  	_ = 	snop;
	(pc) =	sbr.rel @p5 .LBB2_1-.Ltmp2, $3  }
0x13d: {  	_ =	sdelay $0x1  }
0x13e: {  	[sflag:s2] =	ssyncset.done @p3 $0x0  }
0x13f: {  	s21 =	stileid.u32;
	[sflag:s2] =	ssyncadd.s32 @p3 $0xFFFFFD88  }
0x140: {  	_ =	sfence.sel $0x180000  }
0x141: {  	[bflag:$0x0] =	sbarrier.arrive $0xFFFF  }
0x142: {  	_ =	strace $0x90000047  }
0x143: {  	[bflag:$0x2] =	sbarrier.arrive $0xFFFF  }
0x144: {  	p0 =	sne.s32 s21, $0x0;
	s0 =	rddreg [dreg:$0x4]  }
0x145: {  	s0 =	sadd.s32 @!p0 $0x100000, s0  }
0x146: {  	[sflag:s0] =	ssyncadd.tile.s32 @!p0 $0x1;
	_ =	shalt  }
.Lfunc_end2:
_tile_overlayer_lowered:
.L_overlay_start_2:
0x147: {  	(tag) =	ssettag $0x2  }
0x148: {  	s0 =	rddreg [dreg:$0x0];
	s2 =	stileid.u32  }
0x149: {  	s1 =	rddreg [dreg:$0x1];
	p0 =	sne.s32 s2, $0x0  }
0x14a: {  	s3 =	rddreg [dreg:$0x2];
	[bflag:$0x3] =	sbarrier.arrive $0xFFFF;
	s2 =	simm.s32 @!p0 $0x1C03  }
0x14b: {  	[timem:s3], [sflag:s2] =	dma.local @!p0 [hbm:s0], s1  }
0x14c: {  	s0 =	simm.s32 @!p0 $0x3  }
0x14d: {  	_ =	swait.ge @!p0 [sflag:s0], s1  }
0x14e: {  	s1 =	ssub.s32 @!p0 $0x0, s1;
	[sflag:s0] =	ssyncset.done @!p0 $0x0  }
0x14f: {  	[sflag:s0] =	ssyncadd.s32 @!p0 s1  }
0x150: {  	[bflag:$0x3] =	sbarrier.arrive $0xFFFF  }
0x151: {  	_ =	shalt  }

</sc_bundles>
